<compile_context>
chip_gen: v7x
topology: tpu7x:2x2x1
jax: 0.10.2.dev20260603
libtpu: 0.0.44.dev20260713+nightly
codegen_flags: <defaults>
</compile_context>

<pallas_src>
import jax
import jax.numpy as jnp
from jax import lax
from jax.experimental import pallas as pl
from jax.experimental.pallas import tpu as pltpu
from jax.experimental.pallas import tpu_sc as plsc

_N = 50000
_E = 800000
_HID = 128

_NC = 2
_NS = 16
_NT = _NC * _NS

_NPAD = 50176
_ROWS = _NPAD // 128
_SLICE = _NPAD // _NS
_EPT = _E // _NT
_EVEC = _EPT // 16
_ESTREAM = 25024

_RPP = 3584
_DUMP = _RPP
_EPS = _E // _NS
_SCH = 2000
_NCH = _EPS // _SCH
_CAP = 8192
_BATCH = 512
_WB = _RPP // _NS


def _segsum_body(table_hbm, edge_hbm, out_hbm,
                 table_v, src_v, dst_v, vals_v, acc_sh):
    cid = lax.axis_index("c")
    sid = lax.axis_index("s")
    wid = cid * _NS + sid

    pltpu.sync_copy(table_hbm, table_v)

    def _zero_body(i, carry):
        vals_v[pl.ds(i * 16, 16)] = jnp.zeros((16,), jnp.float32)
        return carry

    lax.fori_loop(0, _SLICE // 16, _zero_body, 0)
    pltpu.sync_copy(vals_v.at[pl.ds(0, _SLICE)],
                    acc_sh.at[pl.ds(sid * _SLICE, _SLICE)])
    plsc.subcore_barrier()

    base = wid * _EPT
    pltpu.sync_copy(edge_hbm.at[pl.ds(base, _EPT)], src_v.at[pl.ds(0, _EPT)])
    pltpu.sync_copy(edge_hbm.at[pl.ds(_E + base, _EPT)],
                    dst_v.at[pl.ds(0, _EPT)])

    def _gather_body(j, carry):
        o = pl.multiple_of(j * 16, 16)
        idx = jnp.clip(src_v[pl.ds(o, 16)], 0, _N - 1)
        vals_v[pl.ds(o, 16)] = plsc.load_gather(table_v, [idx])
        return carry

    lax.fori_loop(0, _EVEC + 1, _gather_body, 0)

    keep = lax.iota(jnp.int32, 16) < 8
    o = _EVEC * 16
    dst_v[pl.ds(o, 16)] = jnp.where(keep, dst_v[pl.ds(o, 16)], 0)
    vals_v[pl.ds(o, 16)] = jnp.where(keep, vals_v[pl.ds(o, 16)],
                                     jnp.zeros((16,), jnp.float32))
    dst_v[pl.ds(o + 16, 16)] = jnp.zeros((16,), jnp.int32)
    vals_v[pl.ds(o + 16, 16)] = jnp.zeros((16,), jnp.float32)

    pltpu.sync_copy(vals_v.at[pl.ds(0, _ESTREAM)], acc_sh.at[dst_v], add=True)

    plsc.subcore_barrier()
    pltpu.sync_copy(acc_sh.at[pl.ds(sid * _SLICE, _SLICE)],
                    vals_v.at[pl.ds(0, _SLICE)])
    pltpu.sync_copy(vals_v.at[pl.ds(0, _SLICE)],
                    out_hbm.at[pl.ds(cid * _NPAD + sid * _SLICE, _SLICE)])


_segsum = pl.kernel(
    _segsum_body,
    out_type=jax.ShapeDtypeStruct((_NC * _NPAD,), jnp.float32),
    mesh=plsc.VectorSubcoreMesh(core_axis_name="c", subcore_axis_name="s"),
    compiler_params=pltpu.CompilerParams(needs_layout_passes=False),
    scratch_types=[
        pltpu.VMEM((_NPAD,), jnp.float32),
        pltpu.VMEM((_EPT + 16,), jnp.int32),
        pltpu.VMEM((_ESTREAM,), jnp.int32),
        pltpu.VMEM((_ESTREAM,), jnp.float32),
        pltpu.VMEM_SHARED((_NPAD,), jnp.float32),
    ],
)


def _vecsum_body(h_hbm, edge_hbm, out_hbm,
                 srcc, dstc, scmp, dcmp, bsrc, bdst, rows_v, zbuf, acc_sh):
    cid = lax.axis_index("c")
    sid = lax.axis_index("s")

    def _zb(i, carry):
        zbuf[i // 8, pl.ds((i % 8) * 16, 16)] = jnp.zeros((16,), jnp.float32)
        return carry

    lax.fori_loop(0, 64 * 8, _zb, 0)

    for p in range(7):
        lo = (2 * p + cid) * _RPP

        for q in range(3):
            pltpu.sync_copy(zbuf, acc_sh.at[pl.ds(sid * _WB + q * 64, 64)])
        pltpu.sync_copy(zbuf.at[pl.ds(0, 32)],
                        acc_sh.at[pl.ds(sid * _WB + 192, 32)])
        plsc.subcore_barrier()

        def _pf(i, carry):
            scmp[pl.ds(i * 16, 16)] = jnp.zeros((16,), jnp.int32)
            dcmp[pl.ds(i * 16, 16)] = jnp.full((16,), _DUMP, jnp.int32)
            return carry

        lax.fori_loop(0, _CAP // 16, _pf, 0)

        def _chunk(c, off):
            e0 = sid * _EPS + c * _SCH
            pltpu.sync_copy(edge_hbm.at[pl.ds(e0, _SCH)], srcc)
            pltpu.sync_copy(edge_hbm.at[pl.ds(_E + e0, _SCH)], dstc)

            def _vec(j, o):
                d = dstc[pl.ds(j * 16, 16)]
                sv = srcc[pl.ds(j * 16, 16)]
                m = (d >= lo) & (d < lo + _RPP)
                plsc.store_compressed(dcmp.at[pl.ds(o, 16)], d - lo, mask=m)
                plsc.store_compressed(scmp.at[pl.ds(o, 16)], sv, mask=m)
                cnt = jnp.max(plsc.all_reduce_population_count(m))
                return jnp.minimum(o + cnt, _CAP - 16)

            return lax.fori_loop(0, _SCH // 16, _vec, off)

        off = lax.fori_loop(0, _NCH, _chunk, jnp.int32(0))

        def _batch(b, carry):
            @pl.when(b * _BATCH < off)
            def _():
                def _cp(k, c2):
                    bsrc[pl.ds(k * 16, 16)] = scmp[pl.ds(b * _BATCH + k * 16, 16)]
                    bdst[pl.ds(k * 16, 16)] = dcmp[pl.ds(b * _BATCH + k * 16, 16)]
                    return c2

                lax.fori_loop(0, _BATCH // 16, _cp, 0)
                pltpu.sync_copy(h_hbm.at[bsrc], rows_v)
                pltpu.sync_copy(rows_v, acc_sh.at[bdst], add=True)

            return carry

        lax.fori_loop(0, _CAP // _BATCH, _batch, 0)
        plsc.subcore_barrier()

        row0 = (2 * p + cid) * _RPP + sid * _WB
        pltpu.sync_copy(acc_sh.at[pl.ds(sid * _WB, _WB)],
                        rows_v.at[pl.ds(0, _WB)])
        pltpu.sync_copy(rows_v.at[pl.ds(0, _WB)],
                        out_hbm.at[pl.ds(row0, _WB)])
        plsc.subcore_barrier()


_vecsum = pl.kernel(
    _vecsum_body,
    out_type=jax.ShapeDtypeStruct((_NPAD, _HID), jnp.float32),
    mesh=plsc.VectorSubcoreMesh(core_axis_name="c", subcore_axis_name="s"),
    compiler_params=pltpu.CompilerParams(needs_layout_passes=False),
    scratch_types=[
        pltpu.VMEM((_SCH,), jnp.int32),
        pltpu.VMEM((_SCH,), jnp.int32),
        pltpu.VMEM((_CAP,), jnp.int32),
        pltpu.VMEM((_CAP,), jnp.int32),
        pltpu.VMEM((_BATCH,), jnp.int32),
        pltpu.VMEM((_BATCH,), jnp.int32),
        pltpu.VMEM((_BATCH, _HID), jnp.float32),
        pltpu.VMEM((64, _HID), jnp.float32),
        pltpu.VMEM_SHARED((_RPP + 1, _HID), jnp.float32),
    ],
)


_RB = 8
_GRID = _ROWS // _RB


def _rb16(v):
    return v.astype(jnp.bfloat16).astype(jnp.float32)


def _dense_kern(spart_ref, x_ref, wa_ref, wb_ref, wc_ref, wr2_ref,
                h_ref, u_ref):
    s = (spart_ref[0] + spart_ref[1])[:, :, None]
    xb = x_ref[...][:, :, None]
    h = jnp.maximum(s * wa_ref[...] + wb_ref[...] + xb * wc_ref[...], 0.0)
    h_ref[...] = h
    u_ref[...] = jnp.sum(_rb16(h) * _rb16(wr2_ref[...]), axis=2)


def _dense(s_part, x2d, wa, wb, wc, wr2):
    wspec = pl.BlockSpec((1, 1, _HID), lambda i: (0, 0, 0))
    rspec = pl.BlockSpec((_RB, 128), lambda i: (i, 0))
    return pl.pallas_call(
        _dense_kern,
        grid=(_GRID,),
        in_specs=[pl.BlockSpec((_NC, _RB, 128), lambda i: (0, i, 0)),
                  rspec, wspec, wspec, wspec, wspec],
        out_specs=[pl.BlockSpec((_RB, 128, _HID), lambda i: (i, 0, 0)),
                   rspec],
        out_shape=[jax.ShapeDtypeStruct((_ROWS, 128, _HID), jnp.float32),
                   jax.ShapeDtypeStruct((_ROWS, 128), jnp.float32)],
    )(s_part, x2d, wa, wb, wc, wr2)


def _final_kern(agg_ref, u_ref, w2_ref, b2_ref, emb_ref, upd_ref):
    e = (jnp.sum(_rb16(agg_ref[...]) * _rb16(w2_ref[...]), axis=2)
         + b2_ref[0, 0] + u_ref[...])
    emb_ref[...] = e
    upd_ref[...] = jnp.maximum(e, 0.0)


def _final(agg3, u2d, w2, b2):
    rspec = pl.BlockSpec((_RB, 128), lambda i: (i, 0))
    return pl.pallas_call(
        _final_kern,
        grid=(_GRID,),
        in_specs=[pl.BlockSpec((_RB, 128, _HID), lambda i: (i, 0, 0)),
                  rspec,
                  pl.BlockSpec((1, 1, _HID), lambda i: (0, 0, 0)),
                  pl.BlockSpec((1, 1), lambda i: (0, 0))],
        out_specs=[rspec, rspec],
        out_shape=[jax.ShapeDtypeStruct((_ROWS, 128), jnp.float32)] * 2,
    )(agg3, u2d, w2, b2)


def kernel(x, edge_index, W_rel1, b_rel1, W_root1, W_rel2, b_rel2, W_root2):
    x_pad = jnp.pad(x[:, 0], (0, _NPAD - _N))
    edge_flat = edge_index.reshape(2 * _E)

    s_part = _segsum(x_pad, edge_flat)

    wa = W_rel1.reshape(1, 1, _HID)
    wb = b_rel1.reshape(1, 1, _HID)
    wc = W_root1.reshape(1, 1, _HID)
    wr2 = W_root2.reshape(1, 1, _HID)
    h3, u2d = _dense(s_part.reshape(_NC, _ROWS, 128),
                     x_pad.reshape(_ROWS, 128), wa, wb, wc, wr2)

    agg2 = _vecsum(h3.reshape(_NPAD, _HID), edge_flat)

    emb2d, upd2d = _final(agg2.reshape(_ROWS, 128, _HID), u2d,
                          W_rel2.reshape(1, 1, _HID), b_rel2.reshape(1, 1))
    emb = emb2d.reshape(_NPAD, 1)[:_N]
    upd = upd2d.reshape(_NPAD, 1)[:_N]
    return (emb, upd)

# --- scband reference (transcript-rebuilt; emitter-appended) ---
"""Pipeline reference for scband-generator-52286931861627 (READ-ONLY COPY).

The authoritative reference and input builder live on the scoring server;
editing this copy changes nothing except your own understanding.
"""

import jax, jax.numpy as jnp
import numpy as np

N = 50000
E = 800000
HID = 128

def setup_inputs(seed: int = 0) -> dict:
    key = jax.random.key(seed)
    ks = jax.random.split(key, 8)
    x = jax.random.normal(ks[0], (N, 1), dtype=jnp.float32)
    edge_index = jax.random.randint(ks[1], (2, E), 0, N, dtype=jnp.int32)
    W_rel1 = jax.random.normal(ks[2], (HID, 1), dtype=jnp.float32) * 0.1
    b_rel1 = jnp.zeros((HID,), dtype=jnp.float32)
    W_root1 = jax.random.normal(ks[3], (HID, 1), dtype=jnp.float32) * 0.1
    W_rel2 = jax.random.normal(ks[4], (1, HID), dtype=jnp.float32) * 0.1
    b_rel2 = jnp.zeros((1,), dtype=jnp.float32)
    W_root2 = jax.random.normal(ks[5], (1, HID), dtype=jnp.float32) * 0.1
    return {"x": x, "edge_index": edge_index, "W_rel1": W_rel1, "b_rel1": b_rel1,
            "W_root1": W_root1, "W_rel2": W_rel2, "b_rel2": b_rel2, "W_root2": W_root2}

def _graph_conv(x, src, dst, W_rel, b_rel, W_root):
    # PyG GraphConv (aggr='add'): out_i = lin_rel(sum_{j in N(i)} x_j) + lin_root(x_i)
    agg = jax.ops.segment_sum(x[src], dst, num_segments=N)
    return agg @ W_rel.T + b_rel + x @ W_root.T

def reference(x, edge_index, W_rel1, b_rel1, W_root1, W_rel2, b_rel2, W_root2):
    src = edge_index[0]
    dst = edge_index[1]
    h = _graph_conv(x, src, dst, W_rel1, b_rel1, W_root1)
    h = jax.nn.relu(h)
    embeddings_before = _graph_conv(h, src, dst, W_rel2, b_rel2, W_root2)
    updated_x = jax.nn.relu(embeddings_before)
    return (embeddings_before, updated_x)

if __name__ == "__main__":
    import jax
    _d = setup_inputs()
    print(jax.jit(kernel)(*tuple(_d.values())))

</pallas_src>

<mosaic_0001>
#map = affine_map<(d0, d1) -> (0)>
module attributes {stable_mosaic.version = 14 : i64} {
  func.func @_segsum_body(%arg0: i32, %arg1: i32, %arg2: memref<50176xf32, #tpu.memory_space<hbm>>, %arg3: memref<1600000xi32, #tpu.memory_space<hbm>>, %arg4: memref<100352xf32, #tpu.memory_space<hbm>>, %arg5: memref<50176xf32, #tpu.memory_space<vmem>>, %arg6: memref<25016xi32, #tpu.memory_space<vmem>>, %arg7: memref<25024xi32, #tpu.memory_space<vmem>>, %arg8: memref<25024xf32, #tpu.memory_space<vmem>>, %arg9: memref<50176xf32, #tpu.memory_space<vmem_shared>>) attributes {dimension_semantics = [#tpu.dimension_semantics<core_parallel>, #tpu.dimension_semantics<subcore_parallel>], iteration_bounds = array<i64: 2, 16>, scalar_prefetch = 0 : i64, scratch_operands = 5 : i64, tpu.core_type = #tpu.core_type<sc_vector_subcore>, window_params = [{transform_indices = #map}, {transform_indices = #map}, {transform_indices = #map}]} {
    %mul3A = arith.constant 16 : i32
    %mul3A_0 = arith.muli %arg0, %mul3A : i32
    %add3A = arith.addi %mul3A_0, %arg1 : i32
    "tpu.region"() ({
      %run_scoped3A = tpu.sem_alloc : memref<!tpu.dma_semaphore, #tpu.memory_space<semaphore_mem>>
      tpu.enqueue_dma source(%arg2 : memref<50176xf32, #tpu.memory_space<hbm>>) target(%arg5 : memref<50176xf32, #tpu.memory_space<vmem>>) target_semaphore(%run_scoped3A : memref<!tpu.dma_semaphore, #tpu.memory_space<semaphore_mem>>)
      tpu.wait_dma2 semaphore(%run_scoped3A : memref<!tpu.dma_semaphore, #tpu.memory_space<semaphore_mem>>) src(%arg2 : memref<50176xf32, #tpu.memory_space<hbm>>) dst(%arg5 : memref<50176xf32, #tpu.memory_space<vmem>>)
      tpu.yield
    }) : () -> ()
    %scan3A = arith.constant 0 : i32
    %scan3A_1 = arith.constant 0 : i32
    %scan3A_2 = arith.constant 196 : i32
    %scan3A_3 = arith.addi %scan3A_1, %scan3A_2 : i32
    %scan3A_4 = arith.constant 1 : i32
    scf.for %scan3A_45 = %scan3A_1 to %scan3A_3 step %scan3A_4  : i32 {
      %broadcast_in_dim3A_46 = arith.constant 0.000000e+00 : f32
      %broadcast_in_dim3A_47 = vector.broadcast %broadcast_in_dim3A_46 : f32 to vector<16xf32>
      %mul3A_48 = arith.constant 16 : i32
      %mul3A_49 = arith.muli %scan3A_45, %mul3A_48 : i32
      %swap3A_50 = arith.index_cast %mul3A_49 : i32 to index
      %swap3A_51 = tpu.vector_load %arg8[%swap3A_50] {strides = array<i32>} : memref<25024xf32, #tpu.memory_space<vmem>>, vector<16xf32>,
      tpu.vector_store %arg8[%swap3A_50], %broadcast_in_dim3A_47 {strides = array<i32>} : memref<25024xf32, #tpu.memory_space<vmem>>, vector<16xf32>,
    }
    %scan3A_5 = arith.constant 196 : i32
    %mul3A_6 = arith.constant 3136 : i32
    %mul3A_7 = arith.muli %arg1, %mul3A_6 : i32
    "tpu.region"() ({
      %run_scoped3A = tpu.sem_alloc : memref<!tpu.dma_semaphore, #tpu.memory_space<semaphore_mem>>
      %dma_start3A = arith.constant 0 : i32
      %dma_start3A_45 = tpu.memref_slice %arg8[%dma_start3A] : memref<25024xf32, #tpu.memory_space<vmem>> -> memref<3136xf32, #tpu.memory_space<vmem>>
      %dma_start3A_46 = tpu.memref_slice %arg9[%mul3A_7] : memref<50176xf32, #tpu.memory_space<vmem_shared>> -> memref<3136xf32, #tpu.memory_space<vmem_shared>>
      %dma_start3A_47 = tpu.memref_slice %arg9[%mul3A_7] : memref<50176xf32, #tpu.memory_space<vmem_shared>> -> memref<3136xf32, #tpu.memory_space<vmem_shared>>
      %dma_start3A_48 = arith.constant 0 : i32
      %dma_start3A_49 = tpu.memref_slice %arg8[%dma_start3A_48] : memref<25024xf32, #tpu.memory_space<vmem>> -> memref<3136xf32, #tpu.memory_space<vmem>>
      tpu.enqueue_dma source(%dma_start3A_49 : memref<3136xf32, #tpu.memory_space<vmem>>) target(%dma_start3A_47 : memref<3136xf32, #tpu.memory_space<vmem_shared>>) target_semaphore(%run_scoped3A : memref<!tpu.dma_semaphore, #tpu.memory_space<semaphore_mem>>)
      %dma_wait3A = arith.constant 0 : i32
      %dma_wait3A_50 = tpu.memref_slice %arg8[%dma_wait3A] : memref<25024xf32, #tpu.memory_space<vmem>> -> memref<3136xf32, #tpu.memory_space<vmem>>
      %dma_wait3A_51 = tpu.memref_slice %arg9[%mul3A_7] : memref<50176xf32, #tpu.memory_space<vmem_shared>> -> memref<3136xf32, #tpu.memory_space<vmem_shared>>
      %dma_wait3A_52 = tpu.memref_slice %arg9[%mul3A_7] : memref<50176xf32, #tpu.memory_space<vmem_shared>> -> memref<3136xf32, #tpu.memory_space<vmem_shared>>
      %dma_wait3A_53 = arith.constant 0 : i32
      %dma_wait3A_54 = tpu.memref_slice %arg8[%dma_wait3A_53] : memref<25024xf32, #tpu.memory_space<vmem>> -> memref<3136xf32, #tpu.memory_space<vmem>>
      tpu.wait_dma2 semaphore(%run_scoped3A : memref<!tpu.dma_semaphore, #tpu.memory_space<semaphore_mem>>) src(%dma_wait3A_54 : memref<3136xf32, #tpu.memory_space<vmem>>) dst(%dma_wait3A_52 : memref<3136xf32, #tpu.memory_space<vmem_shared>>)
      tpu.yield
    }) : () -> ()
    %barrier3A = arith.constant 0 : index
    tpu.barrier barrier_id(%barrier3A)
    %mul3A_8 = arith.constant 25000 : i32
    %mul3A_9 = arith.muli %add3A, %mul3A_8 : i32
    "tpu.region"() ({
      %run_scoped3A = tpu.sem_alloc : memref<!tpu.dma_semaphore, #tpu.memory_space<semaphore_mem>>
      %dma_start3A = arith.constant 0 : i32
      %dma_start3A_45 = tpu.memref_slice %arg6[%dma_start3A] : memref<25016xi32, #tpu.memory_space<vmem>> -> memref<25000xi32, #tpu.memory_space<vmem>>
      %dma_start3A_46 = tpu.memref_slice %arg3[%mul3A_9] : memref<1600000xi32, #tpu.memory_space<hbm>> -> memref<25000xi32, #tpu.memory_space<hbm>>
      %dma_start3A_47 = arith.constant 0 : i32
      %dma_start3A_48 = tpu.memref_slice %arg6[%dma_start3A_47] : memref<25016xi32, #tpu.memory_space<vmem>> -> memref<25000xi32, #tpu.memory_space<vmem>>
      %dma_start3A_49 = tpu.memref_slice %arg3[%mul3A_9] : memref<1600000xi32, #tpu.memory_space<hbm>> -> memref<25000xi32, #tpu.memory_space<hbm>>
      tpu.enqueue_dma source(%dma_start3A_49 : memref<25000xi32, #tpu.memory_space<hbm>>) target(%dma_start3A_48 : memref<25000xi32, #tpu.memory_space<vmem>>) target_semaphore(%run_scoped3A : memref<!tpu.dma_semaphore, #tpu.memory_space<semaphore_mem>>)
      %dma_wait3A = arith.constant 0 : i32
      %dma_wait3A_50 = tpu.memref_slice %arg6[%dma_wait3A] : memref<25016xi32, #tpu.memory_space<vmem>> -> memref<25000xi32, #tpu.memory_space<vmem>>
      %dma_wait3A_51 = tpu.memref_slice %arg3[%mul3A_9] : memref<1600000xi32, #tpu.memory_space<hbm>> -> memref<25000xi32, #tpu.memory_space<hbm>>
      %dma_wait3A_52 = arith.constant 0 : i32
      %dma_wait3A_53 = tpu.memref_slice %arg6[%dma_wait3A_52] : memref<25016xi32, #tpu.memory_space<vmem>> -> memref<25000xi32, #tpu.memory_space<vmem>>
      %dma_wait3A_54 = tpu.memref_slice %arg3[%mul3A_9] : memref<1600000xi32, #tpu.memory_space<hbm>> -> memref<25000xi32, #tpu.memory_space<hbm>>
      tpu.wait_dma2 semaphore(%run_scoped3A : memref<!tpu.dma_semaphore, #tpu.memory_space<semaphore_mem>>) src(%dma_wait3A_54 : memref<25000xi32, #tpu.memory_space<hbm>>) dst(%dma_wait3A_53 : memref<25000xi32, #tpu.memory_space<vmem>>)
      tpu.yield
    }) : () -> ()
    %add3A_10 = arith.constant 800000 : i32
    %add3A_11 = arith.addi %add3A_10, %mul3A_9 : i32
    "tpu.region"() ({
      %run_scoped3A = tpu.sem_alloc : memref<!tpu.dma_semaphore, #tpu.memory_space<semaphore_mem>>
      %dma_start3A = arith.constant 0 : i32
      %dma_start3A_45 = tpu.memref_slice %arg7[%dma_start3A] : memref<25024xi32, #tpu.memory_space<vmem>> -> memref<25000xi32, #tpu.memory_space<vmem>>
      %dma_start3A_46 = tpu.memref_slice %arg3[%add3A_11] : memref<1600000xi32, #tpu.memory_space<hbm>> -> memref<25000xi32, #tpu.memory_space<hbm>>
      %dma_start3A_47 = arith.constant 0 : i32
      %dma_start3A_48 = tpu.memref_slice %arg7[%dma_start3A_47] : memref<25024xi32, #tpu.memory_space<vmem>> -> memref<25000xi32, #tpu.memory_space<vmem>>
      %dma_start3A_49 = tpu.memref_slice %arg3[%add3A_11] : memref<1600000xi32, #tpu.memory_space<hbm>> -> memref<25000xi32, #tpu.memory_space<hbm>>
      tpu.enqueue_dma source(%dma_start3A_49 : memref<25000xi32, #tpu.memory_space<hbm>>) target(%dma_start3A_48 : memref<25000xi32, #tpu.memory_space<vmem>>) target_semaphore(%run_scoped3A : memref<!tpu.dma_semaphore, #tpu.memory_space<semaphore_mem>>)
      %dma_wait3A = arith.constant 0 : i32
      %dma_wait3A_50 = tpu.memref_slice %arg7[%dma_wait3A] : memref<25024xi32, #tpu.memory_space<vmem>> -> memref<25000xi32, #tpu.memory_space<vmem>>
      %dma_wait3A_51 = tpu.memref_slice %arg3[%add3A_11] : memref<1600000xi32, #tpu.memory_space<hbm>> -> memref<25000xi32, #tpu.memory_space<hbm>>
      %dma_wait3A_52 = arith.constant 0 : i32
      %dma_wait3A_53 = tpu.memref_slice %arg7[%dma_wait3A_52] : memref<25024xi32, #tpu.memory_space<vmem>> -> memref<25000xi32, #tpu.memory_space<vmem>>
      %dma_wait3A_54 = tpu.memref_slice %arg3[%add3A_11] : memref<1600000xi32, #tpu.memory_space<hbm>> -> memref<25000xi32, #tpu.memory_space<hbm>>
      tpu.wait_dma2 semaphore(%run_scoped3A : memref<!tpu.dma_semaphore, #tpu.memory_space<semaphore_mem>>) src(%dma_wait3A_54 : memref<25000xi32, #tpu.memory_space<hbm>>) dst(%dma_wait3A_53 : memref<25000xi32, #tpu.memory_space<vmem>>)
      tpu.yield
    }) : () -> ()
    %scan3A_12 = arith.constant 0 : i32
    %scan3A_13 = arith.constant 0 : i32
    %scan3A_14 = arith.constant 1563 : i32
    %scan3A_15 = arith.addi %scan3A_13, %scan3A_14 : i32
    %scan3A_16 = arith.constant 1 : i32
    scf.for %scan3A_45 = %scan3A_13 to %scan3A_15 step %scan3A_16  : i32 {
      %mul3A_46 = arith.constant 16 : i32
      %mul3A_47 = arith.muli %scan3A_45, %mul3A_46 : i32
      %multiple_of3A = tpu.assume_multiple %mul3A_47, 16 : i32
      %get3A_48 = arith.index_cast %multiple_of3A : i32 to index
      %get3A_49 = tpu.vector_load %arg6[%get3A_48] {strides = array<i32>} : memref<25016xi32, #tpu.memory_space<vmem>>, vector<16xi32>,
      %jit3A_50 = arith.constant 0 : i32
      %jit3A_51 = arith.constant 49999 : i32
      %max3A = vector.broadcast %jit3A_50 : i32 to vector<16xi32>
      %max3A_52 = arith.maxsi %max3A, %get3A_49 : vector<16xi32>
      %min3A = vector.broadcast %jit3A_51 : i32 to vector<16xi32>
      %min3A_53 = arith.minsi %min3A, %max3A_52 : vector<16xi32>
      %gather3A = tpu.vector_load_idx %arg5[%min3A_53] : memref<50176xf32, #tpu.memory_space<vmem>>[vector<16xi32>], vector<16xf32>,
      %swap3A_54 = arith.index_cast %multiple_of3A : i32 to index
      %swap3A_55 = tpu.vector_load %arg8[%swap3A_54] {strides = array<i32>} : memref<25024xf32, #tpu.memory_space<vmem>>, vector<16xf32>,
      tpu.vector_store %arg8[%swap3A_54], %gather3A {strides = array<i32>} : memref<25024xf32, #tpu.memory_space<vmem>>, vector<16xf32>,
    }
    %scan3A_17 = arith.constant 1563 : i32
    %iota3A = tpu.iota {dimensions = array<i32: 0>} : vector<16xi32>
    %lt3A = arith.constant 8 : i32
    %lt3A_18 = vector.broadcast %lt3A : i32 to vector<16xi32>
    %lt3A_19 = arith.cmpi slt, %iota3A, %lt3A_18 : vector<16xi32>
    %get3A = arith.constant 24992 : index
    %get3A_20 = tpu.vector_load %arg7[%get3A] {strides = array<i32>} : memref<25024xi32, #tpu.memory_space<vmem>>, vector<16xi32>,
    %jit3A = arith.constant 0 : i32
    %broadcast_in_dim3A = vector.broadcast %jit3A : i32 to vector<16xi32>
    %select_n3A = arith.select %lt3A_19, %get3A_20, %broadcast_in_dim3A : vector<16xi1>, vector<16xi32>
    %swap3A = arith.constant 24992 : index
    %swap3A_21 = tpu.vector_load %arg7[%swap3A] {strides = array<i32>} : memref<25024xi32, #tpu.memory_space<vmem>>, vector<16xi32>,
    tpu.vector_store %arg7[%swap3A], %select_n3A {strides = array<i32>} : memref<25024xi32, #tpu.memory_space<vmem>>, vector<16xi32>,
    %get3A_22 = arith.constant 24992 : index
    %get3A_23 = tpu.vector_load %arg8[%get3A_22] {strides = array<i32>} : memref<25024xf32, #tpu.memory_space<vmem>>, vector<16xf32>,
    %broadcast_in_dim3A_24 = arith.constant 0.000000e+00 : f32
    %broadcast_in_dim3A_25 = vector.broadcast %broadcast_in_dim3A_24 : f32 to vector<16xf32>
    %select_n3A_26 = arith.select %lt3A_19, %get3A_23, %broadcast_in_dim3A_25 : vector<16xi1>, vector<16xf32>
    %swap3A_27 = arith.constant 24992 : index
    %swap3A_28 = tpu.vector_load %arg8[%swap3A_27] {strides = array<i32>} : memref<25024xf32, #tpu.memory_space<vmem>>, vector<16xf32>,
    tpu.vector_store %arg8[%swap3A_27], %select_n3A_26 {strides = array<i32>} : memref<25024xf32, #tpu.memory_space<vmem>>, vector<16xf32>,
    %broadcast_in_dim3A_29 = arith.constant 0 : i32
    %broadcast_in_dim3A_30 = vector.broadcast %broadcast_in_dim3A_29 : i32 to vector<16xi32>
    %swap3A_31 = arith.constant 25008 : index
    %swap3A_32 = tpu.vector_load %arg7[%swap3A_31] {strides = array<i32>} : memref<25024xi32, #tpu.memory_space<vmem>>, vector<16xi32>,
    tpu.vector_store %arg7[%swap3A_31], %broadcast_in_dim3A_30 {strides = array<i32>} : memref<25024xi32, #tpu.memory_space<vmem>>, vector<16xi32>,
    %broadcast_in_dim3A_33 = arith.constant 0.000000e+00 : f32
    %broadcast_in_dim3A_34 = vector.broadcast %broadcast_in_dim3A_33 : f32 to vector<16xf32>
    %swap3A_35 = arith.constant 25008 : index
    %swap3A_36 = tpu.vector_load %arg8[%swap3A_35] {strides = array<i32>} : memref<25024xf32, #tpu.memory_space<vmem>>, vector<16xf32>,
    tpu.vector_store %arg8[%swap3A_35], %broadcast_in_dim3A_34 {strides = array<i32>} : memref<25024xf32, #tpu.memory_space<vmem>>, vector<16xf32>,
    "tpu.region"() ({
      %run_scoped3A = tpu.sem_alloc : memref<!tpu.dma_semaphore, #tpu.memory_space<semaphore_mem>>
      %dma_start3A = arith.constant 0 : i32
      %dma_start3A_45 = tpu.memref_slice %arg8[%dma_start3A] : memref<25024xf32, #tpu.memory_space<vmem>> -> memref<25024xf32, #tpu.memory_space<vmem>>
      %dma_start3A_46 = arith.constant 0 : i32
      %dma_start3A_47 = tpu.memref_slice %arg9[%dma_start3A_46] : memref<50176xf32, #tpu.memory_space<vmem_shared>> -> memref<50176xf32, #tpu.memory_space<vmem_shared>>
      tpu.enqueue_indirect_dma source(%dma_start3A_45 : memref<25024xf32, #tpu.memory_space<vmem>>) target(%dma_start3A_47 : memref<50176xf32, #tpu.memory_space<vmem_shared>>) offsets(%arg7 : memref<25024xi32, #tpu.memory_space<vmem>>) semaphore(%run_scoped3A : memref<!tpu.dma_semaphore, #tpu.memory_space<semaphore_mem>>) {add = true}
      %dma_wait3A = arith.constant 0 : i32
      %dma_wait3A_48 = tpu.memref_slice %arg8[%dma_wait3A] : memref<25024xf32, #tpu.memory_space<vmem>> -> memref<25024xf32, #tpu.memory_space<vmem>>
      %dma_wait3A_49 = arith.constant 0 : i32
      %dma_wait3A_50 = tpu.memref_slice %arg9[%dma_wait3A_49] : memref<50176xf32, #tpu.memory_space<vmem_shared>> -> memref<50176xf32, #tpu.memory_space<vmem_shared>>
      tpu.wait_indirect_dma semaphore(%run_scoped3A : memref<!tpu.dma_semaphore, #tpu.memory_space<semaphore_mem>>) src(%dma_wait3A_48 : memref<25024xf32, #tpu.memory_space<vmem>>) dst(%dma_wait3A_50 : memref<50176xf32, #tpu.memory_space<vmem_shared>>)
      tpu.yield
    }) : () -> ()
    %barrier3A_37 = arith.constant 0 : index
    tpu.barrier barrier_id(%barrier3A_37)
    %mul3A_38 = arith.constant 3136 : i32
    %mul3A_39 = arith.muli %arg1, %mul3A_38 : i32
    "tpu.region"() ({
      %run_scoped3A = tpu.sem_alloc : memref<!tpu.dma_semaphore, #tpu.memory_space<semaphore_mem>>
      %dma_start3A = arith.constant 0 : i32
      %dma_start3A_45 = tpu.memref_slice %arg8[%dma_start3A] : memref<25024xf32, #tpu.memory_space<vmem>> -> memref<3136xf32, #tpu.memory_space<vmem>>
      %dma_start3A_46 = tpu.memref_slice %arg9[%mul3A_39] : memref<50176xf32, #tpu.memory_space<vmem_shared>> -> memref<3136xf32, #tpu.memory_space<vmem_shared>>
      %dma_start3A_47 = arith.constant 0 : i32
      %dma_start3A_48 = tpu.memref_slice %arg8[%dma_start3A_47] : memref<25024xf32, #tpu.memory_space<vmem>> -> memref<3136xf32, #tpu.memory_space<vmem>>
      %dma_start3A_49 = tpu.memref_slice %arg9[%mul3A_39] : memref<50176xf32, #tpu.memory_space<vmem_shared>> -> memref<3136xf32, #tpu.memory_space<vmem_shared>>
      tpu.enqueue_dma source(%dma_start3A_49 : memref<3136xf32, #tpu.memory_space<vmem_shared>>) target(%dma_start3A_48 : memref<3136xf32, #tpu.memory_space<vmem>>) target_semaphore(%run_scoped3A : memref<!tpu.dma_semaphore, #tpu.memory_space<semaphore_mem>>)
      %dma_wait3A = arith.constant 0 : i32
      %dma_wait3A_50 = tpu.memref_slice %arg8[%dma_wait3A] : memref<25024xf32, #tpu.memory_space<vmem>> -> memref<3136xf32, #tpu.memory_space<vmem>>
      %dma_wait3A_51 = tpu.memref_slice %arg9[%mul3A_39] : memref<50176xf32, #tpu.memory_space<vmem_shared>> -> memref<3136xf32, #tpu.memory_space<vmem_shared>>
      %dma_wait3A_52 = arith.constant 0 : i32
      %dma_wait3A_53 = tpu.memref_slice %arg8[%dma_wait3A_52] : memref<25024xf32, #tpu.memory_space<vmem>> -> memref<3136xf32, #tpu.memory_space<vmem>>
      %dma_wait3A_54 = tpu.memref_slice %arg9[%mul3A_39] : memref<50176xf32, #tpu.memory_space<vmem_shared>> -> memref<3136xf32, #tpu.memory_space<vmem_shared>>
      tpu.wait_dma2 semaphore(%run_scoped3A : memref<!tpu.dma_semaphore, #tpu.memory_space<semaphore_mem>>) src(%dma_wait3A_54 : memref<3136xf32, #tpu.memory_space<vmem_shared>>) dst(%dma_wait3A_53 : memref<3136xf32, #tpu.memory_space<vmem>>)
      tpu.yield
    }) : () -> ()
    %mul3A_40 = arith.constant 50176 : i32
    %mul3A_41 = arith.muli %arg0, %mul3A_40 : i32
    %mul3A_42 = arith.constant 3136 : i32
    %mul3A_43 = arith.muli %arg1, %mul3A_42 : i32
    %add3A_44 = arith.addi %mul3A_41, %mul3A_43 : i32
    "tpu.region"() ({
      %run_scoped3A = tpu.sem_alloc : memref<!tpu.dma_semaphore, #tpu.memory_space<semaphore_mem>>
      %dma_start3A = arith.constant 0 : i32
      %dma_start3A_45 = tpu.memref_slice %arg8[%dma_start3A] : memref<25024xf32, #tpu.memory_space<vmem>> -> memref<3136xf32, #tpu.memory_space<vmem>>
      %dma_start3A_46 = tpu.memref_slice %arg4[%add3A_44] : memref<100352xf32, #tpu.memory_space<hbm>> -> memref<3136xf32, #tpu.memory_space<hbm>>
      %dma_start3A_47 = tpu.memref_slice %arg4[%add3A_44] : memref<100352xf32, #tpu.memory_space<hbm>> -> memref<3136xf32, #tpu.memory_space<hbm>>
      %dma_start3A_48 = arith.constant 0 : i32
      %dma_start3A_49 = tpu.memref_slice %arg8[%dma_start3A_48] : memref<25024xf32, #tpu.memory_space<vmem>> -> memref<3136xf32, #tpu.memory_space<vmem>>
      tpu.enqueue_dma source(%dma_start3A_49 : memref<3136xf32, #tpu.memory_space<vmem>>) target(%dma_start3A_47 : memref<3136xf32, #tpu.memory_space<hbm>>) target_semaphore(%run_scoped3A : memref<!tpu.dma_semaphore, #tpu.memory_space<semaphore_mem>>)
      %dma_wait3A = arith.constant 0 : i32
      %dma_wait3A_50 = tpu.memref_slice %arg8[%dma_wait3A] : memref<25024xf32, #tpu.memory_space<vmem>> -> memref<3136xf32, #tpu.memory_space<vmem>>
      %dma_wait3A_51 = tpu.memref_slice %arg4[%add3A_44] : memref<100352xf32, #tpu.memory_space<hbm>> -> memref<3136xf32, #tpu.memory_space<hbm>>
      %dma_wait3A_52 = tpu.memref_slice %arg4[%add3A_44] : memref<100352xf32, #tpu.memory_space<hbm>> -> memref<3136xf32, #tpu.memory_space<hbm>>
      %dma_wait3A_53 = arith.constant 0 : i32
      %dma_wait3A_54 = tpu.memref_slice %arg8[%dma_wait3A_53] : memref<25024xf32, #tpu.memory_space<vmem>> -> memref<3136xf32, #tpu.memory_space<vmem>>
      tpu.wait_dma2 semaphore(%run_scoped3A : memref<!tpu.dma_semaphore, #tpu.memory_space<semaphore_mem>>) src(%dma_wait3A_54 : memref<3136xf32, #tpu.memory_space<vmem>>) dst(%dma_wait3A_52 : memref<3136xf32, #tpu.memory_space<hbm>>)
      tpu.yield
    }) : () -> ()
    return
  }
}

#map = affine_map<(d0, d1) -> (0, 0)>
#map1 = affine_map<(d0, d1) -> (0)>
module attributes {stable_mosaic.version = 14 : i64} {
  func.func @_vecsum_body(%arg0: i32, %arg1: i32, %arg2: memref<50176x128xf32, #tpu.memory_space<hbm>>, %arg3: memref<1600000xi32, #tpu.memory_space<hbm>>, %arg4: memref<50176x128xf32, #tpu.memory_space<hbm>>, %arg5: memref<2000xi32, #tpu.memory_space<vmem>>, %arg6: memref<2000xi32, #tpu.memory_space<vmem>>, %arg7: memref<8192xi32, #tpu.memory_space<vmem>>, %arg8: memref<8192xi32, #tpu.memory_space<vmem>>, %arg9: memref<512xi32, #tpu.memory_space<vmem>>, %arg10: memref<512xi32, #tpu.memory_space<vmem>>, %arg11: memref<512x128xf32, #tpu.memory_space<vmem>>, %arg12: memref<64x128xf32, #tpu.memory_space<vmem>>, %arg13: memref<3585x128xf32, #tpu.memory_space<vmem_shared>>) attributes {dimension_semantics = [#tpu.dimension_semantics<core_parallel>, #tpu.dimension_semantics<subcore_parallel>], iteration_bounds = array<i64: 2, 16>, scalar_prefetch = 0 : i64, scratch_operands = 9 : i64, tpu.core_type = #tpu.core_type<sc_vector_subcore>, window_params = [{transform_indices = #map}, {transform_indices = #map1}, {transform_indices = #map}]} {
    %scan3A = arith.constant 0 : i32
    %scan3A_0 = arith.constant 0 : i32
    %scan3A_1 = arith.constant 512 : i32
    %scan3A_2 = arith.addi %scan3A_0, %scan3A_1 : i32
    %scan3A_3 = arith.constant 1 : i32
    scf.for %scan3A_359 = %scan3A_0 to %scan3A_2 step %scan3A_3  : i32 {
      %broadcast_in_dim3A = arith.constant 0.000000e+00 : f32
      %broadcast_in_dim3A_360 = vector.broadcast %broadcast_in_dim3A : f32 to vector<16xf32>
      %jit3A = arith.constant 8 : i32
      %div3A = arith.divsi %scan3A_359, %jit3A : i32
      %sign3A = arith.constant 0 : i32
      %sign3A_361 = arith.cmpi sgt, %scan3A_359, %sign3A : i32
      %sign3A_362 = arith.extui %sign3A_361 : i1 to i32
      %sign3A_363 = arith.constant 0 : i32
      %sign3A_364 = arith.cmpi slt, %scan3A_359, %sign3A_363 : i32
      %sign3A_365 = arith.extui %sign3A_364 : i1 to i32
      %sign3A_366 = arith.subi %sign3A_362, %sign3A_365 : i32
      %sign3A_367 = arith.constant 0 : i32
      %sign3A_368 = arith.cmpi sgt, %jit3A, %sign3A_367 : i32
      %sign3A_369 = arith.extui %sign3A_368 : i1 to i32
      %sign3A_370 = arith.constant 0 : i32
      %sign3A_371 = arith.cmpi slt, %jit3A, %sign3A_370 : i32
      %sign3A_372 = arith.extui %sign3A_371 : i1 to i32
      %sign3A_373 = arith.subi %sign3A_369, %sign3A_372 : i32
      %ne3A = arith.cmpi ne, %sign3A_366, %sign3A_373 : i32
      %rem3A = arith.remsi %scan3A_359, %jit3A : i32
      %ne3A_374 = arith.constant 0 : i32
      %ne3A_375 = arith.cmpi ne, %rem3A, %ne3A_374 : i32
      %and3A = arith.andi %ne3A, %ne3A_375 : i1
      %sub3A = arith.constant 1 : i32
      %sub3A_376 = arith.subi %div3A, %sub3A : i32
      %select_n3A = arith.select %and3A, %sub3A_376, %div3A : i32
      %jit3A_377 = arith.constant 8 : i32
      %eq3A = arith.constant 0 : i32
      %eq3A_378 = arith.cmpi eq, %jit3A_377, %eq3A : i32
      %jit3A_379 = arith.constant 1 : i32
      %select_n3A_380 = arith.select %eq3A_378, %jit3A_379, %jit3A_377 : i32
      %rem3A_381 = arith.remsi %scan3A_359, %select_n3A_380 : i32
      %ne3A_382 = arith.constant 0 : i32
      %ne3A_383 = arith.cmpi ne, %rem3A_381, %ne3A_382 : i32
      %lt3A = arith.constant 0 : i32
      %lt3A_384 = arith.cmpi slt, %rem3A_381, %lt3A : i32
      %lt3A_385 = arith.constant 0 : i32
      %lt3A_386 = arith.cmpi slt, %select_n3A_380, %lt3A_385 : i32
      %ne3A_387 = arith.xori %lt3A_384, %lt3A_386 : i1
      %and3A_388 = arith.andi %ne3A_387, %ne3A_383 : i1
      %add3A_389 = arith.addi %rem3A_381, %select_n3A_380 : i32
      %select_n3A_390 = arith.select %and3A_388, %add3A_389, %rem3A_381 : i32
      %mul3A_391 = arith.constant 16 : i32
      %mul3A_392 = arith.muli %select_n3A_390, %mul3A_391 : i32
      %swap3A = arith.index_cast %select_n3A : i32 to index
      %swap3A_393 = arith.index_cast %mul3A_392 : i32 to index
      %swap3A_394 = tpu.vector_load %arg12[%swap3A, %swap3A_393] {strides = array<i32>} : memref<64x128xf32, #tpu.memory_space<vmem>>, vector<16xf32>,
      tpu.vector_store %arg12[%swap3A, %swap3A_393], %broadcast_in_dim3A_360 {strides = array<i32>} : memref<64x128xf32, #tpu.memory_space<vmem>>, vector<16xf32>,
    }
    %scan3A_4 = arith.constant 512 : i32
    %add3A = arith.constant 0 : i32
    %add3A_5 = arith.addi %add3A, %arg0 : i32
    %mul3A = arith.constant 3584 : i32
    %mul3A_6 = arith.muli %add3A_5, %mul3A : i32
    %mul3A_7 = arith.constant 224 : i32
    %mul3A_8 = arith.muli %arg1, %mul3A_7 : i32
    %add3A_9 = arith.constant 0 : i32
    %add3A_10 = arith.addi %mul3A_8, %add3A_9 : i32
    "tpu.region"() ({
      %run_scoped3A = tpu.sem_alloc : memref<!tpu.dma_semaphore, #tpu.memory_space<semaphore_mem>>
      %dma_start3A = arith.constant 0 : i32
      %dma_start3A_359 = tpu.memref_slice %arg13[%add3A_10, %dma_start3A] : memref<3585x128xf32, #tpu.memory_space<vmem_shared>> -> memref<64x128xf32, #tpu.memory_space<vmem_shared>>
      %dma_start3A_360 = arith.constant 0 : i32
      %dma_start3A_361 = tpu.memref_slice %arg13[%add3A_10, %dma_start3A_360] : memref<3585x128xf32, #tpu.memory_space<vmem_shared>> -> memref<64x128xf32, #tpu.memory_space<vmem_shared>>
      tpu.enqueue_dma source(%arg12 : memref<64x128xf32, #tpu.memory_space<vmem>>) target(%dma_start3A_361 : memref<64x128xf32, #tpu.memory_space<vmem_shared>>) target_semaphore(%run_scoped3A : memref<!tpu.dma_semaphore, #tpu.memory_space<semaphore_mem>>)
      %dma_wait3A = arith.constant 0 : i32
      %dma_wait3A_362 = tpu.memref_slice %arg13[%add3A_10, %dma_wait3A] : memref<3585x128xf32, #tpu.memory_space<vmem_shared>> -> memref<64x128xf32, #tpu.memory_space<vmem_shared>>
      %dma_wait3A_363 = arith.constant 0 : i32
      %dma_wait3A_364 = tpu.memref_slice %arg13[%add3A_10, %dma_wait3A_363] : memref<3585x128xf32, #tpu.memory_space<vmem_shared>> -> memref<64x128xf32, #tpu.memory_space<vmem_shared>>
      tpu.wait_dma2 semaphore(%run_scoped3A : memref<!tpu.dma_semaphore, #tpu.memory_space<semaphore_mem>>) src(%arg12 : memref<64x128xf32, #tpu.memory_space<vmem>>) dst(%dma_wait3A_364 : memref<64x128xf32, #tpu.memory_space<vmem_shared>>)
      tpu.yield
    }) : () -> ()
    %mul3A_11 = arith.constant 224 : i32
    %mul3A_12 = arith.muli %arg1, %mul3A_11 : i32
    %add3A_13 = arith.constant 64 : i32
    %add3A_14 = arith.addi %mul3A_12, %add3A_13 : i32
    "tpu.region"() ({
      %run_scoped3A = tpu.sem_alloc : memref<!tpu.dma_semaphore, #tpu.memory_space<semaphore_mem>>
      %dma_start3A = arith.constant 0 : i32
      %dma_start3A_359 = tpu.memref_slice %arg13[%add3A_14, %dma_start3A] : memref<3585x128xf32, #tpu.memory_space<vmem_shared>> -> memref<64x128xf32, #tpu.memory_space<vmem_shared>>
      %dma_start3A_360 = arith.constant 0 : i32
      %dma_start3A_361 = tpu.memref_slice %arg13[%add3A_14, %dma_start3A_360] : memref<3585x128xf32, #tpu.memory_space<vmem_shared>> -> memref<64x128xf32, #tpu.memory_space<vmem_shared>>
      tpu.enqueue_dma source(%arg12 : memref<64x128xf32, #tpu.memory_space<vmem>>) target(%dma_start3A_361 : memref<64x128xf32, #tpu.memory_space<vmem_shared>>) target_semaphore(%run_scoped3A : memref<!tpu.dma_semaphore, #tpu.memory_space<semaphore_mem>>)
      %dma_wait3A = arith.constant 0 : i32
      %dma_wait3A_362 = tpu.memref_slice %arg13[%add3A_14, %dma_wait3A] : memref<3585x128xf32, #tpu.memory_space<vmem_shared>> -> memref<64x128xf32, #tpu.memory_space<vmem_shared>>
      %dma_wait3A_363 = arith.constant 0 : i32
      %dma_wait3A_364 = tpu.memref_slice %arg13[%add3A_14, %dma_wait3A_363] : memref<3585x128xf32, #tpu.memory_space<vmem_shared>> -> memref<64x128xf32, #tpu.memory_space<vmem_shared>>
      tpu.wait_dma2 semaphore(%run_scoped3A : memref<!tpu.dma_semaphore, #tpu.memory_space<semaphore_mem>>) src(%arg12 : memref<64x128xf32, #tpu.memory_space<vmem>>) dst(%dma_wait3A_364 : memref<64x128xf32, #tpu.memory_space<vmem_shared>>)
      tpu.yield
    }) : () -> ()
    %mul3A_15 = arith.constant 224 : i32
    %mul3A_16 = arith.muli %arg1, %mul3A_15 : i32
    %add3A_17 = arith.constant 128 : i32
    %add3A_18 = arith.addi %mul3A_16, %add3A_17 : i32
    "tpu.region"() ({
      %run_scoped3A = tpu.sem_alloc : memref<!tpu.dma_semaphore, #tpu.memory_space<semaphore_mem>>
      %dma_start3A = arith.constant 0 : i32
      %dma_start3A_359 = tpu.memref_slice %arg13[%add3A_18, %dma_start3A] : memref<3585x128xf32, #tpu.memory_space<vmem_shared>> -> memref<64x128xf32, #tpu.memory_space<vmem_shared>>
      %dma_start3A_360 = arith.constant 0 : i32
      %dma_start3A_361 = tpu.memref_slice %arg13[%add3A_18, %dma_start3A_360] : memref<3585x128xf32, #tpu.memory_space<vmem_shared>> -> memref<64x128xf32, #tpu.memory_space<vmem_shared>>
      tpu.enqueue_dma source(%arg12 : memref<64x128xf32, #tpu.memory_space<vmem>>) target(%dma_start3A_361 : memref<64x128xf32, #tpu.memory_space<vmem_shared>>) target_semaphore(%run_scoped3A : memref<!tpu.dma_semaphore, #tpu.memory_space<semaphore_mem>>)
      %dma_wait3A = arith.constant 0 : i32
      %dma_wait3A_362 = tpu.memref_slice %arg13[%add3A_18, %dma_wait3A] : memref<3585x128xf32, #tpu.memory_space<vmem_shared>> -> memref<64x128xf32, #tpu.memory_space<vmem_shared>>
      %dma_wait3A_363 = arith.constant 0 : i32
      %dma_wait3A_364 = tpu.memref_slice %arg13[%add3A_18, %dma_wait3A_363] : memref<3585x128xf32, #tpu.memory_space<vmem_shared>> -> memref<64x128xf32, #tpu.memory_space<vmem_shared>>
      tpu.wait_dma2 semaphore(%run_scoped3A : memref<!tpu.dma_semaphore, #tpu.memory_space<semaphore_mem>>) src(%arg12 : memref<64x128xf32, #tpu.memory_space<vmem>>) dst(%dma_wait3A_364 : memref<64x128xf32, #tpu.memory_space<vmem_shared>>)
      tpu.yield
    }) : () -> ()
    %mul3A_19 = arith.constant 224 : i32
    %mul3A_20 = arith.muli %arg1, %mul3A_19 : i32
    %add3A_21 = arith.constant 192 : i32
    %add3A_22 = arith.addi %mul3A_20, %add3A_21 : i32
    "tpu.region"() ({
      %run_scoped3A = tpu.sem_alloc : memref<!tpu.dma_semaphore, #tpu.memory_space<semaphore_mem>>
      %dma_start3A = arith.constant 0 : i32
      %dma_start3A_359 = arith.constant 0 : i32
      %dma_start3A_360 = tpu.memref_slice %arg12[%dma_start3A, %dma_start3A_359] : memref<64x128xf32, #tpu.memory_space<vmem>> -> memref<32x128xf32, #tpu.memory_space<vmem>>
      %dma_start3A_361 = arith.constant 0 : i32
      %dma_start3A_362 = tpu.memref_slice %arg13[%add3A_22, %dma_start3A_361] : memref<3585x128xf32, #tpu.memory_space<vmem_shared>> -> memref<32x128xf32, #tpu.memory_space<vmem_shared>>
      %dma_start3A_363 = arith.constant 0 : i32
      %dma_start3A_364 = tpu.memref_slice %arg13[%add3A_22, %dma_start3A_363] : memref<3585x128xf32, #tpu.memory_space<vmem_shared>> -> memref<32x128xf32, #tpu.memory_space<vmem_shared>>
      %dma_start3A_365 = arith.constant 0 : i32
      %dma_start3A_366 = arith.constant 0 : i32
      %dma_start3A_367 = tpu.memref_slice %arg12[%dma_start3A_365, %dma_start3A_366] : memref<64x128xf32, #tpu.memory_space<vmem>> -> memref<32x128xf32, #tpu.memory_space<vmem>>
      tpu.enqueue_dma source(%dma_start3A_367 : memref<32x128xf32, #tpu.memory_space<vmem>>) target(%dma_start3A_364 : memref<32x128xf32, #tpu.memory_space<vmem_shared>>) target_semaphore(%run_scoped3A : memref<!tpu.dma_semaphore, #tpu.memory_space<semaphore_mem>>)
      %dma_wait3A = arith.constant 0 : i32
      %dma_wait3A_368 = arith.constant 0 : i32
      %dma_wait3A_369 = tpu.memref_slice %arg12[%dma_wait3A, %dma_wait3A_368] : memref<64x128xf32, #tpu.memory_space<vmem>> -> memref<32x128xf32, #tpu.memory_space<vmem>>
      %dma_wait3A_370 = arith.constant 0 : i32
      %dma_wait3A_371 = tpu.memref_slice %arg13[%add3A_22, %dma_wait3A_370] : memref<3585x128xf32, #tpu.memory_space<vmem_shared>> -> memref<32x128xf32, #tpu.memory_space<vmem_shared>>
      %dma_wait3A_372 = arith.constant 0 : i32
      %dma_wait3A_373 = tpu.memref_slice %arg13[%add3A_22, %dma_wait3A_372] : memref<3585x128xf32, #tpu.memory_space<vmem_shared>> -> memref<32x128xf32, #tpu.memory_space<vmem_shared>>
      %dma_wait3A_374 = arith.constant 0 : i32
      %dma_wait3A_375 = arith.constant 0 : i32
      %dma_wait3A_376 = tpu.memref_slice %arg12[%dma_wait3A_374, %dma_wait3A_375] : memref<64x128xf32, #tpu.memory_space<vmem>> -> memref<32x128xf32, #tpu.memory_space<vmem>>
      tpu.wait_dma2 semaphore(%run_scoped3A : memref<!tpu.dma_semaphore, #tpu.memory_space<semaphore_mem>>) src(%dma_wait3A_376 : memref<32x128xf32, #tpu.memory_space<vmem>>) dst(%dma_wait3A_373 : memref<32x128xf32, #tpu.memory_space<vmem_shared>>)
      tpu.yield
    }) : () -> ()
    %barrier3A = arith.constant 0 : index
    tpu.barrier barrier_id(%barrier3A)
    %scan3A_23 = arith.constant 0 : i32
    %scan3A_24 = arith.constant 0 : i32
    %scan3A_25 = arith.constant 512 : i32
    %scan3A_26 = arith.addi %scan3A_24, %scan3A_25 : i32
    %scan3A_27 = arith.constant 1 : i32
    scf.for %scan3A_359 = %scan3A_24 to %scan3A_26 step %scan3A_27  : i32 {
      %broadcast_in_dim3A = arith.constant 0 : i32
      %broadcast_in_dim3A_360 = vector.broadcast %broadcast_in_dim3A : i32 to vector<16xi32>
      %mul3A_361 = arith.constant 16 : i32
      %mul3A_362 = arith.muli %scan3A_359, %mul3A_361 : i32
      %swap3A = arith.index_cast %mul3A_362 : i32 to index
      %swap3A_363 = tpu.vector_load %arg7[%swap3A] {strides = array<i32>} : memref<8192xi32, #tpu.memory_space<vmem>>, vector<16xi32>,
      tpu.vector_store %arg7[%swap3A], %broadcast_in_dim3A_360 {strides = array<i32>} : memref<8192xi32, #tpu.memory_space<vmem>>, vector<16xi32>,
      %broadcast_in_dim3A_364 = arith.constant 3584 : i32
      %broadcast_in_dim3A_365 = vector.broadcast %broadcast_in_dim3A_364 : i32 to vector<16xi32>
      %mul3A_366 = arith.constant 16 : i32
      %mul3A_367 = arith.muli %scan3A_359, %mul3A_366 : i32
      %swap3A_368 = arith.index_cast %mul3A_367 : i32 to index
      %swap3A_369 = tpu.vector_load %arg8[%swap3A_368] {strides = array<i32>} : memref<8192xi32, #tpu.memory_space<vmem>>, vector<16xi32>,
      tpu.vector_store %arg8[%swap3A_368], %broadcast_in_dim3A_365 {strides = array<i32>} : memref<8192xi32, #tpu.memory_space<vmem>>, vector<16xi32>,
    }
    %scan3A_28 = arith.constant 512 : i32
    %scan3A_29 = arith.constant 0 : i32
    %scan3A_30 = arith.constant 0 : i32
    %scan3A_31 = arith.constant 25 : i32
    %scan3A_32 = arith.addi %scan3A_30, %scan3A_31 : i32
    %scan3A_33 = arith.constant 1 : i32
    %scan3A_34 = scf.for %scan3A_359 = %scan3A_30 to %scan3A_32 step %scan3A_33 iter_args(%scan3A_360 = %scan3A_29) -> (i32)  : i32 {
      %mul3A_361 = arith.constant 50000 : i32
      %mul3A_362 = arith.muli %arg1, %mul3A_361 : i32
      %mul3A_363 = arith.constant 2000 : i32
      %mul3A_364 = arith.muli %scan3A_359, %mul3A_363 : i32
      %add3A_365 = arith.addi %mul3A_362, %mul3A_364 : i32
      "tpu.region"() ({
        %run_scoped3A = tpu.sem_alloc : memref<!tpu.dma_semaphore, #tpu.memory_space<semaphore_mem>>
        %dma_start3A = tpu.memref_slice %arg3[%add3A_365] : memref<1600000xi32, #tpu.memory_space<hbm>> -> memref<2000xi32, #tpu.memory_space<hbm>>
        %dma_start3A_374 = tpu.memref_slice %arg3[%add3A_365] : memref<1600000xi32, #tpu.memory_space<hbm>> -> memref<2000xi32, #tpu.memory_space<hbm>>
        tpu.enqueue_dma source(%dma_start3A_374 : memref<2000xi32, #tpu.memory_space<hbm>>) target(%arg5 : memref<2000xi32, #tpu.memory_space<vmem>>) target_semaphore(%run_scoped3A : memref<!tpu.dma_semaphore, #tpu.memory_space<semaphore_mem>>)
        %dma_wait3A = tpu.memref_slice %arg3[%add3A_365] : memref<1600000xi32, #tpu.memory_space<hbm>> -> memref<2000xi32, #tpu.memory_space<hbm>>
        %dma_wait3A_375 = tpu.memref_slice %arg3[%add3A_365] : memref<1600000xi32, #tpu.memory_space<hbm>> -> memref<2000xi32, #tpu.memory_space<hbm>>
        tpu.wait_dma2 semaphore(%run_scoped3A : memref<!tpu.dma_semaphore, #tpu.memory_space<semaphore_mem>>) src(%dma_wait3A_375 : memref<2000xi32, #tpu.memory_space<hbm>>) dst(%arg5 : memref<2000xi32, #tpu.memory_space<vmem>>)
        tpu.yield
      }) : () -> ()
      %add3A_366 = arith.constant 800000 : i32
      %add3A_367 = arith.addi %add3A_366, %add3A_365 : i32
      "tpu.region"() ({
        %run_scoped3A = tpu.sem_alloc : memref<!tpu.dma_semaphore, #tpu.memory_space<semaphore_mem>>
        %dma_start3A = tpu.memref_slice %arg3[%add3A_367] : memref<1600000xi32, #tpu.memory_space<hbm>> -> memref<2000xi32, #tpu.memory_space<hbm>>
        %dma_start3A_374 = tpu.memref_slice %arg3[%add3A_367] : memref<1600000xi32, #tpu.memory_space<hbm>> -> memref<2000xi32, #tpu.memory_space<hbm>>
        tpu.enqueue_dma source(%dma_start3A_374 : memref<2000xi32, #tpu.memory_space<hbm>>) target(%arg6 : memref<2000xi32, #tpu.memory_space<vmem>>) target_semaphore(%run_scoped3A : memref<!tpu.dma_semaphore, #tpu.memory_space<semaphore_mem>>)
        %dma_wait3A = tpu.memref_slice %arg3[%add3A_367] : memref<1600000xi32, #tpu.memory_space<hbm>> -> memref<2000xi32, #tpu.memory_space<hbm>>
        %dma_wait3A_375 = tpu.memref_slice %arg3[%add3A_367] : memref<1600000xi32, #tpu.memory_space<hbm>> -> memref<2000xi32, #tpu.memory_space<hbm>>
        tpu.wait_dma2 semaphore(%run_scoped3A : memref<!tpu.dma_semaphore, #tpu.memory_space<semaphore_mem>>) src(%dma_wait3A_375 : memref<2000xi32, #tpu.memory_space<hbm>>) dst(%arg6 : memref<2000xi32, #tpu.memory_space<vmem>>)
        tpu.yield
      }) : () -> ()
      %scan3A_368 = arith.constant 0 : i32
      %scan3A_369 = arith.constant 125 : i32
      %scan3A_370 = arith.addi %scan3A_368, %scan3A_369 : i32
      %scan3A_371 = arith.constant 1 : i32
      %scan3A_372 = scf.for %scan3A_374 = %scan3A_368 to %scan3A_370 step %scan3A_371 iter_args(%scan3A_375 = %scan3A_360) -> (i32)  : i32 {
        %mul3A_376 = arith.constant 16 : i32
        %mul3A_377 = arith.muli %scan3A_374, %mul3A_376 : i32
        %get3A = arith.index_cast %mul3A_377 : i32 to index
        %get3A_378 = tpu.vector_load %arg6[%get3A] {strides = array<i32>} : memref<2000xi32, #tpu.memory_space<vmem>>, vector<16xi32>,
        %mul3A_379 = arith.constant 16 : i32
        %mul3A_380 = arith.muli %scan3A_374, %mul3A_379 : i32
        %get3A_381 = arith.index_cast %mul3A_380 : i32 to index
        %get3A_382 = tpu.vector_load %arg5[%get3A_381] {strides = array<i32>} : memref<2000xi32, #tpu.memory_space<vmem>>, vector<16xi32>,
        %ge3A = vector.broadcast %mul3A_6 : i32 to vector<16xi32>
        %ge3A_383 = arith.cmpi sge, %get3A_378, %ge3A : vector<16xi32>
        %add3A_384 = arith.constant 3584 : i32
        %add3A_385 = arith.addi %mul3A_6, %add3A_384 : i32
        %lt3A = vector.broadcast %add3A_385 : i32 to vector<16xi32>
        %lt3A_386 = arith.cmpi slt, %get3A_378, %lt3A : vector<16xi32>
        %and3A = arith.andi %ge3A_383, %lt3A_386 : vector<16xi1>
        %sub3A = vector.broadcast %mul3A_6 : i32 to vector<16xi32>
        %sub3A_387 = arith.subi %get3A_378, %sub3A : vector<16xi32>
        %swap3A = arith.index_cast %scan3A_375 : i32 to index
        %swap3A_388 = tpu.vector_load %arg8[%swap3A] masked %and3A {strides = array<i32>} : memref<8192xi32, #tpu.memory_space<vmem>>, vector<16xi32>, vector<16xi1>
        tpu.vector_store %arg8[%swap3A], %sub3A_387 masked %and3A {strides = array<i32>} : memref<8192xi32, #tpu.memory_space<vmem>>, vector<16xi32>, vector<16xi1>
        %swap3A_389 = arith.index_cast %scan3A_375 : i32 to index
        %swap3A_390 = tpu.vector_load %arg7[%swap3A_389] masked %and3A {strides = array<i32>} : memref<8192xi32, #tpu.memory_space<vmem>>, vector<16xi32>, vector<16xi1>
        tpu.vector_store %arg7[%swap3A_389], %get3A_382 masked %and3A {strides = array<i32>} : memref<8192xi32, #tpu.memory_space<vmem>>, vector<16xi32>, vector<16xi1>
        %all_reduce_population_count3A = tpu.all_reduce %and3A {dim = 0 : i64, kind = #tpu.reduction_kind<sum>} : vector<16xi1> -> vector<16xi32>
        %reduce_max3A = arith.constant true
        %reduce_max3A_391 = vector.broadcast %reduce_max3A : i1 to vector<16xi1>
        %reduce_max3A_392 = arith.constant -2147483648 : i32
        %reduce_max3A_393 = vector.broadcast %reduce_max3A_392 : i32 to vector<16xi32>
        %reduce_max3A_394 = arith.xori %all_reduce_population_count3A, %reduce_max3A_393 : vector<16xi32>
        %reduce_max3A_395 = tpu.scan <max>, %reduce_max3A_394 masked %reduce_max3A_391 : vector<16xi32>, vector<16xi1> -> vector<16xi32>
        %reduce_max3A_396 = arith.xori %reduce_max3A_395, %reduce_max3A_393 : vector<16xi32>
        %reduce_max3A_397 = vector.extract %reduce_max3A_396[15] : i32 from vector<16xi32>
        %add3A_398 = arith.addi %scan3A_375, %reduce_max3A_397 : i32
        %min3A = arith.constant 8176 : i32
        %min3A_399 = arith.minsi %add3A_398, %min3A : i32
        scf.yield %min3A_399 : i32
      }
      %scan3A_373 = arith.constant 125 : i32
      scf.yield %scan3A_372 : i32
    }
    %scan3A_35 = arith.constant 25 : i32
    %scan3A_36 = arith.constant 0 : i32
    %scan3A_37 = arith.constant 0 : i32
    %scan3A_38 = arith.constant 16 : i32
    %scan3A_39 = arith.addi %scan3A_37, %scan3A_38 : i32
    %scan3A_40 = arith.constant 1 : i32
    scf.for %scan3A_359 = %scan3A_37 to %scan3A_39 step %scan3A_40  : i32 {
      %mul3A_360 = arith.constant 512 : i32
      %mul3A_361 = arith.muli %scan3A_359, %mul3A_360 : i32
      %lt3A = arith.cmpi slt, %mul3A_361, %scan3A_34 : i32
      %convert_element_type3A = arith.extui %lt3A : i1 to i32
      %cond3A = arith.constant 0 : i32
      %cond3A_362 = arith.cmpi ne, %convert_element_type3A, %cond3A : i32
      scf.if %cond3A_362 {
        %scan3A_363 = arith.constant 0 : i32
        %scan3A_364 = arith.constant 0 : i32
        %scan3A_365 = arith.constant 32 : i32
        %scan3A_366 = arith.addi %scan3A_364, %scan3A_365 : i32
        %scan3A_367 = arith.constant 1 : i32
        scf.for %scan3A_369 = %scan3A_364 to %scan3A_366 step %scan3A_367  : i32 {
          %mul3A_370 = arith.constant 512 : i32
          %mul3A_371 = arith.muli %scan3A_359, %mul3A_370 : i32
          %mul3A_372 = arith.constant 16 : i32
          %mul3A_373 = arith.muli %scan3A_369, %mul3A_372 : i32
          %add3A_374 = arith.addi %mul3A_371, %mul3A_373 : i32
          %get3A = arith.index_cast %add3A_374 : i32 to index
          %get3A_375 = tpu.vector_load %arg7[%get3A] {strides = array<i32>} : memref<8192xi32, #tpu.memory_space<vmem>>, vector<16xi32>,
          %mul3A_376 = arith.constant 16 : i32
          %mul3A_377 = arith.muli %scan3A_369, %mul3A_376 : i32
          %swap3A = arith.index_cast %mul3A_377 : i32 to index
          %swap3A_378 = tpu.vector_load %arg9[%swap3A] {strides = array<i32>} : memref<512xi32, #tpu.memory_space<vmem>>, vector<16xi32>,
          tpu.vector_store %arg9[%swap3A], %get3A_375 {strides = array<i32>} : memref<512xi32, #tpu.memory_space<vmem>>, vector<16xi32>,
          %mul3A_379 = arith.constant 512 : i32
          %mul3A_380 = arith.muli %scan3A_359, %mul3A_379 : i32
          %mul3A_381 = arith.constant 16 : i32
          %mul3A_382 = arith.muli %scan3A_369, %mul3A_381 : i32
          %add3A_383 = arith.addi %mul3A_380, %mul3A_382 : i32
          %get3A_384 = arith.index_cast %add3A_383 : i32 to index
          %get3A_385 = tpu.vector_load %arg8[%get3A_384] {strides = array<i32>} : memref<8192xi32, #tpu.memory_space<vmem>>, vector<16xi32>,
          %mul3A_386 = arith.constant 16 : i32
          %mul3A_387 = arith.muli %scan3A_369, %mul3A_386 : i32
          %swap3A_388 = arith.index_cast %mul3A_387 : i32 to index
          %swap3A_389 = tpu.vector_load %arg10[%swap3A_388] {strides = array<i32>} : memref<512xi32, #tpu.memory_space<vmem>>, vector<16xi32>,
          tpu.vector_store %arg10[%swap3A_388], %get3A_385 {strides = array<i32>} : memref<512xi32, #tpu.memory_space<vmem>>, vector<16xi32>,
        }
        %scan3A_368 = arith.constant 32 : i32
        "tpu.region"() ({
          %run_scoped3A = tpu.sem_alloc : memref<!tpu.dma_semaphore, #tpu.memory_space<semaphore_mem>>
          %dma_start3A = arith.constant 0 : i32
          %dma_start3A_369 = arith.constant 0 : i32
          %dma_start3A_370 = tpu.memref_slice %arg2[%dma_start3A, %dma_start3A_369] : memref<50176x128xf32, #tpu.memory_space<hbm>> -> memref<50176x128xf32, #tpu.memory_space<hbm>>
          tpu.enqueue_indirect_dma source(%dma_start3A_370 : memref<50176x128xf32, #tpu.memory_space<hbm>>) target(%arg11 : memref<512x128xf32, #tpu.memory_space<vmem>>) offsets(%arg9 : memref<512xi32, #tpu.memory_space<vmem>>) semaphore(%run_scoped3A : memref<!tpu.dma_semaphore, #tpu.memory_space<semaphore_mem>>)
          %dma_wait3A = arith.constant 0 : i32
          %dma_wait3A_371 = arith.constant 0 : i32
          %dma_wait3A_372 = tpu.memref_slice %arg2[%dma_wait3A, %dma_wait3A_371] : memref<50176x128xf32, #tpu.memory_space<hbm>> -> memref<50176x128xf32, #tpu.memory_space<hbm>>
          tpu.wait_indirect_dma semaphore(%run_scoped3A : memref<!tpu.dma_semaphore, #tpu.memory_space<semaphore_mem>>) src(%dma_wait3A_372 : memref<50176x128xf32, #tpu.memory_space<hbm>>) dst(%arg11 : memref<512x128xf32, #tpu.memory_space<vmem>>)
          tpu.yield
        }) : () -> ()
        "tpu.region"() ({
          %run_scoped3A = tpu.sem_alloc : memref<!tpu.dma_semaphore, #tpu.memory_space<semaphore_mem>>
          %dma_start3A = arith.constant 0 : i32
          %dma_start3A_369 = arith.constant 0 : i32
          %dma_start3A_370 = tpu.memref_slice %arg13[%dma_start3A, %dma_start3A_369] : memref<3585x128xf32, #tpu.memory_space<vmem_shared>> -> memref<3585x128xf32, #tpu.memory_space<vmem_shared>>
          tpu.enqueue_indirect_dma source(%arg11 : memref<512x128xf32, #tpu.memory_space<vmem>>) target(%dma_start3A_370 : memref<3585x128xf32, #tpu.memory_space<vmem_shared>>) offsets(%arg10 : memref<512xi32, #tpu.memory_space<vmem>>) semaphore(%run_scoped3A : memref<!tpu.dma_semaphore, #tpu.memory_space<semaphore_mem>>) {add = true}
          %dma_wait3A = arith.constant 0 : i32
          %dma_wait3A_371 = arith.constant 0 : i32
          %dma_wait3A_372 = tpu.memref_slice %arg13[%dma_wait3A, %dma_wait3A_371] : memref<3585x128xf32, #tpu.memory_space<vmem_shared>> -> memref<3585x128xf32, #tpu.memory_space<vmem_shared>>
          tpu.wait_indirect_dma semaphore(%run_scoped3A : memref<!tpu.dma_semaphore, #tpu.memory_space<semaphore_mem>>) src(%arg11 : memref<512x128xf32, #tpu.memory_space<vmem>>) dst(%dma_wait3A_372 : memref<3585x128xf32, #tpu.memory_space<vmem_shared>>)
          tpu.yield
        }) : () -> ()
      } else {
      }
    }
    %scan3A_41 = arith.constant 16 : i32
    %barrier3A_42 = arith.constant 0 : index
    tpu.barrier barrier_id(%barrier3A_42)
    %add3A_43 = arith.constant 0 : i32
    %add3A_44 = arith.addi %add3A_43, %arg0 : i32
    %mul3A_45 = arith.constant 3584 : i32
    %mul3A_46 = arith.muli %add3A_44, %mul3A_45 : i32
    %mul3A_47 = arith.constant 224 : i32
    %mul3A_48 = arith.muli %arg1, %mul3A_47 : i32
    %add3A_49 = arith.addi %mul3A_46, %mul3A_48 : i32
    %mul3A_50 = arith.constant 224 : i32
    %mul3A_51 = arith.muli %arg1, %mul3A_50 : i32
    "tpu.region"() ({
      %run_scoped3A = tpu.sem_alloc : memref<!tpu.dma_semaphore, #tpu.memory_space<semaphore_mem>>
      %dma_start3A = arith.constant 0 : i32
      %dma_start3A_359 = arith.constant 0 : i32
      %dma_start3A_360 = tpu.memref_slice %arg11[%dma_start3A, %dma_start3A_359] : memref<512x128xf32, #tpu.memory_space<vmem>> -> memref<224x128xf32, #tpu.memory_space<vmem>>
      %dma_start3A_361 = arith.constant 0 : i32
      %dma_start3A_362 = tpu.memref_slice %arg13[%mul3A_51, %dma_start3A_361] : memref<3585x128xf32, #tpu.memory_space<vmem_shared>> -> memref<224x128xf32, #tpu.memory_space<vmem_shared>>
      %dma_start3A_363 = arith.constant 0 : i32
      %dma_start3A_364 = arith.constant 0 : i32
      %dma_start3A_365 = tpu.memref_slice %arg11[%dma_start3A_363, %dma_start3A_364] : memref<512x128xf32, #tpu.memory_space<vmem>> -> memref<224x128xf32, #tpu.memory_space<vmem>>
      %dma_start3A_366 = arith.constant 0 : i32
      %dma_start3A_367 = tpu.memref_slice %arg13[%mul3A_51, %dma_start3A_366] : memref<3585x128xf32, #tpu.memory_space<vmem_shared>> -> memref<224x128xf32, #tpu.memory_space<vmem_shared>>
      tpu.enqueue_dma source(%dma_start3A_367 : memref<224x128xf32, #tpu.memory_space<vmem_shared>>) target(%dma_start3A_365 : memref<224x128xf32, #tpu.memory_space<vmem>>) target_semaphore(%run_scoped3A : memref<!tpu.dma_semaphore, #tpu.memory_space<semaphore_mem>>)
      %dma_wait3A = arith.constant 0 : i32
      %dma_wait3A_368 = arith.constant 0 : i32
      %dma_wait3A_369 = tpu.memref_slice %arg11[%dma_wait3A, %dma_wait3A_368] : memref<512x128xf32, #tpu.memory_space<vmem>> -> memref<224x128xf32, #tpu.memory_space<vmem>>
      %dma_wait3A_370 = arith.constant 0 : i32
      %dma_wait3A_371 = tpu.memref_slice %arg13[%mul3A_51, %dma_wait3A_370] : memref<3585x128xf32, #tpu.memory_space<vmem_shared>> -> memref<224x128xf32, #tpu.memory_space<vmem_shared>>
      %dma_wait3A_372 = arith.constant 0 : i32
      %dma_wait3A_373 = arith.constant 0 : i32
      %dma_wait3A_374 = tpu.memref_slice %arg11[%dma_wait3A_372, %dma_wait3A_373] : memref<512x128xf32, #tpu.memory_space<vmem>> -> memref<224x128xf32, #tpu.memory_space<vmem>>
      %dma_wait3A_375 = arith.constant 0 : i32
      %dma_wait3A_376 = tpu.memref_slice %arg13[%mul3A_51, %dma_wait3A_375] : memref<3585x128xf32, #tpu.memory_space<vmem_shared>> -> memref<224x128xf32, #tpu.memory_space<vmem_shared>>
      tpu.wait_dma2 semaphore(%run_scoped3A : memref<!tpu.dma_semaphore, #tpu.memory_space<semaphore_mem>>) src(%dma_wait3A_376 : memref<224x128xf32, #tpu.memory_space<vmem_shared>>) dst(%dma_wait3A_374 : memref<224x128xf32, #tpu.memory_space<vmem>>)
      tpu.yield
    }) : () -> ()
    "tpu.region"() ({
      %run_scoped3A = tpu.sem_alloc : memref<!tpu.dma_semaphore, #tpu.memory_space<semaphore_mem>>
      %dma_start3A = arith.constant 0 : i32
      %dma_start3A_359 = arith.constant 0 : i32
      %dma_start3A_360 = tpu.memref_slice %arg11[%dma_start3A, %dma_start3A_359] : memref<512x128xf32, #tpu.memory_space<vmem>> -> memref<224x128xf32, #tpu.memory_space<vmem>>
      %dma_start3A_361 = arith.constant 0 : i32
      %dma_start3A_362 = tpu.memref_slice %arg4[%add3A_49, %dma_start3A_361] : memref<50176x128xf32, #tpu.memory_space<hbm>> -> memref<224x128xf32, #tpu.memory_space<hbm>>
      %dma_start3A_363 = arith.constant 0 : i32
      %dma_start3A_364 = tpu.memref_slice %arg4[%add3A_49, %dma_start3A_363] : memref<50176x128xf32, #tpu.memory_space<hbm>> -> memref<224x128xf32, #tpu.memory_space<hbm>>
      %dma_start3A_365 = arith.constant 0 : i32
      %dma_start3A_366 = arith.constant 0 : i32
      %dma_start3A_367 = tpu.memref_slice %arg11[%dma_start3A_365, %dma_start3A_366] : memref<512x128xf32, #tpu.memory_space<vmem>> -> memref<224x128xf32, #tpu.memory_space<vmem>>
      tpu.enqueue_dma source(%dma_start3A_367 : memref<224x128xf32, #tpu.memory_space<vmem>>) target(%dma_start3A_364 : memref<224x128xf32, #tpu.memory_space<hbm>>) target_semaphore(%run_scoped3A : memref<!tpu.dma_semaphore, #tpu.memory_space<semaphore_mem>>)
      %dma_wait3A = arith.constant 0 : i32
      %dma_wait3A_368 = arith.constant 0 : i32
      %dma_wait3A_369 = tpu.memref_slice %arg11[%dma_wait3A, %dma_wait3A_368] : memref<512x128xf32, #tpu.memory_space<vmem>> -> memref<224x128xf32, #tpu.memory_space<vmem>>
      %dma_wait3A_370 = arith.constant 0 : i32
      %dma_wait3A_371 = tpu.memref_slice %arg4[%add3A_49, %dma_wait3A_370] : memref<50176x128xf32, #tpu.memory_space<hbm>> -> memref<224x128xf32, #tpu.memory_space<hbm>>
      %dma_wait3A_372 = arith.constant 0 : i32
      %dma_wait3A_373 = tpu.memref_slice %arg4[%add3A_49, %dma_wait3A_372] : memref<50176x128xf32, #tpu.memory_space<hbm>> -> memref<224x128xf32, #tpu.memory_space<hbm>>
      %dma_wait3A_374 = arith.constant 0 : i32
      %dma_wait3A_375 = arith.constant 0 : i32
      %dma_wait3A_376 = tpu.memref_slice %arg11[%dma_wait3A_374, %dma_wait3A_375] : memref<512x128xf32, #tpu.memory_space<vmem>> -> memref<224x128xf32, #tpu.memory_space<vmem>>
      tpu.wait_dma2 semaphore(%run_scoped3A : memref<!tpu.dma_semaphore, #tpu.memory_space<semaphore_mem>>) src(%dma_wait3A_376 : memref<224x128xf32, #tpu.memory_space<vmem>>) dst(%dma_wait3A_373 : memref<224x128xf32, #tpu.memory_space<hbm>>)
      tpu.yield
    }) : () -> ()
    %barrier3A_52 = arith.constant 0 : index
    tpu.barrier barrier_id(%barrier3A_52)
    %add3A_53 = arith.constant 2 : i32
    %add3A_54 = arith.addi %add3A_53, %arg0 : i32
    %mul3A_55 = arith.constant 3584 : i32
    %mul3A_56 = arith.muli %add3A_54, %mul3A_55 : i32
    %mul3A_57 = arith.constant 224 : i32
    %mul3A_58 = arith.muli %arg1, %mul3A_57 : i32
    %add3A_59 = arith.constant 0 : i32
    %add3A_60 = arith.addi %mul3A_58, %add3A_59 : i32
    "tpu.region"() ({
      %run_scoped3A = tpu.sem_alloc : memref<!tpu.dma_semaphore, #tpu.memory_space<semaphore_mem>>
      %dma_start3A = arith.constant 0 : i32
      %dma_start3A_359 = tpu.memref_slice %arg13[%add3A_60, %dma_start3A] : memref<3585x128xf32, #tpu.memory_space<vmem_shared>> -> memref<64x128xf32, #tpu.memory_space<vmem_shared>>
      %dma_start3A_360 = arith.constant 0 : i32
      %dma_start3A_361 = tpu.memref_slice %arg13[%add3A_60, %dma_start3A_360] : memref<3585x128xf32, #tpu.memory_space<vmem_shared>> -> memref<64x128xf32, #tpu.memory_space<vmem_shared>>
      tpu.enqueue_dma source(%arg12 : memref<64x128xf32, #tpu.memory_space<vmem>>) target(%dma_start3A_361 : memref<64x128xf32, #tpu.memory_space<vmem_shared>>) target_semaphore(%run_scoped3A : memref<!tpu.dma_semaphore, #tpu.memory_space<semaphore_mem>>)
      %dma_wait3A = arith.constant 0 : i32
      %dma_wait3A_362 = tpu.memref_slice %arg13[%add3A_60, %dma_wait3A] : memref<3585x128xf32, #tpu.memory_space<vmem_shared>> -> memref<64x128xf32, #tpu.memory_space<vmem_shared>>
      %dma_wait3A_363 = arith.constant 0 : i32
      %dma_wait3A_364 = tpu.memref_slice %arg13[%add3A_60, %dma_wait3A_363] : memref<3585x128xf32, #tpu.memory_space<vmem_shared>> -> memref<64x128xf32, #tpu.memory_space<vmem_shared>>
      tpu.wait_dma2 semaphore(%run_scoped3A : memref<!tpu.dma_semaphore, #tpu.memory_space<semaphore_mem>>) src(%arg12 : memref<64x128xf32, #tpu.memory_space<vmem>>) dst(%dma_wait3A_364 : memref<64x128xf32, #tpu.memory_space<vmem_shared>>)
      tpu.yield
    }) : () -> ()
    %mul3A_61 = arith.constant 224 : i32
    %mul3A_62 = arith.muli %arg1, %mul3A_61 : i32
    %add3A_63 = arith.constant 64 : i32
    %add3A_64 = arith.addi %mul3A_62, %add3A_63 : i32
    "tpu.region"() ({
      %run_scoped3A = tpu.sem_alloc : memref<!tpu.dma_semaphore, #tpu.memory_space<semaphore_mem>>
      %dma_start3A = arith.constant 0 : i32
      %dma_start3A_359 = tpu.memref_slice %arg13[%add3A_64, %dma_start3A] : memref<3585x128xf32, #tpu.memory_space<vmem_shared>> -> memref<64x128xf32, #tpu.memory_space<vmem_shared>>
      %dma_start3A_360 = arith.constant 0 : i32
      %dma_start3A_361 = tpu.memref_slice %arg13[%add3A_64, %dma_start3A_360] : memref<3585x128xf32, #tpu.memory_space<vmem_shared>> -> memref<64x128xf32, #tpu.memory_space<vmem_shared>>
      tpu.enqueue_dma source(%arg12 : memref<64x128xf32, #tpu.memory_space<vmem>>) target(%dma_start3A_361 : memref<64x128xf32, #tpu.memory_space<vmem_shared>>) target_semaphore(%run_scoped3A : memref<!tpu.dma_semaphore, #tpu.memory_space<semaphore_mem>>)
      %dma_wait3A = arith.constant 0 : i32
      %dma_wait3A_362 = tpu.memref_slice %arg13[%add3A_64, %dma_wait3A] : memref<3585x128xf32, #tpu.memory_space<vmem_shared>> -> memref<64x128xf32, #tpu.memory_space<vmem_shared>>
      %dma_wait3A_363 = arith.constant 0 : i32
      %dma_wait3A_364 = tpu.memref_slice %arg13[%add3A_64, %dma_wait3A_363] : memref<3585x128xf32, #tpu.memory_space<vmem_shared>> -> memref<64x128xf32, #tpu.memory_space<vmem_shared>>
      tpu.wait_dma2 semaphore(%run_scoped3A : memref<!tpu.dma_semaphore, #tpu.memory_space<semaphore_mem>>) src(%arg12 : memref<64x128xf32, #tpu.memory_space<vmem>>) dst(%dma_wait3A_364 : memref<64x128xf32, #tpu.memory_space<vmem_shared>>)
      tpu.yield
    }) : () -> ()
    %mul3A_65 = arith.constant 224 : i32
    %mul3A_66 = arith.muli %arg1, %mul3A_65 : i32
    %add3A_67 = arith.constant 128 : i32
    %add3A_68 = arith.addi %mul3A_66, %add3A_67 : i32
    "tpu.region"() ({
      %run_scoped3A = tpu.sem_alloc : memref<!tpu.dma_semaphore, #tpu.memory_space<semaphore_mem>>
      %dma_start3A = arith.constant 0 : i32
      %dma_start3A_359 = tpu.memref_slice %arg13[%add3A_68, %dma_start3A] : memref<3585x128xf32, #tpu.memory_space<vmem_shared>> -> memref<64x128xf32, #tpu.memory_space<vmem_shared>>
      %dma_start3A_360 = arith.constant 0 : i32
      %dma_start3A_361 = tpu.memref_slice %arg13[%add3A_68, %dma_start3A_360] : memref<3585x128xf32, #tpu.memory_space<vmem_shared>> -> memref<64x128xf32, #tpu.memory_space<vmem_shared>>
      tpu.enqueue_dma source(%arg12 : memref<64x128xf32, #tpu.memory_space<vmem>>) target(%dma_start3A_361 : memref<64x128xf32, #tpu.memory_space<vmem_shared>>) target_semaphore(%run_scoped3A : memref<!tpu.dma_semaphore, #tpu.memory_space<semaphore_mem>>)
      %dma_wait3A = arith.constant 0 : i32
      %dma_wait3A_362 = tpu.memref_slice %arg13[%add3A_68, %dma_wait3A] : memref<3585x128xf32, #tpu.memory_space<vmem_shared>> -> memref<64x128xf32, #tpu.memory_space<vmem_shared>>
      %dma_wait3A_363 = arith.constant 0 : i32
      %dma_wait3A_364 = tpu.memref_slice %arg13[%add3A_68, %dma_wait3A_363] : memref<3585x128xf32, #tpu.memory_space<vmem_shared>> -> memref<64x128xf32, #tpu.memory_space<vmem_shared>>
      tpu.wait_dma2 semaphore(%run_scoped3A : memref<!tpu.dma_semaphore, #tpu.memory_space<semaphore_mem>>) src(%arg12 : memref<64x128xf32, #tpu.memory_space<vmem>>) dst(%dma_wait3A_364 : memref<64x128xf32, #tpu.memory_space<vmem_shared>>)
      tpu.yield
    }) : () -> ()
    %mul3A_69 = arith.constant 224 : i32
    %mul3A_70 = arith.muli %arg1, %mul3A_69 : i32
    %add3A_71 = arith.constant 192 : i32
    %add3A_72 = arith.addi %mul3A_70, %add3A_71 : i32
    "tpu.region"() ({
      %run_scoped3A = tpu.sem_alloc : memref<!tpu.dma_semaphore, #tpu.memory_space<semaphore_mem>>
      %dma_start3A = arith.constant 0 : i32
      %dma_start3A_359 = arith.constant 0 : i32
      %dma_start3A_360 = tpu.memref_slice %arg12[%dma_start3A, %dma_start3A_359] : memref<64x128xf32, #tpu.memory_space<vmem>> -> memref<32x128xf32, #tpu.memory_space<vmem>>
      %dma_start3A_361 = arith.constant 0 : i32
      %dma_start3A_362 = tpu.memref_slice %arg13[%add3A_72, %dma_start3A_361] : memref<3585x128xf32, #tpu.memory_space<vmem_shared>> -> memref<32x128xf32, #tpu.memory_space<vmem_shared>>
      %dma_start3A_363 = arith.constant 0 : i32
      %dma_start3A_364 = tpu.memref_slice %arg13[%add3A_72, %dma_start3A_363] : memref<3585x128xf32, #tpu.memory_space<vmem_shared>> -> memref<32x128xf32, #tpu.memory_space<vmem_shared>>
      %dma_start3A_365 = arith.constant 0 : i32
      %dma_start3A_366 = arith.constant 0 : i32
      %dma_start3A_367 = tpu.memref_slice %arg12[%dma_start3A_365, %dma_start3A_366] : memref<64x128xf32, #tpu.memory_space<vmem>> -> memref<32x128xf32, #tpu.memory_space<vmem>>
      tpu.enqueue_dma source(%dma_start3A_367 : memref<32x128xf32, #tpu.memory_space<vmem>>) target(%dma_start3A_364 : memref<32x128xf32, #tpu.memory_space<vmem_shared>>) target_semaphore(%run_scoped3A : memref<!tpu.dma_semaphore, #tpu.memory_space<semaphore_mem>>)
      %dma_wait3A = arith.constant 0 : i32
      %dma_wait3A_368 = arith.constant 0 : i32
      %dma_wait3A_369 = tpu.memref_slice %arg12[%dma_wait3A, %dma_wait3A_368] : memref<64x128xf32, #tpu.memory_space<vmem>> -> memref<32x128xf32, #tpu.memory_space<vmem>>
      %dma_wait3A_370 = arith.constant 0 : i32
      %dma_wait3A_371 = tpu.memref_slice %arg13[%add3A_72, %dma_wait3A_370] : memref<3585x128xf32, #tpu.memory_space<vmem_shared>> -> memref<32x128xf32, #tpu.memory_space<vmem_shared>>
      %dma_wait3A_372 = arith.constant 0 : i32
      %dma_wait3A_373 = tpu.memref_slice %arg13[%add3A_72, %dma_wait3A_372] : memref<3585x128xf32, #tpu.memory_space<vmem_shared>> -> memref<32x128xf32, #tpu.memory_space<vmem_shared>>
      %dma_wait3A_374 = arith.constant 0 : i32
      %dma_wait3A_375 = arith.constant 0 : i32
      %dma_wait3A_376 = tpu.memref_slice %arg12[%dma_wait3A_374, %dma_wait3A_375] : memref<64x128xf32, #tpu.memory_space<vmem>> -> memref<32x128xf32, #tpu.memory_space<vmem>>
      tpu.wait_dma2 semaphore(%run_scoped3A : memref<!tpu.dma_semaphore, #tpu.memory_space<semaphore_mem>>) src(%dma_wait3A_376 : memref<32x128xf32, #tpu.memory_space<vmem>>) dst(%dma_wait3A_373 : memref<32x128xf32, #tpu.memory_space<vmem_shared>>)
      tpu.yield
    }) : () -> ()
    %barrier3A_73 = arith.constant 0 : index
    tpu.barrier barrier_id(%barrier3A_73)
    %scan3A_74 = arith.constant 0 : i32
    %scan3A_75 = arith.constant 0 : i32
    %scan3A_76 = arith.constant 512 : i32
    %scan3A_77 = arith.addi %scan3A_75, %scan3A_76 : i32
    %scan3A_78 = arith.constant 1 : i32
    scf.for %scan3A_359 = %scan3A_75 to %scan3A_77 step %scan3A_78  : i32 {
      %broadcast_in_dim3A = arith.constant 0 : i32
      %broadcast_in_dim3A_360 = vector.broadcast %broadcast_in_dim3A : i32 to vector<16xi32>
      %mul3A_361 = arith.constant 16 : i32
      %mul3A_362 = arith.muli %scan3A_359, %mul3A_361 : i32
      %swap3A = arith.index_cast %mul3A_362 : i32 to index
      %swap3A_363 = tpu.vector_load %arg7[%swap3A] {strides = array<i32>} : memref<8192xi32, #tpu.memory_space<vmem>>, vector<16xi32>,
      tpu.vector_store %arg7[%swap3A], %broadcast_in_dim3A_360 {strides = array<i32>} : memref<8192xi32, #tpu.memory_space<vmem>>, vector<16xi32>,
      %broadcast_in_dim3A_364 = arith.constant 3584 : i32
      %broadcast_in_dim3A_365 = vector.broadcast %broadcast_in_dim3A_364 : i32 to vector<16xi32>
      %mul3A_366 = arith.constant 16 : i32
      %mul3A_367 = arith.muli %scan3A_359, %mul3A_366 : i32
      %swap3A_368 = arith.index_cast %mul3A_367 : i32 to index
      %swap3A_369 = tpu.vector_load %arg8[%swap3A_368] {strides = array<i32>} : memref<8192xi32, #tpu.memory_space<vmem>>, vector<16xi32>,
      tpu.vector_store %arg8[%swap3A_368], %broadcast_in_dim3A_365 {strides = array<i32>} : memref<8192xi32, #tpu.memory_space<vmem>>, vector<16xi32>,
    }
    %scan3A_79 = arith.constant 512 : i32
    %scan3A_80 = arith.constant 0 : i32
    %scan3A_81 = arith.constant 0 : i32
    %scan3A_82 = arith.constant 25 : i32
    %scan3A_83 = arith.addi %scan3A_81, %scan3A_82 : i32
    %scan3A_84 = arith.constant 1 : i32
    %scan3A_85 = scf.for %scan3A_359 = %scan3A_81 to %scan3A_83 step %scan3A_84 iter_args(%scan3A_360 = %scan3A_80) -> (i32)  : i32 {
      %mul3A_361 = arith.constant 50000 : i32
      %mul3A_362 = arith.muli %arg1, %mul3A_361 : i32
      %mul3A_363 = arith.constant 2000 : i32
      %mul3A_364 = arith.muli %scan3A_359, %mul3A_363 : i32
      %add3A_365 = arith.addi %mul3A_362, %mul3A_364 : i32
      "tpu.region"() ({
        %run_scoped3A = tpu.sem_alloc : memref<!tpu.dma_semaphore, #tpu.memory_space<semaphore_mem>>
        %dma_start3A = tpu.memref_slice %arg3[%add3A_365] : memref<1600000xi32, #tpu.memory_space<hbm>> -> memref<2000xi32, #tpu.memory_space<hbm>>
        %dma_start3A_374 = tpu.memref_slice %arg3[%add3A_365] : memref<1600000xi32, #tpu.memory_space<hbm>> -> memref<2000xi32, #tpu.memory_space<hbm>>
        tpu.enqueue_dma source(%dma_start3A_374 : memref<2000xi32, #tpu.memory_space<hbm>>) target(%arg5 : memref<2000xi32, #tpu.memory_space<vmem>>) target_semaphore(%run_scoped3A : memref<!tpu.dma_semaphore, #tpu.memory_space<semaphore_mem>>)
        %dma_wait3A = tpu.memref_slice %arg3[%add3A_365] : memref<1600000xi32, #tpu.memory_space<hbm>> -> memref<2000xi32, #tpu.memory_space<hbm>>
        %dma_wait3A_375 = tpu.memref_slice %arg3[%add3A_365] : memref<1600000xi32, #tpu.memory_space<hbm>> -> memref<2000xi32, #tpu.memory_space<hbm>>
        tpu.wait_dma2 semaphore(%run_scoped3A : memref<!tpu.dma_semaphore, #tpu.memory_space<semaphore_mem>>) src(%dma_wait3A_375 : memref<2000xi32, #tpu.memory_space<hbm>>) dst(%arg5 : memref<2000xi32, #tpu.memory_space<vmem>>)
        tpu.yield
      }) : () -> ()
      %add3A_366 = arith.constant 800000 : i32
      %add3A_367 = arith.addi %add3A_366, %add3A_365 : i32
      "tpu.region"() ({
        %run_scoped3A = tpu.sem_alloc : memref<!tpu.dma_semaphore, #tpu.memory_space<semaphore_mem>>
        %dma_start3A = tpu.memref_slice %arg3[%add3A_367] : memref<1600000xi32, #tpu.memory_space<hbm>> -> memref<2000xi32, #tpu.memory_space<hbm>>
        %dma_start3A_374 = tpu.memref_slice %arg3[%add3A_367] : memref<1600000xi32, #tpu.memory_space<hbm>> -> memref<2000xi32, #tpu.memory_space<hbm>>
        tpu.enqueue_dma source(%dma_start3A_374 : memref<2000xi32, #tpu.memory_space<hbm>>) target(%arg6 : memref<2000xi32, #tpu.memory_space<vmem>>) target_semaphore(%run_scoped3A : memref<!tpu.dma_semaphore, #tpu.memory_space<semaphore_mem>>)
        %dma_wait3A = tpu.memref_slice %arg3[%add3A_367] : memref<1600000xi32, #tpu.memory_space<hbm>> -> memref<2000xi32, #tpu.memory_space<hbm>>
        %dma_wait3A_375 = tpu.memref_slice %arg3[%add3A_367] : memref<1600000xi32, #tpu.memory_space<hbm>> -> memref<2000xi32, #tpu.memory_space<hbm>>
        tpu.wait_dma2 semaphore(%run_scoped3A : memref<!tpu.dma_semaphore, #tpu.memory_space<semaphore_mem>>) src(%dma_wait3A_375 : memref<2000xi32, #tpu.memory_space<hbm>>) dst(%arg6 : memref<2000xi32, #tpu.memory_space<vmem>>)
        tpu.yield
      }) : () -> ()
      %scan3A_368 = arith.constant 0 : i32
      %scan3A_369 = arith.constant 125 : i32
      %scan3A_370 = arith.addi %scan3A_368, %scan3A_369 : i32
      %scan3A_371 = arith.constant 1 : i32
      %scan3A_372 = scf.for %scan3A_374 = %scan3A_368 to %scan3A_370 step %scan3A_371 iter_args(%scan3A_375 = %scan3A_360) -> (i32)  : i32 {
        %mul3A_376 = arith.constant 16 : i32
        %mul3A_377 = arith.muli %scan3A_374, %mul3A_376 : i32
        %get3A = arith.index_cast %mul3A_377 : i32 to index
        %get3A_378 = tpu.vector_load %arg6[%get3A] {strides = array<i32>} : memref<2000xi32, #tpu.memory_space<vmem>>, vector<16xi32>,
        %mul3A_379 = arith.constant 16 : i32
        %mul3A_380 = arith.muli %scan3A_374, %mul3A_379 : i32
        %get3A_381 = arith.index_cast %mul3A_380 : i32 to index
        %get3A_382 = tpu.vector_load %arg5[%get3A_381] {strides = array<i32>} : memref<2000xi32, #tpu.memory_space<vmem>>, vector<16xi32>,
        %ge3A = vector.broadcast %mul3A_56 : i32 to vector<16xi32>
        %ge3A_383 = arith.cmpi sge, %get3A_378, %ge3A : vector<16xi32>
        %add3A_384 = arith.constant 3584 : i32
        %add3A_385 = arith.addi %mul3A_56, %add3A_384 : i32
        %lt3A = vector.broadcast %add3A_385 : i32 to vector<16xi32>
        %lt3A_386 = arith.cmpi slt, %get3A_378, %lt3A : vector<16xi32>
        %and3A = arith.andi %ge3A_383, %lt3A_386 : vector<16xi1>
        %sub3A = vector.broadcast %mul3A_56 : i32 to vector<16xi32>
        %sub3A_387 = arith.subi %get3A_378, %sub3A : vector<16xi32>
        %swap3A = arith.index_cast %scan3A_375 : i32 to index
        %swap3A_388 = tpu.vector_load %arg8[%swap3A] masked %and3A {strides = array<i32>} : memref<8192xi32, #tpu.memory_space<vmem>>, vector<16xi32>, vector<16xi1>
        tpu.vector_store %arg8[%swap3A], %sub3A_387 masked %and3A {strides = array<i32>} : memref<8192xi32, #tpu.memory_space<vmem>>, vector<16xi32>, vector<16xi1>
        %swap3A_389 = arith.index_cast %scan3A_375 : i32 to index
        %swap3A_390 = tpu.vector_load %arg7[%swap3A_389] masked %and3A {strides = array<i32>} : memref<8192xi32, #tpu.memory_space<vmem>>, vector<16xi32>, vector<16xi1>
        tpu.vector_store %arg7[%swap3A_389], %get3A_382 masked %and3A {strides = array<i32>} : memref<8192xi32, #tpu.memory_space<vmem>>, vector<16xi32>, vector<16xi1>
        %all_reduce_population_count3A = tpu.all_reduce %and3A {dim = 0 : i64, kind = #tpu.reduction_kind<sum>} : vector<16xi1> -> vector<16xi32>
        %reduce_max3A = arith.constant true
        %reduce_max3A_391 = vector.broadcast %reduce_max3A : i1 to vector<16xi1>
        %reduce_max3A_392 = arith.constant -2147483648 : i32
        %reduce_max3A_393 = vector.broadcast %reduce_max3A_392 : i32 to vector<16xi32>
        %reduce_max3A_394 = arith.xori %all_reduce_population_count3A, %reduce_max3A_393 : vector<16xi32>
        %reduce_max3A_395 = tpu.scan <max>, %reduce_max3A_394 masked %reduce_max3A_391 : vector<16xi32>, vector<16xi1> -> vector<16xi32>
        %reduce_max3A_396 = arith.xori %reduce_max3A_395, %reduce_max3A_393 : vector<16xi32>
        %reduce_max3A_397 = vector.extract %reduce_max3A_396[15] : i32 from vector<16xi32>
        %add3A_398 = arith.addi %scan3A_375, %reduce_max3A_397 : i32
        %min3A = arith.constant 8176 : i32
        %min3A_399 = arith.minsi %add3A_398, %min3A : i32
        scf.yield %min3A_399 : i32
      }
      %scan3A_373 = arith.constant 125 : i32
      scf.yield %scan3A_372 : i32
    }
    %scan3A_86 = arith.constant 25 : i32
    %scan3A_87 = arith.constant 0 : i32
    %scan3A_88 = arith.constant 0 : i32
    %scan3A_89 = arith.constant 16 : i32
    %scan3A_90 = arith.addi %scan3A_88, %scan3A_89 : i32
    %scan3A_91 = arith.constant 1 : i32
    scf.for %scan3A_359 = %scan3A_88 to %scan3A_90 step %scan3A_91  : i32 {
      %mul3A_360 = arith.constant 512 : i32
      %mul3A_361 = arith.muli %scan3A_359, %mul3A_360 : i32
      %lt3A = arith.cmpi slt, %mul3A_361, %scan3A_85 : i32
      %convert_element_type3A = arith.extui %lt3A : i1 to i32
      %cond3A = arith.constant 0 : i32
      %cond3A_362 = arith.cmpi ne, %convert_element_type3A, %cond3A : i32
      scf.if %cond3A_362 {
        %scan3A_363 = arith.constant 0 : i32
        %scan3A_364 = arith.constant 0 : i32
        %scan3A_365 = arith.constant 32 : i32
        %scan3A_366 = arith.addi %scan3A_364, %scan3A_365 : i32
        %scan3A_367 = arith.constant 1 : i32
        scf.for %scan3A_369 = %scan3A_364 to %scan3A_366 step %scan3A_367  : i32 {
          %mul3A_370 = arith.constant 512 : i32
          %mul3A_371 = arith.muli %scan3A_359, %mul3A_370 : i32
          %mul3A_372 = arith.constant 16 : i32
          %mul3A_373 = arith.muli %scan3A_369, %mul3A_372 : i32
          %add3A_374 = arith.addi %mul3A_371, %mul3A_373 : i32
          %get3A = arith.index_cast %add3A_374 : i32 to index
          %get3A_375 = tpu.vector_load %arg7[%get3A] {strides = array<i32>} : memref<8192xi32, #tpu.memory_space<vmem>>, vector<16xi32>,
          %mul3A_376 = arith.constant 16 : i32
          %mul3A_377 = arith.muli %scan3A_369, %mul3A_376 : i32
          %swap3A = arith.index_cast %mul3A_377 : i32 to index
          %swap3A_378 = tpu.vector_load %arg9[%swap3A] {strides = array<i32>} : memref<512xi32, #tpu.memory_space<vmem>>, vector<16xi32>,
          tpu.vector_store %arg9[%swap3A], %get3A_375 {strides = array<i32>} : memref<512xi32, #tpu.memory_space<vmem>>, vector<16xi32>,
          %mul3A_379 = arith.constant 512 : i32
          %mul3A_380 = arith.muli %scan3A_359, %mul3A_379 : i32
          %mul3A_381 = arith.constant 16 : i32
          %mul3A_382 = arith.muli %scan3A_369, %mul3A_381 : i32
          %add3A_383 = arith.addi %mul3A_380, %mul3A_382 : i32
          %get3A_384 = arith.index_cast %add3A_383 : i32 to index
          %get3A_385 = tpu.vector_load %arg8[%get3A_384] {strides = array<i32>} : memref<8192xi32, #tpu.memory_space<vmem>>, vector<16xi32>,
          %mul3A_386 = arith.constant 16 : i32
          %mul3A_387 = arith.muli %scan3A_369, %mul3A_386 : i32
          %swap3A_388 = arith.index_cast %mul3A_387 : i32 to index
          %swap3A_389 = tpu.vector_load %arg10[%swap3A_388] {strides = array<i32>} : memref<512xi32, #tpu.memory_space<vmem>>, vector<16xi32>,
          tpu.vector_store %arg10[%swap3A_388], %get3A_385 {strides = array<i32>} : memref<512xi32, #tpu.memory_space<vmem>>, vector<16xi32>,
        }
        %scan3A_368 = arith.constant 32 : i32
        "tpu.region"() ({
          %run_scoped3A = tpu.sem_alloc : memref<!tpu.dma_semaphore, #tpu.memory_space<semaphore_mem>>
          %dma_start3A = arith.constant 0 : i32
          %dma_start3A_369 = arith.constant 0 : i32
          %dma_start3A_370 = tpu.memref_slice %arg2[%dma_start3A, %dma_start3A_369] : memref<50176x128xf32, #tpu.memory_space<hbm>> -> memref<50176x128xf32, #tpu.memory_space<hbm>>
          tpu.enqueue_indirect_dma source(%dma_start3A_370 : memref<50176x128xf32, #tpu.memory_space<hbm>>) target(%arg11 : memref<512x128xf32, #tpu.memory_space<vmem>>) offsets(%arg9 : memref<512xi32, #tpu.memory_space<vmem>>) semaphore(%run_scoped3A : memref<!tpu.dma_semaphore, #tpu.memory_space<semaphore_mem>>)
          %dma_wait3A = arith.constant 0 : i32
          %dma_wait3A_371 = arith.constant 0 : i32
          %dma_wait3A_372 = tpu.memref_slice %arg2[%dma_wait3A, %dma_wait3A_371] : memref<50176x128xf32, #tpu.memory_space<hbm>> -> memref<50176x128xf32, #tpu.memory_space<hbm>>
          tpu.wait_indirect_dma semaphore(%run_scoped3A : memref<!tpu.dma_semaphore, #tpu.memory_space<semaphore_mem>>) src(%dma_wait3A_372 : memref<50176x128xf32, #tpu.memory_space<hbm>>) dst(%arg11 : memref<512x128xf32, #tpu.memory_space<vmem>>)
          tpu.yield
        }) : () -> ()
        "tpu.region"() ({
          %run_scoped3A = tpu.sem_alloc : memref<!tpu.dma_semaphore, #tpu.memory_space<semaphore_mem>>
          %dma_start3A = arith.constant 0 : i32
          %dma_start3A_369 = arith.constant 0 : i32
          %dma_start3A_370 = tpu.memref_slice %arg13[%dma_start3A, %dma_start3A_369] : memref<3585x128xf32, #tpu.memory_space<vmem_shared>> -> memref<3585x128xf32, #tpu.memory_space<vmem_shared>>
          tpu.enqueue_indirect_dma source(%arg11 : memref<512x128xf32, #tpu.memory_space<vmem>>) target(%dma_start3A_370 : memref<3585x128xf32, #tpu.memory_space<vmem_shared>>) offsets(%arg10 : memref<512xi32, #tpu.memory_space<vmem>>) semaphore(%run_scoped3A : memref<!tpu.dma_semaphore, #tpu.memory_space<semaphore_mem>>) {add = true}
          %dma_wait3A = arith.constant 0 : i32
          %dma_wait3A_371 = arith.constant 0 : i32
          %dma_wait3A_372 = tpu.memref_slice %arg13[%dma_wait3A, %dma_wait3A_371] : memref<3585x128xf32, #tpu.memory_space<vmem_shared>> -> memref<3585x128xf32, #tpu.memory_space<vmem_shared>>
          tpu.wait_indirect_dma semaphore(%run_scoped3A : memref<!tpu.dma_semaphore, #tpu.memory_space<semaphore_mem>>) src(%arg11 : memref<512x128xf32, #tpu.memory_space<vmem>>) dst(%dma_wait3A_372 : memref<3585x128xf32, #tpu.memory_space<vmem_shared>>)
          tpu.yield
        }) : () -> ()
      } else {
      }
    }
    %scan3A_92 = arith.constant 16 : i32
    %barrier3A_93 = arith.constant 0 : index
    tpu.barrier barrier_id(%barrier3A_93)
    %add3A_94 = arith.constant 2 : i32
    %add3A_95 = arith.addi %add3A_94, %arg0 : i32
    %mul3A_96 = arith.constant 3584 : i32
    %mul3A_97 = arith.muli %add3A_95, %mul3A_96 : i32
    %mul3A_98 = arith.constant 224 : i32
    %mul3A_99 = arith.muli %arg1, %mul3A_98 : i32
    %add3A_100 = arith.addi %mul3A_97, %mul3A_99 : i32
    %mul3A_101 = arith.constant 224 : i32
    %mul3A_102 = arith.muli %arg1, %mul3A_101 : i32
    "tpu.region"() ({
      %run_scoped3A = tpu.sem_alloc : memref<!tpu.dma_semaphore, #tpu.memory_space<semaphore_mem>>
      %dma_start3A = arith.constant 0 : i32
      %dma_start3A_359 = arith.constant 0 : i32
      %dma_start3A_360 = tpu.memref_slice %arg11[%dma_start3A, %dma_start3A_359] : memref<512x128xf32, #tpu.memory_space<vmem>> -> memref<224x128xf32, #tpu.memory_space<vmem>>
      %dma_start3A_361 = arith.constant 0 : i32
      %dma_start3A_362 = tpu.memref_slice %arg13[%mul3A_102, %dma_start3A_361] : memref<3585x128xf32, #tpu.memory_space<vmem_shared>> -> memref<224x128xf32, #tpu.memory_space<vmem_shared>>
      %dma_start3A_363 = arith.constant 0 : i32
      %dma_start3A_364 = arith.constant 0 : i32
      %dma_start3A_365 = tpu.memref_slice %arg11[%dma_start3A_363, %dma_start3A_364] : memref<512x128xf32, #tpu.memory_space<vmem>> -> memref<224x128xf32, #tpu.memory_space<vmem>>
      %dma_start3A_366 = arith.constant 0 : i32
      %dma_start3A_367 = tpu.memref_slice %arg13[%mul3A_102, %dma_start3A_366] : memref<3585x128xf32, #tpu.memory_space<vmem_shared>> -> memref<224x128xf32, #tpu.memory_space<vmem_shared>>
      tpu.enqueue_dma source(%dma_start3A_367 : memref<224x128xf32, #tpu.memory_space<vmem_shared>>) target(%dma_start3A_365 : memref<224x128xf32, #tpu.memory_space<vmem>>) target_semaphore(%run_scoped3A : memref<!tpu.dma_semaphore, #tpu.memory_space<semaphore_mem>>)
      %dma_wait3A = arith.constant 0 : i32
      %dma_wait3A_368 = arith.constant 0 : i32
      %dma_wait3A_369 = tpu.memref_slice %arg11[%dma_wait3A, %dma_wait3A_368] : memref<512x128xf32, #tpu.memory_space<vmem>> -> memref<224x128xf32, #tpu.memory_space<vmem>>
      %dma_wait3A_370 = arith.constant 0 : i32
      %dma_wait3A_371 = tpu.memref_slice %arg13[%mul3A_102, %dma_wait3A_370] : memref<3585x128xf32, #tpu.memory_space<vmem_shared>> -> memref<224x128xf32, #tpu.memory_space<vmem_shared>>
      %dma_wait3A_372 = arith.constant 0 : i32
      %dma_wait3A_373 = arith.constant 0 : i32
      %dma_wait3A_374 = tpu.memref_slice %arg11[%dma_wait3A_372, %dma_wait3A_373] : memref<512x128xf32, #tpu.memory_space<vmem>> -> memref<224x128xf32, #tpu.memory_space<vmem>>
      %dma_wait3A_375 = arith.constant 0 : i32
      %dma_wait3A_376 = tpu.memref_slice %arg13[%mul3A_102, %dma_wait3A_375] : memref<3585x128xf32, #tpu.memory_space<vmem_shared>> -> memref<224x128xf32, #tpu.memory_space<vmem_shared>>
      tpu.wait_dma2 semaphore(%run_scoped3A : memref<!tpu.dma_semaphore, #tpu.memory_space<semaphore_mem>>) src(%dma_wait3A_376 : memref<224x128xf32, #tpu.memory_space<vmem_shared>>) dst(%dma_wait3A_374 : memref<224x128xf32, #tpu.memory_space<vmem>>)
      tpu.yield
    }) : () -> ()
    "tpu.region"() ({
      %run_scoped3A = tpu.sem_alloc : memref<!tpu.dma_semaphore, #tpu.memory_space<semaphore_mem>>
      %dma_start3A = arith.constant 0 : i32
      %dma_start3A_359 = arith.constant 0 : i32
      %dma_start3A_360 = tpu.memref_slice %arg11[%dma_start3A, %dma_start3A_359] : memref<512x128xf32, #tpu.memory_space<vmem>> -> memref<224x128xf32, #tpu.memory_space<vmem>>
      %dma_start3A_361 = arith.constant 0 : i32
      %dma_start3A_362 = tpu.memref_slice %arg4[%add3A_100, %dma_start3A_361] : memref<50176x128xf32, #tpu.memory_space<hbm>> -> memref<224x128xf32, #tpu.memory_space<hbm>>
      %dma_start3A_363 = arith.constant 0 : i32
      %dma_start3A_364 = tpu.memref_slice %arg4[%add3A_100, %dma_start3A_363] : memref<50176x128xf32, #tpu.memory_space<hbm>> -> memref<224x128xf32, #tpu.memory_space<hbm>>
      %dma_start3A_365 = arith.constant 0 : i32
      %dma_start3A_366 = arith.constant 0 : i32
      %dma_start3A_367 = tpu.memref_slice %arg11[%dma_start3A_365, %dma_start3A_366] : memref<512x128xf32, #tpu.memory_space<vmem>> -> memref<224x128xf32, #tpu.memory_space<vmem>>
      tpu.enqueue_dma source(%dma_start3A_367 : memref<224x128xf32, #tpu.memory_space<vmem>>) target(%dma_start3A_364 : memref<224x128xf32, #tpu.memory_space<hbm>>) target_semaphore(%run_scoped3A : memref<!tpu.dma_semaphore, #tpu.memory_space<semaphore_mem>>)
      %dma_wait3A = arith.constant 0 : i32
      %dma_wait3A_368 = arith.constant 0 : i32
      %dma_wait3A_369 = tpu.memref_slice %arg11[%dma_wait3A, %dma_wait3A_368] : memref<512x128xf32, #tpu.memory_space<vmem>> -> memref<224x128xf32, #tpu.memory_space<vmem>>
      %dma_wait3A_370 = arith.constant 0 : i32
      %dma_wait3A_371 = tpu.memref_slice %arg4[%add3A_100, %dma_wait3A_370] : memref<50176x128xf32, #tpu.memory_space<hbm>> -> memref<224x128xf32, #tpu.memory_space<hbm>>
      %dma_wait3A_372 = arith.constant 0 : i32
      %dma_wait3A_373 = tpu.memref_slice %arg4[%add3A_100, %dma_wait3A_372] : memref<50176x128xf32, #tpu.memory_space<hbm>> -> memref<224x128xf32, #tpu.memory_space<hbm>>
      %dma_wait3A_374 = arith.constant 0 : i32
      %dma_wait3A_375 = arith.constant 0 : i32
      %dma_wait3A_376 = tpu.memref_slice %arg11[%dma_wait3A_374, %dma_wait3A_375] : memref<512x128xf32, #tpu.memory_space<vmem>> -> memref<224x128xf32, #tpu.memory_space<vmem>>
      tpu.wait_dma2 semaphore(%run_scoped3A : memref<!tpu.dma_semaphore, #tpu.memory_space<semaphore_mem>>) src(%dma_wait3A_376 : memref<224x128xf32, #tpu.memory_space<vmem>>) dst(%dma_wait3A_373 : memref<224x128xf32, #tpu.memory_space<hbm>>)
      tpu.yield
    }) : () -> ()
    %barrier3A_103 = arith.constant 0 : index
    tpu.barrier barrier_id(%barrier3A_103)
    %add3A_104 = arith.constant 4 : i32
    %add3A_105 = arith.addi %add3A_104, %arg0 : i32
    %mul3A_106 = arith.constant 3584 : i32
    %mul3A_107 = arith.muli %add3A_105, %mul3A_106 : i32
    %mul3A_108 = arith.constant 224 : i32
    %mul3A_109 = arith.muli %arg1, %mul3A_108 : i32
    %add3A_110 = arith.constant 0 : i32
    %add3A_111 = arith.addi %mul3A_109, %add3A_110 : i32
    "tpu.region"() ({
      %run_scoped3A = tpu.sem_alloc : memref<!tpu.dma_semaphore, #tpu.memory_space<semaphore_mem>>
      %dma_start3A = arith.constant 0 : i32
      %dma_start3A_359 = tpu.memref_slice %arg13[%add3A_111, %dma_start3A] : memref<3585x128xf32, #tpu.memory_space<vmem_shared>> -> memref<64x128xf32, #tpu.memory_space<vmem_shared>>
      %dma_start3A_360 = arith.constant 0 : i32
      %dma_start3A_361 = tpu.memref_slice %arg13[%add3A_111, %dma_start3A_360] : memref<3585x128xf32, #tpu.memory_space<vmem_shared>> -> memref<64x128xf32, #tpu.memory_space<vmem_shared>>
      tpu.enqueue_dma source(%arg12 : memref<64x128xf32, #tpu.memory_space<vmem>>) target(%dma_start3A_361 : memref<64x128xf32, #tpu.memory_space<vmem_shared>>) target_semaphore(%run_scoped3A : memref<!tpu.dma_semaphore, #tpu.memory_space<semaphore_mem>>)
      %dma_wait3A = arith.constant 0 : i32
      %dma_wait3A_362 = tpu.memref_slice %arg13[%add3A_111, %dma_wait3A] : memref<3585x128xf32, #tpu.memory_space<vmem_shared>> -> memref<64x128xf32, #tpu.memory_space<vmem_shared>>
      %dma_wait3A_363 = arith.constant 0 : i32
      %dma_wait3A_364 = tpu.memref_slice %arg13[%add3A_111, %dma_wait3A_363] : memref<3585x128xf32, #tpu.memory_space<vmem_shared>> -> memref<64x128xf32, #tpu.memory_space<vmem_shared>>
      tpu.wait_dma2 semaphore(%run_scoped3A : memref<!tpu.dma_semaphore, #tpu.memory_space<semaphore_mem>>) src(%arg12 : memref<64x128xf32, #tpu.memory_space<vmem>>) dst(%dma_wait3A_364 : memref<64x128xf32, #tpu.memory_space<vmem_shared>>)
      tpu.yield
    }) : () -> ()
    %mul3A_112 = arith.constant 224 : i32
    %mul3A_113 = arith.muli %arg1, %mul3A_112 : i32
    %add3A_114 = arith.constant 64 : i32
    %add3A_115 = arith.addi %mul3A_113, %add3A_114 : i32
    "tpu.region"() ({
      %run_scoped3A = tpu.sem_alloc : memref<!tpu.dma_semaphore, #tpu.memory_space<semaphore_mem>>
      %dma_start3A = arith.constant 0 : i32
      %dma_start3A_359 = tpu.memref_slice %arg13[%add3A_115, %dma_start3A] : memref<3585x128xf32, #tpu.memory_space<vmem_shared>> -> memref<64x128xf32, #tpu.memory_space<vmem_shared>>
      %dma_start3A_360 = arith.constant 0 : i32
      %dma_start3A_361 = tpu.memref_slice %arg13[%add3A_115, %dma_start3A_360] : memref<3585x128xf32, #tpu.memory_space<vmem_shared>> -> memref<64x128xf32, #tpu.memory_space<vmem_shared>>
      tpu.enqueue_dma source(%arg12 : memref<64x128xf32, #tpu.memory_space<vmem>>) target(%dma_start3A_361 : memref<64x128xf32, #tpu.memory_space<vmem_shared>>) target_semaphore(%run_scoped3A : memref<!tpu.dma_semaphore, #tpu.memory_space<semaphore_mem>>)
      %dma_wait3A = arith.constant 0 : i32
      %dma_wait3A_362 = tpu.memref_slice %arg13[%add3A_115, %dma_wait3A] : memref<3585x128xf32, #tpu.memory_space<vmem_shared>> -> memref<64x128xf32, #tpu.memory_space<vmem_shared>>
      %dma_wait3A_363 = arith.constant 0 : i32
      %dma_wait3A_364 = tpu.memref_slice %arg13[%add3A_115, %dma_wait3A_363] : memref<3585x128xf32, #tpu.memory_space<vmem_shared>> -> memref<64x128xf32, #tpu.memory_space<vmem_shared>>
      tpu.wait_dma2 semaphore(%run_scoped3A : memref<!tpu.dma_semaphore, #tpu.memory_space<semaphore_mem>>) src(%arg12 : memref<64x128xf32, #tpu.memory_space<vmem>>) dst(%dma_wait3A_364 : memref<64x128xf32, #tpu.memory_space<vmem_shared>>)
      tpu.yield
    }) : () -> ()
    %mul3A_116 = arith.constant 224 : i32
    %mul3A_117 = arith.muli %arg1, %mul3A_116 : i32
    %add3A_118 = arith.constant 128 : i32
    %add3A_119 = arith.addi %mul3A_117, %add3A_118 : i32
    "tpu.region"() ({
      %run_scoped3A = tpu.sem_alloc : memref<!tpu.dma_semaphore, #tpu.memory_space<semaphore_mem>>
      %dma_start3A = arith.constant 0 : i32
      %dma_start3A_359 = tpu.memref_slice %arg13[%add3A_119, %dma_start3A] : memref<3585x128xf32, #tpu.memory_space<vmem_shared>> -> memref<64x128xf32, #tpu.memory_space<vmem_shared>>
      %dma_start3A_360 = arith.constant 0 : i32
      %dma_start3A_361 = tpu.memref_slice %arg13[%add3A_119, %dma_start3A_360] : memref<3585x128xf32, #tpu.memory_space<vmem_shared>> -> memref<64x128xf32, #tpu.memory_space<vmem_shared>>
      tpu.enqueue_dma source(%arg12 : memref<64x128xf32, #tpu.memory_space<vmem>>) target(%dma_start3A_361 : memref<64x128xf32, #tpu.memory_space<vmem_shared>>) target_semaphore(%run_scoped3A : memref<!tpu.dma_semaphore, #tpu.memory_space<semaphore_mem>>)
      %dma_wait3A = arith.constant 0 : i32
      %dma_wait3A_362 = tpu.memref_slice %arg13[%add3A_119, %dma_wait3A] : memref<3585x128xf32, #tpu.memory_space<vmem_shared>> -> memref<64x128xf32, #tpu.memory_space<vmem_shared>>
      %dma_wait3A_363 = arith.constant 0 : i32
      %dma_wait3A_364 = tpu.memref_slice %arg13[%add3A_119, %dma_wait3A_363] : memref<3585x128xf32, #tpu.memory_space<vmem_shared>> -> memref<64x128xf32, #tpu.memory_space<vmem_shared>>
      tpu.wait_dma2 semaphore(%run_scoped3A : memref<!tpu.dma_semaphore, #tpu.memory_space<semaphore_mem>>) src(%arg12 : memref<64x128xf32, #tpu.memory_space<vmem>>) dst(%dma_wait3A_364 : memref<64x128xf32, #tpu.memory_space<vmem_shared>>)
      tpu.yield
    }) : () -> ()
    %mul3A_120 = arith.constant 224 : i32
    %mul3A_121 = arith.muli %arg1, %mul3A_120 : i32
    %add3A_122 = arith.constant 192 : i32
    %add3A_123 = arith.addi %mul3A_121, %add3A_122 : i32
    "tpu.region"() ({
      %run_scoped3A = tpu.sem_alloc : memref<!tpu.dma_semaphore, #tpu.memory_space<semaphore_mem>>
      %dma_start3A = arith.constant 0 : i32
      %dma_start3A_359 = arith.constant 0 : i32
      %dma_start3A_360 = tpu.memref_slice %arg12[%dma_start3A, %dma_start3A_359] : memref<64x128xf32, #tpu.memory_space<vmem>> -> memref<32x128xf32, #tpu.memory_space<vmem>>
      %dma_start3A_361 = arith.constant 0 : i32
      %dma_start3A_362 = tpu.memref_slice %arg13[%add3A_123, %dma_start3A_361] : memref<3585x128xf32, #tpu.memory_space<vmem_shared>> -> memref<32x128xf32, #tpu.memory_space<vmem_shared>>
      %dma_start3A_363 = arith.constant 0 : i32
      %dma_start3A_364 = tpu.memref_slice %arg13[%add3A_123, %dma_start3A_363] : memref<3585x128xf32, #tpu.memory_space<vmem_shared>> -> memref<32x128xf32, #tpu.memory_space<vmem_shared>>
      %dma_start3A_365 = arith.constant 0 : i32
      %dma_start3A_366 = arith.constant 0 : i32
      %dma_start3A_367 = tpu.memref_slice %arg12[%dma_start3A_365, %dma_start3A_366] : memref<64x128xf32, #tpu.memory_space<vmem>> -> memref<32x128xf32, #tpu.memory_space<vmem>>
      tpu.enqueue_dma source(%dma_start3A_367 : memref<32x128xf32, #tpu.memory_space<vmem>>) target(%dma_start3A_364 : memref<32x128xf32, #tpu.memory_space<vmem_shared>>) target_semaphore(%run_scoped3A : memref<!tpu.dma_semaphore, #tpu.memory_space<semaphore_mem>>)
      %dma_wait3A = arith.constant 0 : i32
      %dma_wait3A_368 = arith.constant 0 : i32
      %dma_wait3A_369 = tpu.memref_slice %arg12[%dma_wait3A, %dma_wait3A_368] : memref<64x128xf32, #tpu.memory_space<vmem>> -> memref<32x128xf32, #tpu.memory_space<vmem>>
      %dma_wait3A_370 = arith.constant 0 : i32
      %dma_wait3A_371 = tpu.memref_slice %arg13[%add3A_123, %dma_wait3A_370] : memref<3585x128xf32, #tpu.memory_space<vmem_shared>> -> memref<32x128xf32, #tpu.memory_space<vmem_shared>>
      %dma_wait3A_372 = arith.constant 0 : i32
      %dma_wait3A_373 = tpu.memref_slice %arg13[%add3A_123, %dma_wait3A_372] : memref<3585x128xf32, #tpu.memory_space<vmem_shared>> -> memref<32x128xf32, #tpu.memory_space<vmem_shared>>
      %dma_wait3A_374 = arith.constant 0 : i32
      %dma_wait3A_375 = arith.constant 0 : i32
      %dma_wait3A_376 = tpu.memref_slice %arg12[%dma_wait3A_374, %dma_wait3A_375] : memref<64x128xf32, #tpu.memory_space<vmem>> -> memref<32x128xf32, #tpu.memory_space<vmem>>
      tpu.wait_dma2 semaphore(%run_scoped3A : memref<!tpu.dma_semaphore, #tpu.memory_space<semaphore_mem>>) src(%dma_wait3A_376 : memref<32x128xf32, #tpu.memory_space<vmem>>) dst(%dma_wait3A_373 : memref<32x128xf32, #tpu.memory_space<vmem_shared>>)
      tpu.yield
    }) : () -> ()
    %barrier3A_124 = arith.constant 0 : index
    tpu.barrier barrier_id(%barrier3A_124)
    %scan3A_125 = arith.constant 0 : i32
    %scan3A_126 = arith.constant 0 : i32
    %scan3A_127 = arith.constant 512 : i32
    %scan3A_128 = arith.addi %scan3A_126, %scan3A_127 : i32
    %scan3A_129 = arith.constant 1 : i32
    scf.for %scan3A_359 = %scan3A_126 to %scan3A_128 step %scan3A_129  : i32 {
      %broadcast_in_dim3A = arith.constant 0 : i32
      %broadcast_in_dim3A_360 = vector.broadcast %broadcast_in_dim3A : i32 to vector<16xi32>
      %mul3A_361 = arith.constant 16 : i32
      %mul3A_362 = arith.muli %scan3A_359, %mul3A_361 : i32
      %swap3A = arith.index_cast %mul3A_362 : i32 to index
      %swap3A_363 = tpu.vector_load %arg7[%swap3A] {strides = array<i32>} : memref<8192xi32, #tpu.memory_space<vmem>>, vector<16xi32>,
      tpu.vector_store %arg7[%swap3A], %broadcast_in_dim3A_360 {strides = array<i32>} : memref<8192xi32, #tpu.memory_space<vmem>>, vector<16xi32>,
      %broadcast_in_dim3A_364 = arith.constant 3584 : i32
      %broadcast_in_dim3A_365 = vector.broadcast %broadcast_in_dim3A_364 : i32 to vector<16xi32>
      %mul3A_366 = arith.constant 16 : i32
      %mul3A_367 = arith.muli %scan3A_359, %mul3A_366 : i32
      %swap3A_368 = arith.index_cast %mul3A_367 : i32 to index
      %swap3A_369 = tpu.vector_load %arg8[%swap3A_368] {strides = array<i32>} : memref<8192xi32, #tpu.memory_space<vmem>>, vector<16xi32>,
      tpu.vector_store %arg8[%swap3A_368], %broadcast_in_dim3A_365 {strides = array<i32>} : memref<8192xi32, #tpu.memory_space<vmem>>, vector<16xi32>,
    }
    %scan3A_130 = arith.constant 512 : i32
    %scan3A_131 = arith.constant 0 : i32
    %scan3A_132 = arith.constant 0 : i32
    %scan3A_133 = arith.constant 25 : i32
    %scan3A_134 = arith.addi %scan3A_132, %scan3A_133 : i32
    %scan3A_135 = arith.constant 1 : i32
    %scan3A_136 = scf.for %scan3A_359 = %scan3A_132 to %scan3A_134 step %scan3A_135 iter_args(%scan3A_360 = %scan3A_131) -> (i32)  : i32 {
      %mul3A_361 = arith.constant 50000 : i32
      %mul3A_362 = arith.muli %arg1, %mul3A_361 : i32
      %mul3A_363 = arith.constant 2000 : i32
      %mul3A_364 = arith.muli %scan3A_359, %mul3A_363 : i32
      %add3A_365 = arith.addi %mul3A_362, %mul3A_364 : i32
      "tpu.region"() ({
        %run_scoped3A = tpu.sem_alloc : memref<!tpu.dma_semaphore, #tpu.memory_space<semaphore_mem>>
        %dma_start3A = tpu.memref_slice %arg3[%add3A_365] : memref<1600000xi32, #tpu.memory_space<hbm>> -> memref<2000xi32, #tpu.memory_space<hbm>>
        %dma_start3A_374 = tpu.memref_slice %arg3[%add3A_365] : memref<1600000xi32, #tpu.memory_space<hbm>> -> memref<2000xi32, #tpu.memory_space<hbm>>
        tpu.enqueue_dma source(%dma_start3A_374 : memref<2000xi32, #tpu.memory_space<hbm>>) target(%arg5 : memref<2000xi32, #tpu.memory_space<vmem>>) target_semaphore(%run_scoped3A : memref<!tpu.dma_semaphore, #tpu.memory_space<semaphore_mem>>)
        %dma_wait3A = tpu.memref_slice %arg3[%add3A_365] : memref<1600000xi32, #tpu.memory_space<hbm>> -> memref<2000xi32, #tpu.memory_space<hbm>>
        %dma_wait3A_375 = tpu.memref_slice %arg3[%add3A_365] : memref<1600000xi32, #tpu.memory_space<hbm>> -> memref<2000xi32, #tpu.memory_space<hbm>>
        tpu.wait_dma2 semaphore(%run_scoped3A : memref<!tpu.dma_semaphore, #tpu.memory_space<semaphore_mem>>) src(%dma_wait3A_375 : memref<2000xi32, #tpu.memory_space<hbm>>) dst(%arg5 : memref<2000xi32, #tpu.memory_space<vmem>>)
        tpu.yield
      }) : () -> ()
      %add3A_366 = arith.constant 800000 : i32
      %add3A_367 = arith.addi %add3A_366, %add3A_365 : i32
      "tpu.region"() ({
        %run_scoped3A = tpu.sem_alloc : memref<!tpu.dma_semaphore, #tpu.memory_space<semaphore_mem>>
        %dma_start3A = tpu.memref_slice %arg3[%add3A_367] : memref<1600000xi32, #tpu.memory_space<hbm>> -> memref<2000xi32, #tpu.memory_space<hbm>>
        %dma_start3A_374 = tpu.memref_slice %arg3[%add3A_367] : memref<1600000xi32, #tpu.memory_space<hbm>> -> memref<2000xi32, #tpu.memory_space<hbm>>
        tpu.enqueue_dma source(%dma_start3A_374 : memref<2000xi32, #tpu.memory_space<hbm>>) target(%arg6 : memref<2000xi32, #tpu.memory_space<vmem>>) target_semaphore(%run_scoped3A : memref<!tpu.dma_semaphore, #tpu.memory_space<semaphore_mem>>)
        %dma_wait3A = tpu.memref_slice %arg3[%add3A_367] : memref<1600000xi32, #tpu.memory_space<hbm>> -> memref<2000xi32, #tpu.memory_space<hbm>>
        %dma_wait3A_375 = tpu.memref_slice %arg3[%add3A_367] : memref<1600000xi32, #tpu.memory_space<hbm>> -> memref<2000xi32, #tpu.memory_space<hbm>>
        tpu.wait_dma2 semaphore(%run_scoped3A : memref<!tpu.dma_semaphore, #tpu.memory_space<semaphore_mem>>) src(%dma_wait3A_375 : memref<2000xi32, #tpu.memory_space<hbm>>) dst(%arg6 : memref<2000xi32, #tpu.memory_space<vmem>>)
        tpu.yield
      }) : () -> ()
      %scan3A_368 = arith.constant 0 : i32
      %scan3A_369 = arith.constant 125 : i32
      %scan3A_370 = arith.addi %scan3A_368, %scan3A_369 : i32
      %scan3A_371 = arith.constant 1 : i32
      %scan3A_372 = scf.for %scan3A_374 = %scan3A_368 to %scan3A_370 step %scan3A_371 iter_args(%scan3A_375 = %scan3A_360) -> (i32)  : i32 {
        %mul3A_376 = arith.constant 16 : i32
        %mul3A_377 = arith.muli %scan3A_374, %mul3A_376 : i32
        %get3A = arith.index_cast %mul3A_377 : i32 to index
        %get3A_378 = tpu.vector_load %arg6[%get3A] {strides = array<i32>} : memref<2000xi32, #tpu.memory_space<vmem>>, vector<16xi32>,
        %mul3A_379 = arith.constant 16 : i32
        %mul3A_380 = arith.muli %scan3A_374, %mul3A_379 : i32
        %get3A_381 = arith.index_cast %mul3A_380 : i32 to index
        %get3A_382 = tpu.vector_load %arg5[%get3A_381] {strides = array<i32>} : memref<2000xi32, #tpu.memory_space<vmem>>, vector<16xi32>,
        %ge3A = vector.broadcast %mul3A_107 : i32 to vector<16xi32>
        %ge3A_383 = arith.cmpi sge, %get3A_378, %ge3A : vector<16xi32>
        %add3A_384 = arith.constant 3584 : i32
        %add3A_385 = arith.addi %mul3A_107, %add3A_384 : i32
        %lt3A = vector.broadcast %add3A_385 : i32 to vector<16xi32>
        %lt3A_386 = arith.cmpi slt, %get3A_378, %lt3A : vector<16xi32>
        %and3A = arith.andi %ge3A_383, %lt3A_386 : vector<16xi1>
        %sub3A = vector.broadcast %mul3A_107 : i32 to vector<16xi32>
        %sub3A_387 = arith.subi %get3A_378, %sub3A : vector<16xi32>
        %swap3A = arith.index_cast %scan3A_375 : i32 to index
        %swap3A_388 = tpu.vector_load %arg8[%swap3A] masked %and3A {strides = array<i32>} : memref<8192xi32, #tpu.memory_space<vmem>>, vector<16xi32>, vector<16xi1>
        tpu.vector_store %arg8[%swap3A], %sub3A_387 masked %and3A {strides = array<i32>} : memref<8192xi32, #tpu.memory_space<vmem>>, vector<16xi32>, vector<16xi1>
        %swap3A_389 = arith.index_cast %scan3A_375 : i32 to index
        %swap3A_390 = tpu.vector_load %arg7[%swap3A_389] masked %and3A {strides = array<i32>} : memref<8192xi32, #tpu.memory_space<vmem>>, vector<16xi32>, vector<16xi1>
        tpu.vector_store %arg7[%swap3A_389], %get3A_382 masked %and3A {strides = array<i32>} : memref<8192xi32, #tpu.memory_space<vmem>>, vector<16xi32>, vector<16xi1>
        %all_reduce_population_count3A = tpu.all_reduce %and3A {dim = 0 : i64, kind = #tpu.reduction_kind<sum>} : vector<16xi1> -> vector<16xi32>
        %reduce_max3A = arith.constant true
        %reduce_max3A_391 = vector.broadcast %reduce_max3A : i1 to vector<16xi1>
        %reduce_max3A_392 = arith.constant -2147483648 : i32
        %reduce_max3A_393 = vector.broadcast %reduce_max3A_392 : i32 to vector<16xi32>
        %reduce_max3A_394 = arith.xori %all_reduce_population_count3A, %reduce_max3A_393 : vector<16xi32>
        %reduce_max3A_395 = tpu.scan <max>, %reduce_max3A_394 masked %reduce_max3A_391 : vector<16xi32>, vector<16xi1> -> vector<16xi32>
        %reduce_max3A_396 = arith.xori %reduce_max3A_395, %reduce_max3A_393 : vector<16xi32>
        %reduce_max3A_397 = vector.extract %reduce_max3A_396[15] : i32 from vector<16xi32>
        %add3A_398 = arith.addi %scan3A_375, %reduce_max3A_397 : i32
        %min3A = arith.constant 8176 : i32
        %min3A_399 = arith.minsi %add3A_398, %min3A : i32
        scf.yield %min3A_399 : i32
      }
      %scan3A_373 = arith.constant 125 : i32
      scf.yield %scan3A_372 : i32
    }
    %scan3A_137 = arith.constant 25 : i32
    %scan3A_138 = arith.constant 0 : i32
    %scan3A_139 = arith.constant 0 : i32
    %scan3A_140 = arith.constant 16 : i32
    %scan3A_141 = arith.addi %scan3A_139, %scan3A_140 : i32
    %scan3A_142 = arith.constant 1 : i32
    scf.for %scan3A_359 = %scan3A_139 to %scan3A_141 step %scan3A_142  : i32 {
      %mul3A_360 = arith.constant 512 : i32
      %mul3A_361 = arith.muli %scan3A_359, %mul3A_360 : i32
      %lt3A = arith.cmpi slt, %mul3A_361, %scan3A_136 : i32
      %convert_element_type3A = arith.extui %lt3A : i1 to i32
      %cond3A = arith.constant 0 : i32
      %cond3A_362 = arith.cmpi ne, %convert_element_type3A, %cond3A : i32
      scf.if %cond3A_362 {
        %scan3A_363 = arith.constant 0 : i32
        %scan3A_364 = arith.constant 0 : i32
        %scan3A_365 = arith.constant 32 : i32
        %scan3A_366 = arith.addi %scan3A_364, %scan3A_365 : i32
        %scan3A_367 = arith.constant 1 : i32
        scf.for %scan3A_369 = %scan3A_364 to %scan3A_366 step %scan3A_367  : i32 {
          %mul3A_370 = arith.constant 512 : i32
          %mul3A_371 = arith.muli %scan3A_359, %mul3A_370 : i32
          %mul3A_372 = arith.constant 16 : i32
          %mul3A_373 = arith.muli %scan3A_369, %mul3A_372 : i32
          %add3A_374 = arith.addi %mul3A_371, %mul3A_373 : i32
          %get3A = arith.index_cast %add3A_374 : i32 to index
          %get3A_375 = tpu.vector_load %arg7[%get3A] {strides = array<i32>} : memref<8192xi32, #tpu.memory_space<vmem>>, vector<16xi32>,
          %mul3A_376 = arith.constant 16 : i32
          %mul3A_377 = arith.muli %scan3A_369, %mul3A_376 : i32
          %swap3A = arith.index_cast %mul3A_377 : i32 to index
          %swap3A_378 = tpu.vector_load %arg9[%swap3A] {strides = array<i32>} : memref<512xi32, #tpu.memory_space<vmem>>, vector<16xi32>,
          tpu.vector_store %arg9[%swap3A], %get3A_375 {strides = array<i32>} : memref<512xi32, #tpu.memory_space<vmem>>, vector<16xi32>,
          %mul3A_379 = arith.constant 512 : i32
          %mul3A_380 = arith.muli %scan3A_359, %mul3A_379 : i32
          %mul3A_381 = arith.constant 16 : i32
          %mul3A_382 = arith.muli %scan3A_369, %mul3A_381 : i32
          %add3A_383 = arith.addi %mul3A_380, %mul3A_382 : i32
          %get3A_384 = arith.index_cast %add3A_383 : i32 to index
          %get3A_385 = tpu.vector_load %arg8[%get3A_384] {strides = array<i32>} : memref<8192xi32, #tpu.memory_space<vmem>>, vector<16xi32>,
          %mul3A_386 = arith.constant 16 : i32
          %mul3A_387 = arith.muli %scan3A_369, %mul3A_386 : i32
          %swap3A_388 = arith.index_cast %mul3A_387 : i32 to index
          %swap3A_389 = tpu.vector_load %arg10[%swap3A_388] {strides = array<i32>} : memref<512xi32, #tpu.memory_space<vmem>>, vector<16xi32>,
          tpu.vector_store %arg10[%swap3A_388], %get3A_385 {strides = array<i32>} : memref<512xi32, #tpu.memory_space<vmem>>, vector<16xi32>,
        }
        %scan3A_368 = arith.constant 32 : i32
        "tpu.region"() ({
          %run_scoped3A = tpu.sem_alloc : memref<!tpu.dma_semaphore, #tpu.memory_space<semaphore_mem>>
          %dma_start3A = arith.constant 0 : i32
          %dma_start3A_369 = arith.constant 0 : i32
          %dma_start3A_370 = tpu.memref_slice %arg2[%dma_start3A, %dma_start3A_369] : memref<50176x128xf32, #tpu.memory_space<hbm>> -> memref<50176x128xf32, #tpu.memory_space<hbm>>
          tpu.enqueue_indirect_dma source(%dma_start3A_370 : memref<50176x128xf32, #tpu.memory_space<hbm>>) target(%arg11 : memref<512x128xf32, #tpu.memory_space<vmem>>) offsets(%arg9 : memref<512xi32, #tpu.memory_space<vmem>>) semaphore(%run_scoped3A : memref<!tpu.dma_semaphore, #tpu.memory_space<semaphore_mem>>)
          %dma_wait3A = arith.constant 0 : i32
          %dma_wait3A_371 = arith.constant 0 : i32
          %dma_wait3A_372 = tpu.memref_slice %arg2[%dma_wait3A, %dma_wait3A_371] : memref<50176x128xf32, #tpu.memory_space<hbm>> -> memref<50176x128xf32, #tpu.memory_space<hbm>>
          tpu.wait_indirect_dma semaphore(%run_scoped3A : memref<!tpu.dma_semaphore, #tpu.memory_space<semaphore_mem>>) src(%dma_wait3A_372 : memref<50176x128xf32, #tpu.memory_space<hbm>>) dst(%arg11 : memref<512x128xf32, #tpu.memory_space<vmem>>)
          tpu.yield
        }) : () -> ()
        "tpu.region"() ({
          %run_scoped3A = tpu.sem_alloc : memref<!tpu.dma_semaphore, #tpu.memory_space<semaphore_mem>>
          %dma_start3A = arith.constant 0 : i32
          %dma_start3A_369 = arith.constant 0 : i32
          %dma_start3A_370 = tpu.memref_slice %arg13[%dma_start3A, %dma_start3A_369] : memref<3585x128xf32, #tpu.memory_space<vmem_shared>> -> memref<3585x128xf32, #tpu.memory_space<vmem_shared>>
          tpu.enqueue_indirect_dma source(%arg11 : memref<512x128xf32, #tpu.memory_space<vmem>>) target(%dma_start3A_370 : memref<3585x128xf32, #tpu.memory_space<vmem_shared>>) offsets(%arg10 : memref<512xi32, #tpu.memory_space<vmem>>) semaphore(%run_scoped3A : memref<!tpu.dma_semaphore, #tpu.memory_space<semaphore_mem>>) {add = true}
          %dma_wait3A = arith.constant 0 : i32
          %dma_wait3A_371 = arith.constant 0 : i32
          %dma_wait3A_372 = tpu.memref_slice %arg13[%dma_wait3A, %dma_wait3A_371] : memref<3585x128xf32, #tpu.memory_space<vmem_shared>> -> memref<3585x128xf32, #tpu.memory_space<vmem_shared>>
          tpu.wait_indirect_dma semaphore(%run_scoped3A : memref<!tpu.dma_semaphore, #tpu.memory_space<semaphore_mem>>) src(%arg11 : memref<512x128xf32, #tpu.memory_space<vmem>>) dst(%dma_wait3A_372 : memref<3585x128xf32, #tpu.memory_space<vmem_shared>>)
          tpu.yield
        }) : () -> ()
      } else {
      }
    }
    %scan3A_143 = arith.constant 16 : i32
    %barrier3A_144 = arith.constant 0 : index
    tpu.barrier barrier_id(%barrier3A_144)
    %add3A_145 = arith.constant 4 : i32
    %add3A_146 = arith.addi %add3A_145, %arg0 : i32
    %mul3A_147 = arith.constant 3584 : i32
    %mul3A_148 = arith.muli %add3A_146, %mul3A_147 : i32
    %mul3A_149 = arith.constant 224 : i32
    %mul3A_150 = arith.muli %arg1, %mul3A_149 : i32
    %add3A_151 = arith.addi %mul3A_148, %mul3A_150 : i32
    %mul3A_152 = arith.constant 224 : i32
    %mul3A_153 = arith.muli %arg1, %mul3A_152 : i32
    "tpu.region"() ({
      %run_scoped3A = tpu.sem_alloc : memref<!tpu.dma_semaphore, #tpu.memory_space<semaphore_mem>>
      %dma_start3A = arith.constant 0 : i32
      %dma_start3A_359 = arith.constant 0 : i32
      %dma_start3A_360 = tpu.memref_slice %arg11[%dma_start3A, %dma_start3A_359] : memref<512x128xf32, #tpu.memory_space<vmem>> -> memref<224x128xf32, #tpu.memory_space<vmem>>
      %dma_start3A_361 = arith.constant 0 : i32
      %dma_start3A_362 = tpu.memref_slice %arg13[%mul3A_153, %dma_start3A_361] : memref<3585x128xf32, #tpu.memory_space<vmem_shared>> -> memref<224x128xf32, #tpu.memory_space<vmem_shared>>
      %dma_start3A_363 = arith.constant 0 : i32
      %dma_start3A_364 = arith.constant 0 : i32
      %dma_start3A_365 = tpu.memref_slice %arg11[%dma_start3A_363, %dma_start3A_364] : memref<512x128xf32, #tpu.memory_space<vmem>> -> memref<224x128xf32, #tpu.memory_space<vmem>>
      %dma_start3A_366 = arith.constant 0 : i32
      %dma_start3A_367 = tpu.memref_slice %arg13[%mul3A_153, %dma_start3A_366] : memref<3585x128xf32, #tpu.memory_space<vmem_shared>> -> memref<224x128xf32, #tpu.memory_space<vmem_shared>>
      tpu.enqueue_dma source(%dma_start3A_367 : memref<224x128xf32, #tpu.memory_space<vmem_shared>>) target(%dma_start3A_365 : memref<224x128xf32, #tpu.memory_space<vmem>>) target_semaphore(%run_scoped3A : memref<!tpu.dma_semaphore, #tpu.memory_space<semaphore_mem>>)
      %dma_wait3A = arith.constant 0 : i32
      %dma_wait3A_368 = arith.constant 0 : i32
      %dma_wait3A_369 = tpu.memref_slice %arg11[%dma_wait3A, %dma_wait3A_368] : memref<512x128xf32, #tpu.memory_space<vmem>> -> memref<224x128xf32, #tpu.memory_space<vmem>>
      %dma_wait3A_370 = arith.constant 0 : i32
      %dma_wait3A_371 = tpu.memref_slice %arg13[%mul3A_153, %dma_wait3A_370] : memref<3585x128xf32, #tpu.memory_space<vmem_shared>> -> memref<224x128xf32, #tpu.memory_space<vmem_shared>>
      %dma_wait3A_372 = arith.constant 0 : i32
      %dma_wait3A_373 = arith.constant 0 : i32
      %dma_wait3A_374 = tpu.memref_slice %arg11[%dma_wait3A_372, %dma_wait3A_373] : memref<512x128xf32, #tpu.memory_space<vmem>> -> memref<224x128xf32, #tpu.memory_space<vmem>>
      %dma_wait3A_375 = arith.constant 0 : i32
      %dma_wait3A_376 = tpu.memref_slice %arg13[%mul3A_153, %dma_wait3A_375] : memref<3585x128xf32, #tpu.memory_space<vmem_shared>> -> memref<224x128xf32, #tpu.memory_space<vmem_shared>>
      tpu.wait_dma2 semaphore(%run_scoped3A : memref<!tpu.dma_semaphore, #tpu.memory_space<semaphore_mem>>) src(%dma_wait3A_376 : memref<224x128xf32, #tpu.memory_space<vmem_shared>>) dst(%dma_wait3A_374 : memref<224x128xf32, #tpu.memory_space<vmem>>)
      tpu.yield
    }) : () -> ()
    "tpu.region"() ({
      %run_scoped3A = tpu.sem_alloc : memref<!tpu.dma_semaphore, #tpu.memory_space<semaphore_mem>>
      %dma_start3A = arith.constant 0 : i32
      %dma_start3A_359 = arith.constant 0 : i32
      %dma_start3A_360 = tpu.memref_slice %arg11[%dma_start3A, %dma_start3A_359] : memref<512x128xf32, #tpu.memory_space<vmem>> -> memref<224x128xf32, #tpu.memory_space<vmem>>
      %dma_start3A_361 = arith.constant 0 : i32
      %dma_start3A_362 = tpu.memref_slice %arg4[%add3A_151, %dma_start3A_361] : memref<50176x128xf32, #tpu.memory_space<hbm>> -> memref<224x128xf32, #tpu.memory_space<hbm>>
      %dma_start3A_363 = arith.constant 0 : i32
      %dma_start3A_364 = tpu.memref_slice %arg4[%add3A_151, %dma_start3A_363] : memref<50176x128xf32, #tpu.memory_space<hbm>> -> memref<224x128xf32, #tpu.memory_space<hbm>>
      %dma_start3A_365 = arith.constant 0 : i32
      %dma_start3A_366 = arith.constant 0 : i32
      %dma_start3A_367 = tpu.memref_slice %arg11[%dma_start3A_365, %dma_start3A_366] : memref<512x128xf32, #tpu.memory_space<vmem>> -> memref<224x128xf32, #tpu.memory_space<vmem>>
      tpu.enqueue_dma source(%dma_start3A_367 : memref<224x128xf32, #tpu.memory_space<vmem>>) target(%dma_start3A_364 : memref<224x128xf32, #tpu.memory_space<hbm>>) target_semaphore(%run_scoped3A : memref<!tpu.dma_semaphore, #tpu.memory_space<semaphore_mem>>)
      %dma_wait3A = arith.constant 0 : i32
      %dma_wait3A_368 = arith.constant 0 : i32
      %dma_wait3A_369 = tpu.memref_slice %arg11[%dma_wait3A, %dma_wait3A_368] : memref<512x128xf32, #tpu.memory_space<vmem>> -> memref<224x128xf32, #tpu.memory_space<vmem>>
      %dma_wait3A_370 = arith.constant 0 : i32
      %dma_wait3A_371 = tpu.memref_slice %arg4[%add3A_151, %dma_wait3A_370] : memref<50176x128xf32, #tpu.memory_space<hbm>> -> memref<224x128xf32, #tpu.memory_space<hbm>>
      %dma_wait3A_372 = arith.constant 0 : i32
      %dma_wait3A_373 = tpu.memref_slice %arg4[%add3A_151, %dma_wait3A_372] : memref<50176x128xf32, #tpu.memory_space<hbm>> -> memref<224x128xf32, #tpu.memory_space<hbm>>
      %dma_wait3A_374 = arith.constant 0 : i32
      %dma_wait3A_375 = arith.constant 0 : i32
      %dma_wait3A_376 = tpu.memref_slice %arg11[%dma_wait3A_374, %dma_wait3A_375] : memref<512x128xf32, #tpu.memory_space<vmem>> -> memref<224x128xf32, #tpu.memory_space<vmem>>
      tpu.wait_dma2 semaphore(%run_scoped3A : memref<!tpu.dma_semaphore, #tpu.memory_space<semaphore_mem>>) src(%dma_wait3A_376 : memref<224x128xf32, #tpu.memory_space<vmem>>) dst(%dma_wait3A_373 : memref<224x128xf32, #tpu.memory_space<hbm>>)
      tpu.yield
    }) : () -> ()
    %barrier3A_154 = arith.constant 0 : index
    tpu.barrier barrier_id(%barrier3A_154)
    %add3A_155 = arith.constant 6 : i32
    %add3A_156 = arith.addi %add3A_155, %arg0 : i32
    %mul3A_157 = arith.constant 3584 : i32
    %mul3A_158 = arith.muli %add3A_156, %mul3A_157 : i32
    %mul3A_159 = arith.constant 224 : i32
    %mul3A_160 = arith.muli %arg1, %mul3A_159 : i32
    %add3A_161 = arith.constant 0 : i32
    %add3A_162 = arith.addi %mul3A_160, %add3A_161 : i32
    "tpu.region"() ({
      %run_scoped3A = tpu.sem_alloc : memref<!tpu.dma_semaphore, #tpu.memory_space<semaphore_mem>>
      %dma_start3A = arith.constant 0 : i32
      %dma_start3A_359 = tpu.memref_slice %arg13[%add3A_162, %dma_start3A] : memref<3585x128xf32, #tpu.memory_space<vmem_shared>> -> memref<64x128xf32, #tpu.memory_space<vmem_shared>>
      %dma_start3A_360 = arith.constant 0 : i32
      %dma_start3A_361 = tpu.memref_slice %arg13[%add3A_162, %dma_start3A_360] : memref<3585x128xf32, #tpu.memory_space<vmem_shared>> -> memref<64x128xf32, #tpu.memory_space<vmem_shared>>
      tpu.enqueue_dma source(%arg12 : memref<64x128xf32, #tpu.memory_space<vmem>>) target(%dma_start3A_361 : memref<64x128xf32, #tpu.memory_space<vmem_shared>>) target_semaphore(%run_scoped3A : memref<!tpu.dma_semaphore, #tpu.memory_space<semaphore_mem>>)
      %dma_wait3A = arith.constant 0 : i32
      %dma_wait3A_362 = tpu.memref_slice %arg13[%add3A_162, %dma_wait3A] : memref<3585x128xf32, #tpu.memory_space<vmem_shared>> -> memref<64x128xf32, #tpu.memory_space<vmem_shared>>
      %dma_wait3A_363 = arith.constant 0 : i32
      %dma_wait3A_364 = tpu.memref_slice %arg13[%add3A_162, %dma_wait3A_363] : memref<3585x128xf32, #tpu.memory_space<vmem_shared>> -> memref<64x128xf32, #tpu.memory_space<vmem_shared>>
      tpu.wait_dma2 semaphore(%run_scoped3A : memref<!tpu.dma_semaphore, #tpu.memory_space<semaphore_mem>>) src(%arg12 : memref<64x128xf32, #tpu.memory_space<vmem>>) dst(%dma_wait3A_364 : memref<64x128xf32, #tpu.memory_space<vmem_shared>>)
      tpu.yield
    }) : () -> ()
    %mul3A_163 = arith.constant 224 : i32
    %mul3A_164 = arith.muli %arg1, %mul3A_163 : i32
    %add3A_165 = arith.constant 64 : i32
    %add3A_166 = arith.addi %mul3A_164, %add3A_165 : i32
    "tpu.region"() ({
      %run_scoped3A = tpu.sem_alloc : memref<!tpu.dma_semaphore, #tpu.memory_space<semaphore_mem>>
      %dma_start3A = arith.constant 0 : i32
      %dma_start3A_359 = tpu.memref_slice %arg13[%add3A_166, %dma_start3A] : memref<3585x128xf32, #tpu.memory_space<vmem_shared>> -> memref<64x128xf32, #tpu.memory_space<vmem_shared>>
      %dma_start3A_360 = arith.constant 0 : i32
      %dma_start3A_361 = tpu.memref_slice %arg13[%add3A_166, %dma_start3A_360] : memref<3585x128xf32, #tpu.memory_space<vmem_shared>> -> memref<64x128xf32, #tpu.memory_space<vmem_shared>>
      tpu.enqueue_dma source(%arg12 : memref<64x128xf32, #tpu.memory_space<vmem>>) target(%dma_start3A_361 : memref<64x128xf32, #tpu.memory_space<vmem_shared>>) target_semaphore(%run_scoped3A : memref<!tpu.dma_semaphore, #tpu.memory_space<semaphore_mem>>)
      %dma_wait3A = arith.constant 0 : i32
      %dma_wait3A_362 = tpu.memref_slice %arg13[%add3A_166, %dma_wait3A] : memref<3585x128xf32, #tpu.memory_space<vmem_shared>> -> memref<64x128xf32, #tpu.memory_space<vmem_shared>>
      %dma_wait3A_363 = arith.constant 0 : i32
      %dma_wait3A_364 = tpu.memref_slice %arg13[%add3A_166, %dma_wait3A_363] : memref<3585x128xf32, #tpu.memory_space<vmem_shared>> -> memref<64x128xf32, #tpu.memory_space<vmem_shared>>
      tpu.wait_dma2 semaphore(%run_scoped3A : memref<!tpu.dma_semaphore, #tpu.memory_space<semaphore_mem>>) src(%arg12 : memref<64x128xf32, #tpu.memory_space<vmem>>) dst(%dma_wait3A_364 : memref<64x128xf32, #tpu.memory_space<vmem_shared>>)
      tpu.yield
    }) : () -> ()
    %mul3A_167 = arith.constant 224 : i32
    %mul3A_168 = arith.muli %arg1, %mul3A_167 : i32
    %add3A_169 = arith.constant 128 : i32
    %add3A_170 = arith.addi %mul3A_168, %add3A_169 : i32
    "tpu.region"() ({
      %run_scoped3A = tpu.sem_alloc : memref<!tpu.dma_semaphore, #tpu.memory_space<semaphore_mem>>
      %dma_start3A = arith.constant 0 : i32
      %dma_start3A_359 = tpu.memref_slice %arg13[%add3A_170, %dma_start3A] : memref<3585x128xf32, #tpu.memory_space<vmem_shared>> -> memref<64x128xf32, #tpu.memory_space<vmem_shared>>
      %dma_start3A_360 = arith.constant 0 : i32
      %dma_start3A_361 = tpu.memref_slice %arg13[%add3A_170, %dma_start3A_360] : memref<3585x128xf32, #tpu.memory_space<vmem_shared>> -> memref<64x128xf32, #tpu.memory_space<vmem_shared>>
      tpu.enqueue_dma source(%arg12 : memref<64x128xf32, #tpu.memory_space<vmem>>) target(%dma_start3A_361 : memref<64x128xf32, #tpu.memory_space<vmem_shared>>) target_semaphore(%run_scoped3A : memref<!tpu.dma_semaphore, #tpu.memory_space<semaphore_mem>>)
      %dma_wait3A = arith.constant 0 : i32
      %dma_wait3A_362 = tpu.memref_slice %arg13[%add3A_170, %dma_wait3A] : memref<3585x128xf32, #tpu.memory_space<vmem_shared>> -> memref<64x128xf32, #tpu.memory_space<vmem_shared>>
      %dma_wait3A_363 = arith.constant 0 : i32
      %dma_wait3A_364 = tpu.memref_slice %arg13[%add3A_170, %dma_wait3A_363] : memref<3585x128xf32, #tpu.memory_space<vmem_shared>> -> memref<64x128xf32, #tpu.memory_space<vmem_shared>>
      tpu.wait_dma2 semaphore(%run_scoped3A : memref<!tpu.dma_semaphore, #tpu.memory_space<semaphore_mem>>) src(%arg12 : memref<64x128xf32, #tpu.memory_space<vmem>>) dst(%dma_wait3A_364 : memref<64x128xf32, #tpu.memory_space<vmem_shared>>)
      tpu.yield
    }) : () -> ()
    %mul3A_171 = arith.constant 224 : i32
    %mul3A_172 = arith.muli %arg1, %mul3A_171 : i32
    %add3A_173 = arith.constant 192 : i32
    %add3A_174 = arith.addi %mul3A_172, %add3A_173 : i32
    "tpu.region"() ({
      %run_scoped3A = tpu.sem_alloc : memref<!tpu.dma_semaphore, #tpu.memory_space<semaphore_mem>>
      %dma_start3A = arith.constant 0 : i32
      %dma_start3A_359 = arith.constant 0 : i32
      %dma_start3A_360 = tpu.memref_slice %arg12[%dma_start3A, %dma_start3A_359] : memref<64x128xf32, #tpu.memory_space<vmem>> -> memref<32x128xf32, #tpu.memory_space<vmem>>
      %dma_start3A_361 = arith.constant 0 : i32
      %dma_start3A_362 = tpu.memref_slice %arg13[%add3A_174, %dma_start3A_361] : memref<3585x128xf32, #tpu.memory_space<vmem_shared>> -> memref<32x128xf32, #tpu.memory_space<vmem_shared>>
      %dma_start3A_363 = arith.constant 0 : i32
      %dma_start3A_364 = tpu.memref_slice %arg13[%add3A_174, %dma_start3A_363] : memref<3585x128xf32, #tpu.memory_space<vmem_shared>> -> memref<32x128xf32, #tpu.memory_space<vmem_shared>>
      %dma_start3A_365 = arith.constant 0 : i32
      %dma_start3A_366 = arith.constant 0 : i32
      %dma_start3A_367 = tpu.memref_slice %arg12[%dma_start3A_365, %dma_start3A_366] : memref<64x128xf32, #tpu.memory_space<vmem>> -> memref<32x128xf32, #tpu.memory_space<vmem>>
      tpu.enqueue_dma source(%dma_start3A_367 : memref<32x128xf32, #tpu.memory_space<vmem>>) target(%dma_start3A_364 : memref<32x128xf32, #tpu.memory_space<vmem_shared>>) target_semaphore(%run_scoped3A : memref<!tpu.dma_semaphore, #tpu.memory_space<semaphore_mem>>)
      %dma_wait3A = arith.constant 0 : i32
      %dma_wait3A_368 = arith.constant 0 : i32
      %dma_wait3A_369 = tpu.memref_slice %arg12[%dma_wait3A, %dma_wait3A_368] : memref<64x128xf32, #tpu.memory_space<vmem>> -> memref<32x128xf32, #tpu.memory_space<vmem>>
      %dma_wait3A_370 = arith.constant 0 : i32
      %dma_wait3A_371 = tpu.memref_slice %arg13[%add3A_174, %dma_wait3A_370] : memref<3585x128xf32, #tpu.memory_space<vmem_shared>> -> memref<32x128xf32, #tpu.memory_space<vmem_shared>>
      %dma_wait3A_372 = arith.constant 0 : i32
      %dma_wait3A_373 = tpu.memref_slice %arg13[%add3A_174, %dma_wait3A_372] : memref<3585x128xf32, #tpu.memory_space<vmem_shared>> -> memref<32x128xf32, #tpu.memory_space<vmem_shared>>
      %dma_wait3A_374 = arith.constant 0 : i32
      %dma_wait3A_375 = arith.constant 0 : i32
      %dma_wait3A_376 = tpu.memref_slice %arg12[%dma_wait3A_374, %dma_wait3A_375] : memref<64x128xf32, #tpu.memory_space<vmem>> -> memref<32x128xf32, #tpu.memory_space<vmem>>
      tpu.wait_dma2 semaphore(%run_scoped3A : memref<!tpu.dma_semaphore, #tpu.memory_space<semaphore_mem>>) src(%dma_wait3A_376 : memref<32x128xf32, #tpu.memory_space<vmem>>) dst(%dma_wait3A_373 : memref<32x128xf32, #tpu.memory_space<vmem_shared>>)
      tpu.yield
    }) : () -> ()
    %barrier3A_175 = arith.constant 0 : index
    tpu.barrier barrier_id(%barrier3A_175)
    %scan3A_176 = arith.constant 0 : i32
    %scan3A_177 = arith.constant 0 : i32
    %scan3A_178 = arith.constant 512 : i32
    %scan3A_179 = arith.addi %scan3A_177, %scan3A_178 : i32
    %scan3A_180 = arith.constant 1 : i32
    scf.for %scan3A_359 = %scan3A_177 to %scan3A_179 step %scan3A_180  : i32 {
      %broadcast_in_dim3A = arith.constant 0 : i32
      %broadcast_in_dim3A_360 = vector.broadcast %broadcast_in_dim3A : i32 to vector<16xi32>
      %mul3A_361 = arith.constant 16 : i32
      %mul3A_362 = arith.muli %scan3A_359, %mul3A_361 : i32
      %swap3A = arith.index_cast %mul3A_362 : i32 to index
      %swap3A_363 = tpu.vector_load %arg7[%swap3A] {strides = array<i32>} : memref<8192xi32, #tpu.memory_space<vmem>>, vector<16xi32>,
      tpu.vector_store %arg7[%swap3A], %broadcast_in_dim3A_360 {strides = array<i32>} : memref<8192xi32, #tpu.memory_space<vmem>>, vector<16xi32>,
      %broadcast_in_dim3A_364 = arith.constant 3584 : i32
      %broadcast_in_dim3A_365 = vector.broadcast %broadcast_in_dim3A_364 : i32 to vector<16xi32>
      %mul3A_366 = arith.constant 16 : i32
      %mul3A_367 = arith.muli %scan3A_359, %mul3A_366 : i32
      %swap3A_368 = arith.index_cast %mul3A_367 : i32 to index
      %swap3A_369 = tpu.vector_load %arg8[%swap3A_368] {strides = array<i32>} : memref<8192xi32, #tpu.memory_space<vmem>>, vector<16xi32>,
      tpu.vector_store %arg8[%swap3A_368], %broadcast_in_dim3A_365 {strides = array<i32>} : memref<8192xi32, #tpu.memory_space<vmem>>, vector<16xi32>,
    }
    %scan3A_181 = arith.constant 512 : i32
    %scan3A_182 = arith.constant 0 : i32
    %scan3A_183 = arith.constant 0 : i32
    %scan3A_184 = arith.constant 25 : i32
    %scan3A_185 = arith.addi %scan3A_183, %scan3A_184 : i32
    %scan3A_186 = arith.constant 1 : i32
    %scan3A_187 = scf.for %scan3A_359 = %scan3A_183 to %scan3A_185 step %scan3A_186 iter_args(%scan3A_360 = %scan3A_182) -> (i32)  : i32 {
      %mul3A_361 = arith.constant 50000 : i32
      %mul3A_362 = arith.muli %arg1, %mul3A_361 : i32
      %mul3A_363 = arith.constant 2000 : i32
      %mul3A_364 = arith.muli %scan3A_359, %mul3A_363 : i32
      %add3A_365 = arith.addi %mul3A_362, %mul3A_364 : i32
      "tpu.region"() ({
        %run_scoped3A = tpu.sem_alloc : memref<!tpu.dma_semaphore, #tpu.memory_space<semaphore_mem>>
        %dma_start3A = tpu.memref_slice %arg3[%add3A_365] : memref<1600000xi32, #tpu.memory_space<hbm>> -> memref<2000xi32, #tpu.memory_space<hbm>>
        %dma_start3A_374 = tpu.memref_slice %arg3[%add3A_365] : memref<1600000xi32, #tpu.memory_space<hbm>> -> memref<2000xi32, #tpu.memory_space<hbm>>
        tpu.enqueue_dma source(%dma_start3A_374 : memref<2000xi32, #tpu.memory_space<hbm>>) target(%arg5 : memref<2000xi32, #tpu.memory_space<vmem>>) target_semaphore(%run_scoped3A : memref<!tpu.dma_semaphore, #tpu.memory_space<semaphore_mem>>)
        %dma_wait3A = tpu.memref_slice %arg3[%add3A_365] : memref<1600000xi32, #tpu.memory_space<hbm>> -> memref<2000xi32, #tpu.memory_space<hbm>>
        %dma_wait3A_375 = tpu.memref_slice %arg3[%add3A_365] : memref<1600000xi32, #tpu.memory_space<hbm>> -> memref<2000xi32, #tpu.memory_space<hbm>>
        tpu.wait_dma2 semaphore(%run_scoped3A : memref<!tpu.dma_semaphore, #tpu.memory_space<semaphore_mem>>) src(%dma_wait3A_375 : memref<2000xi32, #tpu.memory_space<hbm>>) dst(%arg5 : memref<2000xi32, #tpu.memory_space<vmem>>)
        tpu.yield
      }) : () -> ()
      %add3A_366 = arith.constant 800000 : i32
      %add3A_367 = arith.addi %add3A_366, %add3A_365 : i32
      "tpu.region"() ({
        %run_scoped3A = tpu.sem_alloc : memref<!tpu.dma_semaphore, #tpu.memory_space<semaphore_mem>>
        %dma_start3A = tpu.memref_slice %arg3[%add3A_367] : memref<1600000xi32, #tpu.memory_space<hbm>> -> memref<2000xi32, #tpu.memory_space<hbm>>
        %dma_start3A_374 = tpu.memref_slice %arg3[%add3A_367] : memref<1600000xi32, #tpu.memory_space<hbm>> -> memref<2000xi32, #tpu.memory_space<hbm>>
        tpu.enqueue_dma source(%dma_start3A_374 : memref<2000xi32, #tpu.memory_space<hbm>>) target(%arg6 : memref<2000xi32, #tpu.memory_space<vmem>>) target_semaphore(%run_scoped3A : memref<!tpu.dma_semaphore, #tpu.memory_space<semaphore_mem>>)
        %dma_wait3A = tpu.memref_slice %arg3[%add3A_367] : memref<1600000xi32, #tpu.memory_space<hbm>> -> memref<2000xi32, #tpu.memory_space<hbm>>
        %dma_wait3A_375 = tpu.memref_slice %arg3[%add3A_367] : memref<1600000xi32, #tpu.memory_space<hbm>> -> memref<2000xi32, #tpu.memory_space<hbm>>
        tpu.wait_dma2 semaphore(%run_scoped3A : memref<!tpu.dma_semaphore, #tpu.memory_space<semaphore_mem>>) src(%dma_wait3A_375 : memref<2000xi32, #tpu.memory_space<hbm>>) dst(%arg6 : memref<2000xi32, #tpu.memory_space<vmem>>)
        tpu.yield
      }) : () -> ()
      %scan3A_368 = arith.constant 0 : i32
      %scan3A_369 = arith.constant 125 : i32
      %scan3A_370 = arith.addi %scan3A_368, %scan3A_369 : i32
      %scan3A_371 = arith.constant 1 : i32
      %scan3A_372 = scf.for %scan3A_374 = %scan3A_368 to %scan3A_370 step %scan3A_371 iter_args(%scan3A_375 = %scan3A_360) -> (i32)  : i32 {
        %mul3A_376 = arith.constant 16 : i32
        %mul3A_377 = arith.muli %scan3A_374, %mul3A_376 : i32
        %get3A = arith.index_cast %mul3A_377 : i32 to index
        %get3A_378 = tpu.vector_load %arg6[%get3A] {strides = array<i32>} : memref<2000xi32, #tpu.memory_space<vmem>>, vector<16xi32>,
        %mul3A_379 = arith.constant 16 : i32
        %mul3A_380 = arith.muli %scan3A_374, %mul3A_379 : i32
        %get3A_381 = arith.index_cast %mul3A_380 : i32 to index
        %get3A_382 = tpu.vector_load %arg5[%get3A_381] {strides = array<i32>} : memref<2000xi32, #tpu.memory_space<vmem>>, vector<16xi32>,
        %ge3A = vector.broadcast %mul3A_158 : i32 to vector<16xi32>
        %ge3A_383 = arith.cmpi sge, %get3A_378, %ge3A : vector<16xi32>
        %add3A_384 = arith.constant 3584 : i32
        %add3A_385 = arith.addi %mul3A_158, %add3A_384 : i32
        %lt3A = vector.broadcast %add3A_385 : i32 to vector<16xi32>
        %lt3A_386 = arith.cmpi slt, %get3A_378, %lt3A : vector<16xi32>
        %and3A = arith.andi %ge3A_383, %lt3A_386 : vector<16xi1>
        %sub3A = vector.broadcast %mul3A_158 : i32 to vector<16xi32>
        %sub3A_387 = arith.subi %get3A_378, %sub3A : vector<16xi32>
        %swap3A = arith.index_cast %scan3A_375 : i32 to index
        %swap3A_388 = tpu.vector_load %arg8[%swap3A] masked %and3A {strides = array<i32>} : memref<8192xi32, #tpu.memory_space<vmem>>, vector<16xi32>, vector<16xi1>
        tpu.vector_store %arg8[%swap3A], %sub3A_387 masked %and3A {strides = array<i32>} : memref<8192xi32, #tpu.memory_space<vmem>>, vector<16xi32>, vector<16xi1>
        %swap3A_389 = arith.index_cast %scan3A_375 : i32 to index
        %swap3A_390 = tpu.vector_load %arg7[%swap3A_389] masked %and3A {strides = array<i32>} : memref<8192xi32, #tpu.memory_space<vmem>>, vector<16xi32>, vector<16xi1>
        tpu.vector_store %arg7[%swap3A_389], %get3A_382 masked %and3A {strides = array<i32>} : memref<8192xi32, #tpu.memory_space<vmem>>, vector<16xi32>, vector<16xi1>
        %all_reduce_population_count3A = tpu.all_reduce %and3A {dim = 0 : i64, kind = #tpu.reduction_kind<sum>} : vector<16xi1> -> vector<16xi32>
        %reduce_max3A = arith.constant true
        %reduce_max3A_391 = vector.broadcast %reduce_max3A : i1 to vector<16xi1>
        %reduce_max3A_392 = arith.constant -2147483648 : i32
        %reduce_max3A_393 = vector.broadcast %reduce_max3A_392 : i32 to vector<16xi32>
        %reduce_max3A_394 = arith.xori %all_reduce_population_count3A, %reduce_max3A_393 : vector<16xi32>
        %reduce_max3A_395 = tpu.scan <max>, %reduce_max3A_394 masked %reduce_max3A_391 : vector<16xi32>, vector<16xi1> -> vector<16xi32>
        %reduce_max3A_396 = arith.xori %reduce_max3A_395, %reduce_max3A_393 : vector<16xi32>
        %reduce_max3A_397 = vector.extract %reduce_max3A_396[15] : i32 from vector<16xi32>
        %add3A_398 = arith.addi %scan3A_375, %reduce_max3A_397 : i32
        %min3A = arith.constant 8176 : i32
        %min3A_399 = arith.minsi %add3A_398, %min3A : i32
        scf.yield %min3A_399 : i32
      }
      %scan3A_373 = arith.constant 125 : i32
      scf.yield %scan3A_372 : i32
    }
    %scan3A_188 = arith.constant 25 : i32
    %scan3A_189 = arith.constant 0 : i32
    %scan3A_190 = arith.constant 0 : i32
    %scan3A_191 = arith.constant 16 : i32
    %scan3A_192 = arith.addi %scan3A_190, %scan3A_191 : i32
    %scan3A_193 = arith.constant 1 : i32
    scf.for %scan3A_359 = %scan3A_190 to %scan3A_192 step %scan3A_193  : i32 {
      %mul3A_360 = arith.constant 512 : i32
      %mul3A_361 = arith.muli %scan3A_359, %mul3A_360 : i32
      %lt3A = arith.cmpi slt, %mul3A_361, %scan3A_187 : i32
      %convert_element_type3A = arith.extui %lt3A : i1 to i32
      %cond3A = arith.constant 0 : i32
      %cond3A_362 = arith.cmpi ne, %convert_element_type3A, %cond3A : i32
      scf.if %cond3A_362 {
        %scan3A_363 = arith.constant 0 : i32
        %scan3A_364 = arith.constant 0 : i32
        %scan3A_365 = arith.constant 32 : i32
        %scan3A_366 = arith.addi %scan3A_364, %scan3A_365 : i32
        %scan3A_367 = arith.constant 1 : i32
        scf.for %scan3A_369 = %scan3A_364 to %scan3A_366 step %scan3A_367  : i32 {
          %mul3A_370 = arith.constant 512 : i32
          %mul3A_371 = arith.muli %scan3A_359, %mul3A_370 : i32
          %mul3A_372 = arith.constant 16 : i32
          %mul3A_373 = arith.muli %scan3A_369, %mul3A_372 : i32
          %add3A_374 = arith.addi %mul3A_371, %mul3A_373 : i32
          %get3A = arith.index_cast %add3A_374 : i32 to index
          %get3A_375 = tpu.vector_load %arg7[%get3A] {strides = array<i32>} : memref<8192xi32, #tpu.memory_space<vmem>>, vector<16xi32>,
          %mul3A_376 = arith.constant 16 : i32
          %mul3A_377 = arith.muli %scan3A_369, %mul3A_376 : i32
          %swap3A = arith.index_cast %mul3A_377 : i32 to index
          %swap3A_378 = tpu.vector_load %arg9[%swap3A] {strides = array<i32>} : memref<512xi32, #tpu.memory_space<vmem>>, vector<16xi32>,
          tpu.vector_store %arg9[%swap3A], %get3A_375 {strides = array<i32>} : memref<512xi32, #tpu.memory_space<vmem>>, vector<16xi32>,
          %mul3A_379 = arith.constant 512 : i32
          %mul3A_380 = arith.muli %scan3A_359, %mul3A_379 : i32
          %mul3A_381 = arith.constant 16 : i32
          %mul3A_382 = arith.muli %scan3A_369, %mul3A_381 : i32
          %add3A_383 = arith.addi %mul3A_380, %mul3A_382 : i32
          %get3A_384 = arith.index_cast %add3A_383 : i32 to index
          %get3A_385 = tpu.vector_load %arg8[%get3A_384] {strides = array<i32>} : memref<8192xi32, #tpu.memory_space<vmem>>, vector<16xi32>,
          %mul3A_386 = arith.constant 16 : i32
          %mul3A_387 = arith.muli %scan3A_369, %mul3A_386 : i32
          %swap3A_388 = arith.index_cast %mul3A_387 : i32 to index
          %swap3A_389 = tpu.vector_load %arg10[%swap3A_388] {strides = array<i32>} : memref<512xi32, #tpu.memory_space<vmem>>, vector<16xi32>,
          tpu.vector_store %arg10[%swap3A_388], %get3A_385 {strides = array<i32>} : memref<512xi32, #tpu.memory_space<vmem>>, vector<16xi32>,
        }
        %scan3A_368 = arith.constant 32 : i32
        "tpu.region"() ({
          %run_scoped3A = tpu.sem_alloc : memref<!tpu.dma_semaphore, #tpu.memory_space<semaphore_mem>>
          %dma_start3A = arith.constant 0 : i32
          %dma_start3A_369 = arith.constant 0 : i32
          %dma_start3A_370 = tpu.memref_slice %arg2[%dma_start3A, %dma_start3A_369] : memref<50176x128xf32, #tpu.memory_space<hbm>> -> memref<50176x128xf32, #tpu.memory_space<hbm>>
          tpu.enqueue_indirect_dma source(%dma_start3A_370 : memref<50176x128xf32, #tpu.memory_space<hbm>>) target(%arg11 : memref<512x128xf32, #tpu.memory_space<vmem>>) offsets(%arg9 : memref<512xi32, #tpu.memory_space<vmem>>) semaphore(%run_scoped3A : memref<!tpu.dma_semaphore, #tpu.memory_space<semaphore_mem>>)
          %dma_wait3A = arith.constant 0 : i32
          %dma_wait3A_371 = arith.constant 0 : i32
          %dma_wait3A_372 = tpu.memref_slice %arg2[%dma_wait3A, %dma_wait3A_371] : memref<50176x128xf32, #tpu.memory_space<hbm>> -> memref<50176x128xf32, #tpu.memory_space<hbm>>
          tpu.wait_indirect_dma semaphore(%run_scoped3A : memref<!tpu.dma_semaphore, #tpu.memory_space<semaphore_mem>>) src(%dma_wait3A_372 : memref<50176x128xf32, #tpu.memory_space<hbm>>) dst(%arg11 : memref<512x128xf32, #tpu.memory_space<vmem>>)
          tpu.yield
        }) : () -> ()
        "tpu.region"() ({
          %run_scoped3A = tpu.sem_alloc : memref<!tpu.dma_semaphore, #tpu.memory_space<semaphore_mem>>
          %dma_start3A = arith.constant 0 : i32
          %dma_start3A_369 = arith.constant 0 : i32
          %dma_start3A_370 = tpu.memref_slice %arg13[%dma_start3A, %dma_start3A_369] : memref<3585x128xf32, #tpu.memory_space<vmem_shared>> -> memref<3585x128xf32, #tpu.memory_space<vmem_shared>>
          tpu.enqueue_indirect_dma source(%arg11 : memref<512x128xf32, #tpu.memory_space<vmem>>) target(%dma_start3A_370 : memref<3585x128xf32, #tpu.memory_space<vmem_shared>>) offsets(%arg10 : memref<512xi32, #tpu.memory_space<vmem>>) semaphore(%run_scoped3A : memref<!tpu.dma_semaphore, #tpu.memory_space<semaphore_mem>>) {add = true}
          %dma_wait3A = arith.constant 0 : i32
          %dma_wait3A_371 = arith.constant 0 : i32
          %dma_wait3A_372 = tpu.memref_slice %arg13[%dma_wait3A, %dma_wait3A_371] : memref<3585x128xf32, #tpu.memory_space<vmem_shared>> -> memref<3585x128xf32, #tpu.memory_space<vmem_shared>>
          tpu.wait_indirect_dma semaphore(%run_scoped3A : memref<!tpu.dma_semaphore, #tpu.memory_space<semaphore_mem>>) src(%arg11 : memref<512x128xf32, #tpu.memory_space<vmem>>) dst(%dma_wait3A_372 : memref<3585x128xf32, #tpu.memory_space<vmem_shared>>)
          tpu.yield
        }) : () -> ()
      } else {
      }
    }
    %scan3A_194 = arith.constant 16 : i32
    %barrier3A_195 = arith.constant 0 : index
    tpu.barrier barrier_id(%barrier3A_195)
    %add3A_196 = arith.constant 6 : i32
    %add3A_197 = arith.addi %add3A_196, %arg0 : i32
    %mul3A_198 = arith.constant 3584 : i32
    %mul3A_199 = arith.muli %add3A_197, %mul3A_198 : i32
    %mul3A_200 = arith.constant 224 : i32
    %mul3A_201 = arith.muli %arg1, %mul3A_200 : i32
    %add3A_202 = arith.addi %mul3A_199, %mul3A_201 : i32
    %mul3A_203 = arith.constant 224 : i32
    %mul3A_204 = arith.muli %arg1, %mul3A_203 : i32
    "tpu.region"() ({
      %run_scoped3A = tpu.sem_alloc : memref<!tpu.dma_semaphore, #tpu.memory_space<semaphore_mem>>
      %dma_start3A = arith.constant 0 : i32
      %dma_start3A_359 = arith.constant 0 : i32
      %dma_start3A_360 = tpu.memref_slice %arg11[%dma_start3A, %dma_start3A_359] : memref<512x128xf32, #tpu.memory_space<vmem>> -> memref<224x128xf32, #tpu.memory_space<vmem>>
      %dma_start3A_361 = arith.constant 0 : i32
      %dma_start3A_362 = tpu.memref_slice %arg13[%mul3A_204, %dma_start3A_361] : memref<3585x128xf32, #tpu.memory_space<vmem_shared>> -> memref<224x128xf32, #tpu.memory_space<vmem_shared>>
      %dma_start3A_363 = arith.constant 0 : i32
      %dma_start3A_364 = arith.constant 0 : i32
      %dma_start3A_365 = tpu.memref_slice %arg11[%dma_start3A_363, %dma_start3A_364] : memref<512x128xf32, #tpu.memory_space<vmem>> -> memref<224x128xf32, #tpu.memory_space<vmem>>
      %dma_start3A_366 = arith.constant 0 : i32
      %dma_start3A_367 = tpu.memref_slice %arg13[%mul3A_204, %dma_start3A_366] : memref<3585x128xf32, #tpu.memory_space<vmem_shared>> -> memref<224x128xf32, #tpu.memory_space<vmem_shared>>
      tpu.enqueue_dma source(%dma_start3A_367 : memref<224x128xf32, #tpu.memory_space<vmem_shared>>) target(%dma_start3A_365 : memref<224x128xf32, #tpu.memory_space<vmem>>) target_semaphore(%run_scoped3A : memref<!tpu.dma_semaphore, #tpu.memory_space<semaphore_mem>>)
      %dma_wait3A = arith.constant 0 : i32
      %dma_wait3A_368 = arith.constant 0 : i32
      %dma_wait3A_369 = tpu.memref_slice %arg11[%dma_wait3A, %dma_wait3A_368] : memref<512x128xf32, #tpu.memory_space<vmem>> -> memref<224x128xf32, #tpu.memory_space<vmem>>
      %dma_wait3A_370 = arith.constant 0 : i32
      %dma_wait3A_371 = tpu.memref_slice %arg13[%mul3A_204, %dma_wait3A_370] : memref<3585x128xf32, #tpu.memory_space<vmem_shared>> -> memref<224x128xf32, #tpu.memory_space<vmem_shared>>
      %dma_wait3A_372 = arith.constant 0 : i32
      %dma_wait3A_373 = arith.constant 0 : i32
      %dma_wait3A_374 = tpu.memref_slice %arg11[%dma_wait3A_372, %dma_wait3A_373] : memref<512x128xf32, #tpu.memory_space<vmem>> -> memref<224x128xf32, #tpu.memory_space<vmem>>
      %dma_wait3A_375 = arith.constant 0 : i32
      %dma_wait3A_376 = tpu.memref_slice %arg13[%mul3A_204, %dma_wait3A_375] : memref<3585x128xf32, #tpu.memory_space<vmem_shared>> -> memref<224x128xf32, #tpu.memory_space<vmem_shared>>
      tpu.wait_dma2 semaphore(%run_scoped3A : memref<!tpu.dma_semaphore, #tpu.memory_space<semaphore_mem>>) src(%dma_wait3A_376 : memref<224x128xf32, #tpu.memory_space<vmem_shared>>) dst(%dma_wait3A_374 : memref<224x128xf32, #tpu.memory_space<vmem>>)
      tpu.yield
    }) : () -> ()
    "tpu.region"() ({
      %run_scoped3A = tpu.sem_alloc : memref<!tpu.dma_semaphore, #tpu.memory_space<semaphore_mem>>
      %dma_start3A = arith.constant 0 : i32
      %dma_start3A_359 = arith.constant 0 : i32
      %dma_start3A_360 = tpu.memref_slice %arg11[%dma_start3A, %dma_start3A_359] : memref<512x128xf32, #tpu.memory_space<vmem>> -> memref<224x128xf32, #tpu.memory_space<vmem>>
      %dma_start3A_361 = arith.constant 0 : i32
      %dma_start3A_362 = tpu.memref_slice %arg4[%add3A_202, %dma_start3A_361] : memref<50176x128xf32, #tpu.memory_space<hbm>> -> memref<224x128xf32, #tpu.memory_space<hbm>>
      %dma_start3A_363 = arith.constant 0 : i32
      %dma_start3A_364 = tpu.memref_slice %arg4[%add3A_202, %dma_start3A_363] : memref<50176x128xf32, #tpu.memory_space<hbm>> -> memref<224x128xf32, #tpu.memory_space<hbm>>
      %dma_start3A_365 = arith.constant 0 : i32
      %dma_start3A_366 = arith.constant 0 : i32
      %dma_start3A_367 = tpu.memref_slice %arg11[%dma_start3A_365, %dma_start3A_366] : memref<512x128xf32, #tpu.memory_space<vmem>> -> memref<224x128xf32, #tpu.memory_space<vmem>>
      tpu.enqueue_dma source(%dma_start3A_367 : memref<224x128xf32, #tpu.memory_space<vmem>>) target(%dma_start3A_364 : memref<224x128xf32, #tpu.memory_space<hbm>>) target_semaphore(%run_scoped3A : memref<!tpu.dma_semaphore, #tpu.memory_space<semaphore_mem>>)
      %dma_wait3A = arith.constant 0 : i32
      %dma_wait3A_368 = arith.constant 0 : i32
      %dma_wait3A_369 = tpu.memref_slice %arg11[%dma_wait3A, %dma_wait3A_368] : memref<512x128xf32, #tpu.memory_space<vmem>> -> memref<224x128xf32, #tpu.memory_space<vmem>>
      %dma_wait3A_370 = arith.constant 0 : i32
      %dma_wait3A_371 = tpu.memref_slice %arg4[%add3A_202, %dma_wait3A_370] : memref<50176x128xf32, #tpu.memory_space<hbm>> -> memref<224x128xf32, #tpu.memory_space<hbm>>
      %dma_wait3A_372 = arith.constant 0 : i32
      %dma_wait3A_373 = tpu.memref_slice %arg4[%add3A_202, %dma_wait3A_372] : memref<50176x128xf32, #tpu.memory_space<hbm>> -> memref<224x128xf32, #tpu.memory_space<hbm>>
      %dma_wait3A_374 = arith.constant 0 : i32
      %dma_wait3A_375 = arith.constant 0 : i32
      %dma_wait3A_376 = tpu.memref_slice %arg11[%dma_wait3A_374, %dma_wait3A_375] : memref<512x128xf32, #tpu.memory_space<vmem>> -> memref<224x128xf32, #tpu.memory_space<vmem>>
      tpu.wait_dma2 semaphore(%run_scoped3A : memref<!tpu.dma_semaphore, #tpu.memory_space<semaphore_mem>>) src(%dma_wait3A_376 : memref<224x128xf32, #tpu.memory_space<vmem>>) dst(%dma_wait3A_373 : memref<224x128xf32, #tpu.memory_space<hbm>>)
      tpu.yield
    }) : () -> ()
    %barrier3A_205 = arith.constant 0 : index
    tpu.barrier barrier_id(%barrier3A_205)
    %add3A_206 = arith.constant 8 : i32
    %add3A_207 = arith.addi %add3A_206, %arg0 : i32
    %mul3A_208 = arith.constant 3584 : i32
    %mul3A_209 = arith.muli %add3A_207, %mul3A_208 : i32
    %mul3A_210 = arith.constant 224 : i32
    %mul3A_211 = arith.muli %arg1, %mul3A_210 : i32
    %add3A_212 = arith.constant 0 : i32
    %add3A_213 = arith.addi %mul3A_211, %add3A_212 : i32
    "tpu.region"() ({
      %run_scoped3A = tpu.sem_alloc : memref<!tpu.dma_semaphore, #tpu.memory_space<semaphore_mem>>
      %dma_start3A = arith.constant 0 : i32
      %dma_start3A_359 = tpu.memref_slice %arg13[%add3A_213, %dma_start3A] : memref<3585x128xf32, #tpu.memory_space<vmem_shared>> -> memref<64x128xf32, #tpu.memory_space<vmem_shared>>
      %dma_start3A_360 = arith.constant 0 : i32
      %dma_start3A_361 = tpu.memref_slice %arg13[%add3A_213, %dma_start3A_360] : memref<3585x128xf32, #tpu.memory_space<vmem_shared>> -> memref<64x128xf32, #tpu.memory_space<vmem_shared>>
      tpu.enqueue_dma source(%arg12 : memref<64x128xf32, #tpu.memory_space<vmem>>) target(%dma_start3A_361 : memref<64x128xf32, #tpu.memory_space<vmem_shared>>) target_semaphore(%run_scoped3A : memref<!tpu.dma_semaphore, #tpu.memory_space<semaphore_mem>>)
      %dma_wait3A = arith.constant 0 : i32
      %dma_wait3A_362 = tpu.memref_slice %arg13[%add3A_213, %dma_wait3A] : memref<3585x128xf32, #tpu.memory_space<vmem_shared>> -> memref<64x128xf32, #tpu.memory_space<vmem_shared>>
      %dma_wait3A_363 = arith.constant 0 : i32
      %dma_wait3A_364 = tpu.memref_slice %arg13[%add3A_213, %dma_wait3A_363] : memref<3585x128xf32, #tpu.memory_space<vmem_shared>> -> memref<64x128xf32, #tpu.memory_space<vmem_shared>>
      tpu.wait_dma2 semaphore(%run_scoped3A : memref<!tpu.dma_semaphore, #tpu.memory_space<semaphore_mem>>) src(%arg12 : memref<64x128xf32, #tpu.memory_space<vmem>>) dst(%dma_wait3A_364 : memref<64x128xf32, #tpu.memory_space<vmem_shared>>)
      tpu.yield
    }) : () -> ()
    %mul3A_214 = arith.constant 224 : i32
    %mul3A_215 = arith.muli %arg1, %mul3A_214 : i32
    %add3A_216 = arith.constant 64 : i32
    %add3A_217 = arith.addi %mul3A_215, %add3A_216 : i32
    "tpu.region"() ({
      %run_scoped3A = tpu.sem_alloc : memref<!tpu.dma_semaphore, #tpu.memory_space<semaphore_mem>>
      %dma_start3A = arith.constant 0 : i32
      %dma_start3A_359 = tpu.memref_slice %arg13[%add3A_217, %dma_start3A] : memref<3585x128xf32, #tpu.memory_space<vmem_shared>> -> memref<64x128xf32, #tpu.memory_space<vmem_shared>>
      %dma_start3A_360 = arith.constant 0 : i32
      %dma_start3A_361 = tpu.memref_slice %arg13[%add3A_217, %dma_start3A_360] : memref<3585x128xf32, #tpu.memory_space<vmem_shared>> -> memref<64x128xf32, #tpu.memory_space<vmem_shared>>
      tpu.enqueue_dma source(%arg12 : memref<64x128xf32, #tpu.memory_space<vmem>>) target(%dma_start3A_361 : memref<64x128xf32, #tpu.memory_space<vmem_shared>>) target_semaphore(%run_scoped3A : memref<!tpu.dma_semaphore, #tpu.memory_space<semaphore_mem>>)
      %dma_wait3A = arith.constant 0 : i32
      %dma_wait3A_362 = tpu.memref_slice %arg13[%add3A_217, %dma_wait3A] : memref<3585x128xf32, #tpu.memory_space<vmem_shared>> -> memref<64x128xf32, #tpu.memory_space<vmem_shared>>
      %dma_wait3A_363 = arith.constant 0 : i32
      %dma_wait3A_364 = tpu.memref_slice %arg13[%add3A_217, %dma_wait3A_363] : memref<3585x128xf32, #tpu.memory_space<vmem_shared>> -> memref<64x128xf32, #tpu.memory_space<vmem_shared>>
      tpu.wait_dma2 semaphore(%run_scoped3A : memref<!tpu.dma_semaphore, #tpu.memory_space<semaphore_mem>>) src(%arg12 : memref<64x128xf32, #tpu.memory_space<vmem>>) dst(%dma_wait3A_364 : memref<64x128xf32, #tpu.memory_space<vmem_shared>>)
      tpu.yield
    }) : () -> ()
    %mul3A_218 = arith.constant 224 : i32
    %mul3A_219 = arith.muli %arg1, %mul3A_218 : i32
    %add3A_220 = arith.constant 128 : i32
    %add3A_221 = arith.addi %mul3A_219, %add3A_220 : i32
    "tpu.region"() ({
      %run_scoped3A = tpu.sem_alloc : memref<!tpu.dma_semaphore, #tpu.memory_space<semaphore_mem>>
      %dma_start3A = arith.constant 0 : i32
      %dma_start3A_359 = tpu.memref_slice %arg13[%add3A_221, %dma_start3A] : memref<3585x128xf32, #tpu.memory_space<vmem_shared>> -> memref<64x128xf32, #tpu.memory_space<vmem_shared>>
      %dma_start3A_360 = arith.constant 0 : i32
      %dma_start3A_361 = tpu.memref_slice %arg13[%add3A_221, %dma_start3A_360] : memref<3585x128xf32, #tpu.memory_space<vmem_shared>> -> memref<64x128xf32, #tpu.memory_space<vmem_shared>>
      tpu.enqueue_dma source(%arg12 : memref<64x128xf32, #tpu.memory_space<vmem>>) target(%dma_start3A_361 : memref<64x128xf32, #tpu.memory_space<vmem_shared>>) target_semaphore(%run_scoped3A : memref<!tpu.dma_semaphore, #tpu.memory_space<semaphore_mem>>)
      %dma_wait3A = arith.constant 0 : i32
      %dma_wait3A_362 = tpu.memref_slice %arg13[%add3A_221, %dma_wait3A] : memref<3585x128xf32, #tpu.memory_space<vmem_shared>> -> memref<64x128xf32, #tpu.memory_space<vmem_shared>>
      %dma_wait3A_363 = arith.constant 0 : i32
      %dma_wait3A_364 = tpu.memref_slice %arg13[%add3A_221, %dma_wait3A_363] : memref<3585x128xf32, #tpu.memory_space<vmem_shared>> -> memref<64x128xf32, #tpu.memory_space<vmem_shared>>
      tpu.wait_dma2 semaphore(%run_scoped3A : memref<!tpu.dma_semaphore, #tpu.memory_space<semaphore_mem>>) src(%arg12 : memref<64x128xf32, #tpu.memory_space<vmem>>) dst(%dma_wait3A_364 : memref<64x128xf32, #tpu.memory_space<vmem_shared>>)
      tpu.yield
    }) : () -> ()
    %mul3A_222 = arith.constant 224 : i32
    %mul3A_223 = arith.muli %arg1, %mul3A_222 : i32
    %add3A_224 = arith.constant 192 : i32
    %add3A_225 = arith.addi %mul3A_223, %add3A_224 : i32
    "tpu.region"() ({
      %run_scoped3A = tpu.sem_alloc : memref<!tpu.dma_semaphore, #tpu.memory_space<semaphore_mem>>
      %dma_start3A = arith.constant 0 : i32
      %dma_start3A_359 = arith.constant 0 : i32
      %dma_start3A_360 = tpu.memref_slice %arg12[%dma_start3A, %dma_start3A_359] : memref<64x128xf32, #tpu.memory_space<vmem>> -> memref<32x128xf32, #tpu.memory_space<vmem>>
      %dma_start3A_361 = arith.constant 0 : i32
      %dma_start3A_362 = tpu.memref_slice %arg13[%add3A_225, %dma_start3A_361] : memref<3585x128xf32, #tpu.memory_space<vmem_shared>> -> memref<32x128xf32, #tpu.memory_space<vmem_shared>>
      %dma_start3A_363 = arith.constant 0 : i32
      %dma_start3A_364 = tpu.memref_slice %arg13[%add3A_225, %dma_start3A_363] : memref<3585x128xf32, #tpu.memory_space<vmem_shared>> -> memref<32x128xf32, #tpu.memory_space<vmem_shared>>
      %dma_start3A_365 = arith.constant 0 : i32
      %dma_start3A_366 = arith.constant 0 : i32
      %dma_start3A_367 = tpu.memref_slice %arg12[%dma_start3A_365, %dma_start3A_366] : memref<64x128xf32, #tpu.memory_space<vmem>> -> memref<32x128xf32, #tpu.memory_space<vmem>>
      tpu.enqueue_dma source(%dma_start3A_367 : memref<32x128xf32, #tpu.memory_space<vmem>>) target(%dma_start3A_364 : memref<32x128xf32, #tpu.memory_space<vmem_shared>>) target_semaphore(%run_scoped3A : memref<!tpu.dma_semaphore, #tpu.memory_space<semaphore_mem>>)
      %dma_wait3A = arith.constant 0 : i32
      %dma_wait3A_368 = arith.constant 0 : i32
      %dma_wait3A_369 = tpu.memref_slice %arg12[%dma_wait3A, %dma_wait3A_368] : memref<64x128xf32, #tpu.memory_space<vmem>> -> memref<32x128xf32, #tpu.memory_space<vmem>>
      %dma_wait3A_370 = arith.constant 0 : i32
      %dma_wait3A_371 = tpu.memref_slice %arg13[%add3A_225, %dma_wait3A_370] : memref<3585x128xf32, #tpu.memory_space<vmem_shared>> -> memref<32x128xf32, #tpu.memory_space<vmem_shared>>
      %dma_wait3A_372 = arith.constant 0 : i32
      %dma_wait3A_373 = tpu.memref_slice %arg13[%add3A_225, %dma_wait3A_372] : memref<3585x128xf32, #tpu.memory_space<vmem_shared>> -> memref<32x128xf32, #tpu.memory_space<vmem_shared>>
      %dma_wait3A_374 = arith.constant 0 : i32
      %dma_wait3A_375 = arith.constant 0 : i32
      %dma_wait3A_376 = tpu.memref_slice %arg12[%dma_wait3A_374, %dma_wait3A_375] : memref<64x128xf32, #tpu.memory_space<vmem>> -> memref<32x128xf32, #tpu.memory_space<vmem>>
      tpu.wait_dma2 semaphore(%run_scoped3A : memref<!tpu.dma_semaphore, #tpu.memory_space<semaphore_mem>>) src(%dma_wait3A_376 : memref<32x128xf32, #tpu.memory_space<vmem>>) dst(%dma_wait3A_373 : memref<32x128xf32, #tpu.memory_space<vmem_shared>>)
      tpu.yield
    }) : () -> ()
    %barrier3A_226 = arith.constant 0 : index
    tpu.barrier barrier_id(%barrier3A_226)
    %scan3A_227 = arith.constant 0 : i32
    %scan3A_228 = arith.constant 0 : i32
    %scan3A_229 = arith.constant 512 : i32
    %scan3A_230 = arith.addi %scan3A_228, %scan3A_229 : i32
    %scan3A_231 = arith.constant 1 : i32
    scf.for %scan3A_359 = %scan3A_228 to %scan3A_230 step %scan3A_231  : i32 {
      %broadcast_in_dim3A = arith.constant 0 : i32
      %broadcast_in_dim3A_360 = vector.broadcast %broadcast_in_dim3A : i32 to vector<16xi32>
      %mul3A_361 = arith.constant 16 : i32
      %mul3A_362 = arith.muli %scan3A_359, %mul3A_361 : i32
      %swap3A = arith.index_cast %mul3A_362 : i32 to index
      %swap3A_363 = tpu.vector_load %arg7[%swap3A] {strides = array<i32>} : memref<8192xi32, #tpu.memory_space<vmem>>, vector<16xi32>,
      tpu.vector_store %arg7[%swap3A], %broadcast_in_dim3A_360 {strides = array<i32>} : memref<8192xi32, #tpu.memory_space<vmem>>, vector<16xi32>,
      %broadcast_in_dim3A_364 = arith.constant 3584 : i32
      %broadcast_in_dim3A_365 = vector.broadcast %broadcast_in_dim3A_364 : i32 to vector<16xi32>
      %mul3A_366 = arith.constant 16 : i32
      %mul3A_367 = arith.muli %scan3A_359, %mul3A_366 : i32
      %swap3A_368 = arith.index_cast %mul3A_367 : i32 to index
      %swap3A_369 = tpu.vector_load %arg8[%swap3A_368] {strides = array<i32>} : memref<8192xi32, #tpu.memory_space<vmem>>, vector<16xi32>,
      tpu.vector_store %arg8[%swap3A_368], %broadcast_in_dim3A_365 {strides = array<i32>} : memref<8192xi32, #tpu.memory_space<vmem>>, vector<16xi32>,
    }
    %scan3A_232 = arith.constant 512 : i32
    %scan3A_233 = arith.constant 0 : i32
    %scan3A_234 = arith.constant 0 : i32
    %scan3A_235 = arith.constant 25 : i32
    %scan3A_236 = arith.addi %scan3A_234, %scan3A_235 : i32
    %scan3A_237 = arith.constant 1 : i32
    %scan3A_238 = scf.for %scan3A_359 = %scan3A_234 to %scan3A_236 step %scan3A_237 iter_args(%scan3A_360 = %scan3A_233) -> (i32)  : i32 {
      %mul3A_361 = arith.constant 50000 : i32
      %mul3A_362 = arith.muli %arg1, %mul3A_361 : i32
      %mul3A_363 = arith.constant 2000 : i32
      %mul3A_364 = arith.muli %scan3A_359, %mul3A_363 : i32
      %add3A_365 = arith.addi %mul3A_362, %mul3A_364 : i32
      "tpu.region"() ({
        %run_scoped3A = tpu.sem_alloc : memref<!tpu.dma_semaphore, #tpu.memory_space<semaphore_mem>>
        %dma_start3A = tpu.memref_slice %arg3[%add3A_365] : memref<1600000xi32, #tpu.memory_space<hbm>> -> memref<2000xi32, #tpu.memory_space<hbm>>
        %dma_start3A_374 = tpu.memref_slice %arg3[%add3A_365] : memref<1600000xi32, #tpu.memory_space<hbm>> -> memref<2000xi32, #tpu.memory_space<hbm>>
        tpu.enqueue_dma source(%dma_start3A_374 : memref<2000xi32, #tpu.memory_space<hbm>>) target(%arg5 : memref<2000xi32, #tpu.memory_space<vmem>>) target_semaphore(%run_scoped3A : memref<!tpu.dma_semaphore, #tpu.memory_space<semaphore_mem>>)
        %dma_wait3A = tpu.memref_slice %arg3[%add3A_365] : memref<1600000xi32, #tpu.memory_space<hbm>> -> memref<2000xi32, #tpu.memory_space<hbm>>
        %dma_wait3A_375 = tpu.memref_slice %arg3[%add3A_365] : memref<1600000xi32, #tpu.memory_space<hbm>> -> memref<2000xi32, #tpu.memory_space<hbm>>
        tpu.wait_dma2 semaphore(%run_scoped3A : memref<!tpu.dma_semaphore, #tpu.memory_space<semaphore_mem>>) src(%dma_wait3A_375 : memref<2000xi32, #tpu.memory_space<hbm>>) dst(%arg5 : memref<2000xi32, #tpu.memory_space<vmem>>)
        tpu.yield
      }) : () -> ()
      %add3A_366 = arith.constant 800000 : i32
      %add3A_367 = arith.addi %add3A_366, %add3A_365 : i32
      "tpu.region"() ({
        %run_scoped3A = tpu.sem_alloc : memref<!tpu.dma_semaphore, #tpu.memory_space<semaphore_mem>>
        %dma_start3A = tpu.memref_slice %arg3[%add3A_367] : memref<1600000xi32, #tpu.memory_space<hbm>> -> memref<2000xi32, #tpu.memory_space<hbm>>
        %dma_start3A_374 = tpu.memref_slice %arg3[%add3A_367] : memref<1600000xi32, #tpu.memory_space<hbm>> -> memref<2000xi32, #tpu.memory_space<hbm>>
        tpu.enqueue_dma source(%dma_start3A_374 : memref<2000xi32, #tpu.memory_space<hbm>>) target(%arg6 : memref<2000xi32, #tpu.memory_space<vmem>>) target_semaphore(%run_scoped3A : memref<!tpu.dma_semaphore, #tpu.memory_space<semaphore_mem>>)
        %dma_wait3A = tpu.memref_slice %arg3[%add3A_367] : memref<1600000xi32, #tpu.memory_space<hbm>> -> memref<2000xi32, #tpu.memory_space<hbm>>
        %dma_wait3A_375 = tpu.memref_slice %arg3[%add3A_367] : memref<1600000xi32, #tpu.memory_space<hbm>> -> memref<2000xi32, #tpu.memory_space<hbm>>
        tpu.wait_dma2 semaphore(%run_scoped3A : memref<!tpu.dma_semaphore, #tpu.memory_space<semaphore_mem>>) src(%dma_wait3A_375 : memref<2000xi32, #tpu.memory_space<hbm>>) dst(%arg6 : memref<2000xi32, #tpu.memory_space<vmem>>)
        tpu.yield
      }) : () -> ()
      %scan3A_368 = arith.constant 0 : i32
      %scan3A_369 = arith.constant 125 : i32
      %scan3A_370 = arith.addi %scan3A_368, %scan3A_369 : i32
      %scan3A_371 = arith.constant 1 : i32
      %scan3A_372 = scf.for %scan3A_374 = %scan3A_368 to %scan3A_370 step %scan3A_371 iter_args(%scan3A_375 = %scan3A_360) -> (i32)  : i32 {
        %mul3A_376 = arith.constant 16 : i32
        %mul3A_377 = arith.muli %scan3A_374, %mul3A_376 : i32
        %get3A = arith.index_cast %mul3A_377 : i32 to index
        %get3A_378 = tpu.vector_load %arg6[%get3A] {strides = array<i32>} : memref<2000xi32, #tpu.memory_space<vmem>>, vector<16xi32>,
        %mul3A_379 = arith.constant 16 : i32
        %mul3A_380 = arith.muli %scan3A_374, %mul3A_379 : i32
        %get3A_381 = arith.index_cast %mul3A_380 : i32 to index
        %get3A_382 = tpu.vector_load %arg5[%get3A_381] {strides = array<i32>} : memref<2000xi32, #tpu.memory_space<vmem>>, vector<16xi32>,
        %ge3A = vector.broadcast %mul3A_209 : i32 to vector<16xi32>
        %ge3A_383 = arith.cmpi sge, %get3A_378, %ge3A : vector<16xi32>
        %add3A_384 = arith.constant 3584 : i32
        %add3A_385 = arith.addi %mul3A_209, %add3A_384 : i32
        %lt3A = vector.broadcast %add3A_385 : i32 to vector<16xi32>
        %lt3A_386 = arith.cmpi slt, %get3A_378, %lt3A : vector<16xi32>
        %and3A = arith.andi %ge3A_383, %lt3A_386 : vector<16xi1>
        %sub3A = vector.broadcast %mul3A_209 : i32 to vector<16xi32>
        %sub3A_387 = arith.subi %get3A_378, %sub3A : vector<16xi32>
        %swap3A = arith.index_cast %scan3A_375 : i32 to index
        %swap3A_388 = tpu.vector_load %arg8[%swap3A] masked %and3A {strides = array<i32>} : memref<8192xi32, #tpu.memory_space<vmem>>, vector<16xi32>, vector<16xi1>
        tpu.vector_store %arg8[%swap3A], %sub3A_387 masked %and3A {strides = array<i32>} : memref<8192xi32, #tpu.memory_space<vmem>>, vector<16xi32>, vector<16xi1>
        %swap3A_389 = arith.index_cast %scan3A_375 : i32 to index
        %swap3A_390 = tpu.vector_load %arg7[%swap3A_389] masked %and3A {strides = array<i32>} : memref<8192xi32, #tpu.memory_space<vmem>>, vector<16xi32>, vector<16xi1>
        tpu.vector_store %arg7[%swap3A_389], %get3A_382 masked %and3A {strides = array<i32>} : memref<8192xi32, #tpu.memory_space<vmem>>, vector<16xi32>, vector<16xi1>
        %all_reduce_population_count3A = tpu.all_reduce %and3A {dim = 0 : i64, kind = #tpu.reduction_kind<sum>} : vector<16xi1> -> vector<16xi32>
        %reduce_max3A = arith.constant true
        %reduce_max3A_391 = vector.broadcast %reduce_max3A : i1 to vector<16xi1>
        %reduce_max3A_392 = arith.constant -2147483648 : i32
        %reduce_max3A_393 = vector.broadcast %reduce_max3A_392 : i32 to vector<16xi32>
        %reduce_max3A_394 = arith.xori %all_reduce_population_count3A, %reduce_max3A_393 : vector<16xi32>
        %reduce_max3A_395 = tpu.scan <max>, %reduce_max3A_394 masked %reduce_max3A_391 : vector<16xi32>, vector<16xi1> -> vector<16xi32>
        %reduce_max3A_396 = arith.xori %reduce_max3A_395, %reduce_max3A_393 : vector<16xi32>
        %reduce_max3A_397 = vector.extract %reduce_max3A_396[15] : i32 from vector<16xi32>
        %add3A_398 = arith.addi %scan3A_375, %reduce_max3A_397 : i32
        %min3A = arith.constant 8176 : i32
        %min3A_399 = arith.minsi %add3A_398, %min3A : i32
        scf.yield %min3A_399 : i32
      }
      %scan3A_373 = arith.constant 125 : i32
      scf.yield %scan3A_372 : i32
    }
    %scan3A_239 = arith.constant 25 : i32
    %scan3A_240 = arith.constant 0 : i32
    %scan3A_241 = arith.constant 0 : i32
    %scan3A_242 = arith.constant 16 : i32
    %scan3A_243 = arith.addi %scan3A_241, %scan3A_242 : i32
    %scan3A_244 = arith.constant 1 : i32
    scf.for %scan3A_359 = %scan3A_241 to %scan3A_243 step %scan3A_244  : i32 {
      %mul3A_360 = arith.constant 512 : i32
      %mul3A_361 = arith.muli %scan3A_359, %mul3A_360 : i32
      %lt3A = arith.cmpi slt, %mul3A_361, %scan3A_238 : i32
      %convert_element_type3A = arith.extui %lt3A : i1 to i32
      %cond3A = arith.constant 0 : i32
      %cond3A_362 = arith.cmpi ne, %convert_element_type3A, %cond3A : i32
      scf.if %cond3A_362 {
        %scan3A_363 = arith.constant 0 : i32
        %scan3A_364 = arith.constant 0 : i32
        %scan3A_365 = arith.constant 32 : i32
        %scan3A_366 = arith.addi %scan3A_364, %scan3A_365 : i32
        %scan3A_367 = arith.constant 1 : i32
        scf.for %scan3A_369 = %scan3A_364 to %scan3A_366 step %scan3A_367  : i32 {
          %mul3A_370 = arith.constant 512 : i32
          %mul3A_371 = arith.muli %scan3A_359, %mul3A_370 : i32
          %mul3A_372 = arith.constant 16 : i32
          %mul3A_373 = arith.muli %scan3A_369, %mul3A_372 : i32
          %add3A_374 = arith.addi %mul3A_371, %mul3A_373 : i32
          %get3A = arith.index_cast %add3A_374 : i32 to index
          %get3A_375 = tpu.vector_load %arg7[%get3A] {strides = array<i32>} : memref<8192xi32, #tpu.memory_space<vmem>>, vector<16xi32>,
          %mul3A_376 = arith.constant 16 : i32
          %mul3A_377 = arith.muli %scan3A_369, %mul3A_376 : i32
          %swap3A = arith.index_cast %mul3A_377 : i32 to index
          %swap3A_378 = tpu.vector_load %arg9[%swap3A] {strides = array<i32>} : memref<512xi32, #tpu.memory_space<vmem>>, vector<16xi32>,
          tpu.vector_store %arg9[%swap3A], %get3A_375 {strides = array<i32>} : memref<512xi32, #tpu.memory_space<vmem>>, vector<16xi32>,
          %mul3A_379 = arith.constant 512 : i32
          %mul3A_380 = arith.muli %scan3A_359, %mul3A_379 : i32
          %mul3A_381 = arith.constant 16 : i32
          %mul3A_382 = arith.muli %scan3A_369, %mul3A_381 : i32
          %add3A_383 = arith.addi %mul3A_380, %mul3A_382 : i32
          %get3A_384 = arith.index_cast %add3A_383 : i32 to index
          %get3A_385 = tpu.vector_load %arg8[%get3A_384] {strides = array<i32>} : memref<8192xi32, #tpu.memory_space<vmem>>, vector<16xi32>,
          %mul3A_386 = arith.constant 16 : i32
          %mul3A_387 = arith.muli %scan3A_369, %mul3A_386 : i32
          %swap3A_388 = arith.index_cast %mul3A_387 : i32 to index
          %swap3A_389 = tpu.vector_load %arg10[%swap3A_388] {strides = array<i32>} : memref<512xi32, #tpu.memory_space<vmem>>, vector<16xi32>,
          tpu.vector_store %arg10[%swap3A_388], %get3A_385 {strides = array<i32>} : memref<512xi32, #tpu.memory_space<vmem>>, vector<16xi32>,
        }
        %scan3A_368 = arith.constant 32 : i32
        "tpu.region"() ({
          %run_scoped3A = tpu.sem_alloc : memref<!tpu.dma_semaphore, #tpu.memory_space<semaphore_mem>>
          %dma_start3A = arith.constant 0 : i32
          %dma_start3A_369 = arith.constant 0 : i32
          %dma_start3A_370 = tpu.memref_slice %arg2[%dma_start3A, %dma_start3A_369] : memref<50176x128xf32, #tpu.memory_space<hbm>> -> memref<50176x128xf32, #tpu.memory_space<hbm>>
          tpu.enqueue_indirect_dma source(%dma_start3A_370 : memref<50176x128xf32, #tpu.memory_space<hbm>>) target(%arg11 : memref<512x128xf32, #tpu.memory_space<vmem>>) offsets(%arg9 : memref<512xi32, #tpu.memory_space<vmem>>) semaphore(%run_scoped3A : memref<!tpu.dma_semaphore, #tpu.memory_space<semaphore_mem>>)
          %dma_wait3A = arith.constant 0 : i32
          %dma_wait3A_371 = arith.constant 0 : i32
          %dma_wait3A_372 = tpu.memref_slice %arg2[%dma_wait3A, %dma_wait3A_371] : memref<50176x128xf32, #tpu.memory_space<hbm>> -> memref<50176x128xf32, #tpu.memory_space<hbm>>
          tpu.wait_indirect_dma semaphore(%run_scoped3A : memref<!tpu.dma_semaphore, #tpu.memory_space<semaphore_mem>>) src(%dma_wait3A_372 : memref<50176x128xf32, #tpu.memory_space<hbm>>) dst(%arg11 : memref<512x128xf32, #tpu.memory_space<vmem>>)
          tpu.yield
        }) : () -> ()
        "tpu.region"() ({
          %run_scoped3A = tpu.sem_alloc : memref<!tpu.dma_semaphore, #tpu.memory_space<semaphore_mem>>
          %dma_start3A = arith.constant 0 : i32
          %dma_start3A_369 = arith.constant 0 : i32
          %dma_start3A_370 = tpu.memref_slice %arg13[%dma_start3A, %dma_start3A_369] : memref<3585x128xf32, #tpu.memory_space<vmem_shared>> -> memref<3585x128xf32, #tpu.memory_space<vmem_shared>>
          tpu.enqueue_indirect_dma source(%arg11 : memref<512x128xf32, #tpu.memory_space<vmem>>) target(%dma_start3A_370 : memref<3585x128xf32, #tpu.memory_space<vmem_shared>>) offsets(%arg10 : memref<512xi32, #tpu.memory_space<vmem>>) semaphore(%run_scoped3A : memref<!tpu.dma_semaphore, #tpu.memory_space<semaphore_mem>>) {add = true}
          %dma_wait3A = arith.constant 0 : i32
          %dma_wait3A_371 = arith.constant 0 : i32
          %dma_wait3A_372 = tpu.memref_slice %arg13[%dma_wait3A, %dma_wait3A_371] : memref<3585x128xf32, #tpu.memory_space<vmem_shared>> -> memref<3585x128xf32, #tpu.memory_space<vmem_shared>>
          tpu.wait_indirect_dma semaphore(%run_scoped3A : memref<!tpu.dma_semaphore, #tpu.memory_space<semaphore_mem>>) src(%arg11 : memref<512x128xf32, #tpu.memory_space<vmem>>) dst(%dma_wait3A_372 : memref<3585x128xf32, #tpu.memory_space<vmem_shared>>)
          tpu.yield
        }) : () -> ()
      } else {
      }
    }
    %scan3A_245 = arith.constant 16 : i32
    %barrier3A_246 = arith.constant 0 : index
    tpu.barrier barrier_id(%barrier3A_246)
    %add3A_247 = arith.constant 8 : i32
    %add3A_248 = arith.addi %add3A_247, %arg0 : i32
    %mul3A_249 = arith.constant 3584 : i32
    %mul3A_250 = arith.muli %add3A_248, %mul3A_249 : i32
    %mul3A_251 = arith.constant 224 : i32
    %mul3A_252 = arith.muli %arg1, %mul3A_251 : i32
    %add3A_253 = arith.addi %mul3A_250, %mul3A_252 : i32
    %mul3A_254 = arith.constant 224 : i32
    %mul3A_255 = arith.muli %arg1, %mul3A_254 : i32
    "tpu.region"() ({
      %run_scoped3A = tpu.sem_alloc : memref<!tpu.dma_semaphore, #tpu.memory_space<semaphore_mem>>
      %dma_start3A = arith.constant 0 : i32
      %dma_start3A_359 = arith.constant 0 : i32
      %dma_start3A_360 = tpu.memref_slice %arg11[%dma_start3A, %dma_start3A_359] : memref<512x128xf32, #tpu.memory_space<vmem>> -> memref<224x128xf32, #tpu.memory_space<vmem>>
      %dma_start3A_361 = arith.constant 0 : i32
      %dma_start3A_362 = tpu.memref_slice %arg13[%mul3A_255, %dma_start3A_361] : memref<3585x128xf32, #tpu.memory_space<vmem_shared>> -> memref<224x128xf32, #tpu.memory_space<vmem_shared>>
      %dma_start3A_363 = arith.constant 0 : i32
      %dma_start3A_364 = arith.constant 0 : i32
      %dma_start3A_365 = tpu.memref_slice %arg11[%dma_start3A_363, %dma_start3A_364] : memref<512x128xf32, #tpu.memory_space<vmem>> -> memref<224x128xf32, #tpu.memory_space<vmem>>
      %dma_start3A_366 = arith.constant 0 : i32
      %dma_start3A_367 = tpu.memref_slice %arg13[%mul3A_255, %dma_start3A_366] : memref<3585x128xf32, #tpu.memory_space<vmem_shared>> -> memref<224x128xf32, #tpu.memory_space<vmem_shared>>
      tpu.enqueue_dma source(%dma_start3A_367 : memref<224x128xf32, #tpu.memory_space<vmem_shared>>) target(%dma_start3A_365 : memref<224x128xf32, #tpu.memory_space<vmem>>) target_semaphore(%run_scoped3A : memref<!tpu.dma_semaphore, #tpu.memory_space<semaphore_mem>>)
      %dma_wait3A = arith.constant 0 : i32
      %dma_wait3A_368 = arith.constant 0 : i32
      %dma_wait3A_369 = tpu.memref_slice %arg11[%dma_wait3A, %dma_wait3A_368] : memref<512x128xf32, #tpu.memory_space<vmem>> -> memref<224x128xf32, #tpu.memory_space<vmem>>
      %dma_wait3A_370 = arith.constant 0 : i32
      %dma_wait3A_371 = tpu.memref_slice %arg13[%mul3A_255, %dma_wait3A_370] : memref<3585x128xf32, #tpu.memory_space<vmem_shared>> -> memref<224x128xf32, #tpu.memory_space<vmem_shared>>
      %dma_wait3A_372 = arith.constant 0 : i32
      %dma_wait3A_373 = arith.constant 0 : i32
      %dma_wait3A_374 = tpu.memref_slice %arg11[%dma_wait3A_372, %dma_wait3A_373] : memref<512x128xf32, #tpu.memory_space<vmem>> -> memref<224x128xf32, #tpu.memory_space<vmem>>
      %dma_wait3A_375 = arith.constant 0 : i32
      %dma_wait3A_376 = tpu.memref_slice %arg13[%mul3A_255, %dma_wait3A_375] : memref<3585x128xf32, #tpu.memory_space<vmem_shared>> -> memref<224x128xf32, #tpu.memory_space<vmem_shared>>
      tpu.wait_dma2 semaphore(%run_scoped3A : memref<!tpu.dma_semaphore, #tpu.memory_space<semaphore_mem>>) src(%dma_wait3A_376 : memref<224x128xf32, #tpu.memory_space<vmem_shared>>) dst(%dma_wait3A_374 : memref<224x128xf32, #tpu.memory_space<vmem>>)
      tpu.yield
    }) : () -> ()
    "tpu.region"() ({
      %run_scoped3A = tpu.sem_alloc : memref<!tpu.dma_semaphore, #tpu.memory_space<semaphore_mem>>
      %dma_start3A = arith.constant 0 : i32
      %dma_start3A_359 = arith.constant 0 : i32
      %dma_start3A_360 = tpu.memref_slice %arg11[%dma_start3A, %dma_start3A_359] : memref<512x128xf32, #tpu.memory_space<vmem>> -> memref<224x128xf32, #tpu.memory_space<vmem>>
      %dma_start3A_361 = arith.constant 0 : i32
      %dma_start3A_362 = tpu.memref_slice %arg4[%add3A_253, %dma_start3A_361] : memref<50176x128xf32, #tpu.memory_space<hbm>> -> memref<224x128xf32, #tpu.memory_space<hbm>>
      %dma_start3A_363 = arith.constant 0 : i32
      %dma_start3A_364 = tpu.memref_slice %arg4[%add3A_253, %dma_start3A_363] : memref<50176x128xf32, #tpu.memory_space<hbm>> -> memref<224x128xf32, #tpu.memory_space<hbm>>
      %dma_start3A_365 = arith.constant 0 : i32
      %dma_start3A_366 = arith.constant 0 : i32
      %dma_start3A_367 = tpu.memref_slice %arg11[%dma_start3A_365, %dma_start3A_366] : memref<512x128xf32, #tpu.memory_space<vmem>> -> memref<224x128xf32, #tpu.memory_space<vmem>>
      tpu.enqueue_dma source(%dma_start3A_367 : memref<224x128xf32, #tpu.memory_space<vmem>>) target(%dma_start3A_364 : memref<224x128xf32, #tpu.memory_space<hbm>>) target_semaphore(%run_scoped3A : memref<!tpu.dma_semaphore, #tpu.memory_space<semaphore_mem>>)
      %dma_wait3A = arith.constant 0 : i32
      %dma_wait3A_368 = arith.constant 0 : i32
      %dma_wait3A_369 = tpu.memref_slice %arg11[%dma_wait3A, %dma_wait3A_368] : memref<512x128xf32, #tpu.memory_space<vmem>> -> memref<224x128xf32, #tpu.memory_space<vmem>>
      %dma_wait3A_370 = arith.constant 0 : i32
      %dma_wait3A_371 = tpu.memref_slice %arg4[%add3A_253, %dma_wait3A_370] : memref<50176x128xf32, #tpu.memory_space<hbm>> -> memref<224x128xf32, #tpu.memory_space<hbm>>
      %dma_wait3A_372 = arith.constant 0 : i32
      %dma_wait3A_373 = tpu.memref_slice %arg4[%add3A_253, %dma_wait3A_372] : memref<50176x128xf32, #tpu.memory_space<hbm>> -> memref<224x128xf32, #tpu.memory_space<hbm>>
      %dma_wait3A_374 = arith.constant 0 : i32
      %dma_wait3A_375 = arith.constant 0 : i32
      %dma_wait3A_376 = tpu.memref_slice %arg11[%dma_wait3A_374, %dma_wait3A_375] : memref<512x128xf32, #tpu.memory_space<vmem>> -> memref<224x128xf32, #tpu.memory_space<vmem>>
      tpu.wait_dma2 semaphore(%run_scoped3A : memref<!tpu.dma_semaphore, #tpu.memory_space<semaphore_mem>>) src(%dma_wait3A_376 : memref<224x128xf32, #tpu.memory_space<vmem>>) dst(%dma_wait3A_373 : memref<224x128xf32, #tpu.memory_space<hbm>>)
      tpu.yield
    }) : () -> ()
    %barrier3A_256 = arith.constant 0 : index
    tpu.barrier barrier_id(%barrier3A_256)
    %add3A_257 = arith.constant 10 : i32
    %add3A_258 = arith.addi %add3A_257, %arg0 : i32
    %mul3A_259 = arith.constant 3584 : i32
    %mul3A_260 = arith.muli %add3A_258, %mul3A_259 : i32
    %mul3A_261 = arith.constant 224 : i32
    %mul3A_262 = arith.muli %arg1, %mul3A_261 : i32
    %add3A_263 = arith.constant 0 : i32
    %add3A_264 = arith.addi %mul3A_262, %add3A_263 : i32
    "tpu.region"() ({
      %run_scoped3A = tpu.sem_alloc : memref<!tpu.dma_semaphore, #tpu.memory_space<semaphore_mem>>
      %dma_start3A = arith.constant 0 : i32
      %dma_start3A_359 = tpu.memref_slice %arg13[%add3A_264, %dma_start3A] : memref<3585x128xf32, #tpu.memory_space<vmem_shared>> -> memref<64x128xf32, #tpu.memory_space<vmem_shared>>
      %dma_start3A_360 = arith.constant 0 : i32
      %dma_start3A_361 = tpu.memref_slice %arg13[%add3A_264, %dma_start3A_360] : memref<3585x128xf32, #tpu.memory_space<vmem_shared>> -> memref<64x128xf32, #tpu.memory_space<vmem_shared>>
      tpu.enqueue_dma source(%arg12 : memref<64x128xf32, #tpu.memory_space<vmem>>) target(%dma_start3A_361 : memref<64x128xf32, #tpu.memory_space<vmem_shared>>) target_semaphore(%run_scoped3A : memref<!tpu.dma_semaphore, #tpu.memory_space<semaphore_mem>>)
      %dma_wait3A = arith.constant 0 : i32
      %dma_wait3A_362 = tpu.memref_slice %arg13[%add3A_264, %dma_wait3A] : memref<3585x128xf32, #tpu.memory_space<vmem_shared>> -> memref<64x128xf32, #tpu.memory_space<vmem_shared>>
      %dma_wait3A_363 = arith.constant 0 : i32
      %dma_wait3A_364 = tpu.memref_slice %arg13[%add3A_264, %dma_wait3A_363] : memref<3585x128xf32, #tpu.memory_space<vmem_shared>> -> memref<64x128xf32, #tpu.memory_space<vmem_shared>>
      tpu.wait_dma2 semaphore(%run_scoped3A : memref<!tpu.dma_semaphore, #tpu.memory_space<semaphore_mem>>) src(%arg12 : memref<64x128xf32, #tpu.memory_space<vmem>>) dst(%dma_wait3A_364 : memref<64x128xf32, #tpu.memory_space<vmem_shared>>)
      tpu.yield
    }) : () -> ()
    %mul3A_265 = arith.constant 224 : i32
    %mul3A_266 = arith.muli %arg1, %mul3A_265 : i32
    %add3A_267 = arith.constant 64 : i32
    %add3A_268 = arith.addi %mul3A_266, %add3A_267 : i32
    "tpu.region"() ({
      %run_scoped3A = tpu.sem_alloc : memref<!tpu.dma_semaphore, #tpu.memory_space<semaphore_mem>>
      %dma_start3A = arith.constant 0 : i32
      %dma_start3A_359 = tpu.memref_slice %arg13[%add3A_268, %dma_start3A] : memref<3585x128xf32, #tpu.memory_space<vmem_shared>> -> memref<64x128xf32, #tpu.memory_space<vmem_shared>>
      %dma_start3A_360 = arith.constant 0 : i32
      %dma_start3A_361 = tpu.memref_slice %arg13[%add3A_268, %dma_start3A_360] : memref<3585x128xf32, #tpu.memory_space<vmem_shared>> -> memref<64x128xf32, #tpu.memory_space<vmem_shared>>
      tpu.enqueue_dma source(%arg12 : memref<64x128xf32, #tpu.memory_space<vmem>>) target(%dma_start3A_361 : memref<64x128xf32, #tpu.memory_space<vmem_shared>>) target_semaphore(%run_scoped3A : memref<!tpu.dma_semaphore, #tpu.memory_space<semaphore_mem>>)
      %dma_wait3A = arith.constant 0 : i32
      %dma_wait3A_362 = tpu.memref_slice %arg13[%add3A_268, %dma_wait3A] : memref<3585x128xf32, #tpu.memory_space<vmem_shared>> -> memref<64x128xf32, #tpu.memory_space<vmem_shared>>
      %dma_wait3A_363 = arith.constant 0 : i32
      %dma_wait3A_364 = tpu.memref_slice %arg13[%add3A_268, %dma_wait3A_363] : memref<3585x128xf32, #tpu.memory_space<vmem_shared>> -> memref<64x128xf32, #tpu.memory_space<vmem_shared>>
      tpu.wait_dma2 semaphore(%run_scoped3A : memref<!tpu.dma_semaphore, #tpu.memory_space<semaphore_mem>>) src(%arg12 : memref<64x128xf32, #tpu.memory_space<vmem>>) dst(%dma_wait3A_364 : memref<64x128xf32, #tpu.memory_space<vmem_shared>>)
      tpu.yield
    }) : () -> ()
    %mul3A_269 = arith.constant 224 : i32
    %mul3A_270 = arith.muli %arg1, %mul3A_269 : i32
    %add3A_271 = arith.constant 128 : i32
    %add3A_272 = arith.addi %mul3A_270, %add3A_271 : i32
    "tpu.region"() ({
      %run_scoped3A = tpu.sem_alloc : memref<!tpu.dma_semaphore, #tpu.memory_space<semaphore_mem>>
      %dma_start3A = arith.constant 0 : i32
      %dma_start3A_359 = tpu.memref_slice %arg13[%add3A_272, %dma_start3A] : memref<3585x128xf32, #tpu.memory_space<vmem_shared>> -> memref<64x128xf32, #tpu.memory_space<vmem_shared>>
      %dma_start3A_360 = arith.constant 0 : i32
      %dma_start3A_361 = tpu.memref_slice %arg13[%add3A_272, %dma_start3A_360] : memref<3585x128xf32, #tpu.memory_space<vmem_shared>> -> memref<64x128xf32, #tpu.memory_space<vmem_shared>>
      tpu.enqueue_dma source(%arg12 : memref<64x128xf32, #tpu.memory_space<vmem>>) target(%dma_start3A_361 : memref<64x128xf32, #tpu.memory_space<vmem_shared>>) target_semaphore(%run_scoped3A : memref<!tpu.dma_semaphore, #tpu.memory_space<semaphore_mem>>)
      %dma_wait3A = arith.constant 0 : i32
      %dma_wait3A_362 = tpu.memref_slice %arg13[%add3A_272, %dma_wait3A] : memref<3585x128xf32, #tpu.memory_space<vmem_shared>> -> memref<64x128xf32, #tpu.memory_space<vmem_shared>>
      %dma_wait3A_363 = arith.constant 0 : i32
      %dma_wait3A_364 = tpu.memref_slice %arg13[%add3A_272, %dma_wait3A_363] : memref<3585x128xf32, #tpu.memory_space<vmem_shared>> -> memref<64x128xf32, #tpu.memory_space<vmem_shared>>
      tpu.wait_dma2 semaphore(%run_scoped3A : memref<!tpu.dma_semaphore, #tpu.memory_space<semaphore_mem>>) src(%arg12 : memref<64x128xf32, #tpu.memory_space<vmem>>) dst(%dma_wait3A_364 : memref<64x128xf32, #tpu.memory_space<vmem_shared>>)
      tpu.yield
    }) : () -> ()
    %mul3A_273 = arith.constant 224 : i32
    %mul3A_274 = arith.muli %arg1, %mul3A_273 : i32
    %add3A_275 = arith.constant 192 : i32
    %add3A_276 = arith.addi %mul3A_274, %add3A_275 : i32
    "tpu.region"() ({
      %run_scoped3A = tpu.sem_alloc : memref<!tpu.dma_semaphore, #tpu.memory_space<semaphore_mem>>
      %dma_start3A = arith.constant 0 : i32
      %dma_start3A_359 = arith.constant 0 : i32
      %dma_start3A_360 = tpu.memref_slice %arg12[%dma_start3A, %dma_start3A_359] : memref<64x128xf32, #tpu.memory_space<vmem>> -> memref<32x128xf32, #tpu.memory_space<vmem>>
      %dma_start3A_361 = arith.constant 0 : i32
      %dma_start3A_362 = tpu.memref_slice %arg13[%add3A_276, %dma_start3A_361] : memref<3585x128xf32, #tpu.memory_space<vmem_shared>> -> memref<32x128xf32, #tpu.memory_space<vmem_shared>>
      %dma_start3A_363 = arith.constant 0 : i32
      %dma_start3A_364 = tpu.memref_slice %arg13[%add3A_276, %dma_start3A_363] : memref<3585x128xf32, #tpu.memory_space<vmem_shared>> -> memref<32x128xf32, #tpu.memory_space<vmem_shared>>
      %dma_start3A_365 = arith.constant 0 : i32
      %dma_start3A_366 = arith.constant 0 : i32
      %dma_start3A_367 = tpu.memref_slice %arg12[%dma_start3A_365, %dma_start3A_366] : memref<64x128xf32, #tpu.memory_space<vmem>> -> memref<32x128xf32, #tpu.memory_space<vmem>>
      tpu.enqueue_dma source(%dma_start3A_367 : memref<32x128xf32, #tpu.memory_space<vmem>>) target(%dma_start3A_364 : memref<32x128xf32, #tpu.memory_space<vmem_shared>>) target_semaphore(%run_scoped3A : memref<!tpu.dma_semaphore, #tpu.memory_space<semaphore_mem>>)
      %dma_wait3A = arith.constant 0 : i32
      %dma_wait3A_368 = arith.constant 0 : i32
      %dma_wait3A_369 = tpu.memref_slice %arg12[%dma_wait3A, %dma_wait3A_368] : memref<64x128xf32, #tpu.memory_space<vmem>> -> memref<32x128xf32, #tpu.memory_space<vmem>>
      %dma_wait3A_370 = arith.constant 0 : i32
      %dma_wait3A_371 = tpu.memref_slice %arg13[%add3A_276, %dma_wait3A_370] : memref<3585x128xf32, #tpu.memory_space<vmem_shared>> -> memref<32x128xf32, #tpu.memory_space<vmem_shared>>
      %dma_wait3A_372 = arith.constant 0 : i32
      %dma_wait3A_373 = tpu.memref_slice %arg13[%add3A_276, %dma_wait3A_372] : memref<3585x128xf32, #tpu.memory_space<vmem_shared>> -> memref<32x128xf32, #tpu.memory_space<vmem_shared>>
      %dma_wait3A_374 = arith.constant 0 : i32
      %dma_wait3A_375 = arith.constant 0 : i32
      %dma_wait3A_376 = tpu.memref_slice %arg12[%dma_wait3A_374, %dma_wait3A_375] : memref<64x128xf32, #tpu.memory_space<vmem>> -> memref<32x128xf32, #tpu.memory_space<vmem>>
      tpu.wait_dma2 semaphore(%run_scoped3A : memref<!tpu.dma_semaphore, #tpu.memory_space<semaphore_mem>>) src(%dma_wait3A_376 : memref<32x128xf32, #tpu.memory_space<vmem>>) dst(%dma_wait3A_373 : memref<32x128xf32, #tpu.memory_space<vmem_shared>>)
      tpu.yield
    }) : () -> ()
    %barrier3A_277 = arith.constant 0 : index
    tpu.barrier barrier_id(%barrier3A_277)
    %scan3A_278 = arith.constant 0 : i32
    %scan3A_279 = arith.constant 0 : i32
    %scan3A_280 = arith.constant 512 : i32
    %scan3A_281 = arith.addi %scan3A_279, %scan3A_280 : i32
    %scan3A_282 = arith.constant 1 : i32
    scf.for %scan3A_359 = %scan3A_279 to %scan3A_281 step %scan3A_282  : i32 {
      %broadcast_in_dim3A = arith.constant 0 : i32
      %broadcast_in_dim3A_360 = vector.broadcast %broadcast_in_dim3A : i32 to vector<16xi32>
      %mul3A_361 = arith.constant 16 : i32
      %mul3A_362 = arith.muli %scan3A_359, %mul3A_361 : i32
      %swap3A = arith.index_cast %mul3A_362 : i32 to index
      %swap3A_363 = tpu.vector_load %arg7[%swap3A] {strides = array<i32>} : memref<8192xi32, #tpu.memory_space<vmem>>, vector<16xi32>,
      tpu.vector_store %arg7[%swap3A], %broadcast_in_dim3A_360 {strides = array<i32>} : memref<8192xi32, #tpu.memory_space<vmem>>, vector<16xi32>,
      %broadcast_in_dim3A_364 = arith.constant 3584 : i32
      %broadcast_in_dim3A_365 = vector.broadcast %broadcast_in_dim3A_364 : i32 to vector<16xi32>
      %mul3A_366 = arith.constant 16 : i32
      %mul3A_367 = arith.muli %scan3A_359, %mul3A_366 : i32
      %swap3A_368 = arith.index_cast %mul3A_367 : i32 to index
      %swap3A_369 = tpu.vector_load %arg8[%swap3A_368] {strides = array<i32>} : memref<8192xi32, #tpu.memory_space<vmem>>, vector<16xi32>,
      tpu.vector_store %arg8[%swap3A_368], %broadcast_in_dim3A_365 {strides = array<i32>} : memref<8192xi32, #tpu.memory_space<vmem>>, vector<16xi32>,
    }
    %scan3A_283 = arith.constant 512 : i32
    %scan3A_284 = arith.constant 0 : i32
    %scan3A_285 = arith.constant 0 : i32
    %scan3A_286 = arith.constant 25 : i32
    %scan3A_287 = arith.addi %scan3A_285, %scan3A_286 : i32
    %scan3A_288 = arith.constant 1 : i32
    %scan3A_289 = scf.for %scan3A_359 = %scan3A_285 to %scan3A_287 step %scan3A_288 iter_args(%scan3A_360 = %scan3A_284) -> (i32)  : i32 {
      %mul3A_361 = arith.constant 50000 : i32
      %mul3A_362 = arith.muli %arg1, %mul3A_361 : i32
      %mul3A_363 = arith.constant 2000 : i32
      %mul3A_364 = arith.muli %scan3A_359, %mul3A_363 : i32
      %add3A_365 = arith.addi %mul3A_362, %mul3A_364 : i32
      "tpu.region"() ({
        %run_scoped3A = tpu.sem_alloc : memref<!tpu.dma_semaphore, #tpu.memory_space<semaphore_mem>>
        %dma_start3A = tpu.memref_slice %arg3[%add3A_365] : memref<1600000xi32, #tpu.memory_space<hbm>> -> memref<2000xi32, #tpu.memory_space<hbm>>
        %dma_start3A_374 = tpu.memref_slice %arg3[%add3A_365] : memref<1600000xi32, #tpu.memory_space<hbm>> -> memref<2000xi32, #tpu.memory_space<hbm>>
        tpu.enqueue_dma source(%dma_start3A_374 : memref<2000xi32, #tpu.memory_space<hbm>>) target(%arg5 : memref<2000xi32, #tpu.memory_space<vmem>>) target_semaphore(%run_scoped3A : memref<!tpu.dma_semaphore, #tpu.memory_space<semaphore_mem>>)
        %dma_wait3A = tpu.memref_slice %arg3[%add3A_365] : memref<1600000xi32, #tpu.memory_space<hbm>> -> memref<2000xi32, #tpu.memory_space<hbm>>
        %dma_wait3A_375 = tpu.memref_slice %arg3[%add3A_365] : memref<1600000xi32, #tpu.memory_space<hbm>> -> memref<2000xi32, #tpu.memory_space<hbm>>
        tpu.wait_dma2 semaphore(%run_scoped3A : memref<!tpu.dma_semaphore, #tpu.memory_space<semaphore_mem>>) src(%dma_wait3A_375 : memref<2000xi32, #tpu.memory_space<hbm>>) dst(%arg5 : memref<2000xi32, #tpu.memory_space<vmem>>)
        tpu.yield
      }) : () -> ()
      %add3A_366 = arith.constant 800000 : i32
      %add3A_367 = arith.addi %add3A_366, %add3A_365 : i32
      "tpu.region"() ({
        %run_scoped3A = tpu.sem_alloc : memref<!tpu.dma_semaphore, #tpu.memory_space<semaphore_mem>>
        %dma_start3A = tpu.memref_slice %arg3[%add3A_367] : memref<1600000xi32, #tpu.memory_space<hbm>> -> memref<2000xi32, #tpu.memory_space<hbm>>
        %dma_start3A_374 = tpu.memref_slice %arg3[%add3A_367] : memref<1600000xi32, #tpu.memory_space<hbm>> -> memref<2000xi32, #tpu.memory_space<hbm>>
        tpu.enqueue_dma source(%dma_start3A_374 : memref<2000xi32, #tpu.memory_space<hbm>>) target(%arg6 : memref<2000xi32, #tpu.memory_space<vmem>>) target_semaphore(%run_scoped3A : memref<!tpu.dma_semaphore, #tpu.memory_space<semaphore_mem>>)
        %dma_wait3A = tpu.memref_slice %arg3[%add3A_367] : memref<1600000xi32, #tpu.memory_space<hbm>> -> memref<2000xi32, #tpu.memory_space<hbm>>
        %dma_wait3A_375 = tpu.memref_slice %arg3[%add3A_367] : memref<1600000xi32, #tpu.memory_space<hbm>> -> memref<2000xi32, #tpu.memory_space<hbm>>
        tpu.wait_dma2 semaphore(%run_scoped3A : memref<!tpu.dma_semaphore, #tpu.memory_space<semaphore_mem>>) src(%dma_wait3A_375 : memref<2000xi32, #tpu.memory_space<hbm>>) dst(%arg6 : memref<2000xi32, #tpu.memory_space<vmem>>)
        tpu.yield
      }) : () -> ()
      %scan3A_368 = arith.constant 0 : i32
      %scan3A_369 = arith.constant 125 : i32
      %scan3A_370 = arith.addi %scan3A_368, %scan3A_369 : i32
      %scan3A_371 = arith.constant 1 : i32
      %scan3A_372 = scf.for %scan3A_374 = %scan3A_368 to %scan3A_370 step %scan3A_371 iter_args(%scan3A_375 = %scan3A_360) -> (i32)  : i32 {
        %mul3A_376 = arith.constant 16 : i32
        %mul3A_377 = arith.muli %scan3A_374, %mul3A_376 : i32
        %get3A = arith.index_cast %mul3A_377 : i32 to index
        %get3A_378 = tpu.vector_load %arg6[%get3A] {strides = array<i32>} : memref<2000xi32, #tpu.memory_space<vmem>>, vector<16xi32>,
        %mul3A_379 = arith.constant 16 : i32
        %mul3A_380 = arith.muli %scan3A_374, %mul3A_379 : i32
        %get3A_381 = arith.index_cast %mul3A_380 : i32 to index
        %get3A_382 = tpu.vector_load %arg5[%get3A_381] {strides = array<i32>} : memref<2000xi32, #tpu.memory_space<vmem>>, vector<16xi32>,
        %ge3A = vector.broadcast %mul3A_260 : i32 to vector<16xi32>
        %ge3A_383 = arith.cmpi sge, %get3A_378, %ge3A : vector<16xi32>
        %add3A_384 = arith.constant 3584 : i32
        %add3A_385 = arith.addi %mul3A_260, %add3A_384 : i32
        %lt3A = vector.broadcast %add3A_385 : i32 to vector<16xi32>
        %lt3A_386 = arith.cmpi slt, %get3A_378, %lt3A : vector<16xi32>
        %and3A = arith.andi %ge3A_383, %lt3A_386 : vector<16xi1>
        %sub3A = vector.broadcast %mul3A_260 : i32 to vector<16xi32>
        %sub3A_387 = arith.subi %get3A_378, %sub3A : vector<16xi32>
        %swap3A = arith.index_cast %scan3A_375 : i32 to index
        %swap3A_388 = tpu.vector_load %arg8[%swap3A] masked %and3A {strides = array<i32>} : memref<8192xi32, #tpu.memory_space<vmem>>, vector<16xi32>, vector<16xi1>
        tpu.vector_store %arg8[%swap3A], %sub3A_387 masked %and3A {strides = array<i32>} : memref<8192xi32, #tpu.memory_space<vmem>>, vector<16xi32>, vector<16xi1>
        %swap3A_389 = arith.index_cast %scan3A_375 : i32 to index
        %swap3A_390 = tpu.vector_load %arg7[%swap3A_389] masked %and3A {strides = array<i32>} : memref<8192xi32, #tpu.memory_space<vmem>>, vector<16xi32>, vector<16xi1>
        tpu.vector_store %arg7[%swap3A_389], %get3A_382 masked %and3A {strides = array<i32>} : memref<8192xi32, #tpu.memory_space<vmem>>, vector<16xi32>, vector<16xi1>
        %all_reduce_population_count3A = tpu.all_reduce %and3A {dim = 0 : i64, kind = #tpu.reduction_kind<sum>} : vector<16xi1> -> vector<16xi32>
        %reduce_max3A = arith.constant true
        %reduce_max3A_391 = vector.broadcast %reduce_max3A : i1 to vector<16xi1>
        %reduce_max3A_392 = arith.constant -2147483648 : i32
        %reduce_max3A_393 = vector.broadcast %reduce_max3A_392 : i32 to vector<16xi32>
        %reduce_max3A_394 = arith.xori %all_reduce_population_count3A, %reduce_max3A_393 : vector<16xi32>
        %reduce_max3A_395 = tpu.scan <max>, %reduce_max3A_394 masked %reduce_max3A_391 : vector<16xi32>, vector<16xi1> -> vector<16xi32>
        %reduce_max3A_396 = arith.xori %reduce_max3A_395, %reduce_max3A_393 : vector<16xi32>
        %reduce_max3A_397 = vector.extract %reduce_max3A_396[15] : i32 from vector<16xi32>
        %add3A_398 = arith.addi %scan3A_375, %reduce_max3A_397 : i32
        %min3A = arith.constant 8176 : i32
        %min3A_399 = arith.minsi %add3A_398, %min3A : i32
        scf.yield %min3A_399 : i32
      }
      %scan3A_373 = arith.constant 125 : i32
      scf.yield %scan3A_372 : i32
    }
    %scan3A_290 = arith.constant 25 : i32
    %scan3A_291 = arith.constant 0 : i32
    %scan3A_292 = arith.constant 0 : i32
    %scan3A_293 = arith.constant 16 : i32
    %scan3A_294 = arith.addi %scan3A_292, %scan3A_293 : i32
    %scan3A_295 = arith.constant 1 : i32
    scf.for %scan3A_359 = %scan3A_292 to %scan3A_294 step %scan3A_295  : i32 {
      %mul3A_360 = arith.constant 512 : i32
      %mul3A_361 = arith.muli %scan3A_359, %mul3A_360 : i32
      %lt3A = arith.cmpi slt, %mul3A_361, %scan3A_289 : i32
      %convert_element_type3A = arith.extui %lt3A : i1 to i32
      %cond3A = arith.constant 0 : i32
      %cond3A_362 = arith.cmpi ne, %convert_element_type3A, %cond3A : i32
      scf.if %cond3A_362 {
        %scan3A_363 = arith.constant 0 : i32
        %scan3A_364 = arith.constant 0 : i32
        %scan3A_365 = arith.constant 32 : i32
        %scan3A_366 = arith.addi %scan3A_364, %scan3A_365 : i32
        %scan3A_367 = arith.constant 1 : i32
        scf.for %scan3A_369 = %scan3A_364 to %scan3A_366 step %scan3A_367  : i32 {
          %mul3A_370 = arith.constant 512 : i32
          %mul3A_371 = arith.muli %scan3A_359, %mul3A_370 : i32
          %mul3A_372 = arith.constant 16 : i32
          %mul3A_373 = arith.muli %scan3A_369, %mul3A_372 : i32
          %add3A_374 = arith.addi %mul3A_371, %mul3A_373 : i32
          %get3A = arith.index_cast %add3A_374 : i32 to index
          %get3A_375 = tpu.vector_load %arg7[%get3A] {strides = array<i32>} : memref<8192xi32, #tpu.memory_space<vmem>>, vector<16xi32>,
          %mul3A_376 = arith.constant 16 : i32
          %mul3A_377 = arith.muli %scan3A_369, %mul3A_376 : i32
          %swap3A = arith.index_cast %mul3A_377 : i32 to index
          %swap3A_378 = tpu.vector_load %arg9[%swap3A] {strides = array<i32>} : memref<512xi32, #tpu.memory_space<vmem>>, vector<16xi32>,
          tpu.vector_store %arg9[%swap3A], %get3A_375 {strides = array<i32>} : memref<512xi32, #tpu.memory_space<vmem>>, vector<16xi32>,
          %mul3A_379 = arith.constant 512 : i32
          %mul3A_380 = arith.muli %scan3A_359, %mul3A_379 : i32
          %mul3A_381 = arith.constant 16 : i32
          %mul3A_382 = arith.muli %scan3A_369, %mul3A_381 : i32
          %add3A_383 = arith.addi %mul3A_380, %mul3A_382 : i32
          %get3A_384 = arith.index_cast %add3A_383 : i32 to index
          %get3A_385 = tpu.vector_load %arg8[%get3A_384] {strides = array<i32>} : memref<8192xi32, #tpu.memory_space<vmem>>, vector<16xi32>,
          %mul3A_386 = arith.constant 16 : i32
          %mul3A_387 = arith.muli %scan3A_369, %mul3A_386 : i32
          %swap3A_388 = arith.index_cast %mul3A_387 : i32 to index
          %swap3A_389 = tpu.vector_load %arg10[%swap3A_388] {strides = array<i32>} : memref<512xi32, #tpu.memory_space<vmem>>, vector<16xi32>,
          tpu.vector_store %arg10[%swap3A_388], %get3A_385 {strides = array<i32>} : memref<512xi32, #tpu.memory_space<vmem>>, vector<16xi32>,
        }
        %scan3A_368 = arith.constant 32 : i32
        "tpu.region"() ({
          %run_scoped3A = tpu.sem_alloc : memref<!tpu.dma_semaphore, #tpu.memory_space<semaphore_mem>>
          %dma_start3A = arith.constant 0 : i32
          %dma_start3A_369 = arith.constant 0 : i32
          %dma_start3A_370 = tpu.memref_slice %arg2[%dma_start3A, %dma_start3A_369] : memref<50176x128xf32, #tpu.memory_space<hbm>> -> memref<50176x128xf32, #tpu.memory_space<hbm>>
          tpu.enqueue_indirect_dma source(%dma_start3A_370 : memref<50176x128xf32, #tpu.memory_space<hbm>>) target(%arg11 : memref<512x128xf32, #tpu.memory_space<vmem>>) offsets(%arg9 : memref<512xi32, #tpu.memory_space<vmem>>) semaphore(%run_scoped3A : memref<!tpu.dma_semaphore, #tpu.memory_space<semaphore_mem>>)
          %dma_wait3A = arith.constant 0 : i32
          %dma_wait3A_371 = arith.constant 0 : i32
          %dma_wait3A_372 = tpu.memref_slice %arg2[%dma_wait3A, %dma_wait3A_371] : memref<50176x128xf32, #tpu.memory_space<hbm>> -> memref<50176x128xf32, #tpu.memory_space<hbm>>
          tpu.wait_indirect_dma semaphore(%run_scoped3A : memref<!tpu.dma_semaphore, #tpu.memory_space<semaphore_mem>>) src(%dma_wait3A_372 : memref<50176x128xf32, #tpu.memory_space<hbm>>) dst(%arg11 : memref<512x128xf32, #tpu.memory_space<vmem>>)
          tpu.yield
        }) : () -> ()
        "tpu.region"() ({
          %run_scoped3A = tpu.sem_alloc : memref<!tpu.dma_semaphore, #tpu.memory_space<semaphore_mem>>
          %dma_start3A = arith.constant 0 : i32
          %dma_start3A_369 = arith.constant 0 : i32
          %dma_start3A_370 = tpu.memref_slice %arg13[%dma_start3A, %dma_start3A_369] : memref<3585x128xf32, #tpu.memory_space<vmem_shared>> -> memref<3585x128xf32, #tpu.memory_space<vmem_shared>>
          tpu.enqueue_indirect_dma source(%arg11 : memref<512x128xf32, #tpu.memory_space<vmem>>) target(%dma_start3A_370 : memref<3585x128xf32, #tpu.memory_space<vmem_shared>>) offsets(%arg10 : memref<512xi32, #tpu.memory_space<vmem>>) semaphore(%run_scoped3A : memref<!tpu.dma_semaphore, #tpu.memory_space<semaphore_mem>>) {add = true}
          %dma_wait3A = arith.constant 0 : i32
          %dma_wait3A_371 = arith.constant 0 : i32
          %dma_wait3A_372 = tpu.memref_slice %arg13[%dma_wait3A, %dma_wait3A_371] : memref<3585x128xf32, #tpu.memory_space<vmem_shared>> -> memref<3585x128xf32, #tpu.memory_space<vmem_shared>>
          tpu.wait_indirect_dma semaphore(%run_scoped3A : memref<!tpu.dma_semaphore, #tpu.memory_space<semaphore_mem>>) src(%arg11 : memref<512x128xf32, #tpu.memory_space<vmem>>) dst(%dma_wait3A_372 : memref<3585x128xf32, #tpu.memory_space<vmem_shared>>)
          tpu.yield
        }) : () -> ()
      } else {
      }
    }
    %scan3A_296 = arith.constant 16 : i32
    %barrier3A_297 = arith.constant 0 : index
    tpu.barrier barrier_id(%barrier3A_297)
    %add3A_298 = arith.constant 10 : i32
    %add3A_299 = arith.addi %add3A_298, %arg0 : i32
    %mul3A_300 = arith.constant 3584 : i32
    %mul3A_301 = arith.muli %add3A_299, %mul3A_300 : i32
    %mul3A_302 = arith.constant 224 : i32
    %mul3A_303 = arith.muli %arg1, %mul3A_302 : i32
    %add3A_304 = arith.addi %mul3A_301, %mul3A_303 : i32
    %mul3A_305 = arith.constant 224 : i32
    %mul3A_306 = arith.muli %arg1, %mul3A_305 : i32
    "tpu.region"() ({
      %run_scoped3A = tpu.sem_alloc : memref<!tpu.dma_semaphore, #tpu.memory_space<semaphore_mem>>
      %dma_start3A = arith.constant 0 : i32
      %dma_start3A_359 = arith.constant 0 : i32
      %dma_start3A_360 = tpu.memref_slice %arg11[%dma_start3A, %dma_start3A_359] : memref<512x128xf32, #tpu.memory_space<vmem>> -> memref<224x128xf32, #tpu.memory_space<vmem>>
      %dma_start3A_361 = arith.constant 0 : i32
      %dma_start3A_362 = tpu.memref_slice %arg13[%mul3A_306, %dma_start3A_361] : memref<3585x128xf32, #tpu.memory_space<vmem_shared>> -> memref<224x128xf32, #tpu.memory_space<vmem_shared>>
      %dma_start3A_363 = arith.constant 0 : i32
      %dma_start3A_364 = arith.constant 0 : i32
      %dma_start3A_365 = tpu.memref_slice %arg11[%dma_start3A_363, %dma_start3A_364] : memref<512x128xf32, #tpu.memory_space<vmem>> -> memref<224x128xf32, #tpu.memory_space<vmem>>
      %dma_start3A_366 = arith.constant 0 : i32
      %dma_start3A_367 = tpu.memref_slice %arg13[%mul3A_306, %dma_start3A_366] : memref<3585x128xf32, #tpu.memory_space<vmem_shared>> -> memref<224x128xf32, #tpu.memory_space<vmem_shared>>
      tpu.enqueue_dma source(%dma_start3A_367 : memref<224x128xf32, #tpu.memory_space<vmem_shared>>) target(%dma_start3A_365 : memref<224x128xf32, #tpu.memory_space<vmem>>) target_semaphore(%run_scoped3A : memref<!tpu.dma_semaphore, #tpu.memory_space<semaphore_mem>>)
      %dma_wait3A = arith.constant 0 : i32
      %dma_wait3A_368 = arith.constant 0 : i32
      %dma_wait3A_369 = tpu.memref_slice %arg11[%dma_wait3A, %dma_wait3A_368] : memref<512x128xf32, #tpu.memory_space<vmem>> -> memref<224x128xf32, #tpu.memory_space<vmem>>
      %dma_wait3A_370 = arith.constant 0 : i32
      %dma_wait3A_371 = tpu.memref_slice %arg13[%mul3A_306, %dma_wait3A_370] : memref<3585x128xf32, #tpu.memory_space<vmem_shared>> -> memref<224x128xf32, #tpu.memory_space<vmem_shared>>
      %dma_wait3A_372 = arith.constant 0 : i32
      %dma_wait3A_373 = arith.constant 0 : i32
      %dma_wait3A_374 = tpu.memref_slice %arg11[%dma_wait3A_372, %dma_wait3A_373] : memref<512x128xf32, #tpu.memory_space<vmem>> -> memref<224x128xf32, #tpu.memory_space<vmem>>
      %dma_wait3A_375 = arith.constant 0 : i32
      %dma_wait3A_376 = tpu.memref_slice %arg13[%mul3A_306, %dma_wait3A_375] : memref<3585x128xf32, #tpu.memory_space<vmem_shared>> -> memref<224x128xf32, #tpu.memory_space<vmem_shared>>
      tpu.wait_dma2 semaphore(%run_scoped3A : memref<!tpu.dma_semaphore, #tpu.memory_space<semaphore_mem>>) src(%dma_wait3A_376 : memref<224x128xf32, #tpu.memory_space<vmem_shared>>) dst(%dma_wait3A_374 : memref<224x128xf32, #tpu.memory_space<vmem>>)
      tpu.yield
    }) : () -> ()
    "tpu.region"() ({
      %run_scoped3A = tpu.sem_alloc : memref<!tpu.dma_semaphore, #tpu.memory_space<semaphore_mem>>
      %dma_start3A = arith.constant 0 : i32
      %dma_start3A_359 = arith.constant 0 : i32
      %dma_start3A_360 = tpu.memref_slice %arg11[%dma_start3A, %dma_start3A_359] : memref<512x128xf32, #tpu.memory_space<vmem>> -> memref<224x128xf32, #tpu.memory_space<vmem>>
      %dma_start3A_361 = arith.constant 0 : i32
      %dma_start3A_362 = tpu.memref_slice %arg4[%add3A_304, %dma_start3A_361] : memref<50176x128xf32, #tpu.memory_space<hbm>> -> memref<224x128xf32, #tpu.memory_space<hbm>>
      %dma_start3A_363 = arith.constant 0 : i32
      %dma_start3A_364 = tpu.memref_slice %arg4[%add3A_304, %dma_start3A_363] : memref<50176x128xf32, #tpu.memory_space<hbm>> -> memref<224x128xf32, #tpu.memory_space<hbm>>
      %dma_start3A_365 = arith.constant 0 : i32
      %dma_start3A_366 = arith.constant 0 : i32
      %dma_start3A_367 = tpu.memref_slice %arg11[%dma_start3A_365, %dma_start3A_366] : memref<512x128xf32, #tpu.memory_space<vmem>> -> memref<224x128xf32, #tpu.memory_space<vmem>>
      tpu.enqueue_dma source(%dma_start3A_367 : memref<224x128xf32, #tpu.memory_space<vmem>>) target(%dma_start3A_364 : memref<224x128xf32, #tpu.memory_space<hbm>>) target_semaphore(%run_scoped3A : memref<!tpu.dma_semaphore, #tpu.memory_space<semaphore_mem>>)
      %dma_wait3A = arith.constant 0 : i32
      %dma_wait3A_368 = arith.constant 0 : i32
      %dma_wait3A_369 = tpu.memref_slice %arg11[%dma_wait3A, %dma_wait3A_368] : memref<512x128xf32, #tpu.memory_space<vmem>> -> memref<224x128xf32, #tpu.memory_space<vmem>>
      %dma_wait3A_370 = arith.constant 0 : i32
      %dma_wait3A_371 = tpu.memref_slice %arg4[%add3A_304, %dma_wait3A_370] : memref<50176x128xf32, #tpu.memory_space<hbm>> -> memref<224x128xf32, #tpu.memory_space<hbm>>
      %dma_wait3A_372 = arith.constant 0 : i32
      %dma_wait3A_373 = tpu.memref_slice %arg4[%add3A_304, %dma_wait3A_372] : memref<50176x128xf32, #tpu.memory_space<hbm>> -> memref<224x128xf32, #tpu.memory_space<hbm>>
      %dma_wait3A_374 = arith.constant 0 : i32
      %dma_wait3A_375 = arith.constant 0 : i32
      %dma_wait3A_376 = tpu.memref_slice %arg11[%dma_wait3A_374, %dma_wait3A_375] : memref<512x128xf32, #tpu.memory_space<vmem>> -> memref<224x128xf32, #tpu.memory_space<vmem>>
      tpu.wait_dma2 semaphore(%run_scoped3A : memref<!tpu.dma_semaphore, #tpu.memory_space<semaphore_mem>>) src(%dma_wait3A_376 : memref<224x128xf32, #tpu.memory_space<vmem>>) dst(%dma_wait3A_373 : memref<224x128xf32, #tpu.memory_space<hbm>>)
      tpu.yield
    }) : () -> ()
    %barrier3A_307 = arith.constant 0 : index
    tpu.barrier barrier_id(%barrier3A_307)
    %add3A_308 = arith.constant 12 : i32
    %add3A_309 = arith.addi %add3A_308, %arg0 : i32
    %mul3A_310 = arith.constant 3584 : i32
    %mul3A_311 = arith.muli %add3A_309, %mul3A_310 : i32
    %mul3A_312 = arith.constant 224 : i32
    %mul3A_313 = arith.muli %arg1, %mul3A_312 : i32
    %add3A_314 = arith.constant 0 : i32
    %add3A_315 = arith.addi %mul3A_313, %add3A_314 : i32
    "tpu.region"() ({
      %run_scoped3A = tpu.sem_alloc : memref<!tpu.dma_semaphore, #tpu.memory_space<semaphore_mem>>
      %dma_start3A = arith.constant 0 : i32
      %dma_start3A_359 = tpu.memref_slice %arg13[%add3A_315, %dma_start3A] : memref<3585x128xf32, #tpu.memory_space<vmem_shared>> -> memref<64x128xf32, #tpu.memory_space<vmem_shared>>
      %dma_start3A_360 = arith.constant 0 : i32
      %dma_start3A_361 = tpu.memref_slice %arg13[%add3A_315, %dma_start3A_360] : memref<3585x128xf32, #tpu.memory_space<vmem_shared>> -> memref<64x128xf32, #tpu.memory_space<vmem_shared>>
      tpu.enqueue_dma source(%arg12 : memref<64x128xf32, #tpu.memory_space<vmem>>) target(%dma_start3A_361 : memref<64x128xf32, #tpu.memory_space<vmem_shared>>) target_semaphore(%run_scoped3A : memref<!tpu.dma_semaphore, #tpu.memory_space<semaphore_mem>>)
      %dma_wait3A = arith.constant 0 : i32
      %dma_wait3A_362 = tpu.memref_slice %arg13[%add3A_315, %dma_wait3A] : memref<3585x128xf32, #tpu.memory_space<vmem_shared>> -> memref<64x128xf32, #tpu.memory_space<vmem_shared>>
      %dma_wait3A_363 = arith.constant 0 : i32
      %dma_wait3A_364 = tpu.memref_slice %arg13[%add3A_315, %dma_wait3A_363] : memref<3585x128xf32, #tpu.memory_space<vmem_shared>> -> memref<64x128xf32, #tpu.memory_space<vmem_shared>>
      tpu.wait_dma2 semaphore(%run_scoped3A : memref<!tpu.dma_semaphore, #tpu.memory_space<semaphore_mem>>) src(%arg12 : memref<64x128xf32, #tpu.memory_space<vmem>>) dst(%dma_wait3A_364 : memref<64x128xf32, #tpu.memory_space<vmem_shared>>)
      tpu.yield
    }) : () -> ()
    %mul3A_316 = arith.constant 224 : i32
    %mul3A_317 = arith.muli %arg1, %mul3A_316 : i32
    %add3A_318 = arith.constant 64 : i32
    %add3A_319 = arith.addi %mul3A_317, %add3A_318 : i32
    "tpu.region"() ({
      %run_scoped3A = tpu.sem_alloc : memref<!tpu.dma_semaphore, #tpu.memory_space<semaphore_mem>>
      %dma_start3A = arith.constant 0 : i32
      %dma_start3A_359 = tpu.memref_slice %arg13[%add3A_319, %dma_start3A] : memref<3585x128xf32, #tpu.memory_space<vmem_shared>> -> memref<64x128xf32, #tpu.memory_space<vmem_shared>>
      %dma_start3A_360 = arith.constant 0 : i32
      %dma_start3A_361 = tpu.memref_slice %arg13[%add3A_319, %dma_start3A_360] : memref<3585x128xf32, #tpu.memory_space<vmem_shared>> -> memref<64x128xf32, #tpu.memory_space<vmem_shared>>
      tpu.enqueue_dma source(%arg12 : memref<64x128xf32, #tpu.memory_space<vmem>>) target(%dma_start3A_361 : memref<64x128xf32, #tpu.memory_space<vmem_shared>>) target_semaphore(%run_scoped3A : memref<!tpu.dma_semaphore, #tpu.memory_space<semaphore_mem>>)
      %dma_wait3A = arith.constant 0 : i32
      %dma_wait3A_362 = tpu.memref_slice %arg13[%add3A_319, %dma_wait3A] : memref<3585x128xf32, #tpu.memory_space<vmem_shared>> -> memref<64x128xf32, #tpu.memory_space<vmem_shared>>
      %dma_wait3A_363 = arith.constant 0 : i32
      %dma_wait3A_364 = tpu.memref_slice %arg13[%add3A_319, %dma_wait3A_363] : memref<3585x128xf32, #tpu.memory_space<vmem_shared>> -> memref<64x128xf32, #tpu.memory_space<vmem_shared>>
      tpu.wait_dma2 semaphore(%run_scoped3A : memref<!tpu.dma_semaphore, #tpu.memory_space<semaphore_mem>>) src(%arg12 : memref<64x128xf32, #tpu.memory_space<vmem>>) dst(%dma_wait3A_364 : memref<64x128xf32, #tpu.memory_space<vmem_shared>>)
      tpu.yield
    }) : () -> ()
    %mul3A_320 = arith.constant 224 : i32
    %mul3A_321 = arith.muli %arg1, %mul3A_320 : i32
    %add3A_322 = arith.constant 128 : i32
    %add3A_323 = arith.addi %mul3A_321, %add3A_322 : i32
    "tpu.region"() ({
      %run_scoped3A = tpu.sem_alloc : memref<!tpu.dma_semaphore, #tpu.memory_space<semaphore_mem>>
      %dma_start3A = arith.constant 0 : i32
      %dma_start3A_359 = tpu.memref_slice %arg13[%add3A_323, %dma_start3A] : memref<3585x128xf32, #tpu.memory_space<vmem_shared>> -> memref<64x128xf32, #tpu.memory_space<vmem_shared>>
      %dma_start3A_360 = arith.constant 0 : i32
      %dma_start3A_361 = tpu.memref_slice %arg13[%add3A_323, %dma_start3A_360] : memref<3585x128xf32, #tpu.memory_space<vmem_shared>> -> memref<64x128xf32, #tpu.memory_space<vmem_shared>>
      tpu.enqueue_dma source(%arg12 : memref<64x128xf32, #tpu.memory_space<vmem>>) target(%dma_start3A_361 : memref<64x128xf32, #tpu.memory_space<vmem_shared>>) target_semaphore(%run_scoped3A : memref<!tpu.dma_semaphore, #tpu.memory_space<semaphore_mem>>)
      %dma_wait3A = arith.constant 0 : i32
      %dma_wait3A_362 = tpu.memref_slice %arg13[%add3A_323, %dma_wait3A] : memref<3585x128xf32, #tpu.memory_space<vmem_shared>> -> memref<64x128xf32, #tpu.memory_space<vmem_shared>>
      %dma_wait3A_363 = arith.constant 0 : i32
      %dma_wait3A_364 = tpu.memref_slice %arg13[%add3A_323, %dma_wait3A_363] : memref<3585x128xf32, #tpu.memory_space<vmem_shared>> -> memref<64x128xf32, #tpu.memory_space<vmem_shared>>
      tpu.wait_dma2 semaphore(%run_scoped3A : memref<!tpu.dma_semaphore, #tpu.memory_space<semaphore_mem>>) src(%arg12 : memref<64x128xf32, #tpu.memory_space<vmem>>) dst(%dma_wait3A_364 : memref<64x128xf32, #tpu.memory_space<vmem_shared>>)
      tpu.yield
    }) : () -> ()
    %mul3A_324 = arith.constant 224 : i32
    %mul3A_325 = arith.muli %arg1, %mul3A_324 : i32
    %add3A_326 = arith.constant 192 : i32
    %add3A_327 = arith.addi %mul3A_325, %add3A_326 : i32
    "tpu.region"() ({
      %run_scoped3A = tpu.sem_alloc : memref<!tpu.dma_semaphore, #tpu.memory_space<semaphore_mem>>
      %dma_start3A = arith.constant 0 : i32
      %dma_start3A_359 = arith.constant 0 : i32
      %dma_start3A_360 = tpu.memref_slice %arg12[%dma_start3A, %dma_start3A_359] : memref<64x128xf32, #tpu.memory_space<vmem>> -> memref<32x128xf32, #tpu.memory_space<vmem>>
      %dma_start3A_361 = arith.constant 0 : i32
      %dma_start3A_362 = tpu.memref_slice %arg13[%add3A_327, %dma_start3A_361] : memref<3585x128xf32, #tpu.memory_space<vmem_shared>> -> memref<32x128xf32, #tpu.memory_space<vmem_shared>>
      %dma_start3A_363 = arith.constant 0 : i32
      %dma_start3A_364 = tpu.memref_slice %arg13[%add3A_327, %dma_start3A_363] : memref<3585x128xf32, #tpu.memory_space<vmem_shared>> -> memref<32x128xf32, #tpu.memory_space<vmem_shared>>
      %dma_start3A_365 = arith.constant 0 : i32
      %dma_start3A_366 = arith.constant 0 : i32
      %dma_start3A_367 = tpu.memref_slice %arg12[%dma_start3A_365, %dma_start3A_366] : memref<64x128xf32, #tpu.memory_space<vmem>> -> memref<32x128xf32, #tpu.memory_space<vmem>>
      tpu.enqueue_dma source(%dma_start3A_367 : memref<32x128xf32, #tpu.memory_space<vmem>>) target(%dma_start3A_364 : memref<32x128xf32, #tpu.memory_space<vmem_shared>>) target_semaphore(%run_scoped3A : memref<!tpu.dma_semaphore, #tpu.memory_space<semaphore_mem>>)
      %dma_wait3A = arith.constant 0 : i32
      %dma_wait3A_368 = arith.constant 0 : i32
      %dma_wait3A_369 = tpu.memref_slice %arg12[%dma_wait3A, %dma_wait3A_368] : memref<64x128xf32, #tpu.memory_space<vmem>> -> memref<32x128xf32, #tpu.memory_space<vmem>>
      %dma_wait3A_370 = arith.constant 0 : i32
      %dma_wait3A_371 = tpu.memref_slice %arg13[%add3A_327, %dma_wait3A_370] : memref<3585x128xf32, #tpu.memory_space<vmem_shared>> -> memref<32x128xf32, #tpu.memory_space<vmem_shared>>
      %dma_wait3A_372 = arith.constant 0 : i32
      %dma_wait3A_373 = tpu.memref_slice %arg13[%add3A_327, %dma_wait3A_372] : memref<3585x128xf32, #tpu.memory_space<vmem_shared>> -> memref<32x128xf32, #tpu.memory_space<vmem_shared>>
      %dma_wait3A_374 = arith.constant 0 : i32
      %dma_wait3A_375 = arith.constant 0 : i32
      %dma_wait3A_376 = tpu.memref_slice %arg12[%dma_wait3A_374, %dma_wait3A_375] : memref<64x128xf32, #tpu.memory_space<vmem>> -> memref<32x128xf32, #tpu.memory_space<vmem>>
      tpu.wait_dma2 semaphore(%run_scoped3A : memref<!tpu.dma_semaphore, #tpu.memory_space<semaphore_mem>>) src(%dma_wait3A_376 : memref<32x128xf32, #tpu.memory_space<vmem>>) dst(%dma_wait3A_373 : memref<32x128xf32, #tpu.memory_space<vmem_shared>>)
      tpu.yield
    }) : () -> ()
    %barrier3A_328 = arith.constant 0 : index
    tpu.barrier barrier_id(%barrier3A_328)
    %scan3A_329 = arith.constant 0 : i32
    %scan3A_330 = arith.constant 0 : i32
    %scan3A_331 = arith.constant 512 : i32
    %scan3A_332 = arith.addi %scan3A_330, %scan3A_331 : i32
    %scan3A_333 = arith.constant 1 : i32
    scf.for %scan3A_359 = %scan3A_330 to %scan3A_332 step %scan3A_333  : i32 {
      %broadcast_in_dim3A = arith.constant 0 : i32
      %broadcast_in_dim3A_360 = vector.broadcast %broadcast_in_dim3A : i32 to vector<16xi32>
      %mul3A_361 = arith.constant 16 : i32
      %mul3A_362 = arith.muli %scan3A_359, %mul3A_361 : i32
      %swap3A = arith.index_cast %mul3A_362 : i32 to index
      %swap3A_363 = tpu.vector_load %arg7[%swap3A] {strides = array<i32>} : memref<8192xi32, #tpu.memory_space<vmem>>, vector<16xi32>,
      tpu.vector_store %arg7[%swap3A], %broadcast_in_dim3A_360 {strides = array<i32>} : memref<8192xi32, #tpu.memory_space<vmem>>, vector<16xi32>,
      %broadcast_in_dim3A_364 = arith.constant 3584 : i32
      %broadcast_in_dim3A_365 = vector.broadcast %broadcast_in_dim3A_364 : i32 to vector<16xi32>
      %mul3A_366 = arith.constant 16 : i32
      %mul3A_367 = arith.muli %scan3A_359, %mul3A_366 : i32
      %swap3A_368 = arith.index_cast %mul3A_367 : i32 to index
      %swap3A_369 = tpu.vector_load %arg8[%swap3A_368] {strides = array<i32>} : memref<8192xi32, #tpu.memory_space<vmem>>, vector<16xi32>,
      tpu.vector_store %arg8[%swap3A_368], %broadcast_in_dim3A_365 {strides = array<i32>} : memref<8192xi32, #tpu.memory_space<vmem>>, vector<16xi32>,
    }
    %scan3A_334 = arith.constant 512 : i32
    %scan3A_335 = arith.constant 0 : i32
    %scan3A_336 = arith.constant 0 : i32
    %scan3A_337 = arith.constant 25 : i32
    %scan3A_338 = arith.addi %scan3A_336, %scan3A_337 : i32
    %scan3A_339 = arith.constant 1 : i32
    %scan3A_340 = scf.for %scan3A_359 = %scan3A_336 to %scan3A_338 step %scan3A_339 iter_args(%scan3A_360 = %scan3A_335) -> (i32)  : i32 {
      %mul3A_361 = arith.constant 50000 : i32
      %mul3A_362 = arith.muli %arg1, %mul3A_361 : i32
      %mul3A_363 = arith.constant 2000 : i32
      %mul3A_364 = arith.muli %scan3A_359, %mul3A_363 : i32
      %add3A_365 = arith.addi %mul3A_362, %mul3A_364 : i32
      "tpu.region"() ({
        %run_scoped3A = tpu.sem_alloc : memref<!tpu.dma_semaphore, #tpu.memory_space<semaphore_mem>>
        %dma_start3A = tpu.memref_slice %arg3[%add3A_365] : memref<1600000xi32, #tpu.memory_space<hbm>> -> memref<2000xi32, #tpu.memory_space<hbm>>
        %dma_start3A_374 = tpu.memref_slice %arg3[%add3A_365] : memref<1600000xi32, #tpu.memory_space<hbm>> -> memref<2000xi32, #tpu.memory_space<hbm>>
        tpu.enqueue_dma source(%dma_start3A_374 : memref<2000xi32, #tpu.memory_space<hbm>>) target(%arg5 : memref<2000xi32, #tpu.memory_space<vmem>>) target_semaphore(%run_scoped3A : memref<!tpu.dma_semaphore, #tpu.memory_space<semaphore_mem>>)
        %dma_wait3A = tpu.memref_slice %arg3[%add3A_365] : memref<1600000xi32, #tpu.memory_space<hbm>> -> memref<2000xi32, #tpu.memory_space<hbm>>
        %dma_wait3A_375 = tpu.memref_slice %arg3[%add3A_365] : memref<1600000xi32, #tpu.memory_space<hbm>> -> memref<2000xi32, #tpu.memory_space<hbm>>
        tpu.wait_dma2 semaphore(%run_scoped3A : memref<!tpu.dma_semaphore, #tpu.memory_space<semaphore_mem>>) src(%dma_wait3A_375 : memref<2000xi32, #tpu.memory_space<hbm>>) dst(%arg5 : memref<2000xi32, #tpu.memory_space<vmem>>)
        tpu.yield
      }) : () -> ()
      %add3A_366 = arith.constant 800000 : i32
      %add3A_367 = arith.addi %add3A_366, %add3A_365 : i32
      "tpu.region"() ({
        %run_scoped3A = tpu.sem_alloc : memref<!tpu.dma_semaphore, #tpu.memory_space<semaphore_mem>>
        %dma_start3A = tpu.memref_slice %arg3[%add3A_367] : memref<1600000xi32, #tpu.memory_space<hbm>> -> memref<2000xi32, #tpu.memory_space<hbm>>
        %dma_start3A_374 = tpu.memref_slice %arg3[%add3A_367] : memref<1600000xi32, #tpu.memory_space<hbm>> -> memref<2000xi32, #tpu.memory_space<hbm>>
        tpu.enqueue_dma source(%dma_start3A_374 : memref<2000xi32, #tpu.memory_space<hbm>>) target(%arg6 : memref<2000xi32, #tpu.memory_space<vmem>>) target_semaphore(%run_scoped3A : memref<!tpu.dma_semaphore, #tpu.memory_space<semaphore_mem>>)
        %dma_wait3A = tpu.memref_slice %arg3[%add3A_367] : memref<1600000xi32, #tpu.memory_space<hbm>> -> memref<2000xi32, #tpu.memory_space<hbm>>
        %dma_wait3A_375 = tpu.memref_slice %arg3[%add3A_367] : memref<1600000xi32, #tpu.memory_space<hbm>> -> memref<2000xi32, #tpu.memory_space<hbm>>
        tpu.wait_dma2 semaphore(%run_scoped3A : memref<!tpu.dma_semaphore, #tpu.memory_space<semaphore_mem>>) src(%dma_wait3A_375 : memref<2000xi32, #tpu.memory_space<hbm>>) dst(%arg6 : memref<2000xi32, #tpu.memory_space<vmem>>)
        tpu.yield
      }) : () -> ()
      %scan3A_368 = arith.constant 0 : i32
      %scan3A_369 = arith.constant 125 : i32
      %scan3A_370 = arith.addi %scan3A_368, %scan3A_369 : i32
      %scan3A_371 = arith.constant 1 : i32
      %scan3A_372 = scf.for %scan3A_374 = %scan3A_368 to %scan3A_370 step %scan3A_371 iter_args(%scan3A_375 = %scan3A_360) -> (i32)  : i32 {
        %mul3A_376 = arith.constant 16 : i32
        %mul3A_377 = arith.muli %scan3A_374, %mul3A_376 : i32
        %get3A = arith.index_cast %mul3A_377 : i32 to index
        %get3A_378 = tpu.vector_load %arg6[%get3A] {strides = array<i32>} : memref<2000xi32, #tpu.memory_space<vmem>>, vector<16xi32>,
        %mul3A_379 = arith.constant 16 : i32
        %mul3A_380 = arith.muli %scan3A_374, %mul3A_379 : i32
        %get3A_381 = arith.index_cast %mul3A_380 : i32 to index
        %get3A_382 = tpu.vector_load %arg5[%get3A_381] {strides = array<i32>} : memref<2000xi32, #tpu.memory_space<vmem>>, vector<16xi32>,
        %ge3A = vector.broadcast %mul3A_311 : i32 to vector<16xi32>
        %ge3A_383 = arith.cmpi sge, %get3A_378, %ge3A : vector<16xi32>
        %add3A_384 = arith.constant 3584 : i32
        %add3A_385 = arith.addi %mul3A_311, %add3A_384 : i32
        %lt3A = vector.broadcast %add3A_385 : i32 to vector<16xi32>
        %lt3A_386 = arith.cmpi slt, %get3A_378, %lt3A : vector<16xi32>
        %and3A = arith.andi %ge3A_383, %lt3A_386 : vector<16xi1>
        %sub3A = vector.broadcast %mul3A_311 : i32 to vector<16xi32>
        %sub3A_387 = arith.subi %get3A_378, %sub3A : vector<16xi32>
        %swap3A = arith.index_cast %scan3A_375 : i32 to index
        %swap3A_388 = tpu.vector_load %arg8[%swap3A] masked %and3A {strides = array<i32>} : memref<8192xi32, #tpu.memory_space<vmem>>, vector<16xi32>, vector<16xi1>
        tpu.vector_store %arg8[%swap3A], %sub3A_387 masked %and3A {strides = array<i32>} : memref<8192xi32, #tpu.memory_space<vmem>>, vector<16xi32>, vector<16xi1>
        %swap3A_389 = arith.index_cast %scan3A_375 : i32 to index
        %swap3A_390 = tpu.vector_load %arg7[%swap3A_389] masked %and3A {strides = array<i32>} : memref<8192xi32, #tpu.memory_space<vmem>>, vector<16xi32>, vector<16xi1>
        tpu.vector_store %arg7[%swap3A_389], %get3A_382 masked %and3A {strides = array<i32>} : memref<8192xi32, #tpu.memory_space<vmem>>, vector<16xi32>, vector<16xi1>
        %all_reduce_population_count3A = tpu.all_reduce %and3A {dim = 0 : i64, kind = #tpu.reduction_kind<sum>} : vector<16xi1> -> vector<16xi32>
        %reduce_max3A = arith.constant true
        %reduce_max3A_391 = vector.broadcast %reduce_max3A : i1 to vector<16xi1>
        %reduce_max3A_392 = arith.constant -2147483648 : i32
        %reduce_max3A_393 = vector.broadcast %reduce_max3A_392 : i32 to vector<16xi32>
        %reduce_max3A_394 = arith.xori %all_reduce_population_count3A, %reduce_max3A_393 : vector<16xi32>
        %reduce_max3A_395 = tpu.scan <max>, %reduce_max3A_394 masked %reduce_max3A_391 : vector<16xi32>, vector<16xi1> -> vector<16xi32>
        %reduce_max3A_396 = arith.xori %reduce_max3A_395, %reduce_max3A_393 : vector<16xi32>
        %reduce_max3A_397 = vector.extract %reduce_max3A_396[15] : i32 from vector<16xi32>
        %add3A_398 = arith.addi %scan3A_375, %reduce_max3A_397 : i32
        %min3A = arith.constant 8176 : i32
        %min3A_399 = arith.minsi %add3A_398, %min3A : i32
        scf.yield %min3A_399 : i32
      }
      %scan3A_373 = arith.constant 125 : i32
      scf.yield %scan3A_372 : i32
    }
    %scan3A_341 = arith.constant 25 : i32
    %scan3A_342 = arith.constant 0 : i32
    %scan3A_343 = arith.constant 0 : i32
    %scan3A_344 = arith.constant 16 : i32
    %scan3A_345 = arith.addi %scan3A_343, %scan3A_344 : i32
    %scan3A_346 = arith.constant 1 : i32
    scf.for %scan3A_359 = %scan3A_343 to %scan3A_345 step %scan3A_346  : i32 {
      %mul3A_360 = arith.constant 512 : i32
      %mul3A_361 = arith.muli %scan3A_359, %mul3A_360 : i32
      %lt3A = arith.cmpi slt, %mul3A_361, %scan3A_340 : i32
      %convert_element_type3A = arith.extui %lt3A : i1 to i32
      %cond3A = arith.constant 0 : i32
      %cond3A_362 = arith.cmpi ne, %convert_element_type3A, %cond3A : i32
      scf.if %cond3A_362 {
        %scan3A_363 = arith.constant 0 : i32
        %scan3A_364 = arith.constant 0 : i32
        %scan3A_365 = arith.constant 32 : i32
        %scan3A_366 = arith.addi %scan3A_364, %scan3A_365 : i32
        %scan3A_367 = arith.constant 1 : i32
        scf.for %scan3A_369 = %scan3A_364 to %scan3A_366 step %scan3A_367  : i32 {
          %mul3A_370 = arith.constant 512 : i32
          %mul3A_371 = arith.muli %scan3A_359, %mul3A_370 : i32
          %mul3A_372 = arith.constant 16 : i32
          %mul3A_373 = arith.muli %scan3A_369, %mul3A_372 : i32
          %add3A_374 = arith.addi %mul3A_371, %mul3A_373 : i32
          %get3A = arith.index_cast %add3A_374 : i32 to index
          %get3A_375 = tpu.vector_load %arg7[%get3A] {strides = array<i32>} : memref<8192xi32, #tpu.memory_space<vmem>>, vector<16xi32>,
          %mul3A_376 = arith.constant 16 : i32
          %mul3A_377 = arith.muli %scan3A_369, %mul3A_376 : i32
          %swap3A = arith.index_cast %mul3A_377 : i32 to index
          %swap3A_378 = tpu.vector_load %arg9[%swap3A] {strides = array<i32>} : memref<512xi32, #tpu.memory_space<vmem>>, vector<16xi32>,
          tpu.vector_store %arg9[%swap3A], %get3A_375 {strides = array<i32>} : memref<512xi32, #tpu.memory_space<vmem>>, vector<16xi32>,
          %mul3A_379 = arith.constant 512 : i32
          %mul3A_380 = arith.muli %scan3A_359, %mul3A_379 : i32
          %mul3A_381 = arith.constant 16 : i32
          %mul3A_382 = arith.muli %scan3A_369, %mul3A_381 : i32
          %add3A_383 = arith.addi %mul3A_380, %mul3A_382 : i32
          %get3A_384 = arith.index_cast %add3A_383 : i32 to index
          %get3A_385 = tpu.vector_load %arg8[%get3A_384] {strides = array<i32>} : memref<8192xi32, #tpu.memory_space<vmem>>, vector<16xi32>,
          %mul3A_386 = arith.constant 16 : i32
          %mul3A_387 = arith.muli %scan3A_369, %mul3A_386 : i32
          %swap3A_388 = arith.index_cast %mul3A_387 : i32 to index
          %swap3A_389 = tpu.vector_load %arg10[%swap3A_388] {strides = array<i32>} : memref<512xi32, #tpu.memory_space<vmem>>, vector<16xi32>,
          tpu.vector_store %arg10[%swap3A_388], %get3A_385 {strides = array<i32>} : memref<512xi32, #tpu.memory_space<vmem>>, vector<16xi32>,
        }
        %scan3A_368 = arith.constant 32 : i32
        "tpu.region"() ({
          %run_scoped3A = tpu.sem_alloc : memref<!tpu.dma_semaphore, #tpu.memory_space<semaphore_mem>>
          %dma_start3A = arith.constant 0 : i32
          %dma_start3A_369 = arith.constant 0 : i32
          %dma_start3A_370 = tpu.memref_slice %arg2[%dma_start3A, %dma_start3A_369] : memref<50176x128xf32, #tpu.memory_space<hbm>> -> memref<50176x128xf32, #tpu.memory_space<hbm>>
          tpu.enqueue_indirect_dma source(%dma_start3A_370 : memref<50176x128xf32, #tpu.memory_space<hbm>>) target(%arg11 : memref<512x128xf32, #tpu.memory_space<vmem>>) offsets(%arg9 : memref<512xi32, #tpu.memory_space<vmem>>) semaphore(%run_scoped3A : memref<!tpu.dma_semaphore, #tpu.memory_space<semaphore_mem>>)
          %dma_wait3A = arith.constant 0 : i32
          %dma_wait3A_371 = arith.constant 0 : i32
          %dma_wait3A_372 = tpu.memref_slice %arg2[%dma_wait3A, %dma_wait3A_371] : memref<50176x128xf32, #tpu.memory_space<hbm>> -> memref<50176x128xf32, #tpu.memory_space<hbm>>
          tpu.wait_indirect_dma semaphore(%run_scoped3A : memref<!tpu.dma_semaphore, #tpu.memory_space<semaphore_mem>>) src(%dma_wait3A_372 : memref<50176x128xf32, #tpu.memory_space<hbm>>) dst(%arg11 : memref<512x128xf32, #tpu.memory_space<vmem>>)
          tpu.yield
        }) : () -> ()
        "tpu.region"() ({
          %run_scoped3A = tpu.sem_alloc : memref<!tpu.dma_semaphore, #tpu.memory_space<semaphore_mem>>
          %dma_start3A = arith.constant 0 : i32
          %dma_start3A_369 = arith.constant 0 : i32
          %dma_start3A_370 = tpu.memref_slice %arg13[%dma_start3A, %dma_start3A_369] : memref<3585x128xf32, #tpu.memory_space<vmem_shared>> -> memref<3585x128xf32, #tpu.memory_space<vmem_shared>>
          tpu.enqueue_indirect_dma source(%arg11 : memref<512x128xf32, #tpu.memory_space<vmem>>) target(%dma_start3A_370 : memref<3585x128xf32, #tpu.memory_space<vmem_shared>>) offsets(%arg10 : memref<512xi32, #tpu.memory_space<vmem>>) semaphore(%run_scoped3A : memref<!tpu.dma_semaphore, #tpu.memory_space<semaphore_mem>>) {add = true}
          %dma_wait3A = arith.constant 0 : i32
          %dma_wait3A_371 = arith.constant 0 : i32
          %dma_wait3A_372 = tpu.memref_slice %arg13[%dma_wait3A, %dma_wait3A_371] : memref<3585x128xf32, #tpu.memory_space<vmem_shared>> -> memref<3585x128xf32, #tpu.memory_space<vmem_shared>>
          tpu.wait_indirect_dma semaphore(%run_scoped3A : memref<!tpu.dma_semaphore, #tpu.memory_space<semaphore_mem>>) src(%arg11 : memref<512x128xf32, #tpu.memory_space<vmem>>) dst(%dma_wait3A_372 : memref<3585x128xf32, #tpu.memory_space<vmem_shared>>)
          tpu.yield
        }) : () -> ()
      } else {
      }
    }
    %scan3A_347 = arith.constant 16 : i32
    %barrier3A_348 = arith.constant 0 : index
    tpu.barrier barrier_id(%barrier3A_348)
    %add3A_349 = arith.constant 12 : i32
    %add3A_350 = arith.addi %add3A_349, %arg0 : i32
    %mul3A_351 = arith.constant 3584 : i32
    %mul3A_352 = arith.muli %add3A_350, %mul3A_351 : i32
    %mul3A_353 = arith.constant 224 : i32
    %mul3A_354 = arith.muli %arg1, %mul3A_353 : i32
    %add3A_355 = arith.addi %mul3A_352, %mul3A_354 : i32
    %mul3A_356 = arith.constant 224 : i32
    %mul3A_357 = arith.muli %arg1, %mul3A_356 : i32
    "tpu.region"() ({
      %run_scoped3A = tpu.sem_alloc : memref<!tpu.dma_semaphore, #tpu.memory_space<semaphore_mem>>
      %dma_start3A = arith.constant 0 : i32
      %dma_start3A_359 = arith.constant 0 : i32
      %dma_start3A_360 = tpu.memref_slice %arg11[%dma_start3A, %dma_start3A_359] : memref<512x128xf32, #tpu.memory_space<vmem>> -> memref<224x128xf32, #tpu.memory_space<vmem>>
      %dma_start3A_361 = arith.constant 0 : i32
      %dma_start3A_362 = tpu.memref_slice %arg13[%mul3A_357, %dma_start3A_361] : memref<3585x128xf32, #tpu.memory_space<vmem_shared>> -> memref<224x128xf32, #tpu.memory_space<vmem_shared>>
      %dma_start3A_363 = arith.constant 0 : i32
      %dma_start3A_364 = arith.constant 0 : i32
      %dma_start3A_365 = tpu.memref_slice %arg11[%dma_start3A_363, %dma_start3A_364] : memref<512x128xf32, #tpu.memory_space<vmem>> -> memref<224x128xf32, #tpu.memory_space<vmem>>
      %dma_start3A_366 = arith.constant 0 : i32
      %dma_start3A_367 = tpu.memref_slice %arg13[%mul3A_357, %dma_start3A_366] : memref<3585x128xf32, #tpu.memory_space<vmem_shared>> -> memref<224x128xf32, #tpu.memory_space<vmem_shared>>
      tpu.enqueue_dma source(%dma_start3A_367 : memref<224x128xf32, #tpu.memory_space<vmem_shared>>) target(%dma_start3A_365 : memref<224x128xf32, #tpu.memory_space<vmem>>) target_semaphore(%run_scoped3A : memref<!tpu.dma_semaphore, #tpu.memory_space<semaphore_mem>>)
      %dma_wait3A = arith.constant 0 : i32
      %dma_wait3A_368 = arith.constant 0 : i32
      %dma_wait3A_369 = tpu.memref_slice %arg11[%dma_wait3A, %dma_wait3A_368] : memref<512x128xf32, #tpu.memory_space<vmem>> -> memref<224x128xf32, #tpu.memory_space<vmem>>
      %dma_wait3A_370 = arith.constant 0 : i32
      %dma_wait3A_371 = tpu.memref_slice %arg13[%mul3A_357, %dma_wait3A_370] : memref<3585x128xf32, #tpu.memory_space<vmem_shared>> -> memref<224x128xf32, #tpu.memory_space<vmem_shared>>
      %dma_wait3A_372 = arith.constant 0 : i32
      %dma_wait3A_373 = arith.constant 0 : i32
      %dma_wait3A_374 = tpu.memref_slice %arg11[%dma_wait3A_372, %dma_wait3A_373] : memref<512x128xf32, #tpu.memory_space<vmem>> -> memref<224x128xf32, #tpu.memory_space<vmem>>
      %dma_wait3A_375 = arith.constant 0 : i32
      %dma_wait3A_376 = tpu.memref_slice %arg13[%mul3A_357, %dma_wait3A_375] : memref<3585x128xf32, #tpu.memory_space<vmem_shared>> -> memref<224x128xf32, #tpu.memory_space<vmem_shared>>
      tpu.wait_dma2 semaphore(%run_scoped3A : memref<!tpu.dma_semaphore, #tpu.memory_space<semaphore_mem>>) src(%dma_wait3A_376 : memref<224x128xf32, #tpu.memory_space<vmem_shared>>) dst(%dma_wait3A_374 : memref<224x128xf32, #tpu.memory_space<vmem>>)
      tpu.yield
    }) : () -> ()
    "tpu.region"() ({
      %run_scoped3A = tpu.sem_alloc : memref<!tpu.dma_semaphore, #tpu.memory_space<semaphore_mem>>
      %dma_start3A = arith.constant 0 : i32
      %dma_start3A_359 = arith.constant 0 : i32
      %dma_start3A_360 = tpu.memref_slice %arg11[%dma_start3A, %dma_start3A_359] : memref<512x128xf32, #tpu.memory_space<vmem>> -> memref<224x128xf32, #tpu.memory_space<vmem>>
      %dma_start3A_361 = arith.constant 0 : i32
      %dma_start3A_362 = tpu.memref_slice %arg4[%add3A_355, %dma_start3A_361] : memref<50176x128xf32, #tpu.memory_space<hbm>> -> memref<224x128xf32, #tpu.memory_space<hbm>>
      %dma_start3A_363 = arith.constant 0 : i32
      %dma_start3A_364 = tpu.memref_slice %arg4[%add3A_355, %dma_start3A_363] : memref<50176x128xf32, #tpu.memory_space<hbm>> -> memref<224x128xf32, #tpu.memory_space<hbm>>
      %dma_start3A_365 = arith.constant 0 : i32
      %dma_start3A_366 = arith.constant 0 : i32
      %dma_start3A_367 = tpu.memref_slice %arg11[%dma_start3A_365, %dma_start3A_366] : memref<512x128xf32, #tpu.memory_space<vmem>> -> memref<224x128xf32, #tpu.memory_space<vmem>>
      tpu.enqueue_dma source(%dma_start3A_367 : memref<224x128xf32, #tpu.memory_space<vmem>>) target(%dma_start3A_364 : memref<224x128xf32, #tpu.memory_space<hbm>>) target_semaphore(%run_scoped3A : memref<!tpu.dma_semaphore, #tpu.memory_space<semaphore_mem>>)
      %dma_wait3A = arith.constant 0 : i32
      %dma_wait3A_368 = arith.constant 0 : i32
      %dma_wait3A_369 = tpu.memref_slice %arg11[%dma_wait3A, %dma_wait3A_368] : memref<512x128xf32, #tpu.memory_space<vmem>> -> memref<224x128xf32, #tpu.memory_space<vmem>>
      %dma_wait3A_370 = arith.constant 0 : i32
      %dma_wait3A_371 = tpu.memref_slice %arg4[%add3A_355, %dma_wait3A_370] : memref<50176x128xf32, #tpu.memory_space<hbm>> -> memref<224x128xf32, #tpu.memory_space<hbm>>
      %dma_wait3A_372 = arith.constant 0 : i32
      %dma_wait3A_373 = tpu.memref_slice %arg4[%add3A_355, %dma_wait3A_372] : memref<50176x128xf32, #tpu.memory_space<hbm>> -> memref<224x128xf32, #tpu.memory_space<hbm>>
      %dma_wait3A_374 = arith.constant 0 : i32
      %dma_wait3A_375 = arith.constant 0 : i32
      %dma_wait3A_376 = tpu.memref_slice %arg11[%dma_wait3A_374, %dma_wait3A_375] : memref<512x128xf32, #tpu.memory_space<vmem>> -> memref<224x128xf32, #tpu.memory_space<vmem>>
      tpu.wait_dma2 semaphore(%run_scoped3A : memref<!tpu.dma_semaphore, #tpu.memory_space<semaphore_mem>>) src(%dma_wait3A_376 : memref<224x128xf32, #tpu.memory_space<vmem>>) dst(%dma_wait3A_373 : memref<224x128xf32, #tpu.memory_space<hbm>>)
      tpu.yield
    }) : () -> ()
    %barrier3A_358 = arith.constant 0 : index
    tpu.barrier barrier_id(%barrier3A_358)
    return
  }
}

module attributes {stable_mosaic.version = 14 : i64} {
  func.func @_final_kern(%arg0: i32, %arg1: memref<8x128x128xf32, #tpu.memory_space<vmem>>, %arg2: memref<8x128xf32, #tpu.memory_space<vmem>>, %arg3: memref<1x1x128xf32, #tpu.memory_space<vmem>>, %arg4: memref<1x1xf32, #tpu.memory_space<vmem>>, %arg5: memref<8x128xf32, #tpu.memory_space<vmem>>, %arg6: memref<8x128xf32, #tpu.memory_space<vmem>>) attributes {dimension_semantics = [#tpu.dimension_semantics<arbitrary>], iteration_bounds = array<i64: 49>, scalar_prefetch = 0 : i64, scratch_operands = 0 : i64, tpu.core_type = #tpu.core_type<tc>, window_params = [{transform_indices = @transform_0, window_bounds = array<i64: 8, 128, 128>}, {transform_indices = @transform_1, window_bounds = array<i64: 8, 128>}, {pipeline_mode = #tpu.pipeline_mode<synchronous>, transform_indices = @transform_2, window_bounds = array<i64: 1, 1, 128>}, {pipeline_mode = #tpu.pipeline_mode<synchronous>, transform_indices = @transform_3, window_bounds = array<i64: 1, 1>}, {transform_indices = @transform_4, window_bounds = array<i64: 8, 128>}, {transform_indices = @transform_5, window_bounds = array<i64: 8, 128>}]} {
    %get3A = arith.constant 0 : index
    %get3A_0 = arith.constant 0 : index
    %get3A_1 = arith.constant 0 : index
    %get3A_2 = vector.load %arg1[%get3A, %get3A_0, %get3A_1] : memref<8x128x128xf32, #tpu.memory_space<vmem>>, vector<8x128x128xf32>
    %convert_element_type3A = arith.truncf %get3A_2 : vector<8x128x128xf32> to vector<8x128x128xbf16>
    %convert_element_type3A_3 = arith.extf %convert_element_type3A : vector<8x128x128xbf16> to vector<8x128x128xf32>
    %get3A_4 = arith.constant 0 : index
    %get3A_5 = arith.constant 0 : index
    %get3A_6 = arith.constant 0 : index
    %get3A_7 = vector.load %arg3[%get3A_4, %get3A_5, %get3A_6] : memref<1x1x128xf32, #tpu.memory_space<vmem>>, vector<1x1x128xf32>
    %convert_element_type3A_8 = arith.truncf %get3A_7 : vector<1x1x128xf32> to vector<1x1x128xbf16>
    %convert_element_type3A_9 = arith.extf %convert_element_type3A_8 : vector<1x1x128xbf16> to vector<1x1x128xf32>
    %mul3A = vector.broadcast %convert_element_type3A_9 : vector<1x1x128xf32> to vector<8x128x128xf32>
    %mul3A_10 = arith.mulf %convert_element_type3A_3, %mul3A : vector<8x128x128xf32>
    %reduce_sum3A = arith.constant dense<0.000000e+00> : vector<8x128xf32>
    %reduce_sum3A_11 = vector.multi_reduction <add>, %mul3A_10, %reduce_sum3A [2] : vector<8x128x128xf32> to vector<8x128xf32>
    %get3A_12 = arith.constant 0 : index
    %get3A_13 = arith.constant 0 : index
    %get3A_14 = vector.load %arg4[%get3A_12, %get3A_13] : memref<1x1xf32, #tpu.memory_space<vmem>>, vector<1x1xf32>
    %get3A_15 = vector.extract %get3A_14[0, 0] : f32 from vector<1x1xf32>
    %add3A = vector.broadcast %get3A_15 : f32 to vector<8x128xf32>
    %add3A_16 = arith.addf %reduce_sum3A_11, %add3A : vector<8x128xf32>
    %get3A_17 = arith.constant 0 : index
    %get3A_18 = arith.constant 0 : index
    %get3A_19 = vector.load %arg2[%get3A_17, %get3A_18] : memref<8x128xf32, #tpu.memory_space<vmem>>, vector<8x128xf32>
    %add3A_20 = arith.addf %add3A_16, %get3A_19 : vector<8x128xf32>
    %swap3A = arith.constant 0 : index
    %swap3A_21 = arith.constant 0 : index
    %swap3A_22 = vector.load %arg5[%swap3A, %swap3A_21] : memref<8x128xf32, #tpu.memory_space<vmem>>, vector<8x128xf32>
    tpu.vector_store %arg5[%swap3A, %swap3A_21], %add3A_20 {strides = array<i32>} : memref<8x128xf32, #tpu.memory_space<vmem>>, vector<8x128xf32>,
    %max3A = arith.constant 0.000000e+00 : f32
    %max3A_23 = vector.broadcast %max3A : f32 to vector<8x128xf32>
    %max3A_24 = arith.maximumf %add3A_20, %max3A_23 : vector<8x128xf32>
    %swap3A_25 = arith.constant 0 : index
    %swap3A_26 = arith.constant 0 : index
    %swap3A_27 = vector.load %arg6[%swap3A_25, %swap3A_26] : memref<8x128xf32, #tpu.memory_space<vmem>>, vector<8x128xf32>
    tpu.vector_store %arg6[%swap3A_25, %swap3A_26], %max3A_24 {strides = array<i32>} : memref<8x128xf32, #tpu.memory_space<vmem>>, vector<8x128xf32>,
    return
  }
  func.func @transform_0(%arg0: i32) -> (i32, i32, i32) {
    %c0_i32 = arith.constant 0 : i32
    %c0_i32_0 = arith.constant 0 : i32
    %c0_i32_1 = arith.constant 0 : i32
    return %arg0, %c0_i32, %c0_i32_0 : i32, i32, i32
  }
  func.func @transform_1(%arg0: i32) -> (i32, i32) {
    %c0_i32 = arith.constant 0 : i32
    %c0_i32_0 = arith.constant 0 : i32
    return %arg0, %c0_i32 : i32, i32
  }
  func.func @transform_2(%arg0: i32) -> (i32, i32, i32) {
    %c0_i32 = arith.constant 0 : i32
    %c0_i32_0 = arith.constant 0 : i32
    %c0_i32_1 = arith.constant 0 : i32
    %c0_i32_2 = arith.constant 0 : i32
    return %c0_i32, %c0_i32_0, %c0_i32_1 : i32, i32, i32
  }
  func.func @transform_3(%arg0: i32) -> (i32, i32) {
    %c0_i32 = arith.constant 0 : i32
    %c0_i32_0 = arith.constant 0 : i32
    %c0_i32_1 = arith.constant 0 : i32
    return %c0_i32, %c0_i32_0 : i32, i32
  }
  func.func @transform_4(%arg0: i32) -> (i32, i32) {
    %c0_i32 = arith.constant 0 : i32
    %c0_i32_0 = arith.constant 0 : i32
    return %arg0, %c0_i32 : i32, i32
  }
  func.func @transform_5(%arg0: i32) -> (i32, i32) {
    %c0_i32 = arith.constant 0 : i32
    %c0_i32_0 = arith.constant 0 : i32
    return %arg0, %c0_i32 : i32, i32
  }
}

module attributes {stable_mosaic.version = 14 : i64} {
  func.func @_dense_kern(%arg0: i32, %arg1: memref<2x8x128xf32, #tpu.memory_space<vmem>>, %arg2: memref<8x128xf32, #tpu.memory_space<vmem>>, %arg3: memref<1x1x128xf32, #tpu.memory_space<vmem>>, %arg4: memref<1x1x128xf32, #tpu.memory_space<vmem>>, %arg5: memref<1x1x128xf32, #tpu.memory_space<vmem>>, %arg6: memref<1x1x128xf32, #tpu.memory_space<vmem>>, %arg7: memref<8x128x128xf32, #tpu.memory_space<vmem>>, %arg8: memref<8x128xf32, #tpu.memory_space<vmem>>) attributes {dimension_semantics = [#tpu.dimension_semantics<arbitrary>], iteration_bounds = array<i64: 49>, scalar_prefetch = 0 : i64, scratch_operands = 0 : i64, tpu.core_type = #tpu.core_type<tc>, window_params = [{transform_indices = @transform_0, window_bounds = array<i64: 2, 8, 128>}, {transform_indices = @transform_1, window_bounds = array<i64: 8, 128>}, {pipeline_mode = #tpu.pipeline_mode<synchronous>, transform_indices = @transform_2, window_bounds = array<i64: 1, 1, 128>}, {pipeline_mode = #tpu.pipeline_mode<synchronous>, transform_indices = @transform_3, window_bounds = array<i64: 1, 1, 128>}, {pipeline_mode = #tpu.pipeline_mode<synchronous>, transform_indices = @transform_4, window_bounds = array<i64: 1, 1, 128>}, {pipeline_mode = #tpu.pipeline_mode<synchronous>, transform_indices = @transform_5, window_bounds = array<i64: 1, 1, 128>}, {transform_indices = @transform_6, window_bounds = array<i64: 8, 128, 128>}, {transform_indices = @transform_7, window_bounds = array<i64: 8, 128>}]} {
    %get3A = arith.constant 0 : index
    %get3A_0 = arith.constant 0 : index
    %get3A_1 = arith.constant 0 : index
    %get3A_2 = vector.load %arg1[%get3A, %get3A_0, %get3A_1] : memref<2x8x128xf32, #tpu.memory_space<vmem>>, vector<1x8x128xf32>
    %get3A_3 = vector.shape_cast %get3A_2 : vector<1x8x128xf32> to vector<8x128xf32>
    %get3A_4 = arith.constant 1 : index
    %get3A_5 = arith.constant 0 : index
    %get3A_6 = arith.constant 0 : index
    %get3A_7 = vector.load %arg1[%get3A_4, %get3A_5, %get3A_6] : memref<2x8x128xf32, #tpu.memory_space<vmem>>, vector<1x8x128xf32>
    %get3A_8 = vector.shape_cast %get3A_7 : vector<1x8x128xf32> to vector<8x128xf32>
    %add3A = arith.addf %get3A_3, %get3A_8 : vector<8x128xf32>
    %broadcast_in_dim3A = vector.shape_cast %add3A : vector<8x128xf32> to vector<8x128x1xf32>
    %get3A_9 = arith.constant 0 : index
    %get3A_10 = arith.constant 0 : index
    %get3A_11 = vector.load %arg2[%get3A_9, %get3A_10] : memref<8x128xf32, #tpu.memory_space<vmem>>, vector<8x128xf32>
    %broadcast_in_dim3A_12 = vector.shape_cast %get3A_11 : vector<8x128xf32> to vector<8x128x1xf32>
    %get3A_13 = arith.constant 0 : index
    %get3A_14 = arith.constant 0 : index
    %get3A_15 = arith.constant 0 : index
    %get3A_16 = vector.load %arg3[%get3A_13, %get3A_14, %get3A_15] : memref<1x1x128xf32, #tpu.memory_space<vmem>>, vector<1x1x128xf32>
    %mul3A = vector.broadcast %broadcast_in_dim3A : vector<8x128x1xf32> to vector<8x128x128xf32>
    %mul3A_17 = vector.broadcast %get3A_16 : vector<1x1x128xf32> to vector<8x128x128xf32>
    %mul3A_18 = arith.mulf %mul3A, %mul3A_17 : vector<8x128x128xf32>
    %get3A_19 = arith.constant 0 : index
    %get3A_20 = arith.constant 0 : index
    %get3A_21 = arith.constant 0 : index
    %get3A_22 = vector.load %arg4[%get3A_19, %get3A_20, %get3A_21] : memref<1x1x128xf32, #tpu.memory_space<vmem>>, vector<1x1x128xf32>
    %add3A_23 = vector.broadcast %get3A_22 : vector<1x1x128xf32> to vector<8x128x128xf32>
    %add3A_24 = arith.addf %mul3A_18, %add3A_23 : vector<8x128x128xf32>
    %get3A_25 = arith.constant 0 : index
    %get3A_26 = arith.constant 0 : index
    %get3A_27 = arith.constant 0 : index
    %get3A_28 = vector.load %arg5[%get3A_25, %get3A_26, %get3A_27] : memref<1x1x128xf32, #tpu.memory_space<vmem>>, vector<1x1x128xf32>
    %mul3A_29 = vector.broadcast %broadcast_in_dim3A_12 : vector<8x128x1xf32> to vector<8x128x128xf32>
    %mul3A_30 = vector.broadcast %get3A_28 : vector<1x1x128xf32> to vector<8x128x128xf32>
    %mul3A_31 = arith.mulf %mul3A_29, %mul3A_30 : vector<8x128x128xf32>
    %add3A_32 = arith.addf %add3A_24, %mul3A_31 : vector<8x128x128xf32>
    %max3A = arith.constant 0.000000e+00 : f32
    %max3A_33 = vector.broadcast %max3A : f32 to vector<8x128x128xf32>
    %max3A_34 = arith.maximumf %add3A_32, %max3A_33 : vector<8x128x128xf32>
    %swap3A = arith.constant 0 : index
    %swap3A_35 = arith.constant 0 : index
    %swap3A_36 = arith.constant 0 : index
    %swap3A_37 = vector.load %arg7[%swap3A, %swap3A_35, %swap3A_36] : memref<8x128x128xf32, #tpu.memory_space<vmem>>, vector<8x128x128xf32>
    tpu.vector_store %arg7[%swap3A, %swap3A_35, %swap3A_36], %max3A_34 {strides = array<i32>} : memref<8x128x128xf32, #tpu.memory_space<vmem>>, vector<8x128x128xf32>,
    %convert_element_type3A = arith.truncf %max3A_34 : vector<8x128x128xf32> to vector<8x128x128xbf16>
    %convert_element_type3A_38 = arith.extf %convert_element_type3A : vector<8x128x128xbf16> to vector<8x128x128xf32>
    %get3A_39 = arith.constant 0 : index
    %get3A_40 = arith.constant 0 : index
    %get3A_41 = arith.constant 0 : index
    %get3A_42 = vector.load %arg6[%get3A_39, %get3A_40, %get3A_41] : memref<1x1x128xf32, #tpu.memory_space<vmem>>, vector<1x1x128xf32>
    %convert_element_type3A_43 = arith.truncf %get3A_42 : vector<1x1x128xf32> to vector<1x1x128xbf16>
    %convert_element_type3A_44 = arith.extf %convert_element_type3A_43 : vector<1x1x128xbf16> to vector<1x1x128xf32>
    %mul3A_45 = vector.broadcast %convert_element_type3A_44 : vector<1x1x128xf32> to vector<8x128x128xf32>
    %mul3A_46 = arith.mulf %convert_element_type3A_38, %mul3A_45 : vector<8x128x128xf32>
    %reduce_sum3A = arith.constant dense<0.000000e+00> : vector<8x128xf32>
    %reduce_sum3A_47 = vector.multi_reduction <add>, %mul3A_46, %reduce_sum3A [2] : vector<8x128x128xf32> to vector<8x128xf32>
    %swap3A_48 = arith.constant 0 : index
    %swap3A_49 = arith.constant 0 : index
    %swap3A_50 = vector.load %arg8[%swap3A_48, %swap3A_49] : memref<8x128xf32, #tpu.memory_space<vmem>>, vector<8x128xf32>
    tpu.vector_store %arg8[%swap3A_48, %swap3A_49], %reduce_sum3A_47 {strides = array<i32>} : memref<8x128xf32, #tpu.memory_space<vmem>>, vector<8x128xf32>,
    return
  }
  func.func @transform_0(%arg0: i32) -> (i32, i32, i32) {
    %c0_i32 = arith.constant 0 : i32
    %c0_i32_0 = arith.constant 0 : i32
    %c0_i32_1 = arith.constant 0 : i32
    return %c0_i32, %arg0, %c0_i32_0 : i32, i32, i32
  }
  func.func @transform_1(%arg0: i32) -> (i32, i32) {
    %c0_i32 = arith.constant 0 : i32
    %c0_i32_0 = arith.constant 0 : i32
    return %arg0, %c0_i32 : i32, i32
  }
  func.func @transform_2(%arg0: i32) -> (i32, i32, i32) {
    %c0_i32 = arith.constant 0 : i32
    %c0_i32_0 = arith.constant 0 : i32
    %c0_i32_1 = arith.constant 0 : i32
    %c0_i32_2 = arith.constant 0 : i32
    return %c0_i32, %c0_i32_0, %c0_i32_1 : i32, i32, i32
  }
  func.func @transform_3(%arg0: i32) -> (i32, i32, i32) {
    %c0_i32 = arith.constant 0 : i32
    %c0_i32_0 = arith.constant 0 : i32
    %c0_i32_1 = arith.constant 0 : i32
    %c0_i32_2 = arith.constant 0 : i32
    return %c0_i32, %c0_i32_0, %c0_i32_1 : i32, i32, i32
  }
  func.func @transform_4(%arg0: i32) -> (i32, i32, i32) {
    %c0_i32 = arith.constant 0 : i32
    %c0_i32_0 = arith.constant 0 : i32
    %c0_i32_1 = arith.constant 0 : i32
    %c0_i32_2 = arith.constant 0 : i32
    return %c0_i32, %c0_i32_0, %c0_i32_1 : i32, i32, i32
  }
  func.func @transform_5(%arg0: i32) -> (i32, i32, i32) {
    %c0_i32 = arith.constant 0 : i32
    %c0_i32_0 = arith.constant 0 : i32
    %c0_i32_1 = arith.constant 0 : i32
    %c0_i32_2 = arith.constant 0 : i32
    return %c0_i32, %c0_i32_0, %c0_i32_1 : i32, i32, i32
  }
  func.func @transform_6(%arg0: i32) -> (i32, i32, i32) {
    %c0_i32 = arith.constant 0 : i32
    %c0_i32_0 = arith.constant 0 : i32
    %c0_i32_1 = arith.constant 0 : i32
    return %arg0, %c0_i32, %c0_i32_0 : i32, i32, i32
  }
  func.func @transform_7(%arg0: i32) -> (i32, i32) {
    %c0_i32 = arith.constant 0 : i32
    %c0_i32_0 = arith.constant 0 : i32
    return %arg0, %c0_i32 : i32, i32
  }
}

</mosaic_0001>

<sc_bundles>
// kernel: kernel.6.cloned.1.call-start
scs
__scs_entry_jumppad:
0x0: {  	(pc) =	sbr.rel $0x88, $3  }
0x1: {  	(tag) =	ssettag $0x0;
	lr =	simm.s32 $0x1  }
0x2: {  	[smem:$0x3F99] =	sst lr;
	_ =	strace $0xD0000000  }
0x3: {  	_ = 	snop  }
0x4: {  	_ = 	snop  }
0x5: {  	_ = 	snop  }
0x6: {  	_ = 	snop  }
0x7: {  	_ = 	snop  }
__scs_overlays_trampoline_lowered:
0x8: {  	[smem:$0x3FA8] =	sst s0  }
0x9: {  	[smem:$0x3FA9] =	sst s1  }
0xa: {  	[smem:$0x3FAA] =	sst s2  }
0xb: {  	[smem:$0x3FAB] =	sst s3  }
0xc: {  	[smem:$0x3FAC] =	sst s4  }
0xd: {  	[smem:$0x3FAD] =	sst s5  }
0xe: {  	[smem:$0x3FAE] =	sst s6  }
0xf: {  	[smem:$0x3FAF] =	sst s7  }
0x10: {  	[smem:$0x3FB0] =	sst s8  }
0x11: {  	[smem:$0x3FB1] =	sst s9;
	s0 =	simm.s32 @!p0 $0x0  }
0x12: {  	s1 =	sld [smem:$0x3F97];
	s0 =	simm.s32 @p0 $0x1  }
0x13: {  	[smem:$0x3FB2] =	sst s0;
	s0 =	simm.s32 @!p1 $0x0  }
0x14: {  	s2 =	sld [smem:$0x3F96];
	s0 =	simm.s32 @p1 $0x1  }
0x15: {  	[smem:$0x3FB3] =	sst s0;
	s0 =	simm.s32 @!p2 $0x0  }
0x16: {  	s3 =	sld [smem:$0x3FDB];
	s0 =	simm.s32 @p2 $0x1  }
0x17: {  	s4 =	simm.s32 $0x1BF5;
	[smem:$0x3FB5] =	sst s0  }
0x18: {  	s0 =	sld [smem:$0x3F98];
	_ =	swait.ge [sflag:s4], $0x0  }
0x19: {  	s7 =	sld [smem:$0x3F99]  }
0x1a: {  	s8 =	sadd.s32 $0xFFFFE003, lr  }
0x1b: {  	s9 =	sadd.s32 $0xFFFFFEF7, lr;
	s5 =	simm.s32 $0xFFFFFFFF;
	p2 =	slt.u32 s8, $0xFFFFF086  }
0x1c: {  	p1 =	slt.u32 s9, $0xF7A;
	s5 =	simm.s32 @!p2 $0x0  }
0x1d: {  	s5 =	simm.s32 @p1 $0x1;
	p0 =	seq.s32 s7, s2  }
0x1e: {  	s7 =	smul.u32 @!p0 $0xF7A, s2;
	p2 =	seq.s32 @!p0 s5, $0x0  }
0x1f: {  	s9 =	smul.u32 $0xF7A, s1;
	s8 =	simm.s32 @!p0 $0x1BF5;
	p2 =	por !p2, p0  }
0x20: {  	[sflag:s8] =	ssyncset.s32 @!p0 $0xFFFFF086;
	s6 =	sadd.s32 @!p0 s3, s7;
	s7 =	simm.s32 @!p0 $0x108  }
0x21: {  	s3 =	sadd.s32 s3, s9;
	s6 =	sadd.s32 @!p0 $0x88, s6;
	s7 =	simm.s32 @p2 $0x1082  }
0x22: {  	[simem:s7], [sflag:s8] =	dma.local @!p0 [hbm:s6], $0xF7A  }
0x23: {  	s9 =	sor.u32 $0xD0000000, s2;
	s6 =	simm.s32 $0x108;
	_ =	swait.ge @!p0 [sflag:s8], $0x0  }
0x24: {  	s3 =	sadd.s32 $0x88, s3;
	s6 =	simm.s32 @!p1 $0x1082;
	[sflag:s4] =	ssyncset.s32 $0xFFFFF086  }
0x25: {  	[simem:s6], [sflag:s4] =	dma.local [hbm:s3], $0xF7A  }
0x26: {  	[smem:$0x3F99] =	sst s1;
	(tag) =	ssettag s2;
	_ =	strace s9  }
0x27: {  	s1 =	sld [smem:$0x3FA9]  }
0x28: {  	s2 =	sld [smem:$0x3FAA]  }
0x29: {  	s4 =	sld [smem:$0x3FAC]  }
0x2a: {  	p0 =	seq.s32 s5, $0x0;
	s5 =	sld [smem:$0x3FAD]  }
0x2b: {  	s6 =	sld [smem:$0x3FAE]  }
0x2c: {  	s7 =	sld [smem:$0x3FAF]  }
0x2d: {  	s3 =	simm.s32 $0x108;
	s8 =	sld [smem:$0x3FB0]  }
0x2e: {  	s3 =	simm.s32 @!p0 $0x1082;
	s9 =	sld [smem:$0x3FB1]  }
0x2f: {  	lr =	sadd.s32 s0, s3;
	s0 =	sld [smem:$0x3FA8]  }
0x30: {  	s3 =	sld [smem:$0x3FAB]  }
0x31: {  	[smem:$0x3FB4] =	sst s10  }
0x32: {  	s10 =	sld [smem:$0x3FB2];
	_ =	sdelay $0x3  }
0x33: {  	p0 =	seq.s32 s10, $0x1;
	s10 =	sld [smem:$0x3FB4];
	_ =	sdelay $0x3  }
0x34: {  	[smem:$0x3FB4] =	sst s10  }
0x35: {  	s10 =	sld [smem:$0x3FB3];
	_ =	sdelay $0x3  }
0x36: {  	p1 =	seq.s32 s10, $0x1;
	s10 =	sld [smem:$0x3FB4];
	_ =	sdelay $0x3  }
0x37: {  	[smem:$0x3FB4] =	sst s10  }
0x38: {  	s10 =	sld [smem:$0x3FB5]  }
0x39: {  	_ = 	snop;
	(pc) =	sbr.ind lr, $3  }
0x3a: {  	_ = 	snop  }
0x3b: {  	_ = 	snop  }
0x3c: {  	p2 =	seq.s32 s10, $0x1;
	s10 =	sld [smem:$0x3FB4]  }
0x3d: {  	_ =	shalt  }
0x3e: {  	_ =	shalt  }
0x3f: {  	_ =	shalt  }
0x40: {  	_ =	shalt  }
0x41: {  	_ =	shalt  }
0x42: {  	_ =	shalt  }
0x43: {  	_ =	shalt  }
0x44: {  	_ =	shalt  }
0x45: {  	_ =	shalt  }
0x46: {  	_ =	shalt  }
0x47: {  	_ =	shalt  }
0x48: {  	_ =	shalt  }
0x49: {  	_ =	shalt  }
0x4a: {  	_ =	shalt  }
0x4b: {  	_ =	shalt  }
0x4c: {  	_ =	shalt  }
0x4d: {  	_ =	shalt  }
0x4e: {  	_ =	shalt  }
0x4f: {  	_ =	shalt  }
0x50: {  	_ =	shalt  }
0x51: {  	_ =	shalt  }
0x52: {  	_ =	shalt  }
0x53: {  	_ =	shalt  }
0x54: {  	_ =	shalt  }
0x55: {  	_ =	shalt  }
0x56: {  	_ =	shalt  }
0x57: {  	_ =	shalt  }
0x58: {  	_ =	shalt  }
0x59: {  	_ =	shalt  }
0x5a: {  	_ =	shalt  }
0x5b: {  	_ =	shalt  }
0x5c: {  	_ =	shalt  }
0x5d: {  	_ =	shalt  }
0x5e: {  	_ =	shalt  }
0x5f: {  	_ =	shalt  }
0x60: {  	_ =	shalt  }
0x61: {  	_ =	shalt  }
0x62: {  	_ =	shalt  }
0x63: {  	_ =	shalt  }
0x64: {  	_ =	shalt  }
0x65: {  	_ =	shalt  }
0x66: {  	_ =	shalt  }
0x67: {  	_ =	shalt  }
0x68: {  	_ =	shalt  }
0x69: {  	_ =	shalt  }
0x6a: {  	_ =	shalt  }
0x6b: {  	_ =	shalt  }
0x6c: {  	_ =	shalt  }
0x6d: {  	_ =	shalt  }
0x6e: {  	_ =	shalt  }
0x6f: {  	_ =	shalt  }
0x70: {  	_ =	shalt  }
0x71: {  	_ =	shalt  }
0x72: {  	_ =	shalt  }
0x73: {  	_ =	shalt  }
0x74: {  	_ =	shalt  }
0x75: {  	_ =	shalt  }
0x76: {  	_ =	shalt  }
0x77: {  	_ =	shalt  }
0x78: {  	_ =	shalt  }
0x79: {  	_ =	shalt  }
0x7a: {  	_ =	shalt  }
0x7b: {  	_ =	shalt  }
0x7c: {  	_ =	shalt  }
0x7d: {  	_ =	shalt  }
0x7e: {  	_ =	shalt  }
0x7f: {  	_ =	shalt  }
0x80: {  	_ =	shalt  }
0x81: {  	_ =	shalt  }
0x82: {  	_ =	shalt  }
0x83: {  	_ =	shalt  }
0x84: {  	_ =	shalt  }
0x85: {  	_ =	shalt  }
0x86: {  	_ =	shalt  }
0x87: {  	_ =	shalt  }
.Lfunc_end0:
.L_simem_size_0:
called_computation_lowered:
.L_overlay_start_0:
0x88: {  	s2 =	sld [smem:$0x3FD9]  }
0x89: {  	s3 =	sld [smem:$0x3FFE];
	_ =	sdelay $0x1  }
0x8a: {  	s1 =	srdreg.scid  }
0x8b: {  	s0 =	sand.u32 $0x1, s1  }
0x8c: {  	s16 =	sshll.u32 s0, $0xA;
	s2 =	sadd.s32 s3, s2  }
0x8d: {  	s2 =	sadd.s32 s2, s16  }
0x8e: {  	[smem:$0x3FC0] =	sst s2  }
0x8f: {  	_ = 	snop  }
0x90: {  	(tm) =	ssettm $0x1  }
0x91: {  	s17 =	sld [smem:$0x3FFB];
	_ =	sdelay $0x3  }
0x92: {  	_ =	strace s17  }
0x93: {  	s2 =	sld [smem:$0x3FFC];
	_ =	sdelay $0x3  }
0x94: {  	_ =	strace s2  }
0x95: {  	s2 =	sld [smem:$0x3FFD];
	_ =	sdelay $0x3  }
0x96: {  	_ =	strace s2  }
0x97: {  	_ =	strace $0x8FFFFFFF  }
0x98: {  	s18 =	sld [smem:$0x3FDB];
	_ =	sdelay $0x1  }
0x99: {  	s19 =	simm.s32 $_scs_section_size  }
0x9a: {  	s4 =	simm.s32 $_size__tile_overlayer_lowered;
	s5 =	simm.s32 $_tile_overlayer_lowered  }
0x9b: {  	s22 =	simm.s32 $0x1BFF;
	s21 =	sshll.u32 s5, $0x1;
	s2 =	sadd.s32 s19, s18  }
0x9c: {  	s6 =	simm.s32 $0x0;
	s20 =	sshll.u32 s4, $0x1;
	s4 =	sadd.s32 s21, s2  }
0x9d: {  	[timem:s6], [sflag:s22] =	dma.local [hbm:s4], s20  }
0x9e: {  	_ =	swait.ge [sflag:s22], s20  }
0x9f: {  	s3 =	ssub.s32 $0x0, s20;
	[sflag:s22] =	ssyncset.done $0x0  }
0xa0: {  	[sflag:s22] =	ssyncadd.s32 s3;
	_ =	sdelay $0x1  }
0xa1: {  	s23 =	simm.s32 $0x1B8B  }
0xa2: {  	_ =	swait.ge [sflag:s23], $0x1  }
0xa3: {  	[sflag:s23] =	ssyncset.done $0x0  }
0xa4: {  	s25 =	simm.s32 $0x1B8E;
	s24 =	sld [smem:$0x3FFE];
	[sflag:s23] =	ssyncadd.s32 $0xFFFFFFFF  }
0xa5: {  	s26 =	simm.s32 $execute0_lowered;
	[smem:$0x3FD2] =	sst s25  }
0xa6: {  	s4 =	sshll.u32 s26, $0x1;
	_ =	strace $0x80000046;
	[dreg:$0x1] =	wrdreg $0xFFFFFFFF  }
0xa7: {  	s28 =	simm.s32 $_size_execute0_lowered;
	s2 =	sadd.s32 s2, s4;
	[dreg:$0x0] =	wrdreg $0x0  }
0xa8: {  	s4 =	sshll.u32 s28, $0x1;
	[dreg:$0x2] =	wrdreg s2  }
0xa9: {  	[dreg:$0x3] =	wrdreg s4  }
0xaa: {  	[dreg:$0x4] =	wrdreg $0xC0  }
0xab: {  	_ =	task [dreg:s6], $0x5FFFF  }
0xac: {  	[dreg:$0x1] =	wrdreg $0xFFFFFFFF  }
0xad: {  	[dreg:$0x0] =	wrdreg $0x60  }
0xae: {  	[dreg:$0x2] =	wrdreg s24  }
0xaf: {  	[dreg:$0x3] =	wrdreg $0x1EA000  }
0xb0: {  	[dreg:$0x4] =	wrdreg $0x9  }
0xb1: {  	_ =	task.clear_ibuf [dreg:s6], $0x5FFFF;
	_ =	strace $0x90000046  }
0xb2: {  	s29 =	simm.s32 $0x9;
	_ =	strace $0x80000048  }
0xb3: {  	_ =	swait.ge [sflag:s29], $0x1  }
0xb4: {  	[sflag:s29] =	ssyncadd.s32 $0xFFFFFFFF  }
0xb5: {  	_ =	strace $0x90000048  }
0xb6: {  	_ =	sfence  }
0xb7: {  	s30 =	sld [smem:$0x0];
	_ =	sdelay $0x2  }
0xb8: {  	s31 =	sshll.u32 s1, $0xD;
	s1 =	sshrl.u32 s1, $0x2  }
0xb9: {  	s3 =	sand.u32 $0x4000, s31;
	s1 =	sadd.s32 s1, s30  }
0xba: {  	s0 =	sor.u32 s3, s0;
	s1 =	sshll.u32 s1, $0x11  }
0xbb: {  	s0 =	sor.u32 s1, s0  }
0xbc: {  	s0 =	sadd.s32 $0x8F2B, s0  }
0xbd: {  	[sflag:s0] =	ssyncadd.remote.s32 $0x1  }
0xbe: {  	_ =	sfence.sel $0xFFFF  }
0xbf: {  	[dreg:$0x0] =	wrdreg $0xFFFFFFFF;
	(pc) =	sbr.abs _section_cstart, $3  }
0xc0: {  	[dreg:$0x1] =	wrdreg $0xFFFFFFFF  }
0xc1: {  	_ =	task.clear_ibuf [dreg:s6], $0x2FFFF;
	_ =	strace $0x9FFFFFFF  }
0xc2: {  	(tm) =	ssettm $0x7FFFFFFF  }
0xc3: {  	_ =	shalt  }
tec
execute0_lowered:
.L_overlay_start_1:
0x0: {  	(tag) =	ssettag $0x1  }
0x1: {  	s5 =	rddreg [dreg:$0x0];
	s0 =	srdreg.scid  }
0x2: {  	s2 =	rddreg [dreg:$0x1];
	s1 =	stileid.u32  }
0x3: {  	s3 =	simm.s32 $0x0;
	s11 =	simm.s32 $0x18800;
	s12 =	simm.s32 $0xC400  }
0x4: {  	s13 =	simm.s32 $0x12600;
	s14 =	simm.s32 $0x61C0;
	s6 =	sand.u32 $0x1, s0  }
0x5: {  	s15 =	simm.s32 $0x0;
	s7 =	smul.u32 $0xC40, s1;
	s4 =	sshll.u32 s6, $0x4  }
0x6: {  	s0 =	rddreg [dreg:$0x2];
	s8 =	smul.u32 $0xC400, s6;
	s4 =	sor.u32 s1, s4  }
0x7: {  	[smem:$0x7FF] =	sst s3;
	s6 =	ssub.s32 $0x2, s6;
	s9 =	smul.u32 $0x61A8, s4  }
0x8: {  	_ =	strace $0x80000047;
	s31 =	sshrl.u32 s6, $0x1;
	s8 =	sadd.s32 s7, s8  }
0x9: {  	s4 =	sadd.s32 $0x32400, s5;
	s8 =	sshrl.u32 s8, $0x3;
	s9 =	sshrl.u32 s9, $0x3  }
0xa: {  	s10 =	ssub.s32 s6, s31;
	s8 =	sadd.s32 s8, s5;
	s9 =	sadd.s32 s9, s5  }
0xb: {  	s5 =	sadd.s32 s7, s2;
	s8 =	sadd.s32 $0x33E00, s8;
	s6 =	sadd.s32 $0x1600, s9  }
0xc: {  	v0 =	vimm.f32 $0.0e+00;
	vm0 =	vmmov $0xff;
	v1 =	vimm.s32 $0x0;
	s7 =	sadd.s32 $0x19CA0, s9;
	s9 =	smax.u32 s10, $0x1;
	s10 =	simm.s32 $0x1  }
.LBB2_1:
0xd: {  	[tilespmem:s3], [sflag:$0x1] =	stream.linear.gather [hbm4b:s4+s3], $0xC400, $0x38;
	[tilespmem:$0x1F640] =	vst v63  }
0xe: {  	_ =	swait.ge [sflag:s10], $0xC400  }
0xf: {  	[sflag:s10] =	ssyncset.done $0x0  }
0x10: {  	s16 =	simm.s32 $0x40;
	s17 =	simm.s32 $0x0;
	[sflag:s10] =	ssyncadd.s32 $0xFFFF3C00  }
.LBB2_2:
0x11: {  	p0 =	sne.s32 s16, $0x30C0;
	[tilespmem:s17+$0x18800] =	vst v0;
	s17 =	smov.u32 s16;
	s16 =	sadd.s32 $0x40, s16  }
.Ltmp0:
0x12: {  	(pc) =	sbr.rel @p0 .LBB2_2-.Ltmp0, $2  }
0x13: {  	_ =	sdelay $0x2  }
0x14: {  	s17 =	sshra.s32 s17, $0x2  }
0x15: {  	[tilespmem:s17+$0x18800] =	vst v0  }
0x16: {  	[spmem:s5] =	stream.linear.scatter [tilespmem:s11], [sflag:$0x1], $0xC40, $0x38;
	[tilespmem:$0x1F640] =	vst v63  }
0x17: {  	_ =	swait.ge [sflag:s10], $0xC40  }
0x18: {  	[sflag:s10] =	ssyncset.done $0x0  }
0x19: {  	[sflag:s10] =	ssyncadd.s32 $0xFFFFF3C0  }
0x1a: {  	s16 =	simm.s32 $0x0;
	[bflag:$0x0] =	sbarrier.arrive $0xFFFF  }
0x1b: {  	[tilespmem:s12], [sflag:$0x1] =	stream.linear.gather [hbm4b:s6+s16], $0x61A8, $0x38;
	[tilespmem:$0x1F640] =	vst v63  }
0x1c: {  	_ =	swait.ge [sflag:s10], $0x61A8  }
0x1d: {  	[sflag:s10] =	ssyncset.done $0x0  }
0x1e: {  	[sflag:s10] =	ssyncadd.s32 $0xFFFF9E58  }
0x1f: {  	[tilespmem:s13], [sflag:$0x1] =	stream.linear.gather [hbm4b:s7+s16], $0x61A8, $0x38;
	[tilespmem:$0x1F640] =	vst v63  }
0x20: {  	_ =	swait.ge [sflag:s10], $0x61A8  }
0x21: {  	[sflag:s10] =	ssyncset.done $0x0  }
0x22: {  	s17 =	simm.s32 $0x0;
	[sflag:s10] =	ssyncadd.s32 $0xFFFF9E58  }
0x23: {  	v2 =	vld [tilespmem:s17+$0xC400];
	_ =	sdelay $0x4  }
0x24: {  	s16 =	simm.s32 $0x10;
	vm1 =	vgt.s32 v2, $0x0  }
0x25: {  	v3 =	vld [tilespmem:s16+$0xC400];
	v2 =	vnsel vm1, $0x0, v2  }
0x26: {  	v2 =	vmin.u32 v2, $0xC34F;
	_ =	sdelay $0x3  }
0x27: {  	vm1 =	vgt.s32 v3, $0x0  }
0x28: {  	s18 =	simm.s32 $0x20;
	s19 =	simm.s32 $0xC0;
	v3 =	vnsel vm1, $0x0, v3;
	v2 =	vld.idx.msk [tilespmem:v2+s3+$0x0], $0xffff  }
.LBB2_4:
0x29: {  	p0 =	sne.s32 s19, $0x18680;
	v4 =	vld [tilespmem:s18+$0xC400];
	v3 =	vmin.u32 v3, $0xC34F;
	_ =	sdelay $0x1  }
.Ltmp1:
0x2a: {  	(pc) =	sbr.rel @p0 .LBB2_4-.Ltmp1, $4  }
0x2b: {  	_ = 	snop  }
0x2c: {  	[tilespmem:s17+$0x18800] =	vst v2;
	s17 =	smov.u32 s16;
	s16 =	smov.u32 s18  }
0x2d: {  	vm1 =	vgt.s32 v4, $0x0;
	v2 =	vld.idx.msk [tilespmem:v3+s3+$0x0], $0xffff  }
0x2e: {  	s18 =	sshra.s32 s19, $0x2;
	s19 =	sadd.s32 $0x40, s19;
	v3 =	vnsel vm1, $0x0, v4  }
0x2f: {  	v4 =	vld [tilespmem:s18+$0xC400]  }
0x30: {  	v3 =	vmin.u32 v3, $0xC34F;
	_ =	sdelay $0x3  }
0x31: {  	[tilespmem:s17+$0x18800] =	vst v2;
	vm1 =	vgt.s32 v4, $0x0  }
0x32: {  	v2 =	vld.idx.msk [tilespmem:v3+s3+$0x0], $0xffff;
	v3 =	vnsel vm1, $0x0, v4  }
0x33: {  	v3 =	vmin.u32 v3, $0xC34F;
	_ =	sdelay $0x3  }
0x34: {  	[tilespmem:s16+$0x18800] =	vst v2  }
0x35: {  	v2 =	vld.idx.msk [tilespmem:v3+s3+$0x0], $0xffff;
	_ =	sdelay $0x4  }
0x36: {  	[tilespmem:s18+$0x18800] =	vst v2  }
0x37: {  	v2 =	vld [tilespmem:$0x187A0]  }
0x38: {  	v3 =	vld [tilespmem:$0x1E9A0];
	_ =	sdelay $0x2  }
0x39: {  	[tilespmem:$0x187B0] =	vst v1  }
0x3a: {  	[tilespmem:$0x1E9B0] =	vst v0;
	v2 =	vnsel vm0, $0x0, v2  }
0x3b: {  	[tilespmem:$0x187A0] =	vst v2;
	v2 =	vnsel vm0, $0x0, v3  }
0x3c: {  	[tilespmem:$0x1E9A0] =	vst v2  }
0x3d: {  	[spmem:s2] =	stream.indirect.scatter.add.f32 [tilespmem:s11], [sflag:$0x1], $0x1, s13, s14, $0xb8;
	[tilespmem:$0x1F640] =	vst v63  }
0x3e: {  	_ =	swait.ge [sflag:s10], $0x61C0  }
0x3f: {  	[sflag:s10] =	ssyncset.done $0x0  }
0x40: {  	[sflag:s10] =	ssyncadd.s32 $0xFFFF9E40  }
0x41: {  	[bflag:$0x0] =	sbarrier.arrive $0xFFFF  }
0x42: {  	[tilespmem:s11], [sflag:$0x1] =	stream.linear.gather [spmem:s5], $0xC40, $0x38;
	[tilespmem:$0x1F640] =	vst v63  }
0x43: {  	s15 =	sadd.s32 $0x1, s15;
	_ =	swait.ge [sflag:s10], $0xC40  }
0x44: {  	p0 =	sne.s32 s15, s9;
	[sflag:s10] =	ssyncset.done $0x0  }
.Ltmp2:
0x45: {  	[sflag:s10] =	ssyncadd.s32 $0xFFFFF3C0;
	(pc) =	sbr.rel @p0 .LBB2_1-.Ltmp2, $4  }
0x46: {  	[hbm4b:s8+s3] =	stream.linear.scatter [tilespmem:s11], [sflag:$0x1], $0xC40, $0x38;
	[tilespmem:$0x1F640] =	vst v63  }
0x47: {  	_ =	swait.ge [sflag:s10], $0xC40  }
0x48: {  	[sflag:s10] =	ssyncset.done $0x0  }
0x49: {  	[sflag:s10] =	ssyncadd.s32 $0xFFFFF3C0  }
0x4a: {  	_ =	sfence.sel $0x180000  }
0x4b: {  	[bflag:$0x0] =	sbarrier.arrive $0xFFFF  }
0x4c: {  	p0 =	sne.s32 s1, $0x0;
	_ =	strace $0x90000047  }
0x4d: {  	s0 =	sadd.s32 @!p0 $0x100000, s0;
	[bflag:$0x2] =	sbarrier.arrive $0xFFFF  }
0x4e: {  	[sflag:s0] =	ssyncadd.tile.s32 @!p0 $0x1;
	_ =	shalt  }
.Lfunc_end2:
_tile_overlayer_lowered:
.L_overlay_start_2:
0x4f: {  	(tag) =	ssettag $0x2  }
0x50: {  	s0 =	rddreg [dreg:$0x0];
	s2 =	stileid.u32  }
0x51: {  	s1 =	rddreg [dreg:$0x1];
	p0 =	sne.s32 s2, $0x0  }
0x52: {  	s3 =	rddreg [dreg:$0x2];
	[bflag:$0x3] =	sbarrier.arrive $0xFFFF;
	s2 =	simm.s32 @!p0 $0x1C01  }
0x53: {  	[timem:s3], [sflag:s2] =	dma.local @!p0 [hbm:s0], s1  }
0x54: {  	s0 =	simm.s32 @!p0 $0x1  }
0x55: {  	_ =	swait.ge @!p0 [sflag:s0], s1  }
0x56: {  	s1 =	ssub.s32 @!p0 $0x0, s1;
	[sflag:s0] =	ssyncset.done @!p0 $0x0  }
0x57: {  	[sflag:s0] =	ssyncadd.s32 @!p0 s1  }
0x58: {  	[bflag:$0x3] =	sbarrier.arrive $0xFFFF  }
0x59: {  	_ =	shalt  }

// kernel: kernel.9.cloned.1.call-start
scs
__scs_entry_jumppad:
0x0: {  	(pc) =	sbr.rel $0x88, $3  }
0x1: {  	(tag) =	ssettag $0x0;
	lr =	simm.s32 $0x1  }
0x2: {  	[smem:$0x3F99] =	sst lr;
	_ =	strace $0xD0000000  }
0x3: {  	_ = 	snop  }
0x4: {  	_ = 	snop  }
0x5: {  	_ = 	snop  }
0x6: {  	_ = 	snop  }
0x7: {  	_ = 	snop  }
__scs_overlays_trampoline_lowered:
0x8: {  	[smem:$0x3FA8] =	sst s0  }
0x9: {  	[smem:$0x3FA9] =	sst s1  }
0xa: {  	[smem:$0x3FAA] =	sst s2  }
0xb: {  	[smem:$0x3FAB] =	sst s3  }
0xc: {  	[smem:$0x3FAC] =	sst s4  }
0xd: {  	[smem:$0x3FAD] =	sst s5  }
0xe: {  	[smem:$0x3FAE] =	sst s6  }
0xf: {  	[smem:$0x3FAF] =	sst s7  }
0x10: {  	[smem:$0x3FB0] =	sst s8  }
0x11: {  	[smem:$0x3FB1] =	sst s9;
	s0 =	simm.s32 @!p0 $0x0  }
0x12: {  	s1 =	sld [smem:$0x3F97];
	s0 =	simm.s32 @p0 $0x1  }
0x13: {  	[smem:$0x3FB2] =	sst s0;
	s0 =	simm.s32 @!p1 $0x0  }
0x14: {  	s2 =	sld [smem:$0x3F96];
	s0 =	simm.s32 @p1 $0x1  }
0x15: {  	[smem:$0x3FB3] =	sst s0;
	s0 =	simm.s32 @!p2 $0x0  }
0x16: {  	s3 =	sld [smem:$0x3FDB];
	s0 =	simm.s32 @p2 $0x1  }
0x17: {  	s4 =	simm.s32 $0x1BF5;
	[smem:$0x3FB5] =	sst s0  }
0x18: {  	s0 =	sld [smem:$0x3F98];
	_ =	swait.ge [sflag:s4], $0x0  }
0x19: {  	s7 =	sld [smem:$0x3F99]  }
0x1a: {  	s8 =	sadd.s32 $0xFFFFE003, lr  }
0x1b: {  	s9 =	sadd.s32 $0xFFFFFEF7, lr;
	s5 =	simm.s32 $0xFFFFFFFF;
	p2 =	slt.u32 s8, $0xFFFFF086  }
0x1c: {  	p1 =	slt.u32 s9, $0xF7A;
	s5 =	simm.s32 @!p2 $0x0  }
0x1d: {  	s5 =	simm.s32 @p1 $0x1;
	p0 =	seq.s32 s7, s2  }
0x1e: {  	s7 =	smul.u32 @!p0 $0xF7A, s2;
	p2 =	seq.s32 @!p0 s5, $0x0  }
0x1f: {  	s9 =	smul.u32 $0xF7A, s1;
	s8 =	simm.s32 @!p0 $0x1BF5;
	p2 =	por !p2, p0  }
0x20: {  	[sflag:s8] =	ssyncset.s32 @!p0 $0xFFFFF086;
	s6 =	sadd.s32 @!p0 s3, s7;
	s7 =	simm.s32 @!p0 $0x108  }
0x21: {  	s3 =	sadd.s32 s3, s9;
	s6 =	sadd.s32 @!p0 $0x88, s6;
	s7 =	simm.s32 @p2 $0x1082  }
0x22: {  	[simem:s7], [sflag:s8] =	dma.local @!p0 [hbm:s6], $0xF7A  }
0x23: {  	s9 =	sor.u32 $0xD0000000, s2;
	s6 =	simm.s32 $0x108;
	_ =	swait.ge @!p0 [sflag:s8], $0x0  }
0x24: {  	s3 =	sadd.s32 $0x88, s3;
	s6 =	simm.s32 @!p1 $0x1082;
	[sflag:s4] =	ssyncset.s32 $0xFFFFF086  }
0x25: {  	[simem:s6], [sflag:s4] =	dma.local [hbm:s3], $0xF7A  }
0x26: {  	[smem:$0x3F99] =	sst s1;
	(tag) =	ssettag s2;
	_ =	strace s9  }
0x27: {  	s1 =	sld [smem:$0x3FA9]  }
0x28: {  	s2 =	sld [smem:$0x3FAA]  }
0x29: {  	s4 =	sld [smem:$0x3FAC]  }
0x2a: {  	p0 =	seq.s32 s5, $0x0;
	s5 =	sld [smem:$0x3FAD]  }
0x2b: {  	s6 =	sld [smem:$0x3FAE]  }
0x2c: {  	s7 =	sld [smem:$0x3FAF]  }
0x2d: {  	s3 =	simm.s32 $0x108;
	s8 =	sld [smem:$0x3FB0]  }
0x2e: {  	s3 =	simm.s32 @!p0 $0x1082;
	s9 =	sld [smem:$0x3FB1]  }
0x2f: {  	lr =	sadd.s32 s0, s3;
	s0 =	sld [smem:$0x3FA8]  }
0x30: {  	s3 =	sld [smem:$0x3FAB]  }
0x31: {  	[smem:$0x3FB4] =	sst s10  }
0x32: {  	s10 =	sld [smem:$0x3FB2];
	_ =	sdelay $0x3  }
0x33: {  	p0 =	seq.s32 s10, $0x1;
	s10 =	sld [smem:$0x3FB4];
	_ =	sdelay $0x3  }
0x34: {  	[smem:$0x3FB4] =	sst s10  }
0x35: {  	s10 =	sld [smem:$0x3FB3];
	_ =	sdelay $0x3  }
0x36: {  	p1 =	seq.s32 s10, $0x1;
	s10 =	sld [smem:$0x3FB4];
	_ =	sdelay $0x3  }
0x37: {  	[smem:$0x3FB4] =	sst s10  }
0x38: {  	s10 =	sld [smem:$0x3FB5]  }
0x39: {  	_ = 	snop;
	(pc) =	sbr.ind lr, $3  }
0x3a: {  	_ = 	snop  }
0x3b: {  	_ = 	snop  }
0x3c: {  	p2 =	seq.s32 s10, $0x1;
	s10 =	sld [smem:$0x3FB4]  }
0x3d: {  	_ =	shalt  }
0x3e: {  	_ =	shalt  }
0x3f: {  	_ =	shalt  }
0x40: {  	_ =	shalt  }
0x41: {  	_ =	shalt  }
0x42: {  	_ =	shalt  }
0x43: {  	_ =	shalt  }
0x44: {  	_ =	shalt  }
0x45: {  	_ =	shalt  }
0x46: {  	_ =	shalt  }
0x47: {  	_ =	shalt  }
0x48: {  	_ =	shalt  }
0x49: {  	_ =	shalt  }
0x4a: {  	_ =	shalt  }
0x4b: {  	_ =	shalt  }
0x4c: {  	_ =	shalt  }
0x4d: {  	_ =	shalt  }
0x4e: {  	_ =	shalt  }
0x4f: {  	_ =	shalt  }
0x50: {  	_ =	shalt  }
0x51: {  	_ =	shalt  }
0x52: {  	_ =	shalt  }
0x53: {  	_ =	shalt  }
0x54: {  	_ =	shalt  }
0x55: {  	_ =	shalt  }
0x56: {  	_ =	shalt  }
0x57: {  	_ =	shalt  }
0x58: {  	_ =	shalt  }
0x59: {  	_ =	shalt  }
0x5a: {  	_ =	shalt  }
0x5b: {  	_ =	shalt  }
0x5c: {  	_ =	shalt  }
0x5d: {  	_ =	shalt  }
0x5e: {  	_ =	shalt  }
0x5f: {  	_ =	shalt  }
0x60: {  	_ =	shalt  }
0x61: {  	_ =	shalt  }
0x62: {  	_ =	shalt  }
0x63: {  	_ =	shalt  }
0x64: {  	_ =	shalt  }
0x65: {  	_ =	shalt  }
0x66: {  	_ =	shalt  }
0x67: {  	_ =	shalt  }
0x68: {  	_ =	shalt  }
0x69: {  	_ =	shalt  }
0x6a: {  	_ =	shalt  }
0x6b: {  	_ =	shalt  }
0x6c: {  	_ =	shalt  }
0x6d: {  	_ =	shalt  }
0x6e: {  	_ =	shalt  }
0x6f: {  	_ =	shalt  }
0x70: {  	_ =	shalt  }
0x71: {  	_ =	shalt  }
0x72: {  	_ =	shalt  }
0x73: {  	_ =	shalt  }
0x74: {  	_ =	shalt  }
0x75: {  	_ =	shalt  }
0x76: {  	_ =	shalt  }
0x77: {  	_ =	shalt  }
0x78: {  	_ =	shalt  }
0x79: {  	_ =	shalt  }
0x7a: {  	_ =	shalt  }
0x7b: {  	_ =	shalt  }
0x7c: {  	_ =	shalt  }
0x7d: {  	_ =	shalt  }
0x7e: {  	_ =	shalt  }
0x7f: {  	_ =	shalt  }
0x80: {  	_ =	shalt  }
0x81: {  	_ =	shalt  }
0x82: {  	_ =	shalt  }
0x83: {  	_ =	shalt  }
0x84: {  	_ =	shalt  }
0x85: {  	_ =	shalt  }
0x86: {  	_ =	shalt  }
0x87: {  	_ =	shalt  }
.Lfunc_end0:
.L_simem_size_0:
called_computation.1_lowered:
.L_overlay_start_0:
0x88: {  	s2 =	sld [smem:$0x3FD9]  }
0x89: {  	s3 =	sld [smem:$0x3FFE];
	_ =	sdelay $0x1  }
0x8a: {  	s1 =	srdreg.scid  }
0x8b: {  	s0 =	sand.u32 $0x1, s1  }
0x8c: {  	s16 =	sshll.u32 s0, $0xA;
	s2 =	sadd.s32 s3, s2  }
0x8d: {  	s2 =	sadd.s32 s2, s16  }
0x8e: {  	[smem:$0x3FC0] =	sst s2  }
0x8f: {  	_ = 	snop  }
0x90: {  	(tm) =	ssettm $0x1  }
0x91: {  	s17 =	sld [smem:$0x3FFB];
	_ =	sdelay $0x3  }
0x92: {  	_ =	strace s17  }
0x93: {  	s2 =	sld [smem:$0x3FFC];
	_ =	sdelay $0x3  }
0x94: {  	_ =	strace s2  }
0x95: {  	s2 =	sld [smem:$0x3FFD];
	_ =	sdelay $0x3  }
0x96: {  	_ =	strace s2  }
0x97: {  	_ =	strace $0x8FFFFFFF  }
0x98: {  	s18 =	sld [smem:$0x3FDB];
	_ =	sdelay $0x1  }
0x99: {  	s19 =	simm.s32 $_scs_section_size  }
0x9a: {  	s4 =	simm.s32 $_size__tile_overlayer_lowered;
	s5 =	simm.s32 $_tile_overlayer_lowered  }
0x9b: {  	s22 =	simm.s32 $0x1BFF;
	s21 =	sshll.u32 s5, $0x1;
	s2 =	sadd.s32 s19, s18  }
0x9c: {  	s6 =	simm.s32 $0x0;
	s20 =	sshll.u32 s4, $0x1;
	s4 =	sadd.s32 s21, s2  }
0x9d: {  	[timem:s6], [sflag:s22] =	dma.local [hbm:s4], s20  }
0x9e: {  	_ =	swait.ge [sflag:s22], s20  }
0x9f: {  	s3 =	ssub.s32 $0x0, s20;
	[sflag:s22] =	ssyncset.done $0x0  }
0xa0: {  	[sflag:s22] =	ssyncadd.s32 s3;
	_ =	sdelay $0x1  }
0xa1: {  	s23 =	simm.s32 $0x1B8B  }
0xa2: {  	_ =	swait.ge [sflag:s23], $0x1  }
0xa3: {  	[sflag:s23] =	ssyncset.done $0x0  }
0xa4: {  	s25 =	simm.s32 $0x1B8E;
	s24 =	sld [smem:$0x3FFE];
	[sflag:s23] =	ssyncadd.s32 $0xFFFFFFFF  }
0xa5: {  	s26 =	simm.s32 $execute0_lowered;
	[smem:$0x3FD2] =	sst s25  }
0xa6: {  	s4 =	sshll.u32 s26, $0x1;
	_ =	strace $0x80000049;
	[dreg:$0x1] =	wrdreg $0xFFFFFFFF  }
0xa7: {  	s28 =	simm.s32 $_size_execute0_lowered;
	s2 =	sadd.s32 s2, s4;
	[dreg:$0x0] =	wrdreg $0x0  }
0xa8: {  	s4 =	sshll.u32 s28, $0x1;
	[dreg:$0x2] =	wrdreg s2  }
0xa9: {  	[dreg:$0x3] =	wrdreg s4  }
0xaa: {  	[dreg:$0x4] =	wrdreg $0xC0  }
0xab: {  	_ =	task [dreg:s6], $0x5FFFF  }
0xac: {  	[dreg:$0x1] =	wrdreg $0xFFFFFFFF  }
0xad: {  	[dreg:$0x0] =	wrdreg $0x60  }
0xae: {  	[dreg:$0x2] =	wrdreg s24  }
0xaf: {  	[dreg:$0x3] =	wrdreg $0x174000  }
0xb0: {  	[dreg:$0x4] =	wrdreg $0x9  }
0xb1: {  	_ =	task.clear_ibuf [dreg:s6], $0x5FFFF;
	_ =	strace $0x90000049  }
0xb2: {  	s29 =	simm.s32 $0x9;
	_ =	strace $0x8000004B  }
0xb3: {  	_ =	swait.ge [sflag:s29], $0x1  }
0xb4: {  	[sflag:s29] =	ssyncadd.s32 $0xFFFFFFFF  }
0xb5: {  	_ =	strace $0x9000004B  }
0xb6: {  	_ =	sfence  }
0xb7: {  	s30 =	sld [smem:$0x0];
	_ =	sdelay $0x2  }
0xb8: {  	s31 =	sshll.u32 s1, $0xD;
	s1 =	sshrl.u32 s1, $0x2  }
0xb9: {  	s3 =	sand.u32 $0x4000, s31;
	s1 =	sadd.s32 s1, s30  }
0xba: {  	s0 =	sor.u32 s3, s0;
	s1 =	sshll.u32 s1, $0x11  }
0xbb: {  	s0 =	sor.u32 s1, s0  }
0xbc: {  	s0 =	sadd.s32 $0x8F2B, s0  }
0xbd: {  	[sflag:s0] =	ssyncadd.remote.s32 $0x1  }
0xbe: {  	_ =	sfence.sel $0xFFFF  }
0xbf: {  	[dreg:$0x0] =	wrdreg $0xFFFFFFFF;
	(pc) =	sbr.abs _section_cstart, $3  }
0xc0: {  	[dreg:$0x1] =	wrdreg $0xFFFFFFFF  }
0xc1: {  	_ =	task.clear_ibuf [dreg:s6], $0x2FFFF;
	_ =	strace $0x9FFFFFFF  }
0xc2: {  	(tm) =	ssettm $0x7FFFFFFF  }
0xc3: {  	_ =	shalt  }
tec
execute0_lowered:
.L_overlay_start_1:
0x0: {  	(tag) =	ssettag $0x1  }
0x1: {  	s0 =	rddreg [dreg:$0x0]  }
0x2: {  	s1 =	rddreg [dreg:$0x1]  }
0x3: {  	s3 =	simm.s32 $0x0;
	s2 =	srdreg.scid;
	s16 =	stileid.u32  }
0x4: {  	s28 =	simm.s32 $0x0;
	[smem:$0x7FF] =	sst s3;
	s6 =	smul.u32 $0x1C000, s16  }
0x5: {  	s4 =	sadd.s32 $0x32400, s0;
	s2 =	sand.u32 $0x1, s2;
	s11 =	smul.u32 $0xE0, s16  }
0x6: {  	s5 =	sadd.s32 $0x1600, s0;
	s16 =	smul.u32 $0xC350, s16;
	s7 =	ssub.s32 $0x2, s2  }
0x7: {  	s0 =	sadd.s32 $0xF6400, s0;
	s2 =	smul.u32 $0xE00, s2;
	s8 =	sshrl.u32 s7, $0x1  }
0x8: {  	_ =	strace $0x8000004A;
	s6 =	sshrl.u32 s6, $0x2;
	s10 =	ssub.s32 s7, s8  }
0x9: {  	s6 =	sadd.s32 s6, s1;
	s12 =	sadd.s32 s11, s2;
	s17 =	sadd.s32 $0x1C00, s2  }
0xa: {  	s18 =	sadd.s32 $0x3800, s2;
	s19 =	sadd.s32 $0x5400, s2;
	s20 =	sor.u32 $0x7000, s2  }
0xb: {  	s21 =	sadd.s32 $0x8C00, s2;
	s29 =	sadd.s32 $0x2A00, s2;
	s30 =	sadd.s32 $0x4600, s2  }
0xc: {  	s31 =	sadd.s32 $0x7E00, s2;
	s7 =	sadd.s32 $0x2000, s6;
	s8 =	sadd.s32 $0x4000, s6  }
0xd: {  	s9 =	sadd.s32 $0x6000, s6;
	s12 =	sshll.u32 s12, $0x4;
	s13 =	sadd.s32 s11, s17  }
0xe: {  	s14 =	sadd.s32 s11, s18;
	s25 =	sadd.s32 s11, s19;
	s26 =	sadd.s32 s11, s20  }
0xf: {  	s15 =	sadd.s32 s11, s21;
	v3 =	vmov s18;
	v5 =	vmov s19;
	s18 =	smax.u32 s10, $0x1;
	s19 =	simm.s32 $0x15400  }
0x10: {  	v8 =	vmov s20;
	v10 =	vmov s21;
	s20 =	simm.s32 $0x1;
	s21 =	simm.s32 $0x800;
	s12 =	sadd.s32 s0, s12  }
0x11: {  	s22 =	sshll.u32 s13, $0x4;
	s23 =	sshll.u32 s14, $0x4;
	s13 =	sshll.u32 s25, $0x4  }
0x12: {  	s14 =	sshll.u32 s26, $0x4;
	s15 =	sshll.u32 s15, $0x4;
	s25 =	sadd.s32 $0x9A00, s2  }
0x13: {  	s26 =	simm.s32 $0x5200;
	[dreg:$0x3] =	wrdreg s12;
	s12 =	sadd.s32 s0, s22  }
0x14: {  	s24 =	sadd.s32 s0, s23;
	s13 =	sadd.s32 s0, s13;
	s14 =	sadd.s32 s0, s14  }
.Ltmp0:
0x15: {  	v14 =	vimm.f32 $0.0e+00;
	s15 =	sadd.s32 s0, s15;
	s22 =	sadd.s32 $0xA800, s2;
	(pc) =	sbr.rel .LBB2_1-.Ltmp0, $4  }
0x16: {  	v15 =	vimm.s32 $0x0;
	v16 =	vimm.s32 $0xE00;
	s23 =	sadd.s32 $0xE00, s2;
	v11 =	vmov s25;
	s25 =	simm.s32 $0x2;
	[dreg:$0x4] =	wrdreg s12  }
0x17: {  	v7 =	vmov s2;
	v1 =	vmov s17;
	v2 =	vmov s29;
	[dreg:$0x5] =	wrdreg s24;
	s11 =	sadd.s32 s11, s22;
	s24 =	sadd.s32 $0x6200, s2  }
0x18: {  	v4 =	vmov s30;
	v9 =	vmov s31;
	s2 =	sadd.s32 $0xB600, s2;
	v12 =	vmov s22;
	s22 =	simm.s32 $0x200;
	s11 =	sshll.u32 s11, $0x4  }
0x19: {  	v0 =	vmov s23;
	s23 =	simm.s32 $0x5000;
	v6 =	vmov s24;
	v13 =	vmov s2;
	s24 =	simm.s32 $0x5400;
	s17 =	sadd.s32 s0, s11  }
.LBB2_87:
0x1a: {  	[bflag:$0x0] =	sbarrier.arrive $0xFFFF  }
0x1b: {  	[tilespmem:s24], [sflag:$0x1] =	stream.linear.gather [spmem:s6], $0x7000, $0x38;
	[tilespmem:$0x1E408] =	vst v63  }
0x1c: {  	_ =	swait.ge [sflag:s20], $0x7000  }
0x1d: {  	s28 =	sadd.s32 $0x1, s28;
	[sflag:s20] =	ssyncset.done $0x0  }
0x1e: {  	p0 =	sne.s32 s28, s18;
	[sflag:s20] =	ssyncadd.s32 $0xFFFF9000  }
0x1f: {  	[hbm4b:s17+s3] =	stream.linear.scatter [tilespmem:s24], [sflag:$0x1], $0x7000, $0x38;
	[tilespmem:$0x1E408] =	vst v63  }
.Ltmp1:
0x20: {  	_ =	swait.ge [sflag:s20], $0x7000;
	(pc) =	sbr.rel @!p0 .LBB2_88-.Ltmp1, $3  }
0x21: {  	[sflag:s20] =	ssyncset.done $0x0  }
0x22: {  	[sflag:s20] =	ssyncadd.s32 $0xFFFF9000  }
0x23: {  	[bflag:$0x0] =	sbarrier.arrive $0xFFFF;
	_ =	sdelay $0x1  }
.LBB2_1:
0x24: {  	s0 =	sand.u32 $0x7E00, s3  }
0x25: {  	s2 =	sand.u32 $0x70, s3;
	s10 =	sshrl.u32 s0, $0x2  }
0x26: {  	s0 =	simm.s32 $0x40;
	s10 =	sor.u32 s2, s10;
	s2 =	simm.s32 $0x0  }
.LBB2_2:
0x27: {  	p0 =	sne.s32 s0, $0x7FC0  }
0x28: {  	[tilespmem:s10+$0x15400] =	vst v14;
	s2 =	sadd.s32 $0x10, s2;
	s10 =	smov.u32 s0;
	s0 =	sadd.s32 $0x40, s0  }
.Ltmp2:
0x29: {  	(pc) =	sbr.rel @p0 .LBB2_2-.Ltmp2, $4  }
0x2a: {  	_ = 	snop  }
0x2b: {  	s10 =	sand.u32 $0x7E00, s10  }
0x2c: {  	s11 =	sand.u32 $0x70, s2;
	s10 =	sshrl.u32 s10, $0x2  }
0x2d: {  	s10 =	sor.u32 s11, s10  }
0x2e: {  	[tilespmem:s10+$0x15400] =	vst v14  }
0x2f: {  	[spmem:s6] =	stream.linear.scatter [tilespmem:s19], [sflag:$0x1], $0x2000, $0x38;
	[tilespmem:$0x1E408] =	vst v63  }
0x30: {  	_ =	swait.ge [sflag:s20], $0x2000  }
0x31: {  	[sflag:s20] =	ssyncset.done $0x0  }
0x32: {  	[sflag:s20] =	ssyncadd.s32 $0xFFFFE000  }
0x33: {  	[spmem:s7] =	stream.linear.scatter [tilespmem:s19], [sflag:$0x1], $0x2000, $0x38;
	[tilespmem:$0x1E408] =	vst v63  }
0x34: {  	_ =	swait.ge [sflag:s20], $0x2000  }
0x35: {  	[sflag:s20] =	ssyncset.done $0x0  }
0x36: {  	[sflag:s20] =	ssyncadd.s32 $0xFFFFE000  }
0x37: {  	[spmem:s8] =	stream.linear.scatter [tilespmem:s19], [sflag:$0x1], $0x2000, $0x38;
	[tilespmem:$0x1E408] =	vst v63  }
0x38: {  	_ =	swait.ge [sflag:s20], $0x2000  }
0x39: {  	[sflag:s20] =	ssyncset.done $0x0  }
0x3a: {  	[sflag:s20] =	ssyncadd.s32 $0xFFFFE000  }
0x3b: {  	[spmem:s9] =	stream.linear.scatter [tilespmem:s19], [sflag:$0x1], $0x1000, $0x38;
	[tilespmem:$0x1E408] =	vst v63  }
0x3c: {  	_ =	swait.ge [sflag:s20], $0x1000  }
0x3d: {  	[sflag:s20] =	ssyncset.done $0x0  }
0x3e: {  	s29 =	simm.s32 $0x0;
	[sflag:s20] =	ssyncadd.s32 $0xFFFFF000  }
0x3f: {  	s0 =	simm.s32 $0x40;
	s2 =	simm.s32 $0x0;
	[bflag:$0x0] =	sbarrier.arrive $0xFFFF  }
.LBB2_4:
0x40: {  	p0 =	sne.s32 s0, $0x7FC0;
	[tilespmem:s2+$0x1000] =	vst v15;
	s10 =	smov.u32 s0;
	s0 =	sadd.s32 $0x40, s0  }
.Ltmp3:
0x41: {  	[tilespmem:s2+$0x3000] =	vst v16;
	(pc) =	sbr.rel @p0 .LBB2_4-.Ltmp3, $2  }
0x42: {  	_ =	sdelay $0x2  }
0x43: {  	s2 =	sshra.s32 s10, $0x2  }
0x44: {  	[tilespmem:s2+$0x1000] =	vst v15  }
0x45: {  	[tilespmem:s2+$0x3000] =	vst v16;
	s30 =	simm.s32 $0x0  }
.LBB2_6:
0x46: {  	s0 =	smul.u32 $0x7D0, s30;
	_ =	sdelay $0x1  }
0x47: {  	s0 =	sadd.s32 s16, s0  }
0x48: {  	s0 =	sshrl.u32 s0, $0x3  }
0x49: {  	s2 =	simm.s32 $0x0;
	s0 =	sadd.s32 s5, s0  }
0x4a: {  	[tilespmem:s2], [sflag:$0x1] =	stream.linear.gather [hbm4b:s0+s2], $0x7D0, $0x38;
	[tilespmem:$0x1E408] =	vst v63  }
0x4b: {  	_ =	swait.ge [sflag:s20], $0x7D0  }
0x4c: {  	[sflag:s20] =	ssyncset.done $0x0  }
0x4d: {  	s0 =	sadd.s32 $0x186A0, s0;
	[sflag:s20] =	ssyncadd.s32 $0xFFFFF830  }
0x4e: {  	[tilespmem:s21], [sflag:$0x1] =	stream.linear.gather [hbm4b:s0+s2], $0x7D0, $0x38;
	[tilespmem:$0x1E408] =	vst v63  }
0x4f: {  	_ =	swait.ge [sflag:s20], $0x7D0  }
0x50: {  	[sflag:s20] =	ssyncset.done $0x0  }
0x51: {  	s12 =	simm.s32 $0x0;
	[sflag:s20] =	ssyncadd.s32 $0xFFFFF830  }
0x52: {  	v17 =	vld [tilespmem:s12+$0x800];
	_ =	sdelay $0x4  }
0x53: {  	vm0 =	vge.s32 v17, v7;
	vm1 =	vlt.s32 v17, v0  }
0x54: {  	vm0 =	vmand vm0, vm1  }
0x55: {  	v18 =	vmpcnt.ones.xlane vm0;
	_ =	sdelay $0x1  }
0x56: {  	v18 =	vxor.u32 $0x80000000, v18  }
0x57: {  	(xrf0) =	vmax.scan.msk.u32 $0xffff, v18;
	_ =	sdelay $0x3  }
0x58: {  	v18 =	vld [tilespmem:s12+$0x0];
	_ =	sdelay $0x1  }
0x59: {  	v19, _, _ =	vpop (xrf0)  }
0x5a: {  	v17 =	vsub.s32 v17, v7;
	(v2sf) =	vpush v19, $0xF  }
0x5b: {  	[tilespmem:s29+$0x3000] =	vst.msk vm0, v17  }
0x5c: {  	s31 =	simm.s32 $0x10;
	s0 =	simm.s32 $0x80;
	[tilespmem:s29+$0x1000] =	vst.msk vm0, v18  }
.LBB2_7:
0x5d: {  	p0 =	sne.s32 s0, $0x1F00;
	v17 =	vld [tilespmem:s31+$0x800];
	_ =	sdelay $0x4  }
0x5e: {  	vm0 =	vge.s32 v17, v7;
	vm1 =	vlt.s32 v17, v0;
	v17 =	vsub.s32 v17, v7  }
0x5f: {  	vm0 =	vmand vm0, vm1  }
0x60: {  	v18 =	vmpcnt.ones.xlane vm0;
	_ =	sdelay $0x1  }
0x61: {  	v18 =	vxor.u32 $0x80000000, v18  }
0x62: {  	(xrf0) =	vmax.scan.msk.u32 $0xffff, v18;
	_ =	sdelay $0x1  }
0x63: {  	s2 =	spop (v2sf)  }
0x64: {  	v18 =	vld [tilespmem:s31+$0x0];
	s2 =	sadd.s32 s2, s29  }
0x65: {  	s29 =	sadd.s32 $0x80000000, s2  }
.Ltmp4:
0x66: {  	p1 =	slt.s32 s29, $0x1FF0;
	(pc) =	sbr.rel @p0 .LBB2_7-.Ltmp4, $4  }
0x67: {  	v19, _, _ =	vpop (xrf0);
	s29 =	simm.s32 @!p1 $0x1FF0  }
0x68: {  	[tilespmem:s29+$0x3000] =	vst.msk vm0, v17;
	(v2sf) =	vpush v19, $0xF  }
0x69: {  	[tilespmem:s29+$0x1000] =	vst.msk vm0, v18  }
0x6a: {  	s31 =	sshra.s32 s0, $0x2;
	s0 =	sadd.s32 $0x40, s0  }
0x6b: {  	v17 =	vld [tilespmem:s31+$0x800];
	_ =	sdelay $0x4  }
0x6c: {  	vm0 =	vge.s32 v17, v7;
	vm1 =	vlt.s32 v17, v0  }
0x6d: {  	vm0 =	vmand vm0, vm1  }
0x6e: {  	v18 =	vmpcnt.ones.xlane vm0;
	_ =	sdelay $0x1  }
0x6f: {  	v18 =	vxor.u32 $0x80000000, v18  }
0x70: {  	(xrf0) =	vmax.scan.msk.u32 $0xffff, v18;
	_ =	sdelay $0x5  }
0x71: {  	v18, _, _ =	vpop (xrf0)  }
0x72: {  	(v2sf) =	vpush v18, $0xF;
	_ =	sdelay $0xa  }
0x73: {  	s0 =	spop (v2sf)  }
0x74: {  	s0 =	sadd.s32 s0, s29  }
0x75: {  	s30 =	sadd.s32 $0x1, s30;
	s0 =	sadd.s32 $0x80000000, s0  }
0x76: {  	p1 =	sne.s32 s30, $0x19;
	p0 =	slt.s32 s0, $0x1FF0;
	v18 =	vld [tilespmem:s31+$0x0]  }
.Ltmp5:
0x77: {  	s0 =	simm.s32 @!p0 $0x1FF0;
	s2 =	spop (v2sf);
	(pc) =	sbr.rel @p1 .LBB2_6-.Ltmp5, $4  }
0x78: {  	s2 =	sadd.s32 s2, s0  }
0x79: {  	v17 =	vsub.s32 v17, v7;
	s29 =	sadd.s32 $0x80000000, s2  }
0x7a: {  	[tilespmem:s0+$0x3000] =	vst.msk vm0, v17;
	p0 =	slt.s32 s29, $0x1FF0  }
0x7b: {  	[tilespmem:s0+$0x1000] =	vst.msk vm0, v18;
	s29 =	simm.s32 @!p0 $0x1FF0  }
.Ltmp6:
0x7c: {  	(pc) =	sbr.rel .LBB2_10-.Ltmp6, $2  }
0x7d: {  	_ =	sdelay $0x2  }
0x7e: {  	s30 =	simm.s32 $0x0;
	s31 =	simm.s32 $0x3000;
	s0 =	simm.s32 $0x1000  }
.LBB2_14:
0x7f: {  	s30 =	sadd.s32 $0x1, s30  }
0x80: {  	p0 =	sne.s32 s30, $0x10  }
.Ltmp7:
0x81: {  	_ = 	snop;
	(pc) =	sbr.rel @!p0 .LBB2_15-.Ltmp7, $2  }
0x82: {  	_ =	sdelay $0x2  }
0x83: {  	s31 =	sadd.s32 $0x200, s31;
	s0 =	sadd.s32 $0x200, s0  }
.LBB2_10:
0x84: {  	s2 =	sshll.u32 s30, $0x9  }
0x85: {  	p0 =	sge.s32 s2, s29  }
.Ltmp8:
0x86: {  	_ = 	snop;
	(pc) =	sbr.rel @p0 .LBB2_14-.Ltmp8, $1  }
0x87: {  	_ =	sdelay $0x3  }
0x88: {  	s2 =	sadd.s32 $0x0, s0  }
0x89: {  	v17 =	vld [tilespmem:s2+$0x0];
	_ =	sdelay $0x3  }
0x8a: {  	s2 =	simm.s32 $0x0  }
0x8b: {  	s10 =	sadd.s32 $0x0, s31;
	[tilespmem:s2+$0x5000] =	vst v17  }
0x8c: {  	v17 =	vld [tilespmem:s10+$0x0];
	_ =	sdelay $0x3  }
0x8d: {  	s11 =	simm.s32 $0x10;
	s10 =	simm.s32 $0x80  }
.LBB2_12:
0x8e: {  	p0 =	sne.s32 s10, $0x7C0;
	s12 =	sadd.s32 s11, s0;
	[tilespmem:s2+$0x5200] =	vst v17;
	s2 =	smov.u32 s11  }
0x8f: {  	v17 =	vld [tilespmem:s12+$0x0];
	_ =	sdelay $0x4  }
0x90: {  	s11 =	sadd.s32 s2, s31;
	[tilespmem:s2+$0x5000] =	vst v17  }
.Ltmp9:
0x91: {  	v17 =	vld [tilespmem:s11+$0x0];
	(pc) =	sbr.rel @p0 .LBB2_12-.Ltmp9, $2  }
0x92: {  	_ =	sdelay $0x2  }
0x93: {  	s11 =	sshra.s32 s10, $0x2;
	s10 =	sadd.s32 $0x40, s10  }
0x94: {  	s10 =	sadd.s32 s11, s0;
	[tilespmem:s2+$0x5200] =	vst v17  }
0x95: {  	v17 =	vld [tilespmem:s10+$0x0];
	_ =	sdelay $0x4  }
0x96: {  	s12 =	sadd.s32 s11, s31;
	[tilespmem:s11+$0x5000] =	vst v17  }
0x97: {  	v17 =	vld [tilespmem:s12+$0x0];
	_ =	sdelay $0x4  }
0x98: {  	[tilespmem:s11+$0x5200] =	vst v17  }
0x99: {  	[tilespmem:s24], [sflag:$0x2] =	stream.indirect.gather [hbm4b:s4+s22], $0x80, s23, s22, $0xb8;
	[tilespmem:$0x1E408] =	vst v63  }
0x9a: {  	_ =	swait.ge [sflag:s25], $0x10000  }
0x9b: {  	[sflag:s25] =	ssyncset.done $0x0  }
.Ltmp10:
0x9c: {  	[sflag:s25] =	ssyncadd.s32 $0xFFFF0000;
	(pc) =	sbr.rel .LBB2_14-.Ltmp10, $4  }
0x9d: {  	[spmem:s1] =	stream.indirect.scatter.add.f32 [tilespmem:s24], [sflag:$0x1], $0x80, s26, s22, $0xb8;
	[tilespmem:$0x1E408] =	vst v63  }
0x9e: {  	_ =	swait.ge [sflag:s20], $0x10000  }
0x9f: {  	[sflag:s20] =	ssyncset.done $0x0  }
0xa0: {  	[sflag:s20] =	ssyncadd.s32 $0xFFFF0000  }
.LBB2_15:
0xa1: {  	[bflag:$0x0] =	sbarrier.arrive $0xFFFF  }
0xa2: {  	[tilespmem:s24], [sflag:$0x1] =	stream.linear.gather [spmem:s6], $0x7000, $0x38;
	[tilespmem:$0x1E408] =	vst v63  }
0xa3: {  	_ =	swait.ge [sflag:s20], $0x7000  }
0xa4: {  	[sflag:s20] =	ssyncset.done $0x0  }
0xa5: {  	s29 =	simm.s32 $0x0;
	s0 =	rddreg [dreg:$0x3];
	[sflag:s20] =	ssyncadd.s32 $0xFFFF9000  }
0xa6: {  	[hbm4b:s0+s29] =	stream.linear.scatter [tilespmem:s24], [sflag:$0x1], $0x7000, $0x38;
	[tilespmem:$0x1E408] =	vst v63  }
0xa7: {  	_ =	swait.ge [sflag:s20], $0x7000  }
0xa8: {  	[sflag:s20] =	ssyncset.done $0x0  }
0xa9: {  	[sflag:s20] =	ssyncadd.s32 $0xFFFF9000  }
0xaa: {  	[bflag:$0x0] =	sbarrier.arrive $0xFFFF  }
0xab: {  	[spmem:s6] =	stream.linear.scatter [tilespmem:s19], [sflag:$0x1], $0x2000, $0x38;
	[tilespmem:$0x1E408] =	vst v63  }
0xac: {  	_ =	swait.ge [sflag:s20], $0x2000  }
0xad: {  	[sflag:s20] =	ssyncset.done $0x0  }
0xae: {  	[sflag:s20] =	ssyncadd.s32 $0xFFFFE000  }
0xaf: {  	[spmem:s7] =	stream.linear.scatter [tilespmem:s19], [sflag:$0x1], $0x2000, $0x38;
	[tilespmem:$0x1E408] =	vst v63  }
0xb0: {  	_ =	swait.ge [sflag:s20], $0x2000  }
0xb1: {  	[sflag:s20] =	ssyncset.done $0x0  }
0xb2: {  	[sflag:s20] =	ssyncadd.s32 $0xFFFFE000  }
0xb3: {  	[spmem:s8] =	stream.linear.scatter [tilespmem:s19], [sflag:$0x1], $0x2000, $0x38;
	[tilespmem:$0x1E408] =	vst v63  }
0xb4: {  	_ =	swait.ge [sflag:s20], $0x2000  }
0xb5: {  	[sflag:s20] =	ssyncset.done $0x0  }
0xb6: {  	[sflag:s20] =	ssyncadd.s32 $0xFFFFE000  }
0xb7: {  	[spmem:s9] =	stream.linear.scatter [tilespmem:s19], [sflag:$0x1], $0x1000, $0x38;
	[tilespmem:$0x1E408] =	vst v63  }
0xb8: {  	_ =	swait.ge [sflag:s20], $0x1000  }
0xb9: {  	[sflag:s20] =	ssyncset.done $0x0  }
0xba: {  	[sflag:s20] =	ssyncadd.s32 $0xFFFFF000  }
0xbb: {  	s2 =	simm.s32 $0x0;
	s0 =	simm.s32 $0x40;
	[bflag:$0x0] =	sbarrier.arrive $0xFFFF  }
.LBB2_16:
0xbc: {  	p0 =	sne.s32 s0, $0x7FC0;
	[tilespmem:s2+$0x1000] =	vst v15;
	s10 =	smov.u32 s0;
	s0 =	sadd.s32 $0x40, s0  }
.Ltmp11:
0xbd: {  	[tilespmem:s2+$0x3000] =	vst v16;
	(pc) =	sbr.rel @p0 .LBB2_16-.Ltmp11, $2  }
0xbe: {  	_ =	sdelay $0x2  }
0xbf: {  	s2 =	sshra.s32 s10, $0x2  }
0xc0: {  	[tilespmem:s2+$0x1000] =	vst v15  }
0xc1: {  	[tilespmem:s2+$0x3000] =	vst v16;
	s30 =	simm.s32 $0x0  }
.LBB2_18:
0xc2: {  	s0 =	smul.u32 $0x7D0, s30;
	_ =	sdelay $0x1  }
0xc3: {  	s0 =	sadd.s32 s16, s0  }
0xc4: {  	s0 =	sshrl.u32 s0, $0x3  }
0xc5: {  	s2 =	simm.s32 $0x0;
	s0 =	sadd.s32 s5, s0  }
0xc6: {  	[tilespmem:s2], [sflag:$0x1] =	stream.linear.gather [hbm4b:s0+s2], $0x7D0, $0x38;
	[tilespmem:$0x1E408] =	vst v63  }
0xc7: {  	_ =	swait.ge [sflag:s20], $0x7D0  }
0xc8: {  	[sflag:s20] =	ssyncset.done $0x0  }
0xc9: {  	s0 =	sadd.s32 $0x186A0, s0;
	[sflag:s20] =	ssyncadd.s32 $0xFFFFF830  }
0xca: {  	[tilespmem:s21], [sflag:$0x1] =	stream.linear.gather [hbm4b:s0+s2], $0x7D0, $0x38;
	[tilespmem:$0x1E408] =	vst v63  }
0xcb: {  	_ =	swait.ge [sflag:s20], $0x7D0  }
0xcc: {  	[sflag:s20] =	ssyncset.done $0x0  }
0xcd: {  	s12 =	simm.s32 $0x0;
	[sflag:s20] =	ssyncadd.s32 $0xFFFFF830  }
0xce: {  	v17 =	vld [tilespmem:s12+$0x800];
	_ =	sdelay $0x4  }
0xcf: {  	vm0 =	vge.s32 v17, v1;
	vm1 =	vlt.s32 v17, v2  }
0xd0: {  	vm0 =	vmand vm0, vm1  }
0xd1: {  	v18 =	vmpcnt.ones.xlane vm0;
	_ =	sdelay $0x1  }
0xd2: {  	v18 =	vxor.u32 $0x80000000, v18  }
0xd3: {  	(xrf0) =	vmax.scan.msk.u32 $0xffff, v18;
	_ =	sdelay $0x3  }
0xd4: {  	v18 =	vld [tilespmem:s12+$0x0];
	_ =	sdelay $0x1  }
0xd5: {  	v19, _, _ =	vpop (xrf0)  }
0xd6: {  	v17 =	vsub.s32 v17, v1;
	(v2sf) =	vpush v19, $0xF  }
0xd7: {  	[tilespmem:s29+$0x3000] =	vst.msk vm0, v17  }
0xd8: {  	s31 =	simm.s32 $0x10;
	s0 =	simm.s32 $0x80;
	[tilespmem:s29+$0x1000] =	vst.msk vm0, v18  }
.LBB2_19:
0xd9: {  	p0 =	sne.s32 s0, $0x1F00;
	v17 =	vld [tilespmem:s31+$0x800];
	_ =	sdelay $0x4  }
0xda: {  	vm0 =	vge.s32 v17, v1;
	vm1 =	vlt.s32 v17, v2;
	v17 =	vsub.s32 v17, v1  }
0xdb: {  	vm0 =	vmand vm0, vm1  }
0xdc: {  	v18 =	vmpcnt.ones.xlane vm0;
	_ =	sdelay $0x1  }
0xdd: {  	v18 =	vxor.u32 $0x80000000, v18  }
0xde: {  	(xrf0) =	vmax.scan.msk.u32 $0xffff, v18;
	_ =	sdelay $0x1  }
0xdf: {  	s2 =	spop (v2sf)  }
0xe0: {  	v18 =	vld [tilespmem:s31+$0x0];
	s2 =	sadd.s32 s2, s29  }
0xe1: {  	s29 =	sadd.s32 $0x80000000, s2  }
.Ltmp12:
0xe2: {  	p1 =	slt.s32 s29, $0x1FF0;
	(pc) =	sbr.rel @p0 .LBB2_19-.Ltmp12, $4  }
0xe3: {  	v19, _, _ =	vpop (xrf0);
	s29 =	simm.s32 @!p1 $0x1FF0  }
0xe4: {  	[tilespmem:s29+$0x3000] =	vst.msk vm0, v17;
	(v2sf) =	vpush v19, $0xF  }
0xe5: {  	[tilespmem:s29+$0x1000] =	vst.msk vm0, v18  }
0xe6: {  	s31 =	sshra.s32 s0, $0x2;
	s0 =	sadd.s32 $0x40, s0  }
0xe7: {  	v17 =	vld [tilespmem:s31+$0x800];
	_ =	sdelay $0x4  }
0xe8: {  	vm0 =	vge.s32 v17, v1;
	vm1 =	vlt.s32 v17, v2  }
0xe9: {  	vm0 =	vmand vm0, vm1  }
0xea: {  	v18 =	vmpcnt.ones.xlane vm0;
	_ =	sdelay $0x1  }
0xeb: {  	v18 =	vxor.u32 $0x80000000, v18  }
0xec: {  	(xrf0) =	vmax.scan.msk.u32 $0xffff, v18;
	_ =	sdelay $0x5  }
0xed: {  	v18, _, _ =	vpop (xrf0)  }
0xee: {  	(v2sf) =	vpush v18, $0xF;
	_ =	sdelay $0xa  }
0xef: {  	s0 =	spop (v2sf)  }
0xf0: {  	s0 =	sadd.s32 s0, s29  }
0xf1: {  	s30 =	sadd.s32 $0x1, s30;
	s0 =	sadd.s32 $0x80000000, s0  }
0xf2: {  	p1 =	sne.s32 s30, $0x19;
	p0 =	slt.s32 s0, $0x1FF0;
	v18 =	vld [tilespmem:s31+$0x0]  }
.Ltmp13:
0xf3: {  	s0 =	simm.s32 @!p0 $0x1FF0;
	s2 =	spop (v2sf);
	(pc) =	sbr.rel @p1 .LBB2_18-.Ltmp13, $4  }
0xf4: {  	s2 =	sadd.s32 s2, s0  }
0xf5: {  	v17 =	vsub.s32 v17, v1;
	s29 =	sadd.s32 $0x80000000, s2  }
0xf6: {  	[tilespmem:s0+$0x3000] =	vst.msk vm0, v17;
	p0 =	slt.s32 s29, $0x1FF0  }
0xf7: {  	[tilespmem:s0+$0x1000] =	vst.msk vm0, v18;
	s29 =	simm.s32 @!p0 $0x1FF0  }
.Ltmp14:
0xf8: {  	(pc) =	sbr.rel .LBB2_22-.Ltmp14, $2  }
0xf9: {  	_ =	sdelay $0x2  }
0xfa: {  	s30 =	simm.s32 $0x0;
	s31 =	simm.s32 $0x3000;
	s0 =	simm.s32 $0x1000  }
.LBB2_26:
0xfb: {  	s30 =	sadd.s32 $0x1, s30  }
0xfc: {  	p0 =	sne.s32 s30, $0x10  }
.Ltmp15:
0xfd: {  	_ = 	snop;
	(pc) =	sbr.rel @!p0 .LBB2_27-.Ltmp15, $2  }
0xfe: {  	_ =	sdelay $0x2  }
0xff: {  	s31 =	sadd.s32 $0x200, s31;
	s0 =	sadd.s32 $0x200, s0  }
.LBB2_22:
0x100: {  	s2 =	sshll.u32 s30, $0x9  }
0x101: {  	p0 =	sge.s32 s2, s29  }
.Ltmp16:
0x102: {  	_ = 	snop;
	(pc) =	sbr.rel @p0 .LBB2_26-.Ltmp16, $1  }
0x103: {  	_ =	sdelay $0x3  }
0x104: {  	s2 =	sadd.s32 $0x0, s0  }
0x105: {  	v17 =	vld [tilespmem:s2+$0x0];
	_ =	sdelay $0x3  }
0x106: {  	s2 =	simm.s32 $0x0  }
0x107: {  	s10 =	sadd.s32 $0x0, s31;
	[tilespmem:s2+$0x5000] =	vst v17  }
0x108: {  	v17 =	vld [tilespmem:s10+$0x0];
	_ =	sdelay $0x3  }
0x109: {  	s11 =	simm.s32 $0x10;
	s10 =	simm.s32 $0x80  }
.LBB2_24:
0x10a: {  	p0 =	sne.s32 s10, $0x7C0;
	s12 =	sadd.s32 s11, s0;
	[tilespmem:s2+$0x5200] =	vst v17;
	s2 =	smov.u32 s11  }
0x10b: {  	v17 =	vld [tilespmem:s12+$0x0];
	_ =	sdelay $0x4  }
0x10c: {  	s11 =	sadd.s32 s2, s31;
	[tilespmem:s2+$0x5000] =	vst v17  }
.Ltmp17:
0x10d: {  	v17 =	vld [tilespmem:s11+$0x0];
	(pc) =	sbr.rel @p0 .LBB2_24-.Ltmp17, $2  }
0x10e: {  	_ =	sdelay $0x2  }
0x10f: {  	s11 =	sshra.s32 s10, $0x2;
	s10 =	sadd.s32 $0x40, s10  }
0x110: {  	s10 =	sadd.s32 s11, s0;
	[tilespmem:s2+$0x5200] =	vst v17  }
0x111: {  	v17 =	vld [tilespmem:s10+$0x0];
	_ =	sdelay $0x4  }
0x112: {  	s12 =	sadd.s32 s11, s31;
	[tilespmem:s11+$0x5000] =	vst v17  }
0x113: {  	v17 =	vld [tilespmem:s12+$0x0];
	_ =	sdelay $0x4  }
0x114: {  	[tilespmem:s11+$0x5200] =	vst v17  }
0x115: {  	[tilespmem:s24], [sflag:$0x2] =	stream.indirect.gather [hbm4b:s4+s22], $0x80, s23, s22, $0xb8;
	[tilespmem:$0x1E408] =	vst v63  }
0x116: {  	_ =	swait.ge [sflag:s25], $0x10000  }
0x117: {  	[sflag:s25] =	ssyncset.done $0x0  }
.Ltmp18:
0x118: {  	[sflag:s25] =	ssyncadd.s32 $0xFFFF0000;
	(pc) =	sbr.rel .LBB2_26-.Ltmp18, $4  }
0x119: {  	[spmem:s1] =	stream.indirect.scatter.add.f32 [tilespmem:s24], [sflag:$0x1], $0x80, s26, s22, $0xb8;
	[tilespmem:$0x1E408] =	vst v63  }
0x11a: {  	_ =	swait.ge [sflag:s20], $0x10000  }
0x11b: {  	[sflag:s20] =	ssyncset.done $0x0  }
0x11c: {  	[sflag:s20] =	ssyncadd.s32 $0xFFFF0000  }
.LBB2_27:
0x11d: {  	[bflag:$0x0] =	sbarrier.arrive $0xFFFF  }
0x11e: {  	[tilespmem:s24], [sflag:$0x1] =	stream.linear.gather [spmem:s6], $0x7000, $0x38;
	[tilespmem:$0x1E408] =	vst v63  }
0x11f: {  	_ =	swait.ge [sflag:s20], $0x7000  }
0x120: {  	[sflag:s20] =	ssyncset.done $0x0  }
0x121: {  	s29 =	simm.s32 $0x0;
	s0 =	rddreg [dreg:$0x4];
	[sflag:s20] =	ssyncadd.s32 $0xFFFF9000  }
0x122: {  	[hbm4b:s0+s29] =	stream.linear.scatter [tilespmem:s24], [sflag:$0x1], $0x7000, $0x38;
	[tilespmem:$0x1E408] =	vst v63  }
0x123: {  	_ =	swait.ge [sflag:s20], $0x7000  }
0x124: {  	[sflag:s20] =	ssyncset.done $0x0  }
0x125: {  	[sflag:s20] =	ssyncadd.s32 $0xFFFF9000  }
0x126: {  	[bflag:$0x0] =	sbarrier.arrive $0xFFFF  }
0x127: {  	[spmem:s6] =	stream.linear.scatter [tilespmem:s19], [sflag:$0x1], $0x2000, $0x38;
	[tilespmem:$0x1E408] =	vst v63  }
0x128: {  	_ =	swait.ge [sflag:s20], $0x2000  }
0x129: {  	[sflag:s20] =	ssyncset.done $0x0  }
0x12a: {  	[sflag:s20] =	ssyncadd.s32 $0xFFFFE000  }
0x12b: {  	[spmem:s7] =	stream.linear.scatter [tilespmem:s19], [sflag:$0x1], $0x2000, $0x38;
	[tilespmem:$0x1E408] =	vst v63  }
0x12c: {  	_ =	swait.ge [sflag:s20], $0x2000  }
0x12d: {  	[sflag:s20] =	ssyncset.done $0x0  }
0x12e: {  	[sflag:s20] =	ssyncadd.s32 $0xFFFFE000  }
0x12f: {  	[spmem:s8] =	stream.linear.scatter [tilespmem:s19], [sflag:$0x1], $0x2000, $0x38;
	[tilespmem:$0x1E408] =	vst v63  }
0x130: {  	_ =	swait.ge [sflag:s20], $0x2000  }
0x131: {  	[sflag:s20] =	ssyncset.done $0x0  }
0x132: {  	[sflag:s20] =	ssyncadd.s32 $0xFFFFE000  }
0x133: {  	[spmem:s9] =	stream.linear.scatter [tilespmem:s19], [sflag:$0x1], $0x1000, $0x38;
	[tilespmem:$0x1E408] =	vst v63  }
0x134: {  	_ =	swait.ge [sflag:s20], $0x1000  }
0x135: {  	[sflag:s20] =	ssyncset.done $0x0  }
0x136: {  	[sflag:s20] =	ssyncadd.s32 $0xFFFFF000  }
0x137: {  	s2 =	simm.s32 $0x0;
	s0 =	simm.s32 $0x40;
	[bflag:$0x0] =	sbarrier.arrive $0xFFFF  }
.LBB2_28:
0x138: {  	p0 =	sne.s32 s0, $0x7FC0;
	[tilespmem:s2+$0x1000] =	vst v15;
	s10 =	smov.u32 s0;
	s0 =	sadd.s32 $0x40, s0  }
.Ltmp19:
0x139: {  	[tilespmem:s2+$0x3000] =	vst v16;
	(pc) =	sbr.rel @p0 .LBB2_28-.Ltmp19, $2  }
0x13a: {  	_ =	sdelay $0x2  }
0x13b: {  	s2 =	sshra.s32 s10, $0x2  }
0x13c: {  	[tilespmem:s2+$0x1000] =	vst v15  }
0x13d: {  	[tilespmem:s2+$0x3000] =	vst v16;
	s30 =	simm.s32 $0x0  }
.LBB2_30:
0x13e: {  	s0 =	smul.u32 $0x7D0, s30;
	_ =	sdelay $0x1  }
0x13f: {  	s0 =	sadd.s32 s16, s0  }
0x140: {  	s0 =	sshrl.u32 s0, $0x3  }
0x141: {  	s2 =	simm.s32 $0x0;
	s0 =	sadd.s32 s5, s0  }
0x142: {  	[tilespmem:s2], [sflag:$0x1] =	stream.linear.gather [hbm4b:s0+s2], $0x7D0, $0x38;
	[tilespmem:$0x1E408] =	vst v63  }
0x143: {  	_ =	swait.ge [sflag:s20], $0x7D0  }
0x144: {  	[sflag:s20] =	ssyncset.done $0x0  }
0x145: {  	s0 =	sadd.s32 $0x186A0, s0;
	[sflag:s20] =	ssyncadd.s32 $0xFFFFF830  }
0x146: {  	[tilespmem:s21], [sflag:$0x1] =	stream.linear.gather [hbm4b:s0+s2], $0x7D0, $0x38;
	[tilespmem:$0x1E408] =	vst v63  }
0x147: {  	_ =	swait.ge [sflag:s20], $0x7D0  }
0x148: {  	[sflag:s20] =	ssyncset.done $0x0  }
0x149: {  	s12 =	simm.s32 $0x0;
	[sflag:s20] =	ssyncadd.s32 $0xFFFFF830  }
0x14a: {  	v17 =	vld [tilespmem:s12+$0x800];
	_ =	sdelay $0x4  }
0x14b: {  	vm0 =	vge.s32 v17, v3;
	vm1 =	vlt.s32 v17, v4  }
0x14c: {  	vm0 =	vmand vm0, vm1  }
0x14d: {  	v18 =	vmpcnt.ones.xlane vm0;
	_ =	sdelay $0x1  }
0x14e: {  	v18 =	vxor.u32 $0x80000000, v18  }
0x14f: {  	(xrf0) =	vmax.scan.msk.u32 $0xffff, v18;
	_ =	sdelay $0x3  }
0x150: {  	v18 =	vld [tilespmem:s12+$0x0];
	_ =	sdelay $0x1  }
0x151: {  	v19, _, _ =	vpop (xrf0)  }
0x152: {  	v17 =	vsub.s32 v17, v3;
	(v2sf) =	vpush v19, $0xF  }
0x153: {  	[tilespmem:s29+$0x3000] =	vst.msk vm0, v17  }
0x154: {  	s31 =	simm.s32 $0x10;
	s0 =	simm.s32 $0x80;
	[tilespmem:s29+$0x1000] =	vst.msk vm0, v18  }
.LBB2_31:
0x155: {  	p0 =	sne.s32 s0, $0x1F00;
	v17 =	vld [tilespmem:s31+$0x800];
	_ =	sdelay $0x4  }
0x156: {  	vm0 =	vge.s32 v17, v3;
	vm1 =	vlt.s32 v17, v4;
	v17 =	vsub.s32 v17, v3  }
0x157: {  	vm0 =	vmand vm0, vm1  }
0x158: {  	v18 =	vmpcnt.ones.xlane vm0;
	_ =	sdelay $0x1  }
0x159: {  	v18 =	vxor.u32 $0x80000000, v18  }
0x15a: {  	(xrf0) =	vmax.scan.msk.u32 $0xffff, v18;
	_ =	sdelay $0x1  }
0x15b: {  	s2 =	spop (v2sf)  }
0x15c: {  	v18 =	vld [tilespmem:s31+$0x0];
	s2 =	sadd.s32 s2, s29  }
0x15d: {  	s29 =	sadd.s32 $0x80000000, s2  }
.Ltmp20:
0x15e: {  	p1 =	slt.s32 s29, $0x1FF0;
	(pc) =	sbr.rel @p0 .LBB2_31-.Ltmp20, $4  }
0x15f: {  	v19, _, _ =	vpop (xrf0);
	s29 =	simm.s32 @!p1 $0x1FF0  }
0x160: {  	[tilespmem:s29+$0x3000] =	vst.msk vm0, v17;
	(v2sf) =	vpush v19, $0xF  }
0x161: {  	[tilespmem:s29+$0x1000] =	vst.msk vm0, v18  }
0x162: {  	s31 =	sshra.s32 s0, $0x2;
	s0 =	sadd.s32 $0x40, s0  }
0x163: {  	v17 =	vld [tilespmem:s31+$0x800];
	_ =	sdelay $0x4  }
0x164: {  	vm0 =	vge.s32 v17, v3;
	vm1 =	vlt.s32 v17, v4  }
0x165: {  	vm0 =	vmand vm0, vm1  }
0x166: {  	v18 =	vmpcnt.ones.xlane vm0;
	_ =	sdelay $0x1  }
0x167: {  	v18 =	vxor.u32 $0x80000000, v18  }
0x168: {  	(xrf0) =	vmax.scan.msk.u32 $0xffff, v18;
	_ =	sdelay $0x5  }
0x169: {  	v18, _, _ =	vpop (xrf0)  }
0x16a: {  	(v2sf) =	vpush v18, $0xF;
	_ =	sdelay $0xa  }
0x16b: {  	s0 =	spop (v2sf)  }
0x16c: {  	s0 =	sadd.s32 s0, s29  }
0x16d: {  	s30 =	sadd.s32 $0x1, s30;
	s0 =	sadd.s32 $0x80000000, s0  }
0x16e: {  	p1 =	sne.s32 s30, $0x19;
	p0 =	slt.s32 s0, $0x1FF0;
	v18 =	vld [tilespmem:s31+$0x0]  }
.Ltmp21:
0x16f: {  	s0 =	simm.s32 @!p0 $0x1FF0;
	s2 =	spop (v2sf);
	(pc) =	sbr.rel @p1 .LBB2_30-.Ltmp21, $4  }
0x170: {  	s2 =	sadd.s32 s2, s0  }
0x171: {  	v17 =	vsub.s32 v17, v3;
	s29 =	sadd.s32 $0x80000000, s2  }
0x172: {  	[tilespmem:s0+$0x3000] =	vst.msk vm0, v17;
	p0 =	slt.s32 s29, $0x1FF0  }
0x173: {  	[tilespmem:s0+$0x1000] =	vst.msk vm0, v18;
	s29 =	simm.s32 @!p0 $0x1FF0  }
.Ltmp22:
0x174: {  	(pc) =	sbr.rel .LBB2_34-.Ltmp22, $2  }
0x175: {  	_ =	sdelay $0x2  }
0x176: {  	s30 =	simm.s32 $0x0;
	s31 =	simm.s32 $0x3000;
	s0 =	simm.s32 $0x1000  }
.LBB2_38:
0x177: {  	s30 =	sadd.s32 $0x1, s30  }
0x178: {  	p0 =	sne.s32 s30, $0x10  }
.Ltmp23:
0x179: {  	_ = 	snop;
	(pc) =	sbr.rel @!p0 .LBB2_39-.Ltmp23, $2  }
0x17a: {  	_ =	sdelay $0x2  }
0x17b: {  	s31 =	sadd.s32 $0x200, s31;
	s0 =	sadd.s32 $0x200, s0  }
.LBB2_34:
0x17c: {  	s2 =	sshll.u32 s30, $0x9  }
0x17d: {  	p0 =	sge.s32 s2, s29  }
.Ltmp24:
0x17e: {  	_ = 	snop;
	(pc) =	sbr.rel @p0 .LBB2_38-.Ltmp24, $1  }
0x17f: {  	_ =	sdelay $0x3  }
0x180: {  	s2 =	sadd.s32 $0x0, s0  }
0x181: {  	v17 =	vld [tilespmem:s2+$0x0];
	_ =	sdelay $0x3  }
0x182: {  	s2 =	simm.s32 $0x0  }
0x183: {  	s10 =	sadd.s32 $0x0, s31;
	[tilespmem:s2+$0x5000] =	vst v17  }
0x184: {  	v17 =	vld [tilespmem:s10+$0x0];
	_ =	sdelay $0x3  }
0x185: {  	s11 =	simm.s32 $0x10;
	s10 =	simm.s32 $0x80  }
.LBB2_36:
0x186: {  	p0 =	sne.s32 s10, $0x7C0;
	s12 =	sadd.s32 s11, s0;
	[tilespmem:s2+$0x5200] =	vst v17;
	s2 =	smov.u32 s11  }
0x187: {  	v17 =	vld [tilespmem:s12+$0x0];
	_ =	sdelay $0x4  }
0x188: {  	s11 =	sadd.s32 s2, s31;
	[tilespmem:s2+$0x5000] =	vst v17  }
.Ltmp25:
0x189: {  	v17 =	vld [tilespmem:s11+$0x0];
	(pc) =	sbr.rel @p0 .LBB2_36-.Ltmp25, $2  }
0x18a: {  	_ =	sdelay $0x2  }
0x18b: {  	s11 =	sshra.s32 s10, $0x2;
	s10 =	sadd.s32 $0x40, s10  }
0x18c: {  	s10 =	sadd.s32 s11, s0;
	[tilespmem:s2+$0x5200] =	vst v17  }
0x18d: {  	v17 =	vld [tilespmem:s10+$0x0];
	_ =	sdelay $0x4  }
0x18e: {  	s12 =	sadd.s32 s11, s31;
	[tilespmem:s11+$0x5000] =	vst v17  }
0x18f: {  	v17 =	vld [tilespmem:s12+$0x0];
	_ =	sdelay $0x4  }
0x190: {  	[tilespmem:s11+$0x5200] =	vst v17  }
0x191: {  	[tilespmem:s24], [sflag:$0x2] =	stream.indirect.gather [hbm4b:s4+s22], $0x80, s23, s22, $0xb8;
	[tilespmem:$0x1E408] =	vst v63  }
0x192: {  	_ =	swait.ge [sflag:s25], $0x10000  }
0x193: {  	[sflag:s25] =	ssyncset.done $0x0  }
.Ltmp26:
0x194: {  	[sflag:s25] =	ssyncadd.s32 $0xFFFF0000;
	(pc) =	sbr.rel .LBB2_38-.Ltmp26, $4  }
0x195: {  	[spmem:s1] =	stream.indirect.scatter.add.f32 [tilespmem:s24], [sflag:$0x1], $0x80, s26, s22, $0xb8;
	[tilespmem:$0x1E408] =	vst v63  }
0x196: {  	_ =	swait.ge [sflag:s20], $0x10000  }
0x197: {  	[sflag:s20] =	ssyncset.done $0x0  }
0x198: {  	[sflag:s20] =	ssyncadd.s32 $0xFFFF0000  }
.LBB2_39:
0x199: {  	[bflag:$0x0] =	sbarrier.arrive $0xFFFF  }
0x19a: {  	[tilespmem:s24], [sflag:$0x1] =	stream.linear.gather [spmem:s6], $0x7000, $0x38;
	[tilespmem:$0x1E408] =	vst v63  }
0x19b: {  	_ =	swait.ge [sflag:s20], $0x7000  }
0x19c: {  	[sflag:s20] =	ssyncset.done $0x0  }
0x19d: {  	s29 =	simm.s32 $0x0;
	s0 =	rddreg [dreg:$0x5];
	[sflag:s20] =	ssyncadd.s32 $0xFFFF9000  }
0x19e: {  	[hbm4b:s0+s29] =	stream.linear.scatter [tilespmem:s24], [sflag:$0x1], $0x7000, $0x38;
	[tilespmem:$0x1E408] =	vst v63  }
0x19f: {  	_ =	swait.ge [sflag:s20], $0x7000  }
0x1a0: {  	[sflag:s20] =	ssyncset.done $0x0  }
0x1a1: {  	[sflag:s20] =	ssyncadd.s32 $0xFFFF9000  }
0x1a2: {  	[bflag:$0x0] =	sbarrier.arrive $0xFFFF  }
0x1a3: {  	[spmem:s6] =	stream.linear.scatter [tilespmem:s19], [sflag:$0x1], $0x2000, $0x38;
	[tilespmem:$0x1E408] =	vst v63  }
0x1a4: {  	_ =	swait.ge [sflag:s20], $0x2000  }
0x1a5: {  	[sflag:s20] =	ssyncset.done $0x0  }
0x1a6: {  	[sflag:s20] =	ssyncadd.s32 $0xFFFFE000  }
0x1a7: {  	[spmem:s7] =	stream.linear.scatter [tilespmem:s19], [sflag:$0x1], $0x2000, $0x38;
	[tilespmem:$0x1E408] =	vst v63  }
0x1a8: {  	_ =	swait.ge [sflag:s20], $0x2000  }
0x1a9: {  	[sflag:s20] =	ssyncset.done $0x0  }
0x1aa: {  	[sflag:s20] =	ssyncadd.s32 $0xFFFFE000  }
0x1ab: {  	[spmem:s8] =	stream.linear.scatter [tilespmem:s19], [sflag:$0x1], $0x2000, $0x38;
	[tilespmem:$0x1E408] =	vst v63  }
0x1ac: {  	_ =	swait.ge [sflag:s20], $0x2000  }
0x1ad: {  	[sflag:s20] =	ssyncset.done $0x0  }
0x1ae: {  	[sflag:s20] =	ssyncadd.s32 $0xFFFFE000  }
0x1af: {  	[spmem:s9] =	stream.linear.scatter [tilespmem:s19], [sflag:$0x1], $0x1000, $0x38;
	[tilespmem:$0x1E408] =	vst v63  }
0x1b0: {  	_ =	swait.ge [sflag:s20], $0x1000  }
0x1b1: {  	[sflag:s20] =	ssyncset.done $0x0  }
0x1b2: {  	[sflag:s20] =	ssyncadd.s32 $0xFFFFF000  }
0x1b3: {  	s2 =	simm.s32 $0x0;
	s0 =	simm.s32 $0x40;
	[bflag:$0x0] =	sbarrier.arrive $0xFFFF  }
.LBB2_40:
0x1b4: {  	p0 =	sne.s32 s0, $0x7FC0;
	[tilespmem:s2+$0x1000] =	vst v15;
	s10 =	smov.u32 s0;
	s0 =	sadd.s32 $0x40, s0  }
.Ltmp27:
0x1b5: {  	[tilespmem:s2+$0x3000] =	vst v16;
	(pc) =	sbr.rel @p0 .LBB2_40-.Ltmp27, $2  }
0x1b6: {  	_ =	sdelay $0x2  }
0x1b7: {  	s2 =	sshra.s32 s10, $0x2  }
0x1b8: {  	[tilespmem:s2+$0x1000] =	vst v15  }
0x1b9: {  	[tilespmem:s2+$0x3000] =	vst v16;
	s30 =	simm.s32 $0x0  }
.LBB2_42:
0x1ba: {  	s0 =	smul.u32 $0x7D0, s30;
	_ =	sdelay $0x1  }
0x1bb: {  	s0 =	sadd.s32 s16, s0  }
0x1bc: {  	s0 =	sshrl.u32 s0, $0x3  }
0x1bd: {  	s2 =	simm.s32 $0x0;
	s0 =	sadd.s32 s5, s0  }
0x1be: {  	[tilespmem:s2], [sflag:$0x1] =	stream.linear.gather [hbm4b:s0+s2], $0x7D0, $0x38;
	[tilespmem:$0x1E408] =	vst v63  }
0x1bf: {  	_ =	swait.ge [sflag:s20], $0x7D0  }
0x1c0: {  	[sflag:s20] =	ssyncset.done $0x0  }
0x1c1: {  	s0 =	sadd.s32 $0x186A0, s0;
	[sflag:s20] =	ssyncadd.s32 $0xFFFFF830  }
0x1c2: {  	[tilespmem:s21], [sflag:$0x1] =	stream.linear.gather [hbm4b:s0+s2], $0x7D0, $0x38;
	[tilespmem:$0x1E408] =	vst v63  }
0x1c3: {  	_ =	swait.ge [sflag:s20], $0x7D0  }
0x1c4: {  	[sflag:s20] =	ssyncset.done $0x0  }
0x1c5: {  	s12 =	simm.s32 $0x0;
	[sflag:s20] =	ssyncadd.s32 $0xFFFFF830  }
0x1c6: {  	v17 =	vld [tilespmem:s12+$0x800];
	_ =	sdelay $0x4  }
0x1c7: {  	vm0 =	vge.s32 v17, v5;
	vm1 =	vlt.s32 v17, v6  }
0x1c8: {  	vm0 =	vmand vm0, vm1  }
0x1c9: {  	v18 =	vmpcnt.ones.xlane vm0;
	_ =	sdelay $0x1  }
0x1ca: {  	v18 =	vxor.u32 $0x80000000, v18  }
0x1cb: {  	(xrf0) =	vmax.scan.msk.u32 $0xffff, v18;
	_ =	sdelay $0x3  }
0x1cc: {  	v18 =	vld [tilespmem:s12+$0x0];
	_ =	sdelay $0x1  }
0x1cd: {  	v19, _, _ =	vpop (xrf0)  }
0x1ce: {  	v17 =	vsub.s32 v17, v5;
	(v2sf) =	vpush v19, $0xF  }
0x1cf: {  	[tilespmem:s29+$0x3000] =	vst.msk vm0, v17  }
0x1d0: {  	s31 =	simm.s32 $0x10;
	s0 =	simm.s32 $0x80;
	[tilespmem:s29+$0x1000] =	vst.msk vm0, v18  }
.LBB2_43:
0x1d1: {  	p0 =	sne.s32 s0, $0x1F00;
	v17 =	vld [tilespmem:s31+$0x800];
	_ =	sdelay $0x4  }
0x1d2: {  	vm0 =	vge.s32 v17, v5;
	vm1 =	vlt.s32 v17, v6;
	v17 =	vsub.s32 v17, v5  }
0x1d3: {  	vm0 =	vmand vm0, vm1  }
0x1d4: {  	v18 =	vmpcnt.ones.xlane vm0;
	_ =	sdelay $0x1  }
0x1d5: {  	v18 =	vxor.u32 $0x80000000, v18  }
0x1d6: {  	(xrf0) =	vmax.scan.msk.u32 $0xffff, v18;
	_ =	sdelay $0x1  }
0x1d7: {  	s2 =	spop (v2sf)  }
0x1d8: {  	v18 =	vld [tilespmem:s31+$0x0];
	s2 =	sadd.s32 s2, s29  }
0x1d9: {  	s29 =	sadd.s32 $0x80000000, s2  }
.Ltmp28:
0x1da: {  	p1 =	slt.s32 s29, $0x1FF0;
	(pc) =	sbr.rel @p0 .LBB2_43-.Ltmp28, $4  }
0x1db: {  	v19, _, _ =	vpop (xrf0);
	s29 =	simm.s32 @!p1 $0x1FF0  }
0x1dc: {  	[tilespmem:s29+$0x3000] =	vst.msk vm0, v17;
	(v2sf) =	vpush v19, $0xF  }
0x1dd: {  	[tilespmem:s29+$0x1000] =	vst.msk vm0, v18  }
0x1de: {  	s31 =	sshra.s32 s0, $0x2;
	s0 =	sadd.s32 $0x40, s0  }
0x1df: {  	v17 =	vld [tilespmem:s31+$0x800];
	_ =	sdelay $0x4  }
0x1e0: {  	vm0 =	vge.s32 v17, v5;
	vm1 =	vlt.s32 v17, v6  }
0x1e1: {  	vm0 =	vmand vm0, vm1  }
0x1e2: {  	v18 =	vmpcnt.ones.xlane vm0;
	_ =	sdelay $0x1  }
0x1e3: {  	v18 =	vxor.u32 $0x80000000, v18  }
0x1e4: {  	(xrf0) =	vmax.scan.msk.u32 $0xffff, v18;
	_ =	sdelay $0x5  }
0x1e5: {  	v18, _, _ =	vpop (xrf0)  }
0x1e6: {  	(v2sf) =	vpush v18, $0xF;
	_ =	sdelay $0xa  }
0x1e7: {  	s0 =	spop (v2sf)  }
0x1e8: {  	s0 =	sadd.s32 s0, s29  }
0x1e9: {  	s30 =	sadd.s32 $0x1, s30;
	s0 =	sadd.s32 $0x80000000, s0  }
0x1ea: {  	p1 =	sne.s32 s30, $0x19;
	p0 =	slt.s32 s0, $0x1FF0;
	v18 =	vld [tilespmem:s31+$0x0]  }
.Ltmp29:
0x1eb: {  	s0 =	simm.s32 @!p0 $0x1FF0;
	s2 =	spop (v2sf);
	(pc) =	sbr.rel @p1 .LBB2_42-.Ltmp29, $4  }
0x1ec: {  	s2 =	sadd.s32 s2, s0  }
0x1ed: {  	v17 =	vsub.s32 v17, v5;
	s29 =	sadd.s32 $0x80000000, s2  }
0x1ee: {  	[tilespmem:s0+$0x3000] =	vst.msk vm0, v17;
	p0 =	slt.s32 s29, $0x1FF0  }
0x1ef: {  	[tilespmem:s0+$0x1000] =	vst.msk vm0, v18;
	s29 =	simm.s32 @!p0 $0x1FF0  }
.Ltmp30:
0x1f0: {  	(pc) =	sbr.rel .LBB2_46-.Ltmp30, $2  }
0x1f1: {  	_ =	sdelay $0x2  }
0x1f2: {  	s30 =	simm.s32 $0x0;
	s31 =	simm.s32 $0x3000;
	s0 =	simm.s32 $0x1000  }
.LBB2_50:
0x1f3: {  	s30 =	sadd.s32 $0x1, s30  }
0x1f4: {  	p0 =	sne.s32 s30, $0x10  }
.Ltmp31:
0x1f5: {  	_ = 	snop;
	(pc) =	sbr.rel @!p0 .LBB2_51-.Ltmp31, $2  }
0x1f6: {  	_ =	sdelay $0x2  }
0x1f7: {  	s31 =	sadd.s32 $0x200, s31;
	s0 =	sadd.s32 $0x200, s0  }
.LBB2_46:
0x1f8: {  	s2 =	sshll.u32 s30, $0x9  }
0x1f9: {  	p0 =	sge.s32 s2, s29  }
.Ltmp32:
0x1fa: {  	_ = 	snop;
	(pc) =	sbr.rel @p0 .LBB2_50-.Ltmp32, $1  }
0x1fb: {  	_ =	sdelay $0x3  }
0x1fc: {  	s2 =	sadd.s32 $0x0, s0  }
0x1fd: {  	v17 =	vld [tilespmem:s2+$0x0];
	_ =	sdelay $0x3  }
0x1fe: {  	s2 =	simm.s32 $0x0  }
0x1ff: {  	s10 =	sadd.s32 $0x0, s31;
	[tilespmem:s2+$0x5000] =	vst v17  }
0x200: {  	v17 =	vld [tilespmem:s10+$0x0];
	_ =	sdelay $0x3  }
0x201: {  	s11 =	simm.s32 $0x10;
	s10 =	simm.s32 $0x80  }
.LBB2_48:
0x202: {  	p0 =	sne.s32 s10, $0x7C0;
	s12 =	sadd.s32 s11, s0;
	[tilespmem:s2+$0x5200] =	vst v17;
	s2 =	smov.u32 s11  }
0x203: {  	v17 =	vld [tilespmem:s12+$0x0];
	_ =	sdelay $0x4  }
0x204: {  	s11 =	sadd.s32 s2, s31;
	[tilespmem:s2+$0x5000] =	vst v17  }
.Ltmp33:
0x205: {  	v17 =	vld [tilespmem:s11+$0x0];
	(pc) =	sbr.rel @p0 .LBB2_48-.Ltmp33, $2  }
0x206: {  	_ =	sdelay $0x2  }
0x207: {  	s11 =	sshra.s32 s10, $0x2;
	s10 =	sadd.s32 $0x40, s10  }
0x208: {  	s10 =	sadd.s32 s11, s0;
	[tilespmem:s2+$0x5200] =	vst v17  }
0x209: {  	v17 =	vld [tilespmem:s10+$0x0];
	_ =	sdelay $0x4  }
0x20a: {  	s12 =	sadd.s32 s11, s31;
	[tilespmem:s11+$0x5000] =	vst v17  }
0x20b: {  	v17 =	vld [tilespmem:s12+$0x0];
	_ =	sdelay $0x4  }
0x20c: {  	[tilespmem:s11+$0x5200] =	vst v17  }
0x20d: {  	[tilespmem:s24], [sflag:$0x2] =	stream.indirect.gather [hbm4b:s4+s22], $0x80, s23, s22, $0xb8;
	[tilespmem:$0x1E408] =	vst v63  }
0x20e: {  	_ =	swait.ge [sflag:s25], $0x10000  }
0x20f: {  	[sflag:s25] =	ssyncset.done $0x0  }
.Ltmp34:
0x210: {  	[sflag:s25] =	ssyncadd.s32 $0xFFFF0000;
	(pc) =	sbr.rel .LBB2_50-.Ltmp34, $4  }
0x211: {  	[spmem:s1] =	stream.indirect.scatter.add.f32 [tilespmem:s24], [sflag:$0x1], $0x80, s26, s22, $0xb8;
	[tilespmem:$0x1E408] =	vst v63  }
0x212: {  	_ =	swait.ge [sflag:s20], $0x10000  }
0x213: {  	[sflag:s20] =	ssyncset.done $0x0  }
0x214: {  	[sflag:s20] =	ssyncadd.s32 $0xFFFF0000  }
.LBB2_51:
0x215: {  	[bflag:$0x0] =	sbarrier.arrive $0xFFFF  }
0x216: {  	[tilespmem:s24], [sflag:$0x1] =	stream.linear.gather [spmem:s6], $0x7000, $0x38;
	[tilespmem:$0x1E408] =	vst v63  }
0x217: {  	_ =	swait.ge [sflag:s20], $0x7000  }
0x218: {  	[sflag:s20] =	ssyncset.done $0x0  }
0x219: {  	s29 =	simm.s32 $0x0;
	[sflag:s20] =	ssyncadd.s32 $0xFFFF9000  }
0x21a: {  	[hbm4b:s13+s29] =	stream.linear.scatter [tilespmem:s24], [sflag:$0x1], $0x7000, $0x38;
	[tilespmem:$0x1E408] =	vst v63  }
0x21b: {  	_ =	swait.ge [sflag:s20], $0x7000  }
0x21c: {  	[sflag:s20] =	ssyncset.done $0x0  }
0x21d: {  	[sflag:s20] =	ssyncadd.s32 $0xFFFF9000  }
0x21e: {  	[bflag:$0x0] =	sbarrier.arrive $0xFFFF  }
0x21f: {  	[spmem:s6] =	stream.linear.scatter [tilespmem:s19], [sflag:$0x1], $0x2000, $0x38;
	[tilespmem:$0x1E408] =	vst v63  }
0x220: {  	_ =	swait.ge [sflag:s20], $0x2000  }
0x221: {  	[sflag:s20] =	ssyncset.done $0x0  }
0x222: {  	[sflag:s20] =	ssyncadd.s32 $0xFFFFE000  }
0x223: {  	[spmem:s7] =	stream.linear.scatter [tilespmem:s19], [sflag:$0x1], $0x2000, $0x38;
	[tilespmem:$0x1E408] =	vst v63  }
0x224: {  	_ =	swait.ge [sflag:s20], $0x2000  }
0x225: {  	[sflag:s20] =	ssyncset.done $0x0  }
0x226: {  	[sflag:s20] =	ssyncadd.s32 $0xFFFFE000  }
0x227: {  	[spmem:s8] =	stream.linear.scatter [tilespmem:s19], [sflag:$0x1], $0x2000, $0x38;
	[tilespmem:$0x1E408] =	vst v63  }
0x228: {  	_ =	swait.ge [sflag:s20], $0x2000  }
0x229: {  	[sflag:s20] =	ssyncset.done $0x0  }
0x22a: {  	[sflag:s20] =	ssyncadd.s32 $0xFFFFE000  }
0x22b: {  	[spmem:s9] =	stream.linear.scatter [tilespmem:s19], [sflag:$0x1], $0x1000, $0x38;
	[tilespmem:$0x1E408] =	vst v63  }
0x22c: {  	_ =	swait.ge [sflag:s20], $0x1000  }
0x22d: {  	[sflag:s20] =	ssyncset.done $0x0  }
0x22e: {  	[sflag:s20] =	ssyncadd.s32 $0xFFFFF000  }
0x22f: {  	s0 =	simm.s32 $0x40;
	s2 =	simm.s32 $0x0;
	[bflag:$0x0] =	sbarrier.arrive $0xFFFF  }
.LBB2_52:
0x230: {  	p0 =	sne.s32 s0, $0x7FC0;
	[tilespmem:s2+$0x1000] =	vst v15;
	s10 =	smov.u32 s0;
	s0 =	sadd.s32 $0x40, s0  }
.Ltmp35:
0x231: {  	[tilespmem:s2+$0x3000] =	vst v16;
	(pc) =	sbr.rel @p0 .LBB2_52-.Ltmp35, $2  }
0x232: {  	_ =	sdelay $0x2  }
0x233: {  	s2 =	sshra.s32 s10, $0x2  }
0x234: {  	[tilespmem:s2+$0x1000] =	vst v15  }
0x235: {  	[tilespmem:s2+$0x3000] =	vst v16;
	s30 =	simm.s32 $0x0  }
.LBB2_54:
0x236: {  	s0 =	smul.u32 $0x7D0, s30;
	_ =	sdelay $0x1  }
0x237: {  	s0 =	sadd.s32 s16, s0  }
0x238: {  	s0 =	sshrl.u32 s0, $0x3  }
0x239: {  	s2 =	simm.s32 $0x0;
	s0 =	sadd.s32 s5, s0  }
0x23a: {  	[tilespmem:s2], [sflag:$0x1] =	stream.linear.gather [hbm4b:s0+s2], $0x7D0, $0x38;
	[tilespmem:$0x1E408] =	vst v63  }
0x23b: {  	_ =	swait.ge [sflag:s20], $0x7D0  }
0x23c: {  	[sflag:s20] =	ssyncset.done $0x0  }
0x23d: {  	s0 =	sadd.s32 $0x186A0, s0;
	[sflag:s20] =	ssyncadd.s32 $0xFFFFF830  }
0x23e: {  	[tilespmem:s21], [sflag:$0x1] =	stream.linear.gather [hbm4b:s0+s2], $0x7D0, $0x38;
	[tilespmem:$0x1E408] =	vst v63  }
0x23f: {  	_ =	swait.ge [sflag:s20], $0x7D0  }
0x240: {  	[sflag:s20] =	ssyncset.done $0x0  }
0x241: {  	s12 =	simm.s32 $0x0;
	[sflag:s20] =	ssyncadd.s32 $0xFFFFF830  }
0x242: {  	v17 =	vld [tilespmem:s12+$0x800];
	_ =	sdelay $0x4  }
0x243: {  	vm0 =	vge.s32 v17, v8;
	vm1 =	vlt.s32 v17, v9  }
0x244: {  	vm0 =	vmand vm0, vm1  }
0x245: {  	v18 =	vmpcnt.ones.xlane vm0;
	_ =	sdelay $0x1  }
0x246: {  	v18 =	vxor.u32 $0x80000000, v18  }
0x247: {  	(xrf0) =	vmax.scan.msk.u32 $0xffff, v18;
	_ =	sdelay $0x3  }
0x248: {  	v18 =	vld [tilespmem:s12+$0x0];
	_ =	sdelay $0x1  }
0x249: {  	v19, _, _ =	vpop (xrf0)  }
0x24a: {  	v17 =	vsub.s32 v17, v8;
	(v2sf) =	vpush v19, $0xF  }
0x24b: {  	[tilespmem:s29+$0x3000] =	vst.msk vm0, v17  }
0x24c: {  	s31 =	simm.s32 $0x10;
	s0 =	simm.s32 $0x80;
	[tilespmem:s29+$0x1000] =	vst.msk vm0, v18  }
.LBB2_55:
0x24d: {  	p0 =	sne.s32 s0, $0x1F00;
	v17 =	vld [tilespmem:s31+$0x800];
	_ =	sdelay $0x4  }
0x24e: {  	vm0 =	vge.s32 v17, v8;
	vm1 =	vlt.s32 v17, v9;
	v17 =	vsub.s32 v17, v8  }
0x24f: {  	vm0 =	vmand vm0, vm1  }
0x250: {  	v18 =	vmpcnt.ones.xlane vm0;
	_ =	sdelay $0x1  }
0x251: {  	v18 =	vxor.u32 $0x80000000, v18  }
0x252: {  	(xrf0) =	vmax.scan.msk.u32 $0xffff, v18;
	_ =	sdelay $0x1  }
0x253: {  	s2 =	spop (v2sf)  }
0x254: {  	v18 =	vld [tilespmem:s31+$0x0];
	s2 =	sadd.s32 s2, s29  }
0x255: {  	s29 =	sadd.s32 $0x80000000, s2  }
.Ltmp36:
0x256: {  	p1 =	slt.s32 s29, $0x1FF0;
	(pc) =	sbr.rel @p0 .LBB2_55-.Ltmp36, $4  }
0x257: {  	v19, _, _ =	vpop (xrf0);
	s29 =	simm.s32 @!p1 $0x1FF0  }
0x258: {  	[tilespmem:s29+$0x3000] =	vst.msk vm0, v17;
	(v2sf) =	vpush v19, $0xF  }
0x259: {  	[tilespmem:s29+$0x1000] =	vst.msk vm0, v18  }
0x25a: {  	s31 =	sshra.s32 s0, $0x2;
	s0 =	sadd.s32 $0x40, s0  }
0x25b: {  	v17 =	vld [tilespmem:s31+$0x800];
	_ =	sdelay $0x4  }
0x25c: {  	vm0 =	vge.s32 v17, v8;
	vm1 =	vlt.s32 v17, v9  }
0x25d: {  	vm0 =	vmand vm0, vm1  }
0x25e: {  	v18 =	vmpcnt.ones.xlane vm0;
	_ =	sdelay $0x1  }
0x25f: {  	v18 =	vxor.u32 $0x80000000, v18  }
0x260: {  	(xrf0) =	vmax.scan.msk.u32 $0xffff, v18;
	_ =	sdelay $0x5  }
0x261: {  	v18, _, _ =	vpop (xrf0)  }
0x262: {  	(v2sf) =	vpush v18, $0xF;
	_ =	sdelay $0xa  }
0x263: {  	s0 =	spop (v2sf)  }
0x264: {  	s0 =	sadd.s32 s0, s29  }
0x265: {  	s30 =	sadd.s32 $0x1, s30;
	s0 =	sadd.s32 $0x80000000, s0  }
0x266: {  	p1 =	sne.s32 s30, $0x19;
	p0 =	slt.s32 s0, $0x1FF0;
	v18 =	vld [tilespmem:s31+$0x0]  }
.Ltmp37:
0x267: {  	s0 =	simm.s32 @!p0 $0x1FF0;
	s2 =	spop (v2sf);
	(pc) =	sbr.rel @p1 .LBB2_54-.Ltmp37, $4  }
0x268: {  	s2 =	sadd.s32 s2, s0  }
0x269: {  	v17 =	vsub.s32 v17, v8;
	s29 =	sadd.s32 $0x80000000, s2  }
0x26a: {  	[tilespmem:s0+$0x3000] =	vst.msk vm0, v17;
	p0 =	slt.s32 s29, $0x1FF0  }
0x26b: {  	[tilespmem:s0+$0x1000] =	vst.msk vm0, v18;
	s29 =	simm.s32 @!p0 $0x1FF0  }
.Ltmp38:
0x26c: {  	(pc) =	sbr.rel .LBB2_58-.Ltmp38, $2  }
0x26d: {  	_ =	sdelay $0x2  }
0x26e: {  	s30 =	simm.s32 $0x0;
	s31 =	simm.s32 $0x3000;
	s0 =	simm.s32 $0x1000  }
.LBB2_62:
0x26f: {  	s30 =	sadd.s32 $0x1, s30  }
0x270: {  	p0 =	sne.s32 s30, $0x10  }
.Ltmp39:
0x271: {  	_ = 	snop;
	(pc) =	sbr.rel @!p0 .LBB2_63-.Ltmp39, $2  }
0x272: {  	_ =	sdelay $0x2  }
0x273: {  	s31 =	sadd.s32 $0x200, s31;
	s0 =	sadd.s32 $0x200, s0  }
.LBB2_58:
0x274: {  	s2 =	sshll.u32 s30, $0x9  }
0x275: {  	p0 =	sge.s32 s2, s29  }
.Ltmp40:
0x276: {  	_ = 	snop;
	(pc) =	sbr.rel @p0 .LBB2_62-.Ltmp40, $1  }
0x277: {  	_ =	sdelay $0x3  }
0x278: {  	s2 =	sadd.s32 $0x0, s0  }
0x279: {  	v17 =	vld [tilespmem:s2+$0x0];
	_ =	sdelay $0x3  }
0x27a: {  	s2 =	simm.s32 $0x0  }
0x27b: {  	s10 =	sadd.s32 $0x0, s31;
	[tilespmem:s2+$0x5000] =	vst v17  }
0x27c: {  	v17 =	vld [tilespmem:s10+$0x0];
	_ =	sdelay $0x3  }
0x27d: {  	s11 =	simm.s32 $0x10;
	s10 =	simm.s32 $0x80  }
.LBB2_60:
0x27e: {  	p0 =	sne.s32 s10, $0x7C0;
	s12 =	sadd.s32 s11, s0;
	[tilespmem:s2+$0x5200] =	vst v17;
	s2 =	smov.u32 s11  }
0x27f: {  	v17 =	vld [tilespmem:s12+$0x0];
	_ =	sdelay $0x4  }
0x280: {  	s11 =	sadd.s32 s2, s31;
	[tilespmem:s2+$0x5000] =	vst v17  }
.Ltmp41:
0x281: {  	v17 =	vld [tilespmem:s11+$0x0];
	(pc) =	sbr.rel @p0 .LBB2_60-.Ltmp41, $2  }
0x282: {  	_ =	sdelay $0x2  }
0x283: {  	s11 =	sshra.s32 s10, $0x2;
	s10 =	sadd.s32 $0x40, s10  }
0x284: {  	s10 =	sadd.s32 s11, s0;
	[tilespmem:s2+$0x5200] =	vst v17  }
0x285: {  	v17 =	vld [tilespmem:s10+$0x0];
	_ =	sdelay $0x4  }
0x286: {  	s12 =	sadd.s32 s11, s31;
	[tilespmem:s11+$0x5000] =	vst v17  }
0x287: {  	v17 =	vld [tilespmem:s12+$0x0];
	_ =	sdelay $0x4  }
0x288: {  	[tilespmem:s11+$0x5200] =	vst v17  }
0x289: {  	[tilespmem:s24], [sflag:$0x2] =	stream.indirect.gather [hbm4b:s4+s22], $0x80, s23, s22, $0xb8;
	[tilespmem:$0x1E408] =	vst v63  }
0x28a: {  	_ =	swait.ge [sflag:s25], $0x10000  }
0x28b: {  	[sflag:s25] =	ssyncset.done $0x0  }
.Ltmp42:
0x28c: {  	[sflag:s25] =	ssyncadd.s32 $0xFFFF0000;
	(pc) =	sbr.rel .LBB2_62-.Ltmp42, $4  }
0x28d: {  	[spmem:s1] =	stream.indirect.scatter.add.f32 [tilespmem:s24], [sflag:$0x1], $0x80, s26, s22, $0xb8;
	[tilespmem:$0x1E408] =	vst v63  }
0x28e: {  	_ =	swait.ge [sflag:s20], $0x10000  }
0x28f: {  	[sflag:s20] =	ssyncset.done $0x0  }
0x290: {  	[sflag:s20] =	ssyncadd.s32 $0xFFFF0000  }
.LBB2_63:
0x291: {  	[bflag:$0x0] =	sbarrier.arrive $0xFFFF  }
0x292: {  	[tilespmem:s24], [sflag:$0x1] =	stream.linear.gather [spmem:s6], $0x7000, $0x38;
	[tilespmem:$0x1E408] =	vst v63  }
0x293: {  	_ =	swait.ge [sflag:s20], $0x7000  }
0x294: {  	[sflag:s20] =	ssyncset.done $0x0  }
0x295: {  	s29 =	simm.s32 $0x0;
	[sflag:s20] =	ssyncadd.s32 $0xFFFF9000  }
0x296: {  	[hbm4b:s14+s29] =	stream.linear.scatter [tilespmem:s24], [sflag:$0x1], $0x7000, $0x38;
	[tilespmem:$0x1E408] =	vst v63  }
0x297: {  	_ =	swait.ge [sflag:s20], $0x7000  }
0x298: {  	[sflag:s20] =	ssyncset.done $0x0  }
0x299: {  	[sflag:s20] =	ssyncadd.s32 $0xFFFF9000  }
0x29a: {  	[bflag:$0x0] =	sbarrier.arrive $0xFFFF  }
0x29b: {  	[spmem:s6] =	stream.linear.scatter [tilespmem:s19], [sflag:$0x1], $0x2000, $0x38;
	[tilespmem:$0x1E408] =	vst v63  }
0x29c: {  	_ =	swait.ge [sflag:s20], $0x2000  }
0x29d: {  	[sflag:s20] =	ssyncset.done $0x0  }
0x29e: {  	[sflag:s20] =	ssyncadd.s32 $0xFFFFE000  }
0x29f: {  	[spmem:s7] =	stream.linear.scatter [tilespmem:s19], [sflag:$0x1], $0x2000, $0x38;
	[tilespmem:$0x1E408] =	vst v63  }
0x2a0: {  	_ =	swait.ge [sflag:s20], $0x2000  }
0x2a1: {  	[sflag:s20] =	ssyncset.done $0x0  }
0x2a2: {  	[sflag:s20] =	ssyncadd.s32 $0xFFFFE000  }
0x2a3: {  	[spmem:s8] =	stream.linear.scatter [tilespmem:s19], [sflag:$0x1], $0x2000, $0x38;
	[tilespmem:$0x1E408] =	vst v63  }
0x2a4: {  	_ =	swait.ge [sflag:s20], $0x2000  }
0x2a5: {  	[sflag:s20] =	ssyncset.done $0x0  }
0x2a6: {  	[sflag:s20] =	ssyncadd.s32 $0xFFFFE000  }
0x2a7: {  	[spmem:s9] =	stream.linear.scatter [tilespmem:s19], [sflag:$0x1], $0x1000, $0x38;
	[tilespmem:$0x1E408] =	vst v63  }
0x2a8: {  	_ =	swait.ge [sflag:s20], $0x1000  }
0x2a9: {  	[sflag:s20] =	ssyncset.done $0x0  }
0x2aa: {  	[sflag:s20] =	ssyncadd.s32 $0xFFFFF000  }
0x2ab: {  	s0 =	simm.s32 $0x40;
	s2 =	simm.s32 $0x0;
	[bflag:$0x0] =	sbarrier.arrive $0xFFFF  }
.LBB2_64:
0x2ac: {  	p0 =	sne.s32 s0, $0x7FC0;
	[tilespmem:s2+$0x1000] =	vst v15;
	s10 =	smov.u32 s0;
	s0 =	sadd.s32 $0x40, s0  }
.Ltmp43:
0x2ad: {  	[tilespmem:s2+$0x3000] =	vst v16;
	(pc) =	sbr.rel @p0 .LBB2_64-.Ltmp43, $2  }
0x2ae: {  	_ =	sdelay $0x2  }
0x2af: {  	s2 =	sshra.s32 s10, $0x2  }
0x2b0: {  	[tilespmem:s2+$0x1000] =	vst v15  }
0x2b1: {  	[tilespmem:s2+$0x3000] =	vst v16;
	s30 =	simm.s32 $0x0  }
.LBB2_66:
0x2b2: {  	s0 =	smul.u32 $0x7D0, s30;
	_ =	sdelay $0x1  }
0x2b3: {  	s0 =	sadd.s32 s16, s0  }
0x2b4: {  	s0 =	sshrl.u32 s0, $0x3  }
0x2b5: {  	s2 =	simm.s32 $0x0;
	s0 =	sadd.s32 s5, s0  }
0x2b6: {  	[tilespmem:s2], [sflag:$0x1] =	stream.linear.gather [hbm4b:s0+s2], $0x7D0, $0x38;
	[tilespmem:$0x1E408] =	vst v63  }
0x2b7: {  	_ =	swait.ge [sflag:s20], $0x7D0  }
0x2b8: {  	[sflag:s20] =	ssyncset.done $0x0  }
0x2b9: {  	s0 =	sadd.s32 $0x186A0, s0;
	[sflag:s20] =	ssyncadd.s32 $0xFFFFF830  }
0x2ba: {  	[tilespmem:s21], [sflag:$0x1] =	stream.linear.gather [hbm4b:s0+s2], $0x7D0, $0x38;
	[tilespmem:$0x1E408] =	vst v63  }
0x2bb: {  	_ =	swait.ge [sflag:s20], $0x7D0  }
0x2bc: {  	[sflag:s20] =	ssyncset.done $0x0  }
0x2bd: {  	s12 =	simm.s32 $0x0;
	[sflag:s20] =	ssyncadd.s32 $0xFFFFF830  }
0x2be: {  	v17 =	vld [tilespmem:s12+$0x800];
	_ =	sdelay $0x4  }
0x2bf: {  	vm0 =	vge.s32 v17, v10;
	vm1 =	vlt.s32 v17, v11  }
0x2c0: {  	vm0 =	vmand vm0, vm1  }
0x2c1: {  	v18 =	vmpcnt.ones.xlane vm0;
	_ =	sdelay $0x1  }
0x2c2: {  	v18 =	vxor.u32 $0x80000000, v18  }
0x2c3: {  	(xrf0) =	vmax.scan.msk.u32 $0xffff, v18;
	_ =	sdelay $0x3  }
0x2c4: {  	v18 =	vld [tilespmem:s12+$0x0];
	_ =	sdelay $0x1  }
0x2c5: {  	v19, _, _ =	vpop (xrf0)  }
0x2c6: {  	v17 =	vsub.s32 v17, v10;
	(v2sf) =	vpush v19, $0xF  }
0x2c7: {  	[tilespmem:s29+$0x3000] =	vst.msk vm0, v17  }
0x2c8: {  	s31 =	simm.s32 $0x10;
	s0 =	simm.s32 $0x80;
	[tilespmem:s29+$0x1000] =	vst.msk vm0, v18  }
.LBB2_67:
0x2c9: {  	p0 =	sne.s32 s0, $0x1F00;
	v17 =	vld [tilespmem:s31+$0x800];
	_ =	sdelay $0x4  }
0x2ca: {  	vm0 =	vge.s32 v17, v10;
	vm1 =	vlt.s32 v17, v11;
	v17 =	vsub.s32 v17, v10  }
0x2cb: {  	vm0 =	vmand vm0, vm1  }
0x2cc: {  	v18 =	vmpcnt.ones.xlane vm0;
	_ =	sdelay $0x1  }
0x2cd: {  	v18 =	vxor.u32 $0x80000000, v18  }
0x2ce: {  	(xrf0) =	vmax.scan.msk.u32 $0xffff, v18;
	_ =	sdelay $0x1  }
0x2cf: {  	s2 =	spop (v2sf)  }
0x2d0: {  	v18 =	vld [tilespmem:s31+$0x0];
	s2 =	sadd.s32 s2, s29  }
0x2d1: {  	s29 =	sadd.s32 $0x80000000, s2  }
.Ltmp44:
0x2d2: {  	p1 =	slt.s32 s29, $0x1FF0;
	(pc) =	sbr.rel @p0 .LBB2_67-.Ltmp44, $4  }
0x2d3: {  	v19, _, _ =	vpop (xrf0);
	s29 =	simm.s32 @!p1 $0x1FF0  }
0x2d4: {  	[tilespmem:s29+$0x3000] =	vst.msk vm0, v17;
	(v2sf) =	vpush v19, $0xF  }
0x2d5: {  	[tilespmem:s29+$0x1000] =	vst.msk vm0, v18  }
0x2d6: {  	s31 =	sshra.s32 s0, $0x2;
	s0 =	sadd.s32 $0x40, s0  }
0x2d7: {  	v17 =	vld [tilespmem:s31+$0x800];
	_ =	sdelay $0x4  }
0x2d8: {  	vm0 =	vge.s32 v17, v10;
	vm1 =	vlt.s32 v17, v11  }
0x2d9: {  	vm0 =	vmand vm0, vm1  }
0x2da: {  	v18 =	vmpcnt.ones.xlane vm0;
	_ =	sdelay $0x1  }
0x2db: {  	v18 =	vxor.u32 $0x80000000, v18  }
0x2dc: {  	(xrf0) =	vmax.scan.msk.u32 $0xffff, v18;
	_ =	sdelay $0x5  }
0x2dd: {  	v18, _, _ =	vpop (xrf0)  }
0x2de: {  	(v2sf) =	vpush v18, $0xF;
	_ =	sdelay $0xa  }
0x2df: {  	s0 =	spop (v2sf)  }
0x2e0: {  	s0 =	sadd.s32 s0, s29  }
0x2e1: {  	s30 =	sadd.s32 $0x1, s30;
	s0 =	sadd.s32 $0x80000000, s0  }
0x2e2: {  	p1 =	sne.s32 s30, $0x19;
	p0 =	slt.s32 s0, $0x1FF0;
	v18 =	vld [tilespmem:s31+$0x0]  }
.Ltmp45:
0x2e3: {  	s0 =	simm.s32 @!p0 $0x1FF0;
	s2 =	spop (v2sf);
	(pc) =	sbr.rel @p1 .LBB2_66-.Ltmp45, $4  }
0x2e4: {  	s2 =	sadd.s32 s2, s0  }
0x2e5: {  	v17 =	vsub.s32 v17, v10;
	s29 =	sadd.s32 $0x80000000, s2  }
0x2e6: {  	[tilespmem:s0+$0x3000] =	vst.msk vm0, v17;
	p0 =	slt.s32 s29, $0x1FF0  }
0x2e7: {  	[tilespmem:s0+$0x1000] =	vst.msk vm0, v18;
	s29 =	simm.s32 @!p0 $0x1FF0  }
.Ltmp46:
0x2e8: {  	(pc) =	sbr.rel .LBB2_70-.Ltmp46, $2  }
0x2e9: {  	_ =	sdelay $0x2  }
0x2ea: {  	s30 =	simm.s32 $0x0;
	s31 =	simm.s32 $0x3000;
	s0 =	simm.s32 $0x1000  }
.LBB2_74:
0x2eb: {  	s30 =	sadd.s32 $0x1, s30  }
0x2ec: {  	p0 =	sne.s32 s30, $0x10  }
.Ltmp47:
0x2ed: {  	_ = 	snop;
	(pc) =	sbr.rel @!p0 .LBB2_75-.Ltmp47, $2  }
0x2ee: {  	_ =	sdelay $0x2  }
0x2ef: {  	s31 =	sadd.s32 $0x200, s31;
	s0 =	sadd.s32 $0x200, s0  }
.LBB2_70:
0x2f0: {  	s2 =	sshll.u32 s30, $0x9  }
0x2f1: {  	p0 =	sge.s32 s2, s29  }
.Ltmp48:
0x2f2: {  	_ = 	snop;
	(pc) =	sbr.rel @p0 .LBB2_74-.Ltmp48, $1  }
0x2f3: {  	_ =	sdelay $0x3  }
0x2f4: {  	s2 =	sadd.s32 $0x0, s0  }
0x2f5: {  	v17 =	vld [tilespmem:s2+$0x0];
	_ =	sdelay $0x3  }
0x2f6: {  	s2 =	simm.s32 $0x0  }
0x2f7: {  	s10 =	sadd.s32 $0x0, s31;
	[tilespmem:s2+$0x5000] =	vst v17  }
0x2f8: {  	v17 =	vld [tilespmem:s10+$0x0];
	_ =	sdelay $0x3  }
0x2f9: {  	s11 =	simm.s32 $0x10;
	s10 =	simm.s32 $0x80  }
.LBB2_72:
0x2fa: {  	p0 =	sne.s32 s10, $0x7C0;
	s12 =	sadd.s32 s11, s0;
	[tilespmem:s2+$0x5200] =	vst v17;
	s2 =	smov.u32 s11  }
0x2fb: {  	v17 =	vld [tilespmem:s12+$0x0];
	_ =	sdelay $0x4  }
0x2fc: {  	s11 =	sadd.s32 s2, s31;
	[tilespmem:s2+$0x5000] =	vst v17  }
.Ltmp49:
0x2fd: {  	v17 =	vld [tilespmem:s11+$0x0];
	(pc) =	sbr.rel @p0 .LBB2_72-.Ltmp49, $2  }
0x2fe: {  	_ =	sdelay $0x2  }
0x2ff: {  	s11 =	sshra.s32 s10, $0x2;
	s10 =	sadd.s32 $0x40, s10  }
0x300: {  	s10 =	sadd.s32 s11, s0;
	[tilespmem:s2+$0x5200] =	vst v17  }
0x301: {  	v17 =	vld [tilespmem:s10+$0x0];
	_ =	sdelay $0x4  }
0x302: {  	s12 =	sadd.s32 s11, s31;
	[tilespmem:s11+$0x5000] =	vst v17  }
0x303: {  	v17 =	vld [tilespmem:s12+$0x0];
	_ =	sdelay $0x4  }
0x304: {  	[tilespmem:s11+$0x5200] =	vst v17  }
0x305: {  	[tilespmem:s24], [sflag:$0x2] =	stream.indirect.gather [hbm4b:s4+s22], $0x80, s23, s22, $0xb8;
	[tilespmem:$0x1E408] =	vst v63  }
0x306: {  	_ =	swait.ge [sflag:s25], $0x10000  }
0x307: {  	[sflag:s25] =	ssyncset.done $0x0  }
.Ltmp50:
0x308: {  	[sflag:s25] =	ssyncadd.s32 $0xFFFF0000;
	(pc) =	sbr.rel .LBB2_74-.Ltmp50, $4  }
0x309: {  	[spmem:s1] =	stream.indirect.scatter.add.f32 [tilespmem:s24], [sflag:$0x1], $0x80, s26, s22, $0xb8;
	[tilespmem:$0x1E408] =	vst v63  }
0x30a: {  	_ =	swait.ge [sflag:s20], $0x10000  }
0x30b: {  	[sflag:s20] =	ssyncset.done $0x0  }
0x30c: {  	[sflag:s20] =	ssyncadd.s32 $0xFFFF0000  }
.LBB2_75:
0x30d: {  	[bflag:$0x0] =	sbarrier.arrive $0xFFFF  }
0x30e: {  	[tilespmem:s24], [sflag:$0x1] =	stream.linear.gather [spmem:s6], $0x7000, $0x38;
	[tilespmem:$0x1E408] =	vst v63  }
0x30f: {  	_ =	swait.ge [sflag:s20], $0x7000  }
0x310: {  	[sflag:s20] =	ssyncset.done $0x0  }
0x311: {  	s29 =	simm.s32 $0x0;
	[sflag:s20] =	ssyncadd.s32 $0xFFFF9000  }
0x312: {  	[hbm4b:s15+s29] =	stream.linear.scatter [tilespmem:s24], [sflag:$0x1], $0x7000, $0x38;
	[tilespmem:$0x1E408] =	vst v63  }
0x313: {  	_ =	swait.ge [sflag:s20], $0x7000  }
0x314: {  	[sflag:s20] =	ssyncset.done $0x0  }
0x315: {  	[sflag:s20] =	ssyncadd.s32 $0xFFFF9000  }
0x316: {  	[bflag:$0x0] =	sbarrier.arrive $0xFFFF  }
0x317: {  	[spmem:s6] =	stream.linear.scatter [tilespmem:s19], [sflag:$0x1], $0x2000, $0x38;
	[tilespmem:$0x1E408] =	vst v63  }
0x318: {  	_ =	swait.ge [sflag:s20], $0x2000  }
0x319: {  	[sflag:s20] =	ssyncset.done $0x0  }
0x31a: {  	[sflag:s20] =	ssyncadd.s32 $0xFFFFE000  }
0x31b: {  	[spmem:s7] =	stream.linear.scatter [tilespmem:s19], [sflag:$0x1], $0x2000, $0x38;
	[tilespmem:$0x1E408] =	vst v63  }
0x31c: {  	_ =	swait.ge [sflag:s20], $0x2000  }
0x31d: {  	[sflag:s20] =	ssyncset.done $0x0  }
0x31e: {  	[sflag:s20] =	ssyncadd.s32 $0xFFFFE000  }
0x31f: {  	[spmem:s8] =	stream.linear.scatter [tilespmem:s19], [sflag:$0x1], $0x2000, $0x38;
	[tilespmem:$0x1E408] =	vst v63  }
0x320: {  	_ =	swait.ge [sflag:s20], $0x2000  }
0x321: {  	[sflag:s20] =	ssyncset.done $0x0  }
0x322: {  	[sflag:s20] =	ssyncadd.s32 $0xFFFFE000  }
0x323: {  	[spmem:s9] =	stream.linear.scatter [tilespmem:s19], [sflag:$0x1], $0x1000, $0x38;
	[tilespmem:$0x1E408] =	vst v63  }
0x324: {  	_ =	swait.ge [sflag:s20], $0x1000  }
0x325: {  	[sflag:s20] =	ssyncset.done $0x0  }
0x326: {  	[sflag:s20] =	ssyncadd.s32 $0xFFFFF000  }
0x327: {  	s0 =	simm.s32 $0x40;
	s2 =	simm.s32 $0x0;
	[bflag:$0x0] =	sbarrier.arrive $0xFFFF  }
.LBB2_76:
0x328: {  	p0 =	sne.s32 s0, $0x7FC0;
	[tilespmem:s2+$0x1000] =	vst v15;
	s10 =	smov.u32 s0;
	s0 =	sadd.s32 $0x40, s0  }
.Ltmp51:
0x329: {  	[tilespmem:s2+$0x3000] =	vst v16;
	(pc) =	sbr.rel @p0 .LBB2_76-.Ltmp51, $2  }
0x32a: {  	_ =	sdelay $0x2  }
0x32b: {  	s2 =	sshra.s32 s10, $0x2  }
0x32c: {  	[tilespmem:s2+$0x1000] =	vst v15  }
0x32d: {  	[tilespmem:s2+$0x3000] =	vst v16;
	s30 =	simm.s32 $0x0  }
.LBB2_78:
0x32e: {  	s0 =	smul.u32 $0x7D0, s30;
	_ =	sdelay $0x1  }
0x32f: {  	s0 =	sadd.s32 s16, s0  }
0x330: {  	s0 =	sshrl.u32 s0, $0x3  }
0x331: {  	s2 =	simm.s32 $0x0;
	s0 =	sadd.s32 s5, s0  }
0x332: {  	[tilespmem:s2], [sflag:$0x1] =	stream.linear.gather [hbm4b:s0+s2], $0x7D0, $0x38;
	[tilespmem:$0x1E408] =	vst v63  }
0x333: {  	_ =	swait.ge [sflag:s20], $0x7D0  }
0x334: {  	[sflag:s20] =	ssyncset.done $0x0  }
0x335: {  	s0 =	sadd.s32 $0x186A0, s0;
	[sflag:s20] =	ssyncadd.s32 $0xFFFFF830  }
0x336: {  	[tilespmem:s21], [sflag:$0x1] =	stream.linear.gather [hbm4b:s0+s2], $0x7D0, $0x38;
	[tilespmem:$0x1E408] =	vst v63  }
0x337: {  	_ =	swait.ge [sflag:s20], $0x7D0  }
0x338: {  	[sflag:s20] =	ssyncset.done $0x0  }
0x339: {  	s12 =	simm.s32 $0x0;
	[sflag:s20] =	ssyncadd.s32 $0xFFFFF830  }
0x33a: {  	v17 =	vld [tilespmem:s12+$0x800];
	_ =	sdelay $0x4  }
0x33b: {  	vm0 =	vge.s32 v17, v12;
	vm1 =	vlt.s32 v17, v13  }
0x33c: {  	vm0 =	vmand vm0, vm1  }
0x33d: {  	v18 =	vmpcnt.ones.xlane vm0;
	_ =	sdelay $0x1  }
0x33e: {  	v18 =	vxor.u32 $0x80000000, v18  }
0x33f: {  	(xrf0) =	vmax.scan.msk.u32 $0xffff, v18;
	_ =	sdelay $0x3  }
0x340: {  	v18 =	vld [tilespmem:s12+$0x0];
	_ =	sdelay $0x1  }
0x341: {  	v19, _, _ =	vpop (xrf0)  }
0x342: {  	v17 =	vsub.s32 v17, v12;
	(v2sf) =	vpush v19, $0xF  }
0x343: {  	[tilespmem:s29+$0x3000] =	vst.msk vm0, v17  }
0x344: {  	s31 =	simm.s32 $0x10;
	s0 =	simm.s32 $0x80;
	[tilespmem:s29+$0x1000] =	vst.msk vm0, v18  }
.LBB2_79:
0x345: {  	p0 =	sne.s32 s0, $0x1F00;
	v17 =	vld [tilespmem:s31+$0x800];
	_ =	sdelay $0x4  }
0x346: {  	vm0 =	vge.s32 v17, v12;
	vm1 =	vlt.s32 v17, v13;
	v17 =	vsub.s32 v17, v12  }
0x347: {  	vm0 =	vmand vm0, vm1  }
0x348: {  	v18 =	vmpcnt.ones.xlane vm0;
	_ =	sdelay $0x1  }
0x349: {  	v18 =	vxor.u32 $0x80000000, v18  }
0x34a: {  	(xrf0) =	vmax.scan.msk.u32 $0xffff, v18;
	_ =	sdelay $0x1  }
0x34b: {  	s2 =	spop (v2sf)  }
0x34c: {  	v18 =	vld [tilespmem:s31+$0x0];
	s2 =	sadd.s32 s2, s29  }
0x34d: {  	s29 =	sadd.s32 $0x80000000, s2  }
.Ltmp52:
0x34e: {  	p1 =	slt.s32 s29, $0x1FF0;
	(pc) =	sbr.rel @p0 .LBB2_79-.Ltmp52, $4  }
0x34f: {  	v19, _, _ =	vpop (xrf0);
	s29 =	simm.s32 @!p1 $0x1FF0  }
0x350: {  	[tilespmem:s29+$0x3000] =	vst.msk vm0, v17;
	(v2sf) =	vpush v19, $0xF  }
0x351: {  	[tilespmem:s29+$0x1000] =	vst.msk vm0, v18  }
0x352: {  	s31 =	sshra.s32 s0, $0x2;
	s0 =	sadd.s32 $0x40, s0  }
0x353: {  	v17 =	vld [tilespmem:s31+$0x800];
	_ =	sdelay $0x4  }
0x354: {  	vm0 =	vge.s32 v17, v12;
	vm1 =	vlt.s32 v17, v13  }
0x355: {  	vm0 =	vmand vm0, vm1  }
0x356: {  	v18 =	vmpcnt.ones.xlane vm0;
	_ =	sdelay $0x1  }
0x357: {  	v18 =	vxor.u32 $0x80000000, v18  }
0x358: {  	(xrf0) =	vmax.scan.msk.u32 $0xffff, v18;
	_ =	sdelay $0x5  }
0x359: {  	v18, _, _ =	vpop (xrf0)  }
0x35a: {  	(v2sf) =	vpush v18, $0xF;
	_ =	sdelay $0xa  }
0x35b: {  	s0 =	spop (v2sf)  }
0x35c: {  	s0 =	sadd.s32 s0, s29  }
0x35d: {  	s30 =	sadd.s32 $0x1, s30;
	s0 =	sadd.s32 $0x80000000, s0  }
0x35e: {  	p1 =	sne.s32 s30, $0x19;
	p0 =	slt.s32 s0, $0x1FF0;
	v18 =	vld [tilespmem:s31+$0x0]  }
.Ltmp53:
0x35f: {  	s0 =	simm.s32 @!p0 $0x1FF0;
	s2 =	spop (v2sf);
	(pc) =	sbr.rel @p1 .LBB2_78-.Ltmp53, $4  }
0x360: {  	s2 =	sadd.s32 s2, s0  }
0x361: {  	v17 =	vsub.s32 v17, v12;
	s29 =	sadd.s32 $0x80000000, s2  }
0x362: {  	[tilespmem:s0+$0x3000] =	vst.msk vm0, v17;
	p0 =	slt.s32 s29, $0x1FF0  }
0x363: {  	[tilespmem:s0+$0x1000] =	vst.msk vm0, v18;
	s29 =	simm.s32 @!p0 $0x1FF0  }
.Ltmp54:
0x364: {  	(pc) =	sbr.rel .LBB2_82-.Ltmp54, $2  }
0x365: {  	_ =	sdelay $0x2  }
0x366: {  	s30 =	simm.s32 $0x0;
	s31 =	simm.s32 $0x3000;
	s0 =	simm.s32 $0x1000  }
.LBB2_86:
0x367: {  	s30 =	sadd.s32 $0x1, s30  }
0x368: {  	p0 =	sne.s32 s30, $0x10  }
.Ltmp55:
0x369: {  	_ = 	snop;
	(pc) =	sbr.rel @!p0 .LBB2_87-.Ltmp55, $2  }
0x36a: {  	_ =	sdelay $0x2  }
0x36b: {  	s31 =	sadd.s32 $0x200, s31;
	s0 =	sadd.s32 $0x200, s0  }
.LBB2_82:
0x36c: {  	s2 =	sshll.u32 s30, $0x9  }
0x36d: {  	p0 =	sge.s32 s2, s29  }
.Ltmp56:
0x36e: {  	_ = 	snop;
	(pc) =	sbr.rel @p0 .LBB2_86-.Ltmp56, $1  }
0x36f: {  	_ =	sdelay $0x3  }
0x370: {  	s2 =	sadd.s32 $0x0, s0  }
0x371: {  	v17 =	vld [tilespmem:s2+$0x0];
	_ =	sdelay $0x3  }
0x372: {  	s2 =	simm.s32 $0x0  }
0x373: {  	s10 =	sadd.s32 $0x0, s31;
	[tilespmem:s2+$0x5000] =	vst v17  }
0x374: {  	v17 =	vld [tilespmem:s10+$0x0];
	_ =	sdelay $0x3  }
0x375: {  	s11 =	simm.s32 $0x10;
	s10 =	simm.s32 $0x80  }
.LBB2_84:
0x376: {  	p0 =	sne.s32 s10, $0x7C0;
	s12 =	sadd.s32 s11, s0;
	[tilespmem:s2+$0x5200] =	vst v17;
	s2 =	smov.u32 s11  }
0x377: {  	v17 =	vld [tilespmem:s12+$0x0];
	_ =	sdelay $0x4  }
0x378: {  	s11 =	sadd.s32 s2, s31;
	[tilespmem:s2+$0x5000] =	vst v17  }
.Ltmp57:
0x379: {  	v17 =	vld [tilespmem:s11+$0x0];
	(pc) =	sbr.rel @p0 .LBB2_84-.Ltmp57, $2  }
0x37a: {  	_ =	sdelay $0x2  }
0x37b: {  	s11 =	sshra.s32 s10, $0x2;
	s10 =	sadd.s32 $0x40, s10  }
0x37c: {  	s10 =	sadd.s32 s11, s0;
	[tilespmem:s2+$0x5200] =	vst v17  }
0x37d: {  	v17 =	vld [tilespmem:s10+$0x0];
	_ =	sdelay $0x4  }
0x37e: {  	s12 =	sadd.s32 s11, s31;
	[tilespmem:s11+$0x5000] =	vst v17  }
0x37f: {  	v17 =	vld [tilespmem:s12+$0x0];
	_ =	sdelay $0x4  }
0x380: {  	[tilespmem:s11+$0x5200] =	vst v17  }
0x381: {  	[tilespmem:s24], [sflag:$0x2] =	stream.indirect.gather [hbm4b:s4+s22], $0x80, s23, s22, $0xb8;
	[tilespmem:$0x1E408] =	vst v63  }
0x382: {  	_ =	swait.ge [sflag:s25], $0x10000  }
0x383: {  	[sflag:s25] =	ssyncset.done $0x0  }
.Ltmp58:
0x384: {  	[sflag:s25] =	ssyncadd.s32 $0xFFFF0000;
	(pc) =	sbr.rel .LBB2_86-.Ltmp58, $4  }
0x385: {  	[spmem:s1] =	stream.indirect.scatter.add.f32 [tilespmem:s24], [sflag:$0x1], $0x80, s26, s22, $0xb8;
	[tilespmem:$0x1E408] =	vst v63  }
0x386: {  	_ =	swait.ge [sflag:s20], $0x10000  }
0x387: {  	[sflag:s20] =	ssyncset.done $0x0  }
0x388: {  	[sflag:s20] =	ssyncadd.s32 $0xFFFF0000  }
.LBB2_88:
0x389: {  	_ =	sfence.sel $0x180000  }
0x38a: {  	[bflag:$0x0] =	sbarrier.arrive $0xFFFF  }
0x38b: {  	_ =	strace $0x9000004A  }
0x38c: {  	s0 =	stileid.u32;
	[bflag:$0x2] =	sbarrier.arrive $0xFFFF  }
0x38d: {  	p0 =	sne.s32 s0, $0x0;
	s0 =	rddreg [dreg:$0x2]  }
0x38e: {  	s0 =	sadd.s32 @!p0 $0x100000, s0  }
0x38f: {  	[sflag:s0] =	ssyncadd.tile.s32 @!p0 $0x1;
	_ =	shalt  }
.Lfunc_end2:
_tile_overlayer_lowered:
.L_overlay_start_2:
0x390: {  	(tag) =	ssettag $0x2  }
0x391: {  	s0 =	rddreg [dreg:$0x0];
	s2 =	stileid.u32  }
0x392: {  	s1 =	rddreg [dreg:$0x1];
	p0 =	sne.s32 s2, $0x0  }
0x393: {  	s3 =	rddreg [dreg:$0x2];
	[bflag:$0x3] =	sbarrier.arrive $0xFFFF;
	s2 =	simm.s32 @!p0 $0x1C01  }
0x394: {  	[timem:s3], [sflag:s2] =	dma.local @!p0 [hbm:s0], s1  }
0x395: {  	s0 =	simm.s32 @!p0 $0x1  }
0x396: {  	_ =	swait.ge @!p0 [sflag:s0], s1  }
0x397: {  	s1 =	ssub.s32 @!p0 $0x0, s1;
	[sflag:s0] =	ssyncset.done @!p0 $0x0  }
0x398: {  	[sflag:s0] =	ssyncadd.s32 @!p0 s1  }
0x399: {  	[bflag:$0x3] =	sbarrier.arrive $0xFFFF  }
0x39a: {  	_ =	shalt  }

</sc_bundles>
